<compile_context>
chip_gen: v7x
topology: tpu7x:2x2x1
jax: 0.10.2.dev20260603
libtpu: 0.0.44.dev20260713+nightly
codegen_flags: <defaults>
</compile_context>

<pallas_src>
import functools

import jax
import jax.numpy as jnp
import numpy as np
from jax import lax
from jax.experimental import pallas as pl
from jax.experimental.pallas import tpu as pltpu
from jax.experimental.pallas import tpu_sc as plsc

VOCAB = 100000
D_MODEL = 128
BATCH = 4096
SEQ = 200
SCALE = float(np.sqrt(D_MODEL))

CHUNK = 40
NCHUNK = SEQ // CHUNK
UNITS = BATCH * NCHUNK


def _positional_encoding(length, depth):
    positions = np.arange(length)[:, np.newaxis]
    depths = np.arange(depth // 2)[np.newaxis, :] / (depth // 2)
    angle_rates = 1.0 / (10000 ** depths)
    angle_rads = positions * angle_rates
    return np.concatenate(
        [np.sin(angle_rads), np.cos(angle_rads)], axis=-1
    ).astype(np.float32)


_PE = _positional_encoding(SEQ, D_MODEL)


def _make_sc_kernel():
    info = plsc.get_sparse_core_info()
    nc, ns, lanes = info.num_cores, info.num_subcores, info.num_lanes
    nw = nc * ns
    seq_per_w = BATCH // nw
    u_per_w = UNITS // nw
    nvec = D_MODEL // lanes
    mesh = plsc.VectorSubcoreMesh(core_axis_name="c", subcore_axis_name="s")

    @functools.partial(
        pl.kernel,
        mesh=mesh,
        out_type=jax.ShapeDtypeStruct((BATCH, SEQ, D_MODEL), jnp.float32),
        scratch_types=[
            pltpu.VMEM((u_per_w // 2, CHUNK), jnp.int32),
            pltpu.VMEM((SEQ, D_MODEL), jnp.float32),
        ]
        + [pltpu.VMEM((CHUNK, D_MODEL), jnp.float32)] * (2 * NCHUNK)
        + [pltpu.SemaphoreType.DMA] * (2 * NCHUNK + 1),
    )
    def k(idx_hbm, table_hbm, pe_hbm, out_hbm, idx_v, pe_v, *bufs):
        rows_in = bufs[:NCHUNK]
        rows_out = bufs[NCHUNK:2 * NCHUNK]
        gsem = bufs[2 * NCHUNK:3 * NCHUNK]
        ssem = bufs[3 * NCHUNK:4 * NCHUNK]
        psem = bufs[4 * NCHUNK]
        wid = lax.axis_index("s") * nc + lax.axis_index("c")
        sbase = wid * seq_per_w
        half_u = u_per_w // 2
        half_i = seq_per_w // 2
        pltpu.sync_copy(idx_hbm.at[pl.ds(wid * u_per_w, half_u)], idx_v)
        pltpu.async_copy(pe_hbm, pe_v, psem)
        for c in range(NCHUNK):
            pltpu.async_copy(table_hbm.at[idx_v.at[c]], rows_in[c], gsem[c])
        pltpu.make_async_copy(pe_hbm, pe_v, psem).wait()

        def body(i, carry):
            seq = sbase + i

            @pl.when(i == half_i - 1)
            def _refill_idx():
                for c in range(NCHUNK):
                    pltpu.make_async_copy(
                        out_hbm.at[sbase, pl.ds(c * CHUNK, CHUNK)],
                        rows_in[c], gsem[c],
                    ).wait()
                pltpu.sync_copy(
                    idx_hbm.at[pl.ds(wid * u_per_w + half_u, half_u)], idx_v
                )

            for c in range(NCHUNK):
                @pl.when(i != half_i - 1)
                def _wait_gather(c=c):
                    pltpu.make_async_copy(
                        out_hbm.at[sbase, pl.ds(c * CHUNK, CHUNK)],
                        rows_in[c], gsem[c],
                    ).wait()

                @pl.when(i > 0)
                def _wait_store(c=c):
                    pltpu.make_async_copy(
                        rows_out[c],
                        out_hbm.at[sbase, pl.ds(c * CHUNK, CHUNK)],
                        ssem[c],
                    ).wait()

                def rbody(j, c2, c=c):
                    for r in range(4):
                        jj = 4 * j + r
                        for v in range(nvec):
                            sl = pl.ds(v * lanes, lanes)
                            rows_out[c][jj, sl] = (
                                rows_in[c][jj, sl] * SCALE
                                + pe_v[c * CHUNK + jj, sl]
                            )
                    return c2

                lax.fori_loop(0, CHUNK // 4, rbody, 0)

                @pl.when(i < seq_per_w - 1)
                def _fire_next(i=i, c=c):
                    u_next = NCHUNK * (i + 1) + c
                    u_next = u_next - jnp.where(
                        i >= half_i - 1, NCHUNK * half_i, 0
                    )
                    pltpu.async_copy(
                        table_hbm.at[idx_v.at[u_next]],
                        rows_in[c],
                        gsem[c],
                    )

                pltpu.async_copy(
                    rows_out[c],
                    out_hbm.at[seq, pl.ds(c * CHUNK, CHUNK)],
                    ssem[c],
                )
            return carry

        lax.fori_loop(0, seq_per_w, body, 0)
        for c in range(NCHUNK):
            pltpu.make_async_copy(
                rows_out[c],
                out_hbm.at[sbase, pl.ds(c * CHUNK, CHUNK)],
                ssem[c],
            ).wait()

    return k


_sc_kernel = _make_sc_kernel()


def kernel(inputs, table):
    idx = inputs.reshape(UNITS, CHUNK)
    return _sc_kernel(idx, table, jnp.asarray(_PE))

# --- scband reference (transcript-rebuilt; emitter-appended) ---
"""Pipeline reference for scband-positional-embedding-63273458205261 (READ-ONLY COPY).

The authoritative reference and input builder live on the scoring server;
editing this copy changes nothing except your own understanding.
"""

import jax, jax.numpy as jnp
import numpy as np

VOCAB = 100000
D_MODEL = 128
MAX_POS_LEN = 2048
BATCH = 4096
SEQ = 200


def positional_encoding(length, depth):
    positions = np.arange(length)[:, np.newaxis]
    depths = np.arange(depth // 2)[np.newaxis, :] / (depth // 2)
    angle_rates = 1.0 / (10000 ** depths)
    angle_rads = positions * angle_rates
    pos_encoding = np.concatenate([np.sin(angle_rads), np.cos(angle_rads)], axis=-1)
    return jnp.asarray(pos_encoding, dtype=jnp.float32)


def setup_inputs(seed: int = 0) -> dict:
    key = jax.random.key(seed)
    k1, k2 = jax.random.split(key)
    inputs = jax.random.randint(k1, (BATCH, SEQ), 0, VOCAB, dtype=jnp.int32)
    # learned embedding table sized per init_kwargs
    table = jax.random.normal(k2, (VOCAB, D_MODEL), dtype=jnp.float32) * 0.05
    return {"inputs": inputs, "table": table}


def reference(inputs, table):
    pe = positional_encoding(MAX_POS_LEN, D_MODEL)
    length = inputs.shape[1]
    # embedding lookup (gather)
    x = jnp.take(table, inputs, axis=0)
    # scale by sqrt(d_model)
    x = x * jnp.sqrt(jnp.asarray(D_MODEL, dtype=jnp.float32))
    # add positional encoding
    x = x + pe[jnp.newaxis, :length, :]
    return x

if __name__ == "__main__":
    import jax
    _d = setup_inputs()
    print(jax.jit(kernel)(*tuple(_d.values())))

</pallas_src>

<mosaic_0001>
#map = affine_map<(d0, d1) -> (0, 0)>
#map1 = affine_map<(d0, d1) -> (0, 0, 0)>
module attributes {stable_mosaic.version = 14 : i64} {
  func.func @k(%arg0: i32, %arg1: i32, %arg2: memref<20480x40xi32, #tpu.memory_space<hbm>>, %arg3: memref<100000x128xf32, #tpu.memory_space<hbm>>, %arg4: memref<200x128xf32, #tpu.memory_space<hbm>>, %arg5: memref<4096x200x128xf32, #tpu.memory_space<hbm>>, %arg6: memref<320x40xi32, #tpu.memory_space<vmem>>, %arg7: memref<200x128xf32, #tpu.memory_space<vmem>>, %arg8: memref<40x128xf32, #tpu.memory_space<vmem>>, %arg9: memref<40x128xf32, #tpu.memory_space<vmem>>, %arg10: memref<40x128xf32, #tpu.memory_space<vmem>>, %arg11: memref<40x128xf32, #tpu.memory_space<vmem>>, %arg12: memref<40x128xf32, #tpu.memory_space<vmem>>, %arg13: memref<40x128xf32, #tpu.memory_space<vmem>>, %arg14: memref<40x128xf32, #tpu.memory_space<vmem>>, %arg15: memref<40x128xf32, #tpu.memory_space<vmem>>, %arg16: memref<40x128xf32, #tpu.memory_space<vmem>>, %arg17: memref<40x128xf32, #tpu.memory_space<vmem>>, %arg18: memref<!tpu.dma_semaphore, #tpu.memory_space<semaphore_mem>>, %arg19: memref<!tpu.dma_semaphore, #tpu.memory_space<semaphore_mem>>, %arg20: memref<!tpu.dma_semaphore, #tpu.memory_space<semaphore_mem>>, %arg21: memref<!tpu.dma_semaphore, #tpu.memory_space<semaphore_mem>>, %arg22: memref<!tpu.dma_semaphore, #tpu.memory_space<semaphore_mem>>, %arg23: memref<!tpu.dma_semaphore, #tpu.memory_space<semaphore_mem>>, %arg24: memref<!tpu.dma_semaphore, #tpu.memory_space<semaphore_mem>>, %arg25: memref<!tpu.dma_semaphore, #tpu.memory_space<semaphore_mem>>, %arg26: memref<!tpu.dma_semaphore, #tpu.memory_space<semaphore_mem>>, %arg27: memref<!tpu.dma_semaphore, #tpu.memory_space<semaphore_mem>>, %arg28: memref<!tpu.dma_semaphore, #tpu.memory_space<semaphore_mem>>) attributes {dimension_semantics = [#tpu.dimension_semantics<core_parallel>, #tpu.dimension_semantics<subcore_parallel>], iteration_bounds = array<i64: 2, 16>, scalar_prefetch = 0 : i64, scratch_operands = 23 : i64, tpu.core_type = #tpu.core_type<sc_vector_subcore>, window_params = [{transform_indices = #map}, {transform_indices = #map}, {transform_indices = #map}, {transform_indices = #map1}]} {
    %mul3A = arith.constant 2 : i32
    %mul3A_0 = arith.muli %arg1, %mul3A : i32
    %add3A = arith.addi %mul3A_0, %arg0 : i32
    %mul3A_1 = arith.constant 128 : i32
    %mul3A_2 = arith.muli %add3A, %mul3A_1 : i32
    %mul3A_3 = arith.constant 640 : i32
    %mul3A_4 = arith.muli %add3A, %mul3A_3 : i32
    "tpu.region"() ({
      %run_scoped3A = tpu.sem_alloc : memref<!tpu.dma_semaphore, #tpu.memory_space<semaphore_mem>>
      %dma_start3A_83 = arith.constant 0 : i32
      %dma_start3A_84 = tpu.memref_slice %arg2[%mul3A_4, %dma_start3A_83] : memref<20480x40xi32, #tpu.memory_space<hbm>> -> memref<320x40xi32, #tpu.memory_space<hbm>>
      %dma_start3A_85 = arith.constant 0 : i32
      %dma_start3A_86 = tpu.memref_slice %arg2[%mul3A_4, %dma_start3A_85] : memref<20480x40xi32, #tpu.memory_space<hbm>> -> memref<320x40xi32, #tpu.memory_space<hbm>>
      tpu.enqueue_dma source(%dma_start3A_86 : memref<320x40xi32, #tpu.memory_space<hbm>>) target(%arg6 : memref<320x40xi32, #tpu.memory_space<vmem>>) target_semaphore(%run_scoped3A : memref<!tpu.dma_semaphore, #tpu.memory_space<semaphore_mem>>)
      %dma_wait3A_87 = arith.constant 0 : i32
      %dma_wait3A_88 = tpu.memref_slice %arg2[%mul3A_4, %dma_wait3A_87] : memref<20480x40xi32, #tpu.memory_space<hbm>> -> memref<320x40xi32, #tpu.memory_space<hbm>>
      %dma_wait3A_89 = arith.constant 0 : i32
      %dma_wait3A_90 = tpu.memref_slice %arg2[%mul3A_4, %dma_wait3A_89] : memref<20480x40xi32, #tpu.memory_space<hbm>> -> memref<320x40xi32, #tpu.memory_space<hbm>>
      tpu.wait_dma2 semaphore(%run_scoped3A : memref<!tpu.dma_semaphore, #tpu.memory_space<semaphore_mem>>) src(%dma_wait3A_90 : memref<320x40xi32, #tpu.memory_space<hbm>>) dst(%arg6 : memref<320x40xi32, #tpu.memory_space<vmem>>)
      tpu.yield
    }) : () -> ()
    tpu.enqueue_dma source(%arg4 : memref<200x128xf32, #tpu.memory_space<hbm>>) target(%arg7 : memref<200x128xf32, #tpu.memory_space<vmem>>) target_semaphore(%arg28 : memref<!tpu.dma_semaphore, #tpu.memory_space<semaphore_mem>>)
    %dma_start3A = arith.constant 0 : i32
    %dma_start3A_5 = arith.constant 0 : i32
    %dma_start3A_6 = tpu.memref_slice %arg6[%dma_start3A, %dma_start3A_5] : memref<320x40xi32, #tpu.memory_space<vmem>> -> memref<1x40xi32, #tpu.memory_space<vmem>>
    %dma_start3A_7 = tpu.memref_squeeze %dma_start3A_6 : memref<1x40xi32, #tpu.memory_space<vmem>> -> memref<40xi32, #tpu.memory_space<vmem>>
    %dma_start3A_8 = arith.constant 0 : i32
    %dma_start3A_9 = arith.constant 0 : i32
    %dma_start3A_10 = tpu.memref_slice %arg3[%dma_start3A_8, %dma_start3A_9] : memref<100000x128xf32, #tpu.memory_space<hbm>> -> memref<100000x128xf32, #tpu.memory_space<hbm>>
    tpu.enqueue_indirect_dma source(%dma_start3A_10 : memref<100000x128xf32, #tpu.memory_space<hbm>>) target(%arg8 : memref<40x128xf32, #tpu.memory_space<vmem>>) offsets(%dma_start3A_7 : memref<40xi32, #tpu.memory_space<vmem>>) semaphore(%arg18 : memref<!tpu.dma_semaphore, #tpu.memory_space<semaphore_mem>>)
    %dma_start3A_11 = arith.constant 1 : i32
    %dma_start3A_12 = arith.constant 0 : i32
    %dma_start3A_13 = tpu.memref_slice %arg6[%dma_start3A_11, %dma_start3A_12] : memref<320x40xi32, #tpu.memory_space<vmem>> -> memref<1x40xi32, #tpu.memory_space<vmem>>
    %dma_start3A_14 = tpu.memref_squeeze %dma_start3A_13 : memref<1x40xi32, #tpu.memory_space<vmem>> -> memref<40xi32, #tpu.memory_space<vmem>>
    %dma_start3A_15 = arith.constant 0 : i32
    %dma_start3A_16 = arith.constant 0 : i32
    %dma_start3A_17 = tpu.memref_slice %arg3[%dma_start3A_15, %dma_start3A_16] : memref<100000x128xf32, #tpu.memory_space<hbm>> -> memref<100000x128xf32, #tpu.memory_space<hbm>>
    tpu.enqueue_indirect_dma source(%dma_start3A_17 : memref<100000x128xf32, #tpu.memory_space<hbm>>) target(%arg9 : memref<40x128xf32, #tpu.memory_space<vmem>>) offsets(%dma_start3A_14 : memref<40xi32, #tpu.memory_space<vmem>>) semaphore(%arg19 : memref<!tpu.dma_semaphore, #tpu.memory_space<semaphore_mem>>)
    %dma_start3A_18 = arith.constant 2 : i32
    %dma_start3A_19 = arith.constant 0 : i32
    %dma_start3A_20 = tpu.memref_slice %arg6[%dma_start3A_18, %dma_start3A_19] : memref<320x40xi32, #tpu.memory_space<vmem>> -> memref<1x40xi32, #tpu.memory_space<vmem>>
    %dma_start3A_21 = tpu.memref_squeeze %dma_start3A_20 : memref<1x40xi32, #tpu.memory_space<vmem>> -> memref<40xi32, #tpu.memory_space<vmem>>
    %dma_start3A_22 = arith.constant 0 : i32
    %dma_start3A_23 = arith.constant 0 : i32
    %dma_start3A_24 = tpu.memref_slice %arg3[%dma_start3A_22, %dma_start3A_23] : memref<100000x128xf32, #tpu.memory_space<hbm>> -> memref<100000x128xf32, #tpu.memory_space<hbm>>
    tpu.enqueue_indirect_dma source(%dma_start3A_24 : memref<100000x128xf32, #tpu.memory_space<hbm>>) target(%arg10 : memref<40x128xf32, #tpu.memory_space<vmem>>) offsets(%dma_start3A_21 : memref<40xi32, #tpu.memory_space<vmem>>) semaphore(%arg20 : memref<!tpu.dma_semaphore, #tpu.memory_space<semaphore_mem>>)
    %dma_start3A_25 = arith.constant 3 : i32
    %dma_start3A_26 = arith.constant 0 : i32
    %dma_start3A_27 = tpu.memref_slice %arg6[%dma_start3A_25, %dma_start3A_26] : memref<320x40xi32, #tpu.memory_space<vmem>> -> memref<1x40xi32, #tpu.memory_space<vmem>>
    %dma_start3A_28 = tpu.memref_squeeze %dma_start3A_27 : memref<1x40xi32, #tpu.memory_space<vmem>> -> memref<40xi32, #tpu.memory_space<vmem>>
    %dma_start3A_29 = arith.constant 0 : i32
    %dma_start3A_30 = arith.constant 0 : i32
    %dma_start3A_31 = tpu.memref_slice %arg3[%dma_start3A_29, %dma_start3A_30] : memref<100000x128xf32, #tpu.memory_space<hbm>> -> memref<100000x128xf32, #tpu.memory_space<hbm>>
    tpu.enqueue_indirect_dma source(%dma_start3A_31 : memref<100000x128xf32, #tpu.memory_space<hbm>>) target(%arg11 : memref<40x128xf32, #tpu.memory_space<vmem>>) offsets(%dma_start3A_28 : memref<40xi32, #tpu.memory_space<vmem>>) semaphore(%arg21 : memref<!tpu.dma_semaphore, #tpu.memory_space<semaphore_mem>>)
    %dma_start3A_32 = arith.constant 4 : i32
    %dma_start3A_33 = arith.constant 0 : i32
    %dma_start3A_34 = tpu.memref_slice %arg6[%dma_start3A_32, %dma_start3A_33] : memref<320x40xi32, #tpu.memory_space<vmem>> -> memref<1x40xi32, #tpu.memory_space<vmem>>
    %dma_start3A_35 = tpu.memref_squeeze %dma_start3A_34 : memref<1x40xi32, #tpu.memory_space<vmem>> -> memref<40xi32, #tpu.memory_space<vmem>>
    %dma_start3A_36 = arith.constant 0 : i32
    %dma_start3A_37 = arith.constant 0 : i32
    %dma_start3A_38 = tpu.memref_slice %arg3[%dma_start3A_36, %dma_start3A_37] : memref<100000x128xf32, #tpu.memory_space<hbm>> -> memref<100000x128xf32, #tpu.memory_space<hbm>>
    tpu.enqueue_indirect_dma source(%dma_start3A_38 : memref<100000x128xf32, #tpu.memory_space<hbm>>) target(%arg12 : memref<40x128xf32, #tpu.memory_space<vmem>>) offsets(%dma_start3A_35 : memref<40xi32, #tpu.memory_space<vmem>>) semaphore(%arg22 : memref<!tpu.dma_semaphore, #tpu.memory_space<semaphore_mem>>)
    tpu.wait_dma2 semaphore(%arg28 : memref<!tpu.dma_semaphore, #tpu.memory_space<semaphore_mem>>) src(%arg4 : memref<200x128xf32, #tpu.memory_space<hbm>>) dst(%arg7 : memref<200x128xf32, #tpu.memory_space<vmem>>)
    %scan3A = arith.constant 0 : i32
    %scan3A_39 = arith.constant 0 : i32
    %scan3A_40 = arith.constant 128 : i32
    %scan3A_41 = arith.addi %scan3A_39, %scan3A_40 : i32
    %scan3A_42 = arith.constant 1 : i32
    scf.for %scan3A_83 = %scan3A_39 to %scan3A_41 step %scan3A_42  : i32 {
      %add3A_84 = arith.addi %mul3A_2, %scan3A_83 : i32
      %eq3A = arith.constant 63 : i32
      %eq3A_85 = arith.cmpi eq, %scan3A_83, %eq3A : i32
      %convert_element_type3A = arith.extui %eq3A_85 : i1 to i32
      %cond3A = arith.constant 0 : i32
      %cond3A_86 = arith.cmpi ne, %convert_element_type3A, %cond3A : i32
      scf.if %cond3A_86 {
        %dma_wait3A_229 = arith.constant 0 : i32
        %dma_wait3A_230 = arith.constant 0 : i32
        %dma_wait3A_231 = tpu.memref_slice %arg5[%mul3A_2, %dma_wait3A_229, %dma_wait3A_230] : memref<4096x200x128xf32, #tpu.memory_space<hbm>> -> memref<1x40x128xf32, #tpu.memory_space<hbm>>
        %dma_wait3A_232 = tpu.memref_squeeze %dma_wait3A_231 : memref<1x40x128xf32, #tpu.memory_space<hbm>> -> memref<40x128xf32, #tpu.memory_space<hbm>>
        %dma_wait3A_233 = arith.constant 0 : i32
        %dma_wait3A_234 = arith.constant 0 : i32
        %dma_wait3A_235 = tpu.memref_slice %arg5[%mul3A_2, %dma_wait3A_233, %dma_wait3A_234] : memref<4096x200x128xf32, #tpu.memory_space<hbm>> -> memref<1x40x128xf32, #tpu.memory_space<hbm>>
        %dma_wait3A_236 = tpu.memref_squeeze %dma_wait3A_235 : memref<1x40x128xf32, #tpu.memory_space<hbm>> -> memref<40x128xf32, #tpu.memory_space<hbm>>
        tpu.wait_dma2 semaphore(%arg18 : memref<!tpu.dma_semaphore, #tpu.memory_space<semaphore_mem>>) src(%dma_wait3A_236 : memref<40x128xf32, #tpu.memory_space<hbm>>) dst(%arg8 : memref<40x128xf32, #tpu.memory_space<vmem>>)
        %dma_wait3A_237 = arith.constant 40 : i32
        %dma_wait3A_238 = arith.constant 0 : i32
        %dma_wait3A_239 = tpu.memref_slice %arg5[%mul3A_2, %dma_wait3A_237, %dma_wait3A_238] : memref<4096x200x128xf32, #tpu.memory_space<hbm>> -> memref<1x40x128xf32, #tpu.memory_space<hbm>>
        %dma_wait3A_240 = tpu.memref_squeeze %dma_wait3A_239 : memref<1x40x128xf32, #tpu.memory_space<hbm>> -> memref<40x128xf32, #tpu.memory_space<hbm>>
        %dma_wait3A_241 = arith.constant 40 : i32
        %dma_wait3A_242 = arith.constant 0 : i32
        %dma_wait3A_243 = tpu.memref_slice %arg5[%mul3A_2, %dma_wait3A_241, %dma_wait3A_242] : memref<4096x200x128xf32, #tpu.memory_space<hbm>> -> memref<1x40x128xf32, #tpu.memory_space<hbm>>
        %dma_wait3A_244 = tpu.memref_squeeze %dma_wait3A_243 : memref<1x40x128xf32, #tpu.memory_space<hbm>> -> memref<40x128xf32, #tpu.memory_space<hbm>>
        tpu.wait_dma2 semaphore(%arg19 : memref<!tpu.dma_semaphore, #tpu.memory_space<semaphore_mem>>) src(%dma_wait3A_244 : memref<40x128xf32, #tpu.memory_space<hbm>>) dst(%arg9 : memref<40x128xf32, #tpu.memory_space<vmem>>)
        %dma_wait3A_245 = arith.constant 80 : i32
        %dma_wait3A_246 = arith.constant 0 : i32
        %dma_wait3A_247 = tpu.memref_slice %arg5[%mul3A_2, %dma_wait3A_245, %dma_wait3A_246] : memref<4096x200x128xf32, #tpu.memory_space<hbm>> -> memref<1x40x128xf32, #tpu.memory_space<hbm>>
        %dma_wait3A_248 = tpu.memref_squeeze %dma_wait3A_247 : memref<1x40x128xf32, #tpu.memory_space<hbm>> -> memref<40x128xf32, #tpu.memory_space<hbm>>
        %dma_wait3A_249 = arith.constant 80 : i32
        %dma_wait3A_250 = arith.constant 0 : i32
        %dma_wait3A_251 = tpu.memref_slice %arg5[%mul3A_2, %dma_wait3A_249, %dma_wait3A_250] : memref<4096x200x128xf32, #tpu.memory_space<hbm>> -> memref<1x40x128xf32, #tpu.memory_space<hbm>>
        %dma_wait3A_252 = tpu.memref_squeeze %dma_wait3A_251 : memref<1x40x128xf32, #tpu.memory_space<hbm>> -> memref<40x128xf32, #tpu.memory_space<hbm>>
        tpu.wait_dma2 semaphore(%arg20 : memref<!tpu.dma_semaphore, #tpu.memory_space<semaphore_mem>>) src(%dma_wait3A_252 : memref<40x128xf32, #tpu.memory_space<hbm>>) dst(%arg10 : memref<40x128xf32, #tpu.memory_space<vmem>>)
        %dma_wait3A_253 = arith.constant 120 : i32
        %dma_wait3A_254 = arith.constant 0 : i32
        %dma_wait3A_255 = tpu.memref_slice %arg5[%mul3A_2, %dma_wait3A_253, %dma_wait3A_254] : memref<4096x200x128xf32, #tpu.memory_space<hbm>> -> memref<1x40x128xf32, #tpu.memory_space<hbm>>
        %dma_wait3A_256 = tpu.memref_squeeze %dma_wait3A_255 : memref<1x40x128xf32, #tpu.memory_space<hbm>> -> memref<40x128xf32, #tpu.memory_space<hbm>>
        %dma_wait3A_257 = arith.constant 120 : i32
        %dma_wait3A_258 = arith.constant 0 : i32
        %dma_wait3A_259 = tpu.memref_slice %arg5[%mul3A_2, %dma_wait3A_257, %dma_wait3A_258] : memref<4096x200x128xf32, #tpu.memory_space<hbm>> -> memref<1x40x128xf32, #tpu.memory_space<hbm>>
        %dma_wait3A_260 = tpu.memref_squeeze %dma_wait3A_259 : memref<1x40x128xf32, #tpu.memory_space<hbm>> -> memref<40x128xf32, #tpu.memory_space<hbm>>
        tpu.wait_dma2 semaphore(%arg21 : memref<!tpu.dma_semaphore, #tpu.memory_space<semaphore_mem>>) src(%dma_wait3A_260 : memref<40x128xf32, #tpu.memory_space<hbm>>) dst(%arg11 : memref<40x128xf32, #tpu.memory_space<vmem>>)
        %dma_wait3A_261 = arith.constant 160 : i32
        %dma_wait3A_262 = arith.constant 0 : i32
        %dma_wait3A_263 = tpu.memref_slice %arg5[%mul3A_2, %dma_wait3A_261, %dma_wait3A_262] : memref<4096x200x128xf32, #tpu.memory_space<hbm>> -> memref<1x40x128xf32, #tpu.memory_space<hbm>>
        %dma_wait3A_264 = tpu.memref_squeeze %dma_wait3A_263 : memref<1x40x128xf32, #tpu.memory_space<hbm>> -> memref<40x128xf32, #tpu.memory_space<hbm>>
        %dma_wait3A_265 = arith.constant 160 : i32
        %dma_wait3A_266 = arith.constant 0 : i32
        %dma_wait3A_267 = tpu.memref_slice %arg5[%mul3A_2, %dma_wait3A_265, %dma_wait3A_266] : memref<4096x200x128xf32, #tpu.memory_space<hbm>> -> memref<1x40x128xf32, #tpu.memory_space<hbm>>
        %dma_wait3A_268 = tpu.memref_squeeze %dma_wait3A_267 : memref<1x40x128xf32, #tpu.memory_space<hbm>> -> memref<40x128xf32, #tpu.memory_space<hbm>>
        tpu.wait_dma2 semaphore(%arg22 : memref<!tpu.dma_semaphore, #tpu.memory_space<semaphore_mem>>) src(%dma_wait3A_268 : memref<40x128xf32, #tpu.memory_space<hbm>>) dst(%arg12 : memref<40x128xf32, #tpu.memory_space<vmem>>)
        %mul3A_269 = arith.constant 640 : i32
        %mul3A_270 = arith.muli %add3A, %mul3A_269 : i32
        %add3A_271 = arith.constant 320 : i32
        %add3A_272 = arith.addi %mul3A_270, %add3A_271 : i32
        "tpu.region"() ({
          %run_scoped3A = tpu.sem_alloc : memref<!tpu.dma_semaphore, #tpu.memory_space<semaphore_mem>>
          %dma_start3A_273 = arith.constant 0 : i32
          %dma_start3A_274 = tpu.memref_slice %arg2[%add3A_272, %dma_start3A_273] : memref<20480x40xi32, #tpu.memory_space<hbm>> -> memref<320x40xi32, #tpu.memory_space<hbm>>
          %dma_start3A_275 = arith.constant 0 : i32
          %dma_start3A_276 = tpu.memref_slice %arg2[%add3A_272, %dma_start3A_275] : memref<20480x40xi32, #tpu.memory_space<hbm>> -> memref<320x40xi32, #tpu.memory_space<hbm>>
          tpu.enqueue_dma source(%dma_start3A_276 : memref<320x40xi32, #tpu.memory_space<hbm>>) target(%arg6 : memref<320x40xi32, #tpu.memory_space<vmem>>) target_semaphore(%run_scoped3A : memref<!tpu.dma_semaphore, #tpu.memory_space<semaphore_mem>>)
          %dma_wait3A_277 = arith.constant 0 : i32
          %dma_wait3A_278 = tpu.memref_slice %arg2[%add3A_272, %dma_wait3A_277] : memref<20480x40xi32, #tpu.memory_space<hbm>> -> memref<320x40xi32, #tpu.memory_space<hbm>>
          %dma_wait3A_279 = arith.constant 0 : i32
          %dma_wait3A_280 = tpu.memref_slice %arg2[%add3A_272, %dma_wait3A_279] : memref<20480x40xi32, #tpu.memory_space<hbm>> -> memref<320x40xi32, #tpu.memory_space<hbm>>
          tpu.wait_dma2 semaphore(%run_scoped3A : memref<!tpu.dma_semaphore, #tpu.memory_space<semaphore_mem>>) src(%dma_wait3A_280 : memref<320x40xi32, #tpu.memory_space<hbm>>) dst(%arg6 : memref<320x40xi32, #tpu.memory_space<vmem>>)
          tpu.yield
        }) : () -> ()
      } else {
      }
      %ne3A = arith.constant 63 : i32
      %ne3A_87 = arith.cmpi ne, %scan3A_83, %ne3A : i32
      %convert_element_type3A_88 = arith.extui %ne3A_87 : i1 to i32
      %cond3A_89 = arith.constant 0 : i32
      %cond3A_90 = arith.cmpi ne, %convert_element_type3A_88, %cond3A_89 : i32
      scf.if %cond3A_90 {
        %dma_wait3A_229 = arith.constant 0 : i32
        %dma_wait3A_230 = arith.constant 0 : i32
        %dma_wait3A_231 = tpu.memref_slice %arg5[%mul3A_2, %dma_wait3A_229, %dma_wait3A_230] : memref<4096x200x128xf32, #tpu.memory_space<hbm>> -> memref<1x40x128xf32, #tpu.memory_space<hbm>>
        %dma_wait3A_232 = tpu.memref_squeeze %dma_wait3A_231 : memref<1x40x128xf32, #tpu.memory_space<hbm>> -> memref<40x128xf32, #tpu.memory_space<hbm>>
        %dma_wait3A_233 = arith.constant 0 : i32
        %dma_wait3A_234 = arith.constant 0 : i32
        %dma_wait3A_235 = tpu.memref_slice %arg5[%mul3A_2, %dma_wait3A_233, %dma_wait3A_234] : memref<4096x200x128xf32, #tpu.memory_space<hbm>> -> memref<1x40x128xf32, #tpu.memory_space<hbm>>
        %dma_wait3A_236 = tpu.memref_squeeze %dma_wait3A_235 : memref<1x40x128xf32, #tpu.memory_space<hbm>> -> memref<40x128xf32, #tpu.memory_space<hbm>>
        tpu.wait_dma2 semaphore(%arg18 : memref<!tpu.dma_semaphore, #tpu.memory_space<semaphore_mem>>) src(%dma_wait3A_236 : memref<40x128xf32, #tpu.memory_space<hbm>>) dst(%arg8 : memref<40x128xf32, #tpu.memory_space<vmem>>)
      } else {
      }
      %gt3A = arith.constant 0 : i32
      %gt3A_91 = arith.cmpi sgt, %scan3A_83, %gt3A : i32
      %convert_element_type3A_92 = arith.extui %gt3A_91 : i1 to i32
      %cond3A_93 = arith.constant 0 : i32
      %cond3A_94 = arith.cmpi ne, %convert_element_type3A_92, %cond3A_93 : i32
      scf.if %cond3A_94 {
        %dma_wait3A_229 = arith.constant 0 : i32
        %dma_wait3A_230 = arith.constant 0 : i32
        %dma_wait3A_231 = tpu.memref_slice %arg5[%mul3A_2, %dma_wait3A_229, %dma_wait3A_230] : memref<4096x200x128xf32, #tpu.memory_space<hbm>> -> memref<1x40x128xf32, #tpu.memory_space<hbm>>
        %dma_wait3A_232 = tpu.memref_squeeze %dma_wait3A_231 : memref<1x40x128xf32, #tpu.memory_space<hbm>> -> memref<40x128xf32, #tpu.memory_space<hbm>>
        %dma_wait3A_233 = arith.constant 0 : i32
        %dma_wait3A_234 = arith.constant 0 : i32
        %dma_wait3A_235 = tpu.memref_slice %arg5[%mul3A_2, %dma_wait3A_233, %dma_wait3A_234] : memref<4096x200x128xf32, #tpu.memory_space<hbm>> -> memref<1x40x128xf32, #tpu.memory_space<hbm>>
        %dma_wait3A_236 = tpu.memref_squeeze %dma_wait3A_235 : memref<1x40x128xf32, #tpu.memory_space<hbm>> -> memref<40x128xf32, #tpu.memory_space<hbm>>
        tpu.wait_dma2 semaphore(%arg23 : memref<!tpu.dma_semaphore, #tpu.memory_space<semaphore_mem>>) src(%arg13 : memref<40x128xf32, #tpu.memory_space<vmem>>) dst(%dma_wait3A_236 : memref<40x128xf32, #tpu.memory_space<hbm>>)
      } else {
      }
      %scan3A_95 = arith.constant 0 : i32
      %scan3A_96 = arith.constant 0 : i32
      %scan3A_97 = arith.constant 10 : i32
      %scan3A_98 = arith.addi %scan3A_96, %scan3A_97 : i32
      %scan3A_99 = arith.constant 1 : i32
      scf.for %scan3A_229 = %scan3A_96 to %scan3A_98 step %scan3A_99  : i32 {
        %mul3A_230 = arith.constant 4 : i32
        %mul3A_231 = arith.muli %mul3A_230, %scan3A_229 : i32
        %add3A_232 = arith.constant 0 : i32
        %add3A_233 = arith.addi %mul3A_231, %add3A_232 : i32
        %get3A = arith.index_cast %add3A_233 : i32 to index
        %get3A_234 = arith.constant 0 : index
        %get3A_235 = tpu.vector_load %arg8[%get3A, %get3A_234] {strides = array<i32>} : memref<40x128xf32, #tpu.memory_space<vmem>>, vector<1x16xf32>,
        %get3A_236 = vector.shape_cast %get3A_235 : vector<1x16xf32> to vector<16xf32>
        %mul3A_237 = arith.constant 11.3137083 : f32
        %mul3A_238 = vector.broadcast %mul3A_237 : f32 to vector<16xf32>
        %mul3A_239 = arith.mulf %get3A_236, %mul3A_238 : vector<16xf32>
        %add3A_240 = arith.constant 0 : i32
        %add3A_241 = arith.addi %add3A_240, %add3A_233 : i32
        %get3A_242 = arith.index_cast %add3A_241 : i32 to index
        %get3A_243 = arith.constant 0 : index
        %get3A_244 = tpu.vector_load %arg7[%get3A_242, %get3A_243] {strides = array<i32>} : memref<200x128xf32, #tpu.memory_space<vmem>>, vector<1x16xf32>,
        %get3A_245 = vector.shape_cast %get3A_244 : vector<1x16xf32> to vector<16xf32>
        %add3A_246 = arith.addf %mul3A_239, %get3A_245 : vector<16xf32>
        %swap3A = arith.index_cast %add3A_233 : i32 to index
        %swap3A_247 = arith.constant 0 : index
        %swap3A_248 = tpu.vector_load %arg13[%swap3A, %swap3A_247] {strides = array<i32>} : memref<40x128xf32, #tpu.memory_space<vmem>>, vector<1x16xf32>,
        %swap3A_249 = vector.shape_cast %swap3A_248 : vector<1x16xf32> to vector<16xf32>
        %swap3A_250 = vector.shape_cast %add3A_246 : vector<16xf32> to vector<1x16xf32>
        tpu.vector_store %arg13[%swap3A, %swap3A_247], %swap3A_250 {strides = array<i32>} : memref<40x128xf32, #tpu.memory_space<vmem>>, vector<1x16xf32>,
        %get3A_251 = arith.index_cast %add3A_233 : i32 to index
        %get3A_252 = arith.constant 16 : index
        %get3A_253 = tpu.vector_load %arg8[%get3A_251, %get3A_252] {strides = array<i32>} : memref<40x128xf32, #tpu.memory_space<vmem>>, vector<1x16xf32>,
        %get3A_254 = vector.shape_cast %get3A_253 : vector<1x16xf32> to vector<16xf32>
        %mul3A_255 = arith.constant 11.3137083 : f32
        %mul3A_256 = vector.broadcast %mul3A_255 : f32 to vector<16xf32>
        %mul3A_257 = arith.mulf %get3A_254, %mul3A_256 : vector<16xf32>
        %add3A_258 = arith.constant 0 : i32
        %add3A_259 = arith.addi %add3A_258, %add3A_233 : i32
        %get3A_260 = arith.index_cast %add3A_259 : i32 to index
        %get3A_261 = arith.constant 16 : index
        %get3A_262 = tpu.vector_load %arg7[%get3A_260, %get3A_261] {strides = array<i32>} : memref<200x128xf32, #tpu.memory_space<vmem>>, vector<1x16xf32>,
        %get3A_263 = vector.shape_cast %get3A_262 : vector<1x16xf32> to vector<16xf32>
        %add3A_264 = arith.addf %mul3A_257, %get3A_263 : vector<16xf32>
        %swap3A_265 = arith.index_cast %add3A_233 : i32 to index
        %swap3A_266 = arith.constant 16 : index
        %swap3A_267 = tpu.vector_load %arg13[%swap3A_265, %swap3A_266] {strides = array<i32>} : memref<40x128xf32, #tpu.memory_space<vmem>>, vector<1x16xf32>,
        %swap3A_268 = vector.shape_cast %swap3A_267 : vector<1x16xf32> to vector<16xf32>
        %swap3A_269 = vector.shape_cast %add3A_264 : vector<16xf32> to vector<1x16xf32>
        tpu.vector_store %arg13[%swap3A_265, %swap3A_266], %swap3A_269 {strides = array<i32>} : memref<40x128xf32, #tpu.memory_space<vmem>>, vector<1x16xf32>,
        %get3A_270 = arith.index_cast %add3A_233 : i32 to index
        %get3A_271 = arith.constant 32 : index
        %get3A_272 = tpu.vector_load %arg8[%get3A_270, %get3A_271] {strides = array<i32>} : memref<40x128xf32, #tpu.memory_space<vmem>>, vector<1x16xf32>,
        %get3A_273 = vector.shape_cast %get3A_272 : vector<1x16xf32> to vector<16xf32>
        %mul3A_274 = arith.constant 11.3137083 : f32
        %mul3A_275 = vector.broadcast %mul3A_274 : f32 to vector<16xf32>
        %mul3A_276 = arith.mulf %get3A_273, %mul3A_275 : vector<16xf32>
        %add3A_277 = arith.constant 0 : i32
        %add3A_278 = arith.addi %add3A_277, %add3A_233 : i32
        %get3A_279 = arith.index_cast %add3A_278 : i32 to index
        %get3A_280 = arith.constant 32 : index
        %get3A_281 = tpu.vector_load %arg7[%get3A_279, %get3A_280] {strides = array<i32>} : memref<200x128xf32, #tpu.memory_space<vmem>>, vector<1x16xf32>,
        %get3A_282 = vector.shape_cast %get3A_281 : vector<1x16xf32> to vector<16xf32>
        %add3A_283 = arith.addf %mul3A_276, %get3A_282 : vector<16xf32>
        %swap3A_284 = arith.index_cast %add3A_233 : i32 to index
        %swap3A_285 = arith.constant 32 : index
        %swap3A_286 = tpu.vector_load %arg13[%swap3A_284, %swap3A_285] {strides = array<i32>} : memref<40x128xf32, #tpu.memory_space<vmem>>, vector<1x16xf32>,
        %swap3A_287 = vector.shape_cast %swap3A_286 : vector<1x16xf32> to vector<16xf32>
        %swap3A_288 = vector.shape_cast %add3A_283 : vector<16xf32> to vector<1x16xf32>
        tpu.vector_store %arg13[%swap3A_284, %swap3A_285], %swap3A_288 {strides = array<i32>} : memref<40x128xf32, #tpu.memory_space<vmem>>, vector<1x16xf32>,
        %get3A_289 = arith.index_cast %add3A_233 : i32 to index
        %get3A_290 = arith.constant 48 : index
        %get3A_291 = tpu.vector_load %arg8[%get3A_289, %get3A_290] {strides = array<i32>} : memref<40x128xf32, #tpu.memory_space<vmem>>, vector<1x16xf32>,
        %get3A_292 = vector.shape_cast %get3A_291 : vector<1x16xf32> to vector<16xf32>
        %mul3A_293 = arith.constant 11.3137083 : f32
        %mul3A_294 = vector.broadcast %mul3A_293 : f32 to vector<16xf32>
        %mul3A_295 = arith.mulf %get3A_292, %mul3A_294 : vector<16xf32>
        %add3A_296 = arith.constant 0 : i32
        %add3A_297 = arith.addi %add3A_296, %add3A_233 : i32
        %get3A_298 = arith.index_cast %add3A_297 : i32 to index
        %get3A_299 = arith.constant 48 : index
        %get3A_300 = tpu.vector_load %arg7[%get3A_298, %get3A_299] {strides = array<i32>} : memref<200x128xf32, #tpu.memory_space<vmem>>, vector<1x16xf32>,
        %get3A_301 = vector.shape_cast %get3A_300 : vector<1x16xf32> to vector<16xf32>
        %add3A_302 = arith.addf %mul3A_295, %get3A_301 : vector<16xf32>
        %swap3A_303 = arith.index_cast %add3A_233 : i32 to index
        %swap3A_304 = arith.constant 48 : index
        %swap3A_305 = tpu.vector_load %arg13[%swap3A_303, %swap3A_304] {strides = array<i32>} : memref<40x128xf32, #tpu.memory_space<vmem>>, vector<1x16xf32>,
        %swap3A_306 = vector.shape_cast %swap3A_305 : vector<1x16xf32> to vector<16xf32>
        %swap3A_307 = vector.shape_cast %add3A_302 : vector<16xf32> to vector<1x16xf32>
        tpu.vector_store %arg13[%swap3A_303, %swap3A_304], %swap3A_307 {strides = array<i32>} : memref<40x128xf32, #tpu.memory_space<vmem>>, vector<1x16xf32>,
        %get3A_308 = arith.index_cast %add3A_233 : i32 to index
        %get3A_309 = arith.constant 64 : index
        %get3A_310 = tpu.vector_load %arg8[%get3A_308, %get3A_309] {strides = array<i32>} : memref<40x128xf32, #tpu.memory_space<vmem>>, vector<1x16xf32>,
        %get3A_311 = vector.shape_cast %get3A_310 : vector<1x16xf32> to vector<16xf32>
        %mul3A_312 = arith.constant 11.3137083 : f32
        %mul3A_313 = vector.broadcast %mul3A_312 : f32 to vector<16xf32>
        %mul3A_314 = arith.mulf %get3A_311, %mul3A_313 : vector<16xf32>
        %add3A_315 = arith.constant 0 : i32
        %add3A_316 = arith.addi %add3A_315, %add3A_233 : i32
        %get3A_317 = arith.index_cast %add3A_316 : i32 to index
        %get3A_318 = arith.constant 64 : index
        %get3A_319 = tpu.vector_load %arg7[%get3A_317, %get3A_318] {strides = array<i32>} : memref<200x128xf32, #tpu.memory_space<vmem>>, vector<1x16xf32>,
        %get3A_320 = vector.shape_cast %get3A_319 : vector<1x16xf32> to vector<16xf32>
        %add3A_321 = arith.addf %mul3A_314, %get3A_320 : vector<16xf32>
        %swap3A_322 = arith.index_cast %add3A_233 : i32 to index
        %swap3A_323 = arith.constant 64 : index
        %swap3A_324 = tpu.vector_load %arg13[%swap3A_322, %swap3A_323] {strides = array<i32>} : memref<40x128xf32, #tpu.memory_space<vmem>>, vector<1x16xf32>,
        %swap3A_325 = vector.shape_cast %swap3A_324 : vector<1x16xf32> to vector<16xf32>
        %swap3A_326 = vector.shape_cast %add3A_321 : vector<16xf32> to vector<1x16xf32>
        tpu.vector_store %arg13[%swap3A_322, %swap3A_323], %swap3A_326 {strides = array<i32>} : memref<40x128xf32, #tpu.memory_space<vmem>>, vector<1x16xf32>,
        %get3A_327 = arith.index_cast %add3A_233 : i32 to index
        %get3A_328 = arith.constant 80 : index
        %get3A_329 = tpu.vector_load %arg8[%get3A_327, %get3A_328] {strides = array<i32>} : memref<40x128xf32, #tpu.memory_space<vmem>>, vector<1x16xf32>,
        %get3A_330 = vector.shape_cast %get3A_329 : vector<1x16xf32> to vector<16xf32>
        %mul3A_331 = arith.constant 11.3137083 : f32
        %mul3A_332 = vector.broadcast %mul3A_331 : f32 to vector<16xf32>
        %mul3A_333 = arith.mulf %get3A_330, %mul3A_332 : vector<16xf32>
        %add3A_334 = arith.constant 0 : i32
        %add3A_335 = arith.addi %add3A_334, %add3A_233 : i32
        %get3A_336 = arith.index_cast %add3A_335 : i32 to index
        %get3A_337 = arith.constant 80 : index
        %get3A_338 = tpu.vector_load %arg7[%get3A_336, %get3A_337] {strides = array<i32>} : memref<200x128xf32, #tpu.memory_space<vmem>>, vector<1x16xf32>,
        %get3A_339 = vector.shape_cast %get3A_338 : vector<1x16xf32> to vector<16xf32>
        %add3A_340 = arith.addf %mul3A_333, %get3A_339 : vector<16xf32>
        %swap3A_341 = arith.index_cast %add3A_233 : i32 to index
        %swap3A_342 = arith.constant 80 : index
        %swap3A_343 = tpu.vector_load %arg13[%swap3A_341, %swap3A_342] {strides = array<i32>} : memref<40x128xf32, #tpu.memory_space<vmem>>, vector<1x16xf32>,
        %swap3A_344 = vector.shape_cast %swap3A_343 : vector<1x16xf32> to vector<16xf32>
        %swap3A_345 = vector.shape_cast %add3A_340 : vector<16xf32> to vector<1x16xf32>
        tpu.vector_store %arg13[%swap3A_341, %swap3A_342], %swap3A_345 {strides = array<i32>} : memref<40x128xf32, #tpu.memory_space<vmem>>, vector<1x16xf32>,
        %get3A_346 = arith.index_cast %add3A_233 : i32 to index
        %get3A_347 = arith.constant 96 : index
        %get3A_348 = tpu.vector_load %arg8[%get3A_346, %get3A_347] {strides = array<i32>} : memref<40x128xf32, #tpu.memory_space<vmem>>, vector<1x16xf32>,
        %get3A_349 = vector.shape_cast %get3A_348 : vector<1x16xf32> to vector<16xf32>
        %mul3A_350 = arith.constant 11.3137083 : f32
        %mul3A_351 = vector.broadcast %mul3A_350 : f32 to vector<16xf32>
        %mul3A_352 = arith.mulf %get3A_349, %mul3A_351 : vector<16xf32>
        %add3A_353 = arith.constant 0 : i32
        %add3A_354 = arith.addi %add3A_353, %add3A_233 : i32
        %get3A_355 = arith.index_cast %add3A_354 : i32 to index
        %get3A_356 = arith.constant 96 : index
        %get3A_357 = tpu.vector_load %arg7[%get3A_355, %get3A_356] {strides = array<i32>} : memref<200x128xf32, #tpu.memory_space<vmem>>, vector<1x16xf32>,
        %get3A_358 = vector.shape_cast %get3A_357 : vector<1x16xf32> to vector<16xf32>
        %add3A_359 = arith.addf %mul3A_352, %get3A_358 : vector<16xf32>
        %swap3A_360 = arith.index_cast %add3A_233 : i32 to index
        %swap3A_361 = arith.constant 96 : index
        %swap3A_362 = tpu.vector_load %arg13[%swap3A_360, %swap3A_361] {strides = array<i32>} : memref<40x128xf32, #tpu.memory_space<vmem>>, vector<1x16xf32>,
        %swap3A_363 = vector.shape_cast %swap3A_362 : vector<1x16xf32> to vector<16xf32>
        %swap3A_364 = vector.shape_cast %add3A_359 : vector<16xf32> to vector<1x16xf32>
        tpu.vector_store %arg13[%swap3A_360, %swap3A_361], %swap3A_364 {strides = array<i32>} : memref<40x128xf32, #tpu.memory_space<vmem>>, vector<1x16xf32>,
        %get3A_365 = arith.index_cast %add3A_233 : i32 to index
        %get3A_366 = arith.constant 112 : index
        %get3A_367 = tpu.vector_load %arg8[%get3A_365, %get3A_366] {strides = array<i32>} : memref<40x128xf32, #tpu.memory_space<vmem>>, vector<1x16xf32>,
        %get3A_368 = vector.shape_cast %get3A_367 : vector<1x16xf32> to vector<16xf32>
        %mul3A_369 = arith.constant 11.3137083 : f32
        %mul3A_370 = vector.broadcast %mul3A_369 : f32 to vector<16xf32>
        %mul3A_371 = arith.mulf %get3A_368, %mul3A_370 : vector<16xf32>
        %add3A_372 = arith.constant 0 : i32
        %add3A_373 = arith.addi %add3A_372, %add3A_233 : i32
        %get3A_374 = arith.index_cast %add3A_373 : i32 to index
        %get3A_375 = arith.constant 112 : index
        %get3A_376 = tpu.vector_load %arg7[%get3A_374, %get3A_375] {strides = array<i32>} : memref<200x128xf32, #tpu.memory_space<vmem>>, vector<1x16xf32>,
        %get3A_377 = vector.shape_cast %get3A_376 : vector<1x16xf32> to vector<16xf32>
        %add3A_378 = arith.addf %mul3A_371, %get3A_377 : vector<16xf32>
        %swap3A_379 = arith.index_cast %add3A_233 : i32 to index
        %swap3A_380 = arith.constant 112 : index
        %swap3A_381 = tpu.vector_load %arg13[%swap3A_379, %swap3A_380] {strides = array<i32>} : memref<40x128xf32, #tpu.memory_space<vmem>>, vector<1x16xf32>,
        %swap3A_382 = vector.shape_cast %swap3A_381 : vector<1x16xf32> to vector<16xf32>
        %swap3A_383 = vector.shape_cast %add3A_378 : vector<16xf32> to vector<1x16xf32>
        tpu.vector_store %arg13[%swap3A_379, %swap3A_380], %swap3A_383 {strides = array<i32>} : memref<40x128xf32, #tpu.memory_space<vmem>>, vector<1x16xf32>,
        %mul3A_384 = arith.constant 4 : i32
        %mul3A_385 = arith.muli %mul3A_384, %scan3A_229 : i32
        %add3A_386 = arith.constant 1 : i32
        %add3A_387 = arith.addi %mul3A_385, %add3A_386 : i32
        %get3A_388 = arith.index_cast %add3A_387 : i32 to index
        %get3A_389 = arith.constant 0 : index
        %get3A_390 = tpu.vector_load %arg8[%get3A_388, %get3A_389] {strides = array<i32>} : memref<40x128xf32, #tpu.memory_space<vmem>>, vector<1x16xf32>,
        %get3A_391 = vector.shape_cast %get3A_390 : vector<1x16xf32> to vector<16xf32>
        %mul3A_392 = arith.constant 11.3137083 : f32
        %mul3A_393 = vector.broadcast %mul3A_392 : f32 to vector<16xf32>
        %mul3A_394 = arith.mulf %get3A_391, %mul3A_393 : vector<16xf32>
        %add3A_395 = arith.constant 0 : i32
        %add3A_396 = arith.addi %add3A_395, %add3A_387 : i32
        %get3A_397 = arith.index_cast %add3A_396 : i32 to index
        %get3A_398 = arith.constant 0 : index
        %get3A_399 = tpu.vector_load %arg7[%get3A_397, %get3A_398] {strides = array<i32>} : memref<200x128xf32, #tpu.memory_space<vmem>>, vector<1x16xf32>,
        %get3A_400 = vector.shape_cast %get3A_399 : vector<1x16xf32> to vector<16xf32>
        %add3A_401 = arith.addf %mul3A_394, %get3A_400 : vector<16xf32>
        %swap3A_402 = arith.index_cast %add3A_387 : i32 to index
        %swap3A_403 = arith.constant 0 : index
        %swap3A_404 = tpu.vector_load %arg13[%swap3A_402, %swap3A_403] {strides = array<i32>} : memref<40x128xf32, #tpu.memory_space<vmem>>, vector<1x16xf32>,
        %swap3A_405 = vector.shape_cast %swap3A_404 : vector<1x16xf32> to vector<16xf32>
        %swap3A_406 = vector.shape_cast %add3A_401 : vector<16xf32> to vector<1x16xf32>
        tpu.vector_store %arg13[%swap3A_402, %swap3A_403], %swap3A_406 {strides = array<i32>} : memref<40x128xf32, #tpu.memory_space<vmem>>, vector<1x16xf32>,
        %get3A_407 = arith.index_cast %add3A_387 : i32 to index
        %get3A_408 = arith.constant 16 : index
        %get3A_409 = tpu.vector_load %arg8[%get3A_407, %get3A_408] {strides = array<i32>} : memref<40x128xf32, #tpu.memory_space<vmem>>, vector<1x16xf32>,
        %get3A_410 = vector.shape_cast %get3A_409 : vector<1x16xf32> to vector<16xf32>
        %mul3A_411 = arith.constant 11.3137083 : f32
        %mul3A_412 = vector.broadcast %mul3A_411 : f32 to vector<16xf32>
        %mul3A_413 = arith.mulf %get3A_410, %mul3A_412 : vector<16xf32>
        %add3A_414 = arith.constant 0 : i32
        %add3A_415 = arith.addi %add3A_414, %add3A_387 : i32
        %get3A_416 = arith.index_cast %add3A_415 : i32 to index
        %get3A_417 = arith.constant 16 : index
        %get3A_418 = tpu.vector_load %arg7[%get3A_416, %get3A_417] {strides = array<i32>} : memref<200x128xf32, #tpu.memory_space<vmem>>, vector<1x16xf32>,
        %get3A_419 = vector.shape_cast %get3A_418 : vector<1x16xf32> to vector<16xf32>
        %add3A_420 = arith.addf %mul3A_413, %get3A_419 : vector<16xf32>
        %swap3A_421 = arith.index_cast %add3A_387 : i32 to index
        %swap3A_422 = arith.constant 16 : index
        %swap3A_423 = tpu.vector_load %arg13[%swap3A_421, %swap3A_422] {strides = array<i32>} : memref<40x128xf32, #tpu.memory_space<vmem>>, vector<1x16xf32>,
        %swap3A_424 = vector.shape_cast %swap3A_423 : vector<1x16xf32> to vector<16xf32>
        %swap3A_425 = vector.shape_cast %add3A_420 : vector<16xf32> to vector<1x16xf32>
        tpu.vector_store %arg13[%swap3A_421, %swap3A_422], %swap3A_425 {strides = array<i32>} : memref<40x128xf32, #tpu.memory_space<vmem>>, vector<1x16xf32>,
        %get3A_426 = arith.index_cast %add3A_387 : i32 to index
        %get3A_427 = arith.constant 32 : index
        %get3A_428 = tpu.vector_load %arg8[%get3A_426, %get3A_427] {strides = array<i32>} : memref<40x128xf32, #tpu.memory_space<vmem>>, vector<1x16xf32>,
        %get3A_429 = vector.shape_cast %get3A_428 : vector<1x16xf32> to vector<16xf32>
        %mul3A_430 = arith.constant 11.3137083 : f32
        %mul3A_431 = vector.broadcast %mul3A_430 : f32 to vector<16xf32>
        %mul3A_432 = arith.mulf %get3A_429, %mul3A_431 : vector<16xf32>
        %add3A_433 = arith.constant 0 : i32
        %add3A_434 = arith.addi %add3A_433, %add3A_387 : i32
        %get3A_435 = arith.index_cast %add3A_434 : i32 to index
        %get3A_436 = arith.constant 32 : index
        %get3A_437 = tpu.vector_load %arg7[%get3A_435, %get3A_436] {strides = array<i32>} : memref<200x128xf32, #tpu.memory_space<vmem>>, vector<1x16xf32>,
        %get3A_438 = vector.shape_cast %get3A_437 : vector<1x16xf32> to vector<16xf32>
        %add3A_439 = arith.addf %mul3A_432, %get3A_438 : vector<16xf32>
        %swap3A_440 = arith.index_cast %add3A_387 : i32 to index
        %swap3A_441 = arith.constant 32 : index
        %swap3A_442 = tpu.vector_load %arg13[%swap3A_440, %swap3A_441] {strides = array<i32>} : memref<40x128xf32, #tpu.memory_space<vmem>>, vector<1x16xf32>,
        %swap3A_443 = vector.shape_cast %swap3A_442 : vector<1x16xf32> to vector<16xf32>
        %swap3A_444 = vector.shape_cast %add3A_439 : vector<16xf32> to vector<1x16xf32>
        tpu.vector_store %arg13[%swap3A_440, %swap3A_441], %swap3A_444 {strides = array<i32>} : memref<40x128xf32, #tpu.memory_space<vmem>>, vector<1x16xf32>,
        %get3A_445 = arith.index_cast %add3A_387 : i32 to index
        %get3A_446 = arith.constant 48 : index
        %get3A_447 = tpu.vector_load %arg8[%get3A_445, %get3A_446] {strides = array<i32>} : memref<40x128xf32, #tpu.memory_space<vmem>>, vector<1x16xf32>,
        %get3A_448 = vector.shape_cast %get3A_447 : vector<1x16xf32> to vector<16xf32>
        %mul3A_449 = arith.constant 11.3137083 : f32
        %mul3A_450 = vector.broadcast %mul3A_449 : f32 to vector<16xf32>
        %mul3A_451 = arith.mulf %get3A_448, %mul3A_450 : vector<16xf32>
        %add3A_452 = arith.constant 0 : i32
        %add3A_453 = arith.addi %add3A_452, %add3A_387 : i32
        %get3A_454 = arith.index_cast %add3A_453 : i32 to index
        %get3A_455 = arith.constant 48 : index
        %get3A_456 = tpu.vector_load %arg7[%get3A_454, %get3A_455] {strides = array<i32>} : memref<200x128xf32, #tpu.memory_space<vmem>>, vector<1x16xf32>,
        %get3A_457 = vector.shape_cast %get3A_456 : vector<1x16xf32> to vector<16xf32>
        %add3A_458 = arith.addf %mul3A_451, %get3A_457 : vector<16xf32>
        %swap3A_459 = arith.index_cast %add3A_387 : i32 to index
        %swap3A_460 = arith.constant 48 : index
        %swap3A_461 = tpu.vector_load %arg13[%swap3A_459, %swap3A_460] {strides = array<i32>} : memref<40x128xf32, #tpu.memory_space<vmem>>, vector<1x16xf32>,
        %swap3A_462 = vector.shape_cast %swap3A_461 : vector<1x16xf32> to vector<16xf32>
        %swap3A_463 = vector.shape_cast %add3A_458 : vector<16xf32> to vector<1x16xf32>
        tpu.vector_store %arg13[%swap3A_459, %swap3A_460], %swap3A_463 {strides = array<i32>} : memref<40x128xf32, #tpu.memory_space<vmem>>, vector<1x16xf32>,
        %get3A_464 = arith.index_cast %add3A_387 : i32 to index
        %get3A_465 = arith.constant 64 : index
        %get3A_466 = tpu.vector_load %arg8[%get3A_464, %get3A_465] {strides = array<i32>} : memref<40x128xf32, #tpu.memory_space<vmem>>, vector<1x16xf32>,
        %get3A_467 = vector.shape_cast %get3A_466 : vector<1x16xf32> to vector<16xf32>
        %mul3A_468 = arith.constant 11.3137083 : f32
        %mul3A_469 = vector.broadcast %mul3A_468 : f32 to vector<16xf32>
        %mul3A_470 = arith.mulf %get3A_467, %mul3A_469 : vector<16xf32>
        %add3A_471 = arith.constant 0 : i32
        %add3A_472 = arith.addi %add3A_471, %add3A_387 : i32
        %get3A_473 = arith.index_cast %add3A_472 : i32 to index
        %get3A_474 = arith.constant 64 : index
        %get3A_475 = tpu.vector_load %arg7[%get3A_473, %get3A_474] {strides = array<i32>} : memref<200x128xf32, #tpu.memory_space<vmem>>, vector<1x16xf32>,
        %get3A_476 = vector.shape_cast %get3A_475 : vector<1x16xf32> to vector<16xf32>
        %add3A_477 = arith.addf %mul3A_470, %get3A_476 : vector<16xf32>
        %swap3A_478 = arith.index_cast %add3A_387 : i32 to index
        %swap3A_479 = arith.constant 64 : index
        %swap3A_480 = tpu.vector_load %arg13[%swap3A_478, %swap3A_479] {strides = array<i32>} : memref<40x128xf32, #tpu.memory_space<vmem>>, vector<1x16xf32>,
        %swap3A_481 = vector.shape_cast %swap3A_480 : vector<1x16xf32> to vector<16xf32>
        %swap3A_482 = vector.shape_cast %add3A_477 : vector<16xf32> to vector<1x16xf32>
        tpu.vector_store %arg13[%swap3A_478, %swap3A_479], %swap3A_482 {strides = array<i32>} : memref<40x128xf32, #tpu.memory_space<vmem>>, vector<1x16xf32>,
        %get3A_483 = arith.index_cast %add3A_387 : i32 to index
        %get3A_484 = arith.constant 80 : index
        %get3A_485 = tpu.vector_load %arg8[%get3A_483, %get3A_484] {strides = array<i32>} : memref<40x128xf32, #tpu.memory_space<vmem>>, vector<1x16xf32>,
        %get3A_486 = vector.shape_cast %get3A_485 : vector<1x16xf32> to vector<16xf32>
        %mul3A_487 = arith.constant 11.3137083 : f32
        %mul3A_488 = vector.broadcast %mul3A_487 : f32 to vector<16xf32>
        %mul3A_489 = arith.mulf %get3A_486, %mul3A_488 : vector<16xf32>
        %add3A_490 = arith.constant 0 : i32
        %add3A_491 = arith.addi %add3A_490, %add3A_387 : i32
        %get3A_492 = arith.index_cast %add3A_491 : i32 to index
        %get3A_493 = arith.constant 80 : index
        %get3A_494 = tpu.vector_load %arg7[%get3A_492, %get3A_493] {strides = array<i32>} : memref<200x128xf32, #tpu.memory_space<vmem>>, vector<1x16xf32>,
        %get3A_495 = vector.shape_cast %get3A_494 : vector<1x16xf32> to vector<16xf32>
        %add3A_496 = arith.addf %mul3A_489, %get3A_495 : vector<16xf32>
        %swap3A_497 = arith.index_cast %add3A_387 : i32 to index
        %swap3A_498 = arith.constant 80 : index
        %swap3A_499 = tpu.vector_load %arg13[%swap3A_497, %swap3A_498] {strides = array<i32>} : memref<40x128xf32, #tpu.memory_space<vmem>>, vector<1x16xf32>,
        %swap3A_500 = vector.shape_cast %swap3A_499 : vector<1x16xf32> to vector<16xf32>
        %swap3A_501 = vector.shape_cast %add3A_496 : vector<16xf32> to vector<1x16xf32>
        tpu.vector_store %arg13[%swap3A_497, %swap3A_498], %swap3A_501 {strides = array<i32>} : memref<40x128xf32, #tpu.memory_space<vmem>>, vector<1x16xf32>,
        %get3A_502 = arith.index_cast %add3A_387 : i32 to index
        %get3A_503 = arith.constant 96 : index
        %get3A_504 = tpu.vector_load %arg8[%get3A_502, %get3A_503] {strides = array<i32>} : memref<40x128xf32, #tpu.memory_space<vmem>>, vector<1x16xf32>,
        %get3A_505 = vector.shape_cast %get3A_504 : vector<1x16xf32> to vector<16xf32>
        %mul3A_506 = arith.constant 11.3137083 : f32
        %mul3A_507 = vector.broadcast %mul3A_506 : f32 to vector<16xf32>
        %mul3A_508 = arith.mulf %get3A_505, %mul3A_507 : vector<16xf32>
        %add3A_509 = arith.constant 0 : i32
        %add3A_510 = arith.addi %add3A_509, %add3A_387 : i32
        %get3A_511 = arith.index_cast %add3A_510 : i32 to index
        %get3A_512 = arith.constant 96 : index
        %get3A_513 = tpu.vector_load %arg7[%get3A_511, %get3A_512] {strides = array<i32>} : memref<200x128xf32, #tpu.memory_space<vmem>>, vector<1x16xf32>,
        %get3A_514 = vector.shape_cast %get3A_513 : vector<1x16xf32> to vector<16xf32>
        %add3A_515 = arith.addf %mul3A_508, %get3A_514 : vector<16xf32>
        %swap3A_516 = arith.index_cast %add3A_387 : i32 to index
        %swap3A_517 = arith.constant 96 : index
        %swap3A_518 = tpu.vector_load %arg13[%swap3A_516, %swap3A_517] {strides = array<i32>} : memref<40x128xf32, #tpu.memory_space<vmem>>, vector<1x16xf32>,
        %swap3A_519 = vector.shape_cast %swap3A_518 : vector<1x16xf32> to vector<16xf32>
        %swap3A_520 = vector.shape_cast %add3A_515 : vector<16xf32> to vector<1x16xf32>
        tpu.vector_store %arg13[%swap3A_516, %swap3A_517], %swap3A_520 {strides = array<i32>} : memref<40x128xf32, #tpu.memory_space<vmem>>, vector<1x16xf32>,
        %get3A_521 = arith.index_cast %add3A_387 : i32 to index
        %get3A_522 = arith.constant 112 : index
        %get3A_523 = tpu.vector_load %arg8[%get3A_521, %get3A_522] {strides = array<i32>} : memref<40x128xf32, #tpu.memory_space<vmem>>, vector<1x16xf32>,
        %get3A_524 = vector.shape_cast %get3A_523 : vector<1x16xf32> to vector<16xf32>
        %mul3A_525 = arith.constant 11.3137083 : f32
        %mul3A_526 = vector.broadcast %mul3A_525 : f32 to vector<16xf32>
        %mul3A_527 = arith.mulf %get3A_524, %mul3A_526 : vector<16xf32>
        %add3A_528 = arith.constant 0 : i32
        %add3A_529 = arith.addi %add3A_528, %add3A_387 : i32
        %get3A_530 = arith.index_cast %add3A_529 : i32 to index
        %get3A_531 = arith.constant 112 : index
        %get3A_532 = tpu.vector_load %arg7[%get3A_530, %get3A_531] {strides = array<i32>} : memref<200x128xf32, #tpu.memory_space<vmem>>, vector<1x16xf32>,
        %get3A_533 = vector.shape_cast %get3A_532 : vector<1x16xf32> to vector<16xf32>
        %add3A_534 = arith.addf %mul3A_527, %get3A_533 : vector<16xf32>
        %swap3A_535 = arith.index_cast %add3A_387 : i32 to index
        %swap3A_536 = arith.constant 112 : index
        %swap3A_537 = tpu.vector_load %arg13[%swap3A_535, %swap3A_536] {strides = array<i32>} : memref<40x128xf32, #tpu.memory_space<vmem>>, vector<1x16xf32>,
        %swap3A_538 = vector.shape_cast %swap3A_537 : vector<1x16xf32> to vector<16xf32>
        %swap3A_539 = vector.shape_cast %add3A_534 : vector<16xf32> to vector<1x16xf32>
        tpu.vector_store %arg13[%swap3A_535, %swap3A_536], %swap3A_539 {strides = array<i32>} : memref<40x128xf32, #tpu.memory_space<vmem>>, vector<1x16xf32>,
        %mul3A_540 = arith.constant 4 : i32
        %mul3A_541 = arith.muli %mul3A_540, %scan3A_229 : i32
        %add3A_542 = arith.constant 2 : i32
        %add3A_543 = arith.addi %mul3A_541, %add3A_542 : i32
        %get3A_544 = arith.index_cast %add3A_543 : i32 to index
        %get3A_545 = arith.constant 0 : index
        %get3A_546 = tpu.vector_load %arg8[%get3A_544, %get3A_545] {strides = array<i32>} : memref<40x128xf32, #tpu.memory_space<vmem>>, vector<1x16xf32>,
        %get3A_547 = vector.shape_cast %get3A_546 : vector<1x16xf32> to vector<16xf32>
        %mul3A_548 = arith.constant 11.3137083 : f32
        %mul3A_549 = vector.broadcast %mul3A_548 : f32 to vector<16xf32>
        %mul3A_550 = arith.mulf %get3A_547, %mul3A_549 : vector<16xf32>
        %add3A_551 = arith.constant 0 : i32
        %add3A_552 = arith.addi %add3A_551, %add3A_543 : i32
        %get3A_553 = arith.index_cast %add3A_552 : i32 to index
        %get3A_554 = arith.constant 0 : index
        %get3A_555 = tpu.vector_load %arg7[%get3A_553, %get3A_554] {strides = array<i32>} : memref<200x128xf32, #tpu.memory_space<vmem>>, vector<1x16xf32>,
        %get3A_556 = vector.shape_cast %get3A_555 : vector<1x16xf32> to vector<16xf32>
        %add3A_557 = arith.addf %mul3A_550, %get3A_556 : vector<16xf32>
        %swap3A_558 = arith.index_cast %add3A_543 : i32 to index
        %swap3A_559 = arith.constant 0 : index
        %swap3A_560 = tpu.vector_load %arg13[%swap3A_558, %swap3A_559] {strides = array<i32>} : memref<40x128xf32, #tpu.memory_space<vmem>>, vector<1x16xf32>,
        %swap3A_561 = vector.shape_cast %swap3A_560 : vector<1x16xf32> to vector<16xf32>
        %swap3A_562 = vector.shape_cast %add3A_557 : vector<16xf32> to vector<1x16xf32>
        tpu.vector_store %arg13[%swap3A_558, %swap3A_559], %swap3A_562 {strides = array<i32>} : memref<40x128xf32, #tpu.memory_space<vmem>>, vector<1x16xf32>,
        %get3A_563 = arith.index_cast %add3A_543 : i32 to index
        %get3A_564 = arith.constant 16 : index
        %get3A_565 = tpu.vector_load %arg8[%get3A_563, %get3A_564] {strides = array<i32>} : memref<40x128xf32, #tpu.memory_space<vmem>>, vector<1x16xf32>,
        %get3A_566 = vector.shape_cast %get3A_565 : vector<1x16xf32> to vector<16xf32>
        %mul3A_567 = arith.constant 11.3137083 : f32
        %mul3A_568 = vector.broadcast %mul3A_567 : f32 to vector<16xf32>
        %mul3A_569 = arith.mulf %get3A_566, %mul3A_568 : vector<16xf32>
        %add3A_570 = arith.constant 0 : i32
        %add3A_571 = arith.addi %add3A_570, %add3A_543 : i32
        %get3A_572 = arith.index_cast %add3A_571 : i32 to index
        %get3A_573 = arith.constant 16 : index
        %get3A_574 = tpu.vector_load %arg7[%get3A_572, %get3A_573] {strides = array<i32>} : memref<200x128xf32, #tpu.memory_space<vmem>>, vector<1x16xf32>,
        %get3A_575 = vector.shape_cast %get3A_574 : vector<1x16xf32> to vector<16xf32>
        %add3A_576 = arith.addf %mul3A_569, %get3A_575 : vector<16xf32>
        %swap3A_577 = arith.index_cast %add3A_543 : i32 to index
        %swap3A_578 = arith.constant 16 : index
        %swap3A_579 = tpu.vector_load %arg13[%swap3A_577, %swap3A_578] {strides = array<i32>} : memref<40x128xf32, #tpu.memory_space<vmem>>, vector<1x16xf32>,
        %swap3A_580 = vector.shape_cast %swap3A_579 : vector<1x16xf32> to vector<16xf32>
        %swap3A_581 = vector.shape_cast %add3A_576 : vector<16xf32> to vector<1x16xf32>
        tpu.vector_store %arg13[%swap3A_577, %swap3A_578], %swap3A_581 {strides = array<i32>} : memref<40x128xf32, #tpu.memory_space<vmem>>, vector<1x16xf32>,
        %get3A_582 = arith.index_cast %add3A_543 : i32 to index
        %get3A_583 = arith.constant 32 : index
        %get3A_584 = tpu.vector_load %arg8[%get3A_582, %get3A_583] {strides = array<i32>} : memref<40x128xf32, #tpu.memory_space<vmem>>, vector<1x16xf32>,
        %get3A_585 = vector.shape_cast %get3A_584 : vector<1x16xf32> to vector<16xf32>
        %mul3A_586 = arith.constant 11.3137083 : f32
        %mul3A_587 = vector.broadcast %mul3A_586 : f32 to vector<16xf32>
        %mul3A_588 = arith.mulf %get3A_585, %mul3A_587 : vector<16xf32>
        %add3A_589 = arith.constant 0 : i32
        %add3A_590 = arith.addi %add3A_589, %add3A_543 : i32
        %get3A_591 = arith.index_cast %add3A_590 : i32 to index
        %get3A_592 = arith.constant 32 : index
        %get3A_593 = tpu.vector_load %arg7[%get3A_591, %get3A_592] {strides = array<i32>} : memref<200x128xf32, #tpu.memory_space<vmem>>, vector<1x16xf32>,
        %get3A_594 = vector.shape_cast %get3A_593 : vector<1x16xf32> to vector<16xf32>
        %add3A_595 = arith.addf %mul3A_588, %get3A_594 : vector<16xf32>
        %swap3A_596 = arith.index_cast %add3A_543 : i32 to index
        %swap3A_597 = arith.constant 32 : index
        %swap3A_598 = tpu.vector_load %arg13[%swap3A_596, %swap3A_597] {strides = array<i32>} : memref<40x128xf32, #tpu.memory_space<vmem>>, vector<1x16xf32>,
        %swap3A_599 = vector.shape_cast %swap3A_598 : vector<1x16xf32> to vector<16xf32>
        %swap3A_600 = vector.shape_cast %add3A_595 : vector<16xf32> to vector<1x16xf32>
        tpu.vector_store %arg13[%swap3A_596, %swap3A_597], %swap3A_600 {strides = array<i32>} : memref<40x128xf32, #tpu.memory_space<vmem>>, vector<1x16xf32>,
        %get3A_601 = arith.index_cast %add3A_543 : i32 to index
        %get3A_602 = arith.constant 48 : index
        %get3A_603 = tpu.vector_load %arg8[%get3A_601, %get3A_602] {strides = array<i32>} : memref<40x128xf32, #tpu.memory_space<vmem>>, vector<1x16xf32>,
        %get3A_604 = vector.shape_cast %get3A_603 : vector<1x16xf32> to vector<16xf32>
        %mul3A_605 = arith.constant 11.3137083 : f32
        %mul3A_606 = vector.broadcast %mul3A_605 : f32 to vector<16xf32>
        %mul3A_607 = arith.mulf %get3A_604, %mul3A_606 : vector<16xf32>
        %add3A_608 = arith.constant 0 : i32
        %add3A_609 = arith.addi %add3A_608, %add3A_543 : i32
        %get3A_610 = arith.index_cast %add3A_609 : i32 to index
        %get3A_611 = arith.constant 48 : index
        %get3A_612 = tpu.vector_load %arg7[%get3A_610, %get3A_611] {strides = array<i32>} : memref<200x128xf32, #tpu.memory_space<vmem>>, vector<1x16xf32>,
        %get3A_613 = vector.shape_cast %get3A_612 : vector<1x16xf32> to vector<16xf32>
        %add3A_614 = arith.addf %mul3A_607, %get3A_613 : vector<16xf32>
        %swap3A_615 = arith.index_cast %add3A_543 : i32 to index
        %swap3A_616 = arith.constant 48 : index
        %swap3A_617 = tpu.vector_load %arg13[%swap3A_615, %swap3A_616] {strides = array<i32>} : memref<40x128xf32, #tpu.memory_space<vmem>>, vector<1x16xf32>,
        %swap3A_618 = vector.shape_cast %swap3A_617 : vector<1x16xf32> to vector<16xf32>
        %swap3A_619 = vector.shape_cast %add3A_614 : vector<16xf32> to vector<1x16xf32>
        tpu.vector_store %arg13[%swap3A_615, %swap3A_616], %swap3A_619 {strides = array<i32>} : memref<40x128xf32, #tpu.memory_space<vmem>>, vector<1x16xf32>,
        %get3A_620 = arith.index_cast %add3A_543 : i32 to index
        %get3A_621 = arith.constant 64 : index
        %get3A_622 = tpu.vector_load %arg8[%get3A_620, %get3A_621] {strides = array<i32>} : memref<40x128xf32, #tpu.memory_space<vmem>>, vector<1x16xf32>,
        %get3A_623 = vector.shape_cast %get3A_622 : vector<1x16xf32> to vector<16xf32>
        %mul3A_624 = arith.constant 11.3137083 : f32
        %mul3A_625 = vector.broadcast %mul3A_624 : f32 to vector<16xf32>
        %mul3A_626 = arith.mulf %get3A_623, %mul3A_625 : vector<16xf32>
        %add3A_627 = arith.constant 0 : i32
        %add3A_628 = arith.addi %add3A_627, %add3A_543 : i32
        %get3A_629 = arith.index_cast %add3A_628 : i32 to index
        %get3A_630 = arith.constant 64 : index
        %get3A_631 = tpu.vector_load %arg7[%get3A_629, %get3A_630] {strides = array<i32>} : memref<200x128xf32, #tpu.memory_space<vmem>>, vector<1x16xf32>,
        %get3A_632 = vector.shape_cast %get3A_631 : vector<1x16xf32> to vector<16xf32>
        %add3A_633 = arith.addf %mul3A_626, %get3A_632 : vector<16xf32>
        %swap3A_634 = arith.index_cast %add3A_543 : i32 to index
        %swap3A_635 = arith.constant 64 : index
        %swap3A_636 = tpu.vector_load %arg13[%swap3A_634, %swap3A_635] {strides = array<i32>} : memref<40x128xf32, #tpu.memory_space<vmem>>, vector<1x16xf32>,
        %swap3A_637 = vector.shape_cast %swap3A_636 : vector<1x16xf32> to vector<16xf32>
        %swap3A_638 = vector.shape_cast %add3A_633 : vector<16xf32> to vector<1x16xf32>
        tpu.vector_store %arg13[%swap3A_634, %swap3A_635], %swap3A_638 {strides = array<i32>} : memref<40x128xf32, #tpu.memory_space<vmem>>, vector<1x16xf32>,
        %get3A_639 = arith.index_cast %add3A_543 : i32 to index
        %get3A_640 = arith.constant 80 : index
        %get3A_641 = tpu.vector_load %arg8[%get3A_639, %get3A_640] {strides = array<i32>} : memref<40x128xf32, #tpu.memory_space<vmem>>, vector<1x16xf32>,
        %get3A_642 = vector.shape_cast %get3A_641 : vector<1x16xf32> to vector<16xf32>
        %mul3A_643 = arith.constant 11.3137083 : f32
        %mul3A_644 = vector.broadcast %mul3A_643 : f32 to vector<16xf32>
        %mul3A_645 = arith.mulf %get3A_642, %mul3A_644 : vector<16xf32>
        %add3A_646 = arith.constant 0 : i32
        %add3A_647 = arith.addi %add3A_646, %add3A_543 : i32
        %get3A_648 = arith.index_cast %add3A_647 : i32 to index
        %get3A_649 = arith.constant 80 : index
        %get3A_650 = tpu.vector_load %arg7[%get3A_648, %get3A_649] {strides = array<i32>} : memref<200x128xf32, #tpu.memory_space<vmem>>, vector<1x16xf32>,
        %get3A_651 = vector.shape_cast %get3A_650 : vector<1x16xf32> to vector<16xf32>
        %add3A_652 = arith.addf %mul3A_645, %get3A_651 : vector<16xf32>
        %swap3A_653 = arith.index_cast %add3A_543 : i32 to index
        %swap3A_654 = arith.constant 80 : index
        %swap3A_655 = tpu.vector_load %arg13[%swap3A_653, %swap3A_654] {strides = array<i32>} : memref<40x128xf32, #tpu.memory_space<vmem>>, vector<1x16xf32>,
        %swap3A_656 = vector.shape_cast %swap3A_655 : vector<1x16xf32> to vector<16xf32>
        %swap3A_657 = vector.shape_cast %add3A_652 : vector<16xf32> to vector<1x16xf32>
        tpu.vector_store %arg13[%swap3A_653, %swap3A_654], %swap3A_657 {strides = array<i32>} : memref<40x128xf32, #tpu.memory_space<vmem>>, vector<1x16xf32>,
        %get3A_658 = arith.index_cast %add3A_543 : i32 to index
        %get3A_659 = arith.constant 96 : index
        %get3A_660 = tpu.vector_load %arg8[%get3A_658, %get3A_659] {strides = array<i32>} : memref<40x128xf32, #tpu.memory_space<vmem>>, vector<1x16xf32>,
        %get3A_661 = vector.shape_cast %get3A_660 : vector<1x16xf32> to vector<16xf32>
        %mul3A_662 = arith.constant 11.3137083 : f32
        %mul3A_663 = vector.broadcast %mul3A_662 : f32 to vector<16xf32>
        %mul3A_664 = arith.mulf %get3A_661, %mul3A_663 : vector<16xf32>
        %add3A_665 = arith.constant 0 : i32
        %add3A_666 = arith.addi %add3A_665, %add3A_543 : i32
        %get3A_667 = arith.index_cast %add3A_666 : i32 to index
        %get3A_668 = arith.constant 96 : index
        %get3A_669 = tpu.vector_load %arg7[%get3A_667, %get3A_668] {strides = array<i32>} : memref<200x128xf32, #tpu.memory_space<vmem>>, vector<1x16xf32>,
        %get3A_670 = vector.shape_cast %get3A_669 : vector<1x16xf32> to vector<16xf32>
        %add3A_671 = arith.addf %mul3A_664, %get3A_670 : vector<16xf32>
        %swap3A_672 = arith.index_cast %add3A_543 : i32 to index
        %swap3A_673 = arith.constant 96 : index
        %swap3A_674 = tpu.vector_load %arg13[%swap3A_672, %swap3A_673] {strides = array<i32>} : memref<40x128xf32, #tpu.memory_space<vmem>>, vector<1x16xf32>,
        %swap3A_675 = vector.shape_cast %swap3A_674 : vector<1x16xf32> to vector<16xf32>
        %swap3A_676 = vector.shape_cast %add3A_671 : vector<16xf32> to vector<1x16xf32>
        tpu.vector_store %arg13[%swap3A_672, %swap3A_673], %swap3A_676 {strides = array<i32>} : memref<40x128xf32, #tpu.memory_space<vmem>>, vector<1x16xf32>,
        %get3A_677 = arith.index_cast %add3A_543 : i32 to index
        %get3A_678 = arith.constant 112 : index
        %get3A_679 = tpu.vector_load %arg8[%get3A_677, %get3A_678] {strides = array<i32>} : memref<40x128xf32, #tpu.memory_space<vmem>>, vector<1x16xf32>,
        %get3A_680 = vector.shape_cast %get3A_679 : vector<1x16xf32> to vector<16xf32>
        %mul3A_681 = arith.constant 11.3137083 : f32
        %mul3A_682 = vector.broadcast %mul3A_681 : f32 to vector<16xf32>
        %mul3A_683 = arith.mulf %get3A_680, %mul3A_682 : vector<16xf32>
        %add3A_684 = arith.constant 0 : i32
        %add3A_685 = arith.addi %add3A_684, %add3A_543 : i32
        %get3A_686 = arith.index_cast %add3A_685 : i32 to index
        %get3A_687 = arith.constant 112 : index
        %get3A_688 = tpu.vector_load %arg7[%get3A_686, %get3A_687] {strides = array<i32>} : memref<200x128xf32, #tpu.memory_space<vmem>>, vector<1x16xf32>,
        %get3A_689 = vector.shape_cast %get3A_688 : vector<1x16xf32> to vector<16xf32>
        %add3A_690 = arith.addf %mul3A_683, %get3A_689 : vector<16xf32>
        %swap3A_691 = arith.index_cast %add3A_543 : i32 to index
        %swap3A_692 = arith.constant 112 : index
        %swap3A_693 = tpu.vector_load %arg13[%swap3A_691, %swap3A_692] {strides = array<i32>} : memref<40x128xf32, #tpu.memory_space<vmem>>, vector<1x16xf32>,
        %swap3A_694 = vector.shape_cast %swap3A_693 : vector<1x16xf32> to vector<16xf32>
        %swap3A_695 = vector.shape_cast %add3A_690 : vector<16xf32> to vector<1x16xf32>
        tpu.vector_store %arg13[%swap3A_691, %swap3A_692], %swap3A_695 {strides = array<i32>} : memref<40x128xf32, #tpu.memory_space<vmem>>, vector<1x16xf32>,
        %mul3A_696 = arith.constant 4 : i32
        %mul3A_697 = arith.muli %mul3A_696, %scan3A_229 : i32
        %add3A_698 = arith.constant 3 : i32
        %add3A_699 = arith.addi %mul3A_697, %add3A_698 : i32
        %get3A_700 = arith.index_cast %add3A_699 : i32 to index
        %get3A_701 = arith.constant 0 : index
        %get3A_702 = tpu.vector_load %arg8[%get3A_700, %get3A_701] {strides = array<i32>} : memref<40x128xf32, #tpu.memory_space<vmem>>, vector<1x16xf32>,
        %get3A_703 = vector.shape_cast %get3A_702 : vector<1x16xf32> to vector<16xf32>
        %mul3A_704 = arith.constant 11.3137083 : f32
        %mul3A_705 = vector.broadcast %mul3A_704 : f32 to vector<16xf32>
        %mul3A_706 = arith.mulf %get3A_703, %mul3A_705 : vector<16xf32>
        %add3A_707 = arith.constant 0 : i32
        %add3A_708 = arith.addi %add3A_707, %add3A_699 : i32
        %get3A_709 = arith.index_cast %add3A_708 : i32 to index
        %get3A_710 = arith.constant 0 : index
        %get3A_711 = tpu.vector_load %arg7[%get3A_709, %get3A_710] {strides = array<i32>} : memref<200x128xf32, #tpu.memory_space<vmem>>, vector<1x16xf32>,
        %get3A_712 = vector.shape_cast %get3A_711 : vector<1x16xf32> to vector<16xf32>
        %add3A_713 = arith.addf %mul3A_706, %get3A_712 : vector<16xf32>
        %swap3A_714 = arith.index_cast %add3A_699 : i32 to index
        %swap3A_715 = arith.constant 0 : index
        %swap3A_716 = tpu.vector_load %arg13[%swap3A_714, %swap3A_715] {strides = array<i32>} : memref<40x128xf32, #tpu.memory_space<vmem>>, vector<1x16xf32>,
        %swap3A_717 = vector.shape_cast %swap3A_716 : vector<1x16xf32> to vector<16xf32>
        %swap3A_718 = vector.shape_cast %add3A_713 : vector<16xf32> to vector<1x16xf32>
        tpu.vector_store %arg13[%swap3A_714, %swap3A_715], %swap3A_718 {strides = array<i32>} : memref<40x128xf32, #tpu.memory_space<vmem>>, vector<1x16xf32>,
        %get3A_719 = arith.index_cast %add3A_699 : i32 to index
        %get3A_720 = arith.constant 16 : index
        %get3A_721 = tpu.vector_load %arg8[%get3A_719, %get3A_720] {strides = array<i32>} : memref<40x128xf32, #tpu.memory_space<vmem>>, vector<1x16xf32>,
        %get3A_722 = vector.shape_cast %get3A_721 : vector<1x16xf32> to vector<16xf32>
        %mul3A_723 = arith.constant 11.3137083 : f32
        %mul3A_724 = vector.broadcast %mul3A_723 : f32 to vector<16xf32>
        %mul3A_725 = arith.mulf %get3A_722, %mul3A_724 : vector<16xf32>
        %add3A_726 = arith.constant 0 : i32
        %add3A_727 = arith.addi %add3A_726, %add3A_699 : i32
        %get3A_728 = arith.index_cast %add3A_727 : i32 to index
        %get3A_729 = arith.constant 16 : index
        %get3A_730 = tpu.vector_load %arg7[%get3A_728, %get3A_729] {strides = array<i32>} : memref<200x128xf32, #tpu.memory_space<vmem>>, vector<1x16xf32>,
        %get3A_731 = vector.shape_cast %get3A_730 : vector<1x16xf32> to vector<16xf32>
        %add3A_732 = arith.addf %mul3A_725, %get3A_731 : vector<16xf32>
        %swap3A_733 = arith.index_cast %add3A_699 : i32 to index
        %swap3A_734 = arith.constant 16 : index
        %swap3A_735 = tpu.vector_load %arg13[%swap3A_733, %swap3A_734] {strides = array<i32>} : memref<40x128xf32, #tpu.memory_space<vmem>>, vector<1x16xf32>,
        %swap3A_736 = vector.shape_cast %swap3A_735 : vector<1x16xf32> to vector<16xf32>
        %swap3A_737 = vector.shape_cast %add3A_732 : vector<16xf32> to vector<1x16xf32>
        tpu.vector_store %arg13[%swap3A_733, %swap3A_734], %swap3A_737 {strides = array<i32>} : memref<40x128xf32, #tpu.memory_space<vmem>>, vector<1x16xf32>,
        %get3A_738 = arith.index_cast %add3A_699 : i32 to index
        %get3A_739 = arith.constant 32 : index
        %get3A_740 = tpu.vector_load %arg8[%get3A_738, %get3A_739] {strides = array<i32>} : memref<40x128xf32, #tpu.memory_space<vmem>>, vector<1x16xf32>,
        %get3A_741 = vector.shape_cast %get3A_740 : vector<1x16xf32> to vector<16xf32>
        %mul3A_742 = arith.constant 11.3137083 : f32
        %mul3A_743 = vector.broadcast %mul3A_742 : f32 to vector<16xf32>
        %mul3A_744 = arith.mulf %get3A_741, %mul3A_743 : vector<16xf32>
        %add3A_745 = arith.constant 0 : i32
        %add3A_746 = arith.addi %add3A_745, %add3A_699 : i32
        %get3A_747 = arith.index_cast %add3A_746 : i32 to index
        %get3A_748 = arith.constant 32 : index
        %get3A_749 = tpu.vector_load %arg7[%get3A_747, %get3A_748] {strides = array<i32>} : memref<200x128xf32, #tpu.memory_space<vmem>>, vector<1x16xf32>,
        %get3A_750 = vector.shape_cast %get3A_749 : vector<1x16xf32> to vector<16xf32>
        %add3A_751 = arith.addf %mul3A_744, %get3A_750 : vector<16xf32>
        %swap3A_752 = arith.index_cast %add3A_699 : i32 to index
        %swap3A_753 = arith.constant 32 : index
        %swap3A_754 = tpu.vector_load %arg13[%swap3A_752, %swap3A_753] {strides = array<i32>} : memref<40x128xf32, #tpu.memory_space<vmem>>, vector<1x16xf32>,
        %swap3A_755 = vector.shape_cast %swap3A_754 : vector<1x16xf32> to vector<16xf32>
        %swap3A_756 = vector.shape_cast %add3A_751 : vector<16xf32> to vector<1x16xf32>
        tpu.vector_store %arg13[%swap3A_752, %swap3A_753], %swap3A_756 {strides = array<i32>} : memref<40x128xf32, #tpu.memory_space<vmem>>, vector<1x16xf32>,
        %get3A_757 = arith.index_cast %add3A_699 : i32 to index
        %get3A_758 = arith.constant 48 : index
        %get3A_759 = tpu.vector_load %arg8[%get3A_757, %get3A_758] {strides = array<i32>} : memref<40x128xf32, #tpu.memory_space<vmem>>, vector<1x16xf32>,
        %get3A_760 = vector.shape_cast %get3A_759 : vector<1x16xf32> to vector<16xf32>
        %mul3A_761 = arith.constant 11.3137083 : f32
        %mul3A_762 = vector.broadcast %mul3A_761 : f32 to vector<16xf32>
        %mul3A_763 = arith.mulf %get3A_760, %mul3A_762 : vector<16xf32>
        %add3A_764 = arith.constant 0 : i32
        %add3A_765 = arith.addi %add3A_764, %add3A_699 : i32
        %get3A_766 = arith.index_cast %add3A_765 : i32 to index
        %get3A_767 = arith.constant 48 : index
        %get3A_768 = tpu.vector_load %arg7[%get3A_766, %get3A_767] {strides = array<i32>} : memref<200x128xf32, #tpu.memory_space<vmem>>, vector<1x16xf32>,
        %get3A_769 = vector.shape_cast %get3A_768 : vector<1x16xf32> to vector<16xf32>
        %add3A_770 = arith.addf %mul3A_763, %get3A_769 : vector<16xf32>
        %swap3A_771 = arith.index_cast %add3A_699 : i32 to index
        %swap3A_772 = arith.constant 48 : index
        %swap3A_773 = tpu.vector_load %arg13[%swap3A_771, %swap3A_772] {strides = array<i32>} : memref<40x128xf32, #tpu.memory_space<vmem>>, vector<1x16xf32>,
        %swap3A_774 = vector.shape_cast %swap3A_773 : vector<1x16xf32> to vector<16xf32>
        %swap3A_775 = vector.shape_cast %add3A_770 : vector<16xf32> to vector<1x16xf32>
        tpu.vector_store %arg13[%swap3A_771, %swap3A_772], %swap3A_775 {strides = array<i32>} : memref<40x128xf32, #tpu.memory_space<vmem>>, vector<1x16xf32>,
        %get3A_776 = arith.index_cast %add3A_699 : i32 to index
        %get3A_777 = arith.constant 64 : index
        %get3A_778 = tpu.vector_load %arg8[%get3A_776, %get3A_777] {strides = array<i32>} : memref<40x128xf32, #tpu.memory_space<vmem>>, vector<1x16xf32>,
        %get3A_779 = vector.shape_cast %get3A_778 : vector<1x16xf32> to vector<16xf32>
        %mul3A_780 = arith.constant 11.3137083 : f32
        %mul3A_781 = vector.broadcast %mul3A_780 : f32 to vector<16xf32>
        %mul3A_782 = arith.mulf %get3A_779, %mul3A_781 : vector<16xf32>
        %add3A_783 = arith.constant 0 : i32
        %add3A_784 = arith.addi %add3A_783, %add3A_699 : i32
        %get3A_785 = arith.index_cast %add3A_784 : i32 to index
        %get3A_786 = arith.constant 64 : index
        %get3A_787 = tpu.vector_load %arg7[%get3A_785, %get3A_786] {strides = array<i32>} : memref<200x128xf32, #tpu.memory_space<vmem>>, vector<1x16xf32>,
        %get3A_788 = vector.shape_cast %get3A_787 : vector<1x16xf32> to vector<16xf32>
        %add3A_789 = arith.addf %mul3A_782, %get3A_788 : vector<16xf32>
        %swap3A_790 = arith.index_cast %add3A_699 : i32 to index
        %swap3A_791 = arith.constant 64 : index
        %swap3A_792 = tpu.vector_load %arg13[%swap3A_790, %swap3A_791] {strides = array<i32>} : memref<40x128xf32, #tpu.memory_space<vmem>>, vector<1x16xf32>,
        %swap3A_793 = vector.shape_cast %swap3A_792 : vector<1x16xf32> to vector<16xf32>
        %swap3A_794 = vector.shape_cast %add3A_789 : vector<16xf32> to vector<1x16xf32>
        tpu.vector_store %arg13[%swap3A_790, %swap3A_791], %swap3A_794 {strides = array<i32>} : memref<40x128xf32, #tpu.memory_space<vmem>>, vector<1x16xf32>,
        %get3A_795 = arith.index_cast %add3A_699 : i32 to index
        %get3A_796 = arith.constant 80 : index
        %get3A_797 = tpu.vector_load %arg8[%get3A_795, %get3A_796] {strides = array<i32>} : memref<40x128xf32, #tpu.memory_space<vmem>>, vector<1x16xf32>,
        %get3A_798 = vector.shape_cast %get3A_797 : vector<1x16xf32> to vector<16xf32>
        %mul3A_799 = arith.constant 11.3137083 : f32
        %mul3A_800 = vector.broadcast %mul3A_799 : f32 to vector<16xf32>
        %mul3A_801 = arith.mulf %get3A_798, %mul3A_800 : vector<16xf32>
        %add3A_802 = arith.constant 0 : i32
        %add3A_803 = arith.addi %add3A_802, %add3A_699 : i32
        %get3A_804 = arith.index_cast %add3A_803 : i32 to index
        %get3A_805 = arith.constant 80 : index
        %get3A_806 = tpu.vector_load %arg7[%get3A_804, %get3A_805] {strides = array<i32>} : memref<200x128xf32, #tpu.memory_space<vmem>>, vector<1x16xf32>,
        %get3A_807 = vector.shape_cast %get3A_806 : vector<1x16xf32> to vector<16xf32>
        %add3A_808 = arith.addf %mul3A_801, %get3A_807 : vector<16xf32>
        %swap3A_809 = arith.index_cast %add3A_699 : i32 to index
        %swap3A_810 = arith.constant 80 : index
        %swap3A_811 = tpu.vector_load %arg13[%swap3A_809, %swap3A_810] {strides = array<i32>} : memref<40x128xf32, #tpu.memory_space<vmem>>, vector<1x16xf32>,
        %swap3A_812 = vector.shape_cast %swap3A_811 : vector<1x16xf32> to vector<16xf32>
        %swap3A_813 = vector.shape_cast %add3A_808 : vector<16xf32> to vector<1x16xf32>
        tpu.vector_store %arg13[%swap3A_809, %swap3A_810], %swap3A_813 {strides = array<i32>} : memref<40x128xf32, #tpu.memory_space<vmem>>, vector<1x16xf32>,
        %get3A_814 = arith.index_cast %add3A_699 : i32 to index
        %get3A_815 = arith.constant 96 : index
        %get3A_816 = tpu.vector_load %arg8[%get3A_814, %get3A_815] {strides = array<i32>} : memref<40x128xf32, #tpu.memory_space<vmem>>, vector<1x16xf32>,
        %get3A_817 = vector.shape_cast %get3A_816 : vector<1x16xf32> to vector<16xf32>
        %mul3A_818 = arith.constant 11.3137083 : f32
        %mul3A_819 = vector.broadcast %mul3A_818 : f32 to vector<16xf32>
        %mul3A_820 = arith.mulf %get3A_817, %mul3A_819 : vector<16xf32>
        %add3A_821 = arith.constant 0 : i32
        %add3A_822 = arith.addi %add3A_821, %add3A_699 : i32
        %get3A_823 = arith.index_cast %add3A_822 : i32 to index
        %get3A_824 = arith.constant 96 : index
        %get3A_825 = tpu.vector_load %arg7[%get3A_823, %get3A_824] {strides = array<i32>} : memref<200x128xf32, #tpu.memory_space<vmem>>, vector<1x16xf32>,
        %get3A_826 = vector.shape_cast %get3A_825 : vector<1x16xf32> to vector<16xf32>
        %add3A_827 = arith.addf %mul3A_820, %get3A_826 : vector<16xf32>
        %swap3A_828 = arith.index_cast %add3A_699 : i32 to index
        %swap3A_829 = arith.constant 96 : index
        %swap3A_830 = tpu.vector_load %arg13[%swap3A_828, %swap3A_829] {strides = array<i32>} : memref<40x128xf32, #tpu.memory_space<vmem>>, vector<1x16xf32>,
        %swap3A_831 = vector.shape_cast %swap3A_830 : vector<1x16xf32> to vector<16xf32>
        %swap3A_832 = vector.shape_cast %add3A_827 : vector<16xf32> to vector<1x16xf32>
        tpu.vector_store %arg13[%swap3A_828, %swap3A_829], %swap3A_832 {strides = array<i32>} : memref<40x128xf32, #tpu.memory_space<vmem>>, vector<1x16xf32>,
        %get3A_833 = arith.index_cast %add3A_699 : i32 to index
        %get3A_834 = arith.constant 112 : index
        %get3A_835 = tpu.vector_load %arg8[%get3A_833, %get3A_834] {strides = array<i32>} : memref<40x128xf32, #tpu.memory_space<vmem>>, vector<1x16xf32>,
        %get3A_836 = vector.shape_cast %get3A_835 : vector<1x16xf32> to vector<16xf32>
        %mul3A_837 = arith.constant 11.3137083 : f32
        %mul3A_838 = vector.broadcast %mul3A_837 : f32 to vector<16xf32>
        %mul3A_839 = arith.mulf %get3A_836, %mul3A_838 : vector<16xf32>
        %add3A_840 = arith.constant 0 : i32
        %add3A_841 = arith.addi %add3A_840, %add3A_699 : i32
        %get3A_842 = arith.index_cast %add3A_841 : i32 to index
        %get3A_843 = arith.constant 112 : index
        %get3A_844 = tpu.vector_load %arg7[%get3A_842, %get3A_843] {strides = array<i32>} : memref<200x128xf32, #tpu.memory_space<vmem>>, vector<1x16xf32>,
        %get3A_845 = vector.shape_cast %get3A_844 : vector<1x16xf32> to vector<16xf32>
        %add3A_846 = arith.addf %mul3A_839, %get3A_845 : vector<16xf32>
        %swap3A_847 = arith.index_cast %add3A_699 : i32 to index
        %swap3A_848 = arith.constant 112 : index
        %swap3A_849 = tpu.vector_load %arg13[%swap3A_847, %swap3A_848] {strides = array<i32>} : memref<40x128xf32, #tpu.memory_space<vmem>>, vector<1x16xf32>,
        %swap3A_850 = vector.shape_cast %swap3A_849 : vector<1x16xf32> to vector<16xf32>
        %swap3A_851 = vector.shape_cast %add3A_846 : vector<16xf32> to vector<1x16xf32>
        tpu.vector_store %arg13[%swap3A_847, %swap3A_848], %swap3A_851 {strides = array<i32>} : memref<40x128xf32, #tpu.memory_space<vmem>>, vector<1x16xf32>,
      }
      %scan3A_100 = arith.constant 10 : i32
      %lt3A = arith.constant 127 : i32
      %lt3A_101 = arith.cmpi slt, %scan3A_83, %lt3A : i32
      %convert_element_type3A_102 = arith.extui %lt3A_101 : i1 to i32
      %cond3A_103 = arith.constant 0 : i32
      %cond3A_104 = arith.cmpi ne, %convert_element_type3A_102, %cond3A_103 : i32
      scf.if %cond3A_104 {
        %add3A_229 = arith.constant 1 : i32
        %add3A_230 = arith.addi %scan3A_83, %add3A_229 : i32
        %mul3A_231 = arith.constant 5 : i32
        %mul3A_232 = arith.muli %mul3A_231, %add3A_230 : i32
        %add3A_233 = arith.constant 0 : i32
        %add3A_234 = arith.addi %mul3A_232, %add3A_233 : i32
        %ge3A = arith.constant 63 : i32
        %ge3A_235 = arith.cmpi sge, %scan3A_83, %ge3A : i32
        %jit3A = arith.constant 320 : i32
        %jit3A_236 = arith.constant 0 : i32
        %select_n3A = arith.select %ge3A_235, %jit3A, %jit3A_236 : i32
        %sub3A = arith.subi %add3A_234, %select_n3A : i32
        %dma_start3A_237 = arith.constant 0 : i32
        %dma_start3A_238 = tpu.memref_slice %arg6[%sub3A, %dma_start3A_237] : memref<320x40xi32, #tpu.memory_space<vmem>> -> memref<1x40xi32, #tpu.memory_space<vmem>>
        %dma_start3A_239 = tpu.memref_squeeze %dma_start3A_238 : memref<1x40xi32, #tpu.memory_space<vmem>> -> memref<40xi32, #tpu.memory_space<vmem>>
        %dma_start3A_240 = arith.constant 0 : i32
        %dma_start3A_241 = arith.constant 0 : i32
        %dma_start3A_242 = tpu.memref_slice %arg3[%dma_start3A_240, %dma_start3A_241] : memref<100000x128xf32, #tpu.memory_space<hbm>> -> memref<100000x128xf32, #tpu.memory_space<hbm>>
        tpu.enqueue_indirect_dma source(%dma_start3A_242 : memref<100000x128xf32, #tpu.memory_space<hbm>>) target(%arg8 : memref<40x128xf32, #tpu.memory_space<vmem>>) offsets(%dma_start3A_239 : memref<40xi32, #tpu.memory_space<vmem>>) semaphore(%arg18 : memref<!tpu.dma_semaphore, #tpu.memory_space<semaphore_mem>>)
      } else {
      }
      %dma_start3A_105 = arith.constant 0 : i32
      %dma_start3A_106 = arith.constant 0 : i32
      %dma_start3A_107 = tpu.memref_slice %arg5[%add3A_84, %dma_start3A_105, %dma_start3A_106] : memref<4096x200x128xf32, #tpu.memory_space<hbm>> -> memref<1x40x128xf32, #tpu.memory_space<hbm>>
      %dma_start3A_108 = tpu.memref_squeeze %dma_start3A_107 : memref<1x40x128xf32, #tpu.memory_space<hbm>> -> memref<40x128xf32, #tpu.memory_space<hbm>>
      %dma_start3A_109 = arith.constant 0 : i32
      %dma_start3A_110 = arith.constant 0 : i32
      %dma_start3A_111 = tpu.memref_slice %arg5[%add3A_84, %dma_start3A_109, %dma_start3A_110] : memref<4096x200x128xf32, #tpu.memory_space<hbm>> -> memref<1x40x128xf32, #tpu.memory_space<hbm>>
      %dma_start3A_112 = tpu.memref_squeeze %dma_start3A_111 : memref<1x40x128xf32, #tpu.memory_space<hbm>> -> memref<40x128xf32, #tpu.memory_space<hbm>>
      tpu.enqueue_dma source(%arg13 : memref<40x128xf32, #tpu.memory_space<vmem>>) target(%dma_start3A_112 : memref<40x128xf32, #tpu.memory_space<hbm>>) target_semaphore(%arg23 : memref<!tpu.dma_semaphore, #tpu.memory_space<semaphore_mem>>)
      %ne3A_113 = arith.constant 63 : i32
      %ne3A_114 = arith.cmpi ne, %scan3A_83, %ne3A_113 : i32
      %convert_element_type3A_115 = arith.extui %ne3A_114 : i1 to i32
      %cond3A_116 = arith.constant 0 : i32
      %cond3A_117 = arith.cmpi ne, %convert_element_type3A_115, %cond3A_116 : i32
      scf.if %cond3A_117 {
        %dma_wait3A_229 = arith.constant 40 : i32
        %dma_wait3A_230 = arith.constant 0 : i32
        %dma_wait3A_231 = tpu.memref_slice %arg5[%mul3A_2, %dma_wait3A_229, %dma_wait3A_230] : memref<4096x200x128xf32, #tpu.memory_space<hbm>> -> memref<1x40x128xf32, #tpu.memory_space<hbm>>
        %dma_wait3A_232 = tpu.memref_squeeze %dma_wait3A_231 : memref<1x40x128xf32, #tpu.memory_space<hbm>> -> memref<40x128xf32, #tpu.memory_space<hbm>>
        %dma_wait3A_233 = arith.constant 40 : i32
        %dma_wait3A_234 = arith.constant 0 : i32
        %dma_wait3A_235 = tpu.memref_slice %arg5[%mul3A_2, %dma_wait3A_233, %dma_wait3A_234] : memref<4096x200x128xf32, #tpu.memory_space<hbm>> -> memref<1x40x128xf32, #tpu.memory_space<hbm>>
        %dma_wait3A_236 = tpu.memref_squeeze %dma_wait3A_235 : memref<1x40x128xf32, #tpu.memory_space<hbm>> -> memref<40x128xf32, #tpu.memory_space<hbm>>
        tpu.wait_dma2 semaphore(%arg19 : memref<!tpu.dma_semaphore, #tpu.memory_space<semaphore_mem>>) src(%dma_wait3A_236 : memref<40x128xf32, #tpu.memory_space<hbm>>) dst(%arg9 : memref<40x128xf32, #tpu.memory_space<vmem>>)
      } else {
      }
      %gt3A_118 = arith.constant 0 : i32
      %gt3A_119 = arith.cmpi sgt, %scan3A_83, %gt3A_118 : i32
      %convert_element_type3A_120 = arith.extui %gt3A_119 : i1 to i32
      %cond3A_121 = arith.constant 0 : i32
      %cond3A_122 = arith.cmpi ne, %convert_element_type3A_120, %cond3A_121 : i32
      scf.if %cond3A_122 {
        %dma_wait3A_229 = arith.constant 40 : i32
        %dma_wait3A_230 = arith.constant 0 : i32
        %dma_wait3A_231 = tpu.memref_slice %arg5[%mul3A_2, %dma_wait3A_229, %dma_wait3A_230] : memref<4096x200x128xf32, #tpu.memory_space<hbm>> -> memref<1x40x128xf32, #tpu.memory_space<hbm>>
        %dma_wait3A_232 = tpu.memref_squeeze %dma_wait3A_231 : memref<1x40x128xf32, #tpu.memory_space<hbm>> -> memref<40x128xf32, #tpu.memory_space<hbm>>
        %dma_wait3A_233 = arith.constant 40 : i32
        %dma_wait3A_234 = arith.constant 0 : i32
        %dma_wait3A_235 = tpu.memref_slice %arg5[%mul3A_2, %dma_wait3A_233, %dma_wait3A_234] : memref<4096x200x128xf32, #tpu.memory_space<hbm>> -> memref<1x40x128xf32, #tpu.memory_space<hbm>>
        %dma_wait3A_236 = tpu.memref_squeeze %dma_wait3A_235 : memref<1x40x128xf32, #tpu.memory_space<hbm>> -> memref<40x128xf32, #tpu.memory_space<hbm>>
        tpu.wait_dma2 semaphore(%arg24 : memref<!tpu.dma_semaphore, #tpu.memory_space<semaphore_mem>>) src(%arg14 : memref<40x128xf32, #tpu.memory_space<vmem>>) dst(%dma_wait3A_236 : memref<40x128xf32, #tpu.memory_space<hbm>>)
      } else {
      }
      %scan3A_123 = arith.constant 0 : i32
      %scan3A_124 = arith.constant 0 : i32
      %scan3A_125 = arith.constant 10 : i32
      %scan3A_126 = arith.addi %scan3A_124, %scan3A_125 : i32
      %scan3A_127 = arith.constant 1 : i32
      scf.for %scan3A_229 = %scan3A_124 to %scan3A_126 step %scan3A_127  : i32 {
        %mul3A_230 = arith.constant 4 : i32
        %mul3A_231 = arith.muli %mul3A_230, %scan3A_229 : i32
        %add3A_232 = arith.constant 0 : i32
        %add3A_233 = arith.addi %mul3A_231, %add3A_232 : i32
        %get3A = arith.index_cast %add3A_233 : i32 to index
        %get3A_234 = arith.constant 0 : index
        %get3A_235 = tpu.vector_load %arg9[%get3A, %get3A_234] {strides = array<i32>} : memref<40x128xf32, #tpu.memory_space<vmem>>, vector<1x16xf32>,
        %get3A_236 = vector.shape_cast %get3A_235 : vector<1x16xf32> to vector<16xf32>
        %mul3A_237 = arith.constant 11.3137083 : f32
        %mul3A_238 = vector.broadcast %mul3A_237 : f32 to vector<16xf32>
        %mul3A_239 = arith.mulf %get3A_236, %mul3A_238 : vector<16xf32>
        %add3A_240 = arith.constant 40 : i32
        %add3A_241 = arith.addi %add3A_240, %add3A_233 : i32
        %get3A_242 = arith.index_cast %add3A_241 : i32 to index
        %get3A_243 = arith.constant 0 : index
        %get3A_244 = tpu.vector_load %arg7[%get3A_242, %get3A_243] {strides = array<i32>} : memref<200x128xf32, #tpu.memory_space<vmem>>, vector<1x16xf32>,
        %get3A_245 = vector.shape_cast %get3A_244 : vector<1x16xf32> to vector<16xf32>
        %add3A_246 = arith.addf %mul3A_239, %get3A_245 : vector<16xf32>
        %swap3A = arith.index_cast %add3A_233 : i32 to index
        %swap3A_247 = arith.constant 0 : index
        %swap3A_248 = tpu.vector_load %arg14[%swap3A, %swap3A_247] {strides = array<i32>} : memref<40x128xf32, #tpu.memory_space<vmem>>, vector<1x16xf32>,
        %swap3A_249 = vector.shape_cast %swap3A_248 : vector<1x16xf32> to vector<16xf32>
        %swap3A_250 = vector.shape_cast %add3A_246 : vector<16xf32> to vector<1x16xf32>
        tpu.vector_store %arg14[%swap3A, %swap3A_247], %swap3A_250 {strides = array<i32>} : memref<40x128xf32, #tpu.memory_space<vmem>>, vector<1x16xf32>,
        %get3A_251 = arith.index_cast %add3A_233 : i32 to index
        %get3A_252 = arith.constant 16 : index
        %get3A_253 = tpu.vector_load %arg9[%get3A_251, %get3A_252] {strides = array<i32>} : memref<40x128xf32, #tpu.memory_space<vmem>>, vector<1x16xf32>,
        %get3A_254 = vector.shape_cast %get3A_253 : vector<1x16xf32> to vector<16xf32>
        %mul3A_255 = arith.constant 11.3137083 : f32
        %mul3A_256 = vector.broadcast %mul3A_255 : f32 to vector<16xf32>
        %mul3A_257 = arith.mulf %get3A_254, %mul3A_256 : vector<16xf32>
        %add3A_258 = arith.constant 40 : i32
        %add3A_259 = arith.addi %add3A_258, %add3A_233 : i32
        %get3A_260 = arith.index_cast %add3A_259 : i32 to index
        %get3A_261 = arith.constant 16 : index
        %get3A_262 = tpu.vector_load %arg7[%get3A_260, %get3A_261] {strides = array<i32>} : memref<200x128xf32, #tpu.memory_space<vmem>>, vector<1x16xf32>,
        %get3A_263 = vector.shape_cast %get3A_262 : vector<1x16xf32> to vector<16xf32>
        %add3A_264 = arith.addf %mul3A_257, %get3A_263 : vector<16xf32>
        %swap3A_265 = arith.index_cast %add3A_233 : i32 to index
        %swap3A_266 = arith.constant 16 : index
        %swap3A_267 = tpu.vector_load %arg14[%swap3A_265, %swap3A_266] {strides = array<i32>} : memref<40x128xf32, #tpu.memory_space<vmem>>, vector<1x16xf32>,
        %swap3A_268 = vector.shape_cast %swap3A_267 : vector<1x16xf32> to vector<16xf32>
        %swap3A_269 = vector.shape_cast %add3A_264 : vector<16xf32> to vector<1x16xf32>
        tpu.vector_store %arg14[%swap3A_265, %swap3A_266], %swap3A_269 {strides = array<i32>} : memref<40x128xf32, #tpu.memory_space<vmem>>, vector<1x16xf32>,
        %get3A_270 = arith.index_cast %add3A_233 : i32 to index
        %get3A_271 = arith.constant 32 : index
        %get3A_272 = tpu.vector_load %arg9[%get3A_270, %get3A_271] {strides = array<i32>} : memref<40x128xf32, #tpu.memory_space<vmem>>, vector<1x16xf32>,
        %get3A_273 = vector.shape_cast %get3A_272 : vector<1x16xf32> to vector<16xf32>
        %mul3A_274 = arith.constant 11.3137083 : f32
        %mul3A_275 = vector.broadcast %mul3A_274 : f32 to vector<16xf32>
        %mul3A_276 = arith.mulf %get3A_273, %mul3A_275 : vector<16xf32>
        %add3A_277 = arith.constant 40 : i32
        %add3A_278 = arith.addi %add3A_277, %add3A_233 : i32
        %get3A_279 = arith.index_cast %add3A_278 : i32 to index
        %get3A_280 = arith.constant 32 : index
        %get3A_281 = tpu.vector_load %arg7[%get3A_279, %get3A_280] {strides = array<i32>} : memref<200x128xf32, #tpu.memory_space<vmem>>, vector<1x16xf32>,
        %get3A_282 = vector.shape_cast %get3A_281 : vector<1x16xf32> to vector<16xf32>
        %add3A_283 = arith.addf %mul3A_276, %get3A_282 : vector<16xf32>
        %swap3A_284 = arith.index_cast %add3A_233 : i32 to index
        %swap3A_285 = arith.constant 32 : index
        %swap3A_286 = tpu.vector_load %arg14[%swap3A_284, %swap3A_285] {strides = array<i32>} : memref<40x128xf32, #tpu.memory_space<vmem>>, vector<1x16xf32>,
        %swap3A_287 = vector.shape_cast %swap3A_286 : vector<1x16xf32> to vector<16xf32>
        %swap3A_288 = vector.shape_cast %add3A_283 : vector<16xf32> to vector<1x16xf32>
        tpu.vector_store %arg14[%swap3A_284, %swap3A_285], %swap3A_288 {strides = array<i32>} : memref<40x128xf32, #tpu.memory_space<vmem>>, vector<1x16xf32>,
        %get3A_289 = arith.index_cast %add3A_233 : i32 to index
        %get3A_290 = arith.constant 48 : index
        %get3A_291 = tpu.vector_load %arg9[%get3A_289, %get3A_290] {strides = array<i32>} : memref<40x128xf32, #tpu.memory_space<vmem>>, vector<1x16xf32>,
        %get3A_292 = vector.shape_cast %get3A_291 : vector<1x16xf32> to vector<16xf32>
        %mul3A_293 = arith.constant 11.3137083 : f32
        %mul3A_294 = vector.broadcast %mul3A_293 : f32 to vector<16xf32>
        %mul3A_295 = arith.mulf %get3A_292, %mul3A_294 : vector<16xf32>
        %add3A_296 = arith.constant 40 : i32
        %add3A_297 = arith.addi %add3A_296, %add3A_233 : i32
        %get3A_298 = arith.index_cast %add3A_297 : i32 to index
        %get3A_299 = arith.constant 48 : index
        %get3A_300 = tpu.vector_load %arg7[%get3A_298, %get3A_299] {strides = array<i32>} : memref<200x128xf32, #tpu.memory_space<vmem>>, vector<1x16xf32>,
        %get3A_301 = vector.shape_cast %get3A_300 : vector<1x16xf32> to vector<16xf32>
        %add3A_302 = arith.addf %mul3A_295, %get3A_301 : vector<16xf32>
        %swap3A_303 = arith.index_cast %add3A_233 : i32 to index
        %swap3A_304 = arith.constant 48 : index
        %swap3A_305 = tpu.vector_load %arg14[%swap3A_303, %swap3A_304] {strides = array<i32>} : memref<40x128xf32, #tpu.memory_space<vmem>>, vector<1x16xf32>,
        %swap3A_306 = vector.shape_cast %swap3A_305 : vector<1x16xf32> to vector<16xf32>
        %swap3A_307 = vector.shape_cast %add3A_302 : vector<16xf32> to vector<1x16xf32>
        tpu.vector_store %arg14[%swap3A_303, %swap3A_304], %swap3A_307 {strides = array<i32>} : memref<40x128xf32, #tpu.memory_space<vmem>>, vector<1x16xf32>,
        %get3A_308 = arith.index_cast %add3A_233 : i32 to index
        %get3A_309 = arith.constant 64 : index
        %get3A_310 = tpu.vector_load %arg9[%get3A_308, %get3A_309] {strides = array<i32>} : memref<40x128xf32, #tpu.memory_space<vmem>>, vector<1x16xf32>,
        %get3A_311 = vector.shape_cast %get3A_310 : vector<1x16xf32> to vector<16xf32>
        %mul3A_312 = arith.constant 11.3137083 : f32
        %mul3A_313 = vector.broadcast %mul3A_312 : f32 to vector<16xf32>
        %mul3A_314 = arith.mulf %get3A_311, %mul3A_313 : vector<16xf32>
        %add3A_315 = arith.constant 40 : i32
        %add3A_316 = arith.addi %add3A_315, %add3A_233 : i32
        %get3A_317 = arith.index_cast %add3A_316 : i32 to index
        %get3A_318 = arith.constant 64 : index
        %get3A_319 = tpu.vector_load %arg7[%get3A_317, %get3A_318] {strides = array<i32>} : memref<200x128xf32, #tpu.memory_space<vmem>>, vector<1x16xf32>,
        %get3A_320 = vector.shape_cast %get3A_319 : vector<1x16xf32> to vector<16xf32>
        %add3A_321 = arith.addf %mul3A_314, %get3A_320 : vector<16xf32>
        %swap3A_322 = arith.index_cast %add3A_233 : i32 to index
        %swap3A_323 = arith.constant 64 : index
        %swap3A_324 = tpu.vector_load %arg14[%swap3A_322, %swap3A_323] {strides = array<i32>} : memref<40x128xf32, #tpu.memory_space<vmem>>, vector<1x16xf32>,
        %swap3A_325 = vector.shape_cast %swap3A_324 : vector<1x16xf32> to vector<16xf32>
        %swap3A_326 = vector.shape_cast %add3A_321 : vector<16xf32> to vector<1x16xf32>
        tpu.vector_store %arg14[%swap3A_322, %swap3A_323], %swap3A_326 {strides = array<i32>} : memref<40x128xf32, #tpu.memory_space<vmem>>, vector<1x16xf32>,
        %get3A_327 = arith.index_cast %add3A_233 : i32 to index
        %get3A_328 = arith.constant 80 : index
        %get3A_329 = tpu.vector_load %arg9[%get3A_327, %get3A_328] {strides = array<i32>} : memref<40x128xf32, #tpu.memory_space<vmem>>, vector<1x16xf32>,
        %get3A_330 = vector.shape_cast %get3A_329 : vector<1x16xf32> to vector<16xf32>
        %mul3A_331 = arith.constant 11.3137083 : f32
        %mul3A_332 = vector.broadcast %mul3A_331 : f32 to vector<16xf32>
        %mul3A_333 = arith.mulf %get3A_330, %mul3A_332 : vector<16xf32>
        %add3A_334 = arith.constant 40 : i32
        %add3A_335 = arith.addi %add3A_334, %add3A_233 : i32
        %get3A_336 = arith.index_cast %add3A_335 : i32 to index
        %get3A_337 = arith.constant 80 : index
        %get3A_338 = tpu.vector_load %arg7[%get3A_336, %get3A_337] {strides = array<i32>} : memref<200x128xf32, #tpu.memory_space<vmem>>, vector<1x16xf32>,
        %get3A_339 = vector.shape_cast %get3A_338 : vector<1x16xf32> to vector<16xf32>
        %add3A_340 = arith.addf %mul3A_333, %get3A_339 : vector<16xf32>
        %swap3A_341 = arith.index_cast %add3A_233 : i32 to index
        %swap3A_342 = arith.constant 80 : index
        %swap3A_343 = tpu.vector_load %arg14[%swap3A_341, %swap3A_342] {strides = array<i32>} : memref<40x128xf32, #tpu.memory_space<vmem>>, vector<1x16xf32>,
        %swap3A_344 = vector.shape_cast %swap3A_343 : vector<1x16xf32> to vector<16xf32>
        %swap3A_345 = vector.shape_cast %add3A_340 : vector<16xf32> to vector<1x16xf32>
        tpu.vector_store %arg14[%swap3A_341, %swap3A_342], %swap3A_345 {strides = array<i32>} : memref<40x128xf32, #tpu.memory_space<vmem>>, vector<1x16xf32>,
        %get3A_346 = arith.index_cast %add3A_233 : i32 to index
        %get3A_347 = arith.constant 96 : index
        %get3A_348 = tpu.vector_load %arg9[%get3A_346, %get3A_347] {strides = array<i32>} : memref<40x128xf32, #tpu.memory_space<vmem>>, vector<1x16xf32>,
        %get3A_349 = vector.shape_cast %get3A_348 : vector<1x16xf32> to vector<16xf32>
        %mul3A_350 = arith.constant 11.3137083 : f32
        %mul3A_351 = vector.broadcast %mul3A_350 : f32 to vector<16xf32>
        %mul3A_352 = arith.mulf %get3A_349, %mul3A_351 : vector<16xf32>
        %add3A_353 = arith.constant 40 : i32
        %add3A_354 = arith.addi %add3A_353, %add3A_233 : i32
        %get3A_355 = arith.index_cast %add3A_354 : i32 to index
        %get3A_356 = arith.constant 96 : index
        %get3A_357 = tpu.vector_load %arg7[%get3A_355, %get3A_356] {strides = array<i32>} : memref<200x128xf32, #tpu.memory_space<vmem>>, vector<1x16xf32>,
        %get3A_358 = vector.shape_cast %get3A_357 : vector<1x16xf32> to vector<16xf32>
        %add3A_359 = arith.addf %mul3A_352, %get3A_358 : vector<16xf32>
        %swap3A_360 = arith.index_cast %add3A_233 : i32 to index
        %swap3A_361 = arith.constant 96 : index
        %swap3A_362 = tpu.vector_load %arg14[%swap3A_360, %swap3A_361] {strides = array<i32>} : memref<40x128xf32, #tpu.memory_space<vmem>>, vector<1x16xf32>,
        %swap3A_363 = vector.shape_cast %swap3A_362 : vector<1x16xf32> to vector<16xf32>
        %swap3A_364 = vector.shape_cast %add3A_359 : vector<16xf32> to vector<1x16xf32>
        tpu.vector_store %arg14[%swap3A_360, %swap3A_361], %swap3A_364 {strides = array<i32>} : memref<40x128xf32, #tpu.memory_space<vmem>>, vector<1x16xf32>,
        %get3A_365 = arith.index_cast %add3A_233 : i32 to index
        %get3A_366 = arith.constant 112 : index
        %get3A_367 = tpu.vector_load %arg9[%get3A_365, %get3A_366] {strides = array<i32>} : memref<40x128xf32, #tpu.memory_space<vmem>>, vector<1x16xf32>,
        %get3A_368 = vector.shape_cast %get3A_367 : vector<1x16xf32> to vector<16xf32>
        %mul3A_369 = arith.constant 11.3137083 : f32
        %mul3A_370 = vector.broadcast %mul3A_369 : f32 to vector<16xf32>
        %mul3A_371 = arith.mulf %get3A_368, %mul3A_370 : vector<16xf32>
        %add3A_372 = arith.constant 40 : i32
        %add3A_373 = arith.addi %add3A_372, %add3A_233 : i32
        %get3A_374 = arith.index_cast %add3A_373 : i32 to index
        %get3A_375 = arith.constant 112 : index
        %get3A_376 = tpu.vector_load %arg7[%get3A_374, %get3A_375] {strides = array<i32>} : memref<200x128xf32, #tpu.memory_space<vmem>>, vector<1x16xf32>,
        %get3A_377 = vector.shape_cast %get3A_376 : vector<1x16xf32> to vector<16xf32>
        %add3A_378 = arith.addf %mul3A_371, %get3A_377 : vector<16xf32>
        %swap3A_379 = arith.index_cast %add3A_233 : i32 to index
        %swap3A_380 = arith.constant 112 : index
        %swap3A_381 = tpu.vector_load %arg14[%swap3A_379, %swap3A_380] {strides = array<i32>} : memref<40x128xf32, #tpu.memory_space<vmem>>, vector<1x16xf32>,
        %swap3A_382 = vector.shape_cast %swap3A_381 : vector<1x16xf32> to vector<16xf32>
        %swap3A_383 = vector.shape_cast %add3A_378 : vector<16xf32> to vector<1x16xf32>
        tpu.vector_store %arg14[%swap3A_379, %swap3A_380], %swap3A_383 {strides = array<i32>} : memref<40x128xf32, #tpu.memory_space<vmem>>, vector<1x16xf32>,
        %mul3A_384 = arith.constant 4 : i32
        %mul3A_385 = arith.muli %mul3A_384, %scan3A_229 : i32
        %add3A_386 = arith.constant 1 : i32
        %add3A_387 = arith.addi %mul3A_385, %add3A_386 : i32
        %get3A_388 = arith.index_cast %add3A_387 : i32 to index
        %get3A_389 = arith.constant 0 : index
        %get3A_390 = tpu.vector_load %arg9[%get3A_388, %get3A_389] {strides = array<i32>} : memref<40x128xf32, #tpu.memory_space<vmem>>, vector<1x16xf32>,
        %get3A_391 = vector.shape_cast %get3A_390 : vector<1x16xf32> to vector<16xf32>
        %mul3A_392 = arith.constant 11.3137083 : f32
        %mul3A_393 = vector.broadcast %mul3A_392 : f32 to vector<16xf32>
        %mul3A_394 = arith.mulf %get3A_391, %mul3A_393 : vector<16xf32>
        %add3A_395 = arith.constant 40 : i32
        %add3A_396 = arith.addi %add3A_395, %add3A_387 : i32
        %get3A_397 = arith.index_cast %add3A_396 : i32 to index
        %get3A_398 = arith.constant 0 : index
        %get3A_399 = tpu.vector_load %arg7[%get3A_397, %get3A_398] {strides = array<i32>} : memref<200x128xf32, #tpu.memory_space<vmem>>, vector<1x16xf32>,
        %get3A_400 = vector.shape_cast %get3A_399 : vector<1x16xf32> to vector<16xf32>
        %add3A_401 = arith.addf %mul3A_394, %get3A_400 : vector<16xf32>
        %swap3A_402 = arith.index_cast %add3A_387 : i32 to index
        %swap3A_403 = arith.constant 0 : index
        %swap3A_404 = tpu.vector_load %arg14[%swap3A_402, %swap3A_403] {strides = array<i32>} : memref<40x128xf32, #tpu.memory_space<vmem>>, vector<1x16xf32>,
        %swap3A_405 = vector.shape_cast %swap3A_404 : vector<1x16xf32> to vector<16xf32>
        %swap3A_406 = vector.shape_cast %add3A_401 : vector<16xf32> to vector<1x16xf32>
        tpu.vector_store %arg14[%swap3A_402, %swap3A_403], %swap3A_406 {strides = array<i32>} : memref<40x128xf32, #tpu.memory_space<vmem>>, vector<1x16xf32>,
        %get3A_407 = arith.index_cast %add3A_387 : i32 to index
        %get3A_408 = arith.constant 16 : index
        %get3A_409 = tpu.vector_load %arg9[%get3A_407, %get3A_408] {strides = array<i32>} : memref<40x128xf32, #tpu.memory_space<vmem>>, vector<1x16xf32>,
        %get3A_410 = vector.shape_cast %get3A_409 : vector<1x16xf32> to vector<16xf32>
        %mul3A_411 = arith.constant 11.3137083 : f32
        %mul3A_412 = vector.broadcast %mul3A_411 : f32 to vector<16xf32>
        %mul3A_413 = arith.mulf %get3A_410, %mul3A_412 : vector<16xf32>
        %add3A_414 = arith.constant 40 : i32
        %add3A_415 = arith.addi %add3A_414, %add3A_387 : i32
        %get3A_416 = arith.index_cast %add3A_415 : i32 to index
        %get3A_417 = arith.constant 16 : index
        %get3A_418 = tpu.vector_load %arg7[%get3A_416, %get3A_417] {strides = array<i32>} : memref<200x128xf32, #tpu.memory_space<vmem>>, vector<1x16xf32>,
        %get3A_419 = vector.shape_cast %get3A_418 : vector<1x16xf32> to vector<16xf32>
        %add3A_420 = arith.addf %mul3A_413, %get3A_419 : vector<16xf32>
        %swap3A_421 = arith.index_cast %add3A_387 : i32 to index
        %swap3A_422 = arith.constant 16 : index
        %swap3A_423 = tpu.vector_load %arg14[%swap3A_421, %swap3A_422] {strides = array<i32>} : memref<40x128xf32, #tpu.memory_space<vmem>>, vector<1x16xf32>,
        %swap3A_424 = vector.shape_cast %swap3A_423 : vector<1x16xf32> to vector<16xf32>
        %swap3A_425 = vector.shape_cast %add3A_420 : vector<16xf32> to vector<1x16xf32>
        tpu.vector_store %arg14[%swap3A_421, %swap3A_422], %swap3A_425 {strides = array<i32>} : memref<40x128xf32, #tpu.memory_space<vmem>>, vector<1x16xf32>,
        %get3A_426 = arith.index_cast %add3A_387 : i32 to index
        %get3A_427 = arith.constant 32 : index
        %get3A_428 = tpu.vector_load %arg9[%get3A_426, %get3A_427] {strides = array<i32>} : memref<40x128xf32, #tpu.memory_space<vmem>>, vector<1x16xf32>,
        %get3A_429 = vector.shape_cast %get3A_428 : vector<1x16xf32> to vector<16xf32>
        %mul3A_430 = arith.constant 11.3137083 : f32
        %mul3A_431 = vector.broadcast %mul3A_430 : f32 to vector<16xf32>
        %mul3A_432 = arith.mulf %get3A_429, %mul3A_431 : vector<16xf32>
        %add3A_433 = arith.constant 40 : i32
        %add3A_434 = arith.addi %add3A_433, %add3A_387 : i32
        %get3A_435 = arith.index_cast %add3A_434 : i32 to index
        %get3A_436 = arith.constant 32 : index
        %get3A_437 = tpu.vector_load %arg7[%get3A_435, %get3A_436] {strides = array<i32>} : memref<200x128xf32, #tpu.memory_space<vmem>>, vector<1x16xf32>,
        %get3A_438 = vector.shape_cast %get3A_437 : vector<1x16xf32> to vector<16xf32>
        %add3A_439 = arith.addf %mul3A_432, %get3A_438 : vector<16xf32>
        %swap3A_440 = arith.index_cast %add3A_387 : i32 to index
        %swap3A_441 = arith.constant 32 : index
        %swap3A_442 = tpu.vector_load %arg14[%swap3A_440, %swap3A_441] {strides = array<i32>} : memref<40x128xf32, #tpu.memory_space<vmem>>, vector<1x16xf32>,
        %swap3A_443 = vector.shape_cast %swap3A_442 : vector<1x16xf32> to vector<16xf32>
        %swap3A_444 = vector.shape_cast %add3A_439 : vector<16xf32> to vector<1x16xf32>
        tpu.vector_store %arg14[%swap3A_440, %swap3A_441], %swap3A_444 {strides = array<i32>} : memref<40x128xf32, #tpu.memory_space<vmem>>, vector<1x16xf32>,
        %get3A_445 = arith.index_cast %add3A_387 : i32 to index
        %get3A_446 = arith.constant 48 : index
        %get3A_447 = tpu.vector_load %arg9[%get3A_445, %get3A_446] {strides = array<i32>} : memref<40x128xf32, #tpu.memory_space<vmem>>, vector<1x16xf32>,
        %get3A_448 = vector.shape_cast %get3A_447 : vector<1x16xf32> to vector<16xf32>
        %mul3A_449 = arith.constant 11.3137083 : f32
        %mul3A_450 = vector.broadcast %mul3A_449 : f32 to vector<16xf32>
        %mul3A_451 = arith.mulf %get3A_448, %mul3A_450 : vector<16xf32>
        %add3A_452 = arith.constant 40 : i32
        %add3A_453 = arith.addi %add3A_452, %add3A_387 : i32
        %get3A_454 = arith.index_cast %add3A_453 : i32 to index
        %get3A_455 = arith.constant 48 : index
        %get3A_456 = tpu.vector_load %arg7[%get3A_454, %get3A_455] {strides = array<i32>} : memref<200x128xf32, #tpu.memory_space<vmem>>, vector<1x16xf32>,
        %get3A_457 = vector.shape_cast %get3A_456 : vector<1x16xf32> to vector<16xf32>
        %add3A_458 = arith.addf %mul3A_451, %get3A_457 : vector<16xf32>
        %swap3A_459 = arith.index_cast %add3A_387 : i32 to index
        %swap3A_460 = arith.constant 48 : index
        %swap3A_461 = tpu.vector_load %arg14[%swap3A_459, %swap3A_460] {strides = array<i32>} : memref<40x128xf32, #tpu.memory_space<vmem>>, vector<1x16xf32>,
        %swap3A_462 = vector.shape_cast %swap3A_461 : vector<1x16xf32> to vector<16xf32>
        %swap3A_463 = vector.shape_cast %add3A_458 : vector<16xf32> to vector<1x16xf32>
        tpu.vector_store %arg14[%swap3A_459, %swap3A_460], %swap3A_463 {strides = array<i32>} : memref<40x128xf32, #tpu.memory_space<vmem>>, vector<1x16xf32>,
        %get3A_464 = arith.index_cast %add3A_387 : i32 to index
        %get3A_465 = arith.constant 64 : index
        %get3A_466 = tpu.vector_load %arg9[%get3A_464, %get3A_465] {strides = array<i32>} : memref<40x128xf32, #tpu.memory_space<vmem>>, vector<1x16xf32>,
        %get3A_467 = vector.shape_cast %get3A_466 : vector<1x16xf32> to vector<16xf32>
        %mul3A_468 = arith.constant 11.3137083 : f32
        %mul3A_469 = vector.broadcast %mul3A_468 : f32 to vector<16xf32>
        %mul3A_470 = arith.mulf %get3A_467, %mul3A_469 : vector<16xf32>
        %add3A_471 = arith.constant 40 : i32
        %add3A_472 = arith.addi %add3A_471, %add3A_387 : i32
        %get3A_473 = arith.index_cast %add3A_472 : i32 to index
        %get3A_474 = arith.constant 64 : index
        %get3A_475 = tpu.vector_load %arg7[%get3A_473, %get3A_474] {strides = array<i32>} : memref<200x128xf32, #tpu.memory_space<vmem>>, vector<1x16xf32>,
        %get3A_476 = vector.shape_cast %get3A_475 : vector<1x16xf32> to vector<16xf32>
        %add3A_477 = arith.addf %mul3A_470, %get3A_476 : vector<16xf32>
        %swap3A_478 = arith.index_cast %add3A_387 : i32 to index
        %swap3A_479 = arith.constant 64 : index
        %swap3A_480 = tpu.vector_load %arg14[%swap3A_478, %swap3A_479] {strides = array<i32>} : memref<40x128xf32, #tpu.memory_space<vmem>>, vector<1x16xf32>,
        %swap3A_481 = vector.shape_cast %swap3A_480 : vector<1x16xf32> to vector<16xf32>
        %swap3A_482 = vector.shape_cast %add3A_477 : vector<16xf32> to vector<1x16xf32>
        tpu.vector_store %arg14[%swap3A_478, %swap3A_479], %swap3A_482 {strides = array<i32>} : memref<40x128xf32, #tpu.memory_space<vmem>>, vector<1x16xf32>,
        %get3A_483 = arith.index_cast %add3A_387 : i32 to index
        %get3A_484 = arith.constant 80 : index
        %get3A_485 = tpu.vector_load %arg9[%get3A_483, %get3A_484] {strides = array<i32>} : memref<40x128xf32, #tpu.memory_space<vmem>>, vector<1x16xf32>,
        %get3A_486 = vector.shape_cast %get3A_485 : vector<1x16xf32> to vector<16xf32>
        %mul3A_487 = arith.constant 11.3137083 : f32
        %mul3A_488 = vector.broadcast %mul3A_487 : f32 to vector<16xf32>
        %mul3A_489 = arith.mulf %get3A_486, %mul3A_488 : vector<16xf32>
        %add3A_490 = arith.constant 40 : i32
        %add3A_491 = arith.addi %add3A_490, %add3A_387 : i32
        %get3A_492 = arith.index_cast %add3A_491 : i32 to index
        %get3A_493 = arith.constant 80 : index
        %get3A_494 = tpu.vector_load %arg7[%get3A_492, %get3A_493] {strides = array<i32>} : memref<200x128xf32, #tpu.memory_space<vmem>>, vector<1x16xf32>,
        %get3A_495 = vector.shape_cast %get3A_494 : vector<1x16xf32> to vector<16xf32>
        %add3A_496 = arith.addf %mul3A_489, %get3A_495 : vector<16xf32>
        %swap3A_497 = arith.index_cast %add3A_387 : i32 to index
        %swap3A_498 = arith.constant 80 : index
        %swap3A_499 = tpu.vector_load %arg14[%swap3A_497, %swap3A_498] {strides = array<i32>} : memref<40x128xf32, #tpu.memory_space<vmem>>, vector<1x16xf32>,
        %swap3A_500 = vector.shape_cast %swap3A_499 : vector<1x16xf32> to vector<16xf32>
        %swap3A_501 = vector.shape_cast %add3A_496 : vector<16xf32> to vector<1x16xf32>
        tpu.vector_store %arg14[%swap3A_497, %swap3A_498], %swap3A_501 {strides = array<i32>} : memref<40x128xf32, #tpu.memory_space<vmem>>, vector<1x16xf32>,
        %get3A_502 = arith.index_cast %add3A_387 : i32 to index
        %get3A_503 = arith.constant 96 : index
        %get3A_504 = tpu.vector_load %arg9[%get3A_502, %get3A_503] {strides = array<i32>} : memref<40x128xf32, #tpu.memory_space<vmem>>, vector<1x16xf32>,
        %get3A_505 = vector.shape_cast %get3A_504 : vector<1x16xf32> to vector<16xf32>
        %mul3A_506 = arith.constant 11.3137083 : f32
        %mul3A_507 = vector.broadcast %mul3A_506 : f32 to vector<16xf32>
        %mul3A_508 = arith.mulf %get3A_505, %mul3A_507 : vector<16xf32>
        %add3A_509 = arith.constant 40 : i32
        %add3A_510 = arith.addi %add3A_509, %add3A_387 : i32
        %get3A_511 = arith.index_cast %add3A_510 : i32 to index
        %get3A_512 = arith.constant 96 : index
        %get3A_513 = tpu.vector_load %arg7[%get3A_511, %get3A_512] {strides = array<i32>} : memref<200x128xf32, #tpu.memory_space<vmem>>, vector<1x16xf32>,
        %get3A_514 = vector.shape_cast %get3A_513 : vector<1x16xf32> to vector<16xf32>
        %add3A_515 = arith.addf %mul3A_508, %get3A_514 : vector<16xf32>
        %swap3A_516 = arith.index_cast %add3A_387 : i32 to index
        %swap3A_517 = arith.constant 96 : index
        %swap3A_518 = tpu.vector_load %arg14[%swap3A_516, %swap3A_517] {strides = array<i32>} : memref<40x128xf32, #tpu.memory_space<vmem>>, vector<1x16xf32>,
        %swap3A_519 = vector.shape_cast %swap3A_518 : vector<1x16xf32> to vector<16xf32>
        %swap3A_520 = vector.shape_cast %add3A_515 : vector<16xf32> to vector<1x16xf32>
        tpu.vector_store %arg14[%swap3A_516, %swap3A_517], %swap3A_520 {strides = array<i32>} : memref<40x128xf32, #tpu.memory_space<vmem>>, vector<1x16xf32>,
        %get3A_521 = arith.index_cast %add3A_387 : i32 to index
        %get3A_522 = arith.constant 112 : index
        %get3A_523 = tpu.vector_load %arg9[%get3A_521, %get3A_522] {strides = array<i32>} : memref<40x128xf32, #tpu.memory_space<vmem>>, vector<1x16xf32>,
        %get3A_524 = vector.shape_cast %get3A_523 : vector<1x16xf32> to vector<16xf32>
        %mul3A_525 = arith.constant 11.3137083 : f32
        %mul3A_526 = vector.broadcast %mul3A_525 : f32 to vector<16xf32>
        %mul3A_527 = arith.mulf %get3A_524, %mul3A_526 : vector<16xf32>
        %add3A_528 = arith.constant 40 : i32
        %add3A_529 = arith.addi %add3A_528, %add3A_387 : i32
        %get3A_530 = arith.index_cast %add3A_529 : i32 to index
        %get3A_531 = arith.constant 112 : index
        %get3A_532 = tpu.vector_load %arg7[%get3A_530, %get3A_531] {strides = array<i32>} : memref<200x128xf32, #tpu.memory_space<vmem>>, vector<1x16xf32>,
        %get3A_533 = vector.shape_cast %get3A_532 : vector<1x16xf32> to vector<16xf32>
        %add3A_534 = arith.addf %mul3A_527, %get3A_533 : vector<16xf32>
        %swap3A_535 = arith.index_cast %add3A_387 : i32 to index
        %swap3A_536 = arith.constant 112 : index
        %swap3A_537 = tpu.vector_load %arg14[%swap3A_535, %swap3A_536] {strides = array<i32>} : memref<40x128xf32, #tpu.memory_space<vmem>>, vector<1x16xf32>,
        %swap3A_538 = vector.shape_cast %swap3A_537 : vector<1x16xf32> to vector<16xf32>
        %swap3A_539 = vector.shape_cast %add3A_534 : vector<16xf32> to vector<1x16xf32>
        tpu.vector_store %arg14[%swap3A_535, %swap3A_536], %swap3A_539 {strides = array<i32>} : memref<40x128xf32, #tpu.memory_space<vmem>>, vector<1x16xf32>,
        %mul3A_540 = arith.constant 4 : i32
        %mul3A_541 = arith.muli %mul3A_540, %scan3A_229 : i32
        %add3A_542 = arith.constant 2 : i32
        %add3A_543 = arith.addi %mul3A_541, %add3A_542 : i32
        %get3A_544 = arith.index_cast %add3A_543 : i32 to index
        %get3A_545 = arith.constant 0 : index
        %get3A_546 = tpu.vector_load %arg9[%get3A_544, %get3A_545] {strides = array<i32>} : memref<40x128xf32, #tpu.memory_space<vmem>>, vector<1x16xf32>,
        %get3A_547 = vector.shape_cast %get3A_546 : vector<1x16xf32> to vector<16xf32>
        %mul3A_548 = arith.constant 11.3137083 : f32
        %mul3A_549 = vector.broadcast %mul3A_548 : f32 to vector<16xf32>
        %mul3A_550 = arith.mulf %get3A_547, %mul3A_549 : vector<16xf32>
        %add3A_551 = arith.constant 40 : i32
        %add3A_552 = arith.addi %add3A_551, %add3A_543 : i32
        %get3A_553 = arith.index_cast %add3A_552 : i32 to index
        %get3A_554 = arith.constant 0 : index
        %get3A_555 = tpu.vector_load %arg7[%get3A_553, %get3A_554] {strides = array<i32>} : memref<200x128xf32, #tpu.memory_space<vmem>>, vector<1x16xf32>,
        %get3A_556 = vector.shape_cast %get3A_555 : vector<1x16xf32> to vector<16xf32>
        %add3A_557 = arith.addf %mul3A_550, %get3A_556 : vector<16xf32>
        %swap3A_558 = arith.index_cast %add3A_543 : i32 to index
        %swap3A_559 = arith.constant 0 : index
        %swap3A_560 = tpu.vector_load %arg14[%swap3A_558, %swap3A_559] {strides = array<i32>} : memref<40x128xf32, #tpu.memory_space<vmem>>, vector<1x16xf32>,
        %swap3A_561 = vector.shape_cast %swap3A_560 : vector<1x16xf32> to vector<16xf32>
        %swap3A_562 = vector.shape_cast %add3A_557 : vector<16xf32> to vector<1x16xf32>
        tpu.vector_store %arg14[%swap3A_558, %swap3A_559], %swap3A_562 {strides = array<i32>} : memref<40x128xf32, #tpu.memory_space<vmem>>, vector<1x16xf32>,
        %get3A_563 = arith.index_cast %add3A_543 : i32 to index
        %get3A_564 = arith.constant 16 : index
        %get3A_565 = tpu.vector_load %arg9[%get3A_563, %get3A_564] {strides = array<i32>} : memref<40x128xf32, #tpu.memory_space<vmem>>, vector<1x16xf32>,
        %get3A_566 = vector.shape_cast %get3A_565 : vector<1x16xf32> to vector<16xf32>
        %mul3A_567 = arith.constant 11.3137083 : f32
        %mul3A_568 = vector.broadcast %mul3A_567 : f32 to vector<16xf32>
        %mul3A_569 = arith.mulf %get3A_566, %mul3A_568 : vector<16xf32>
        %add3A_570 = arith.constant 40 : i32
        %add3A_571 = arith.addi %add3A_570, %add3A_543 : i32
        %get3A_572 = arith.index_cast %add3A_571 : i32 to index
        %get3A_573 = arith.constant 16 : index
        %get3A_574 = tpu.vector_load %arg7[%get3A_572, %get3A_573] {strides = array<i32>} : memref<200x128xf32, #tpu.memory_space<vmem>>, vector<1x16xf32>,
        %get3A_575 = vector.shape_cast %get3A_574 : vector<1x16xf32> to vector<16xf32>
        %add3A_576 = arith.addf %mul3A_569, %get3A_575 : vector<16xf32>
        %swap3A_577 = arith.index_cast %add3A_543 : i32 to index
        %swap3A_578 = arith.constant 16 : index
        %swap3A_579 = tpu.vector_load %arg14[%swap3A_577, %swap3A_578] {strides = array<i32>} : memref<40x128xf32, #tpu.memory_space<vmem>>, vector<1x16xf32>,
        %swap3A_580 = vector.shape_cast %swap3A_579 : vector<1x16xf32> to vector<16xf32>
        %swap3A_581 = vector.shape_cast %add3A_576 : vector<16xf32> to vector<1x16xf32>
        tpu.vector_store %arg14[%swap3A_577, %swap3A_578], %swap3A_581 {strides = array<i32>} : memref<40x128xf32, #tpu.memory_space<vmem>>, vector<1x16xf32>,
        %get3A_582 = arith.index_cast %add3A_543 : i32 to index
        %get3A_583 = arith.constant 32 : index
        %get3A_584 = tpu.vector_load %arg9[%get3A_582, %get3A_583] {strides = array<i32>} : memref<40x128xf32, #tpu.memory_space<vmem>>, vector<1x16xf32>,
        %get3A_585 = vector.shape_cast %get3A_584 : vector<1x16xf32> to vector<16xf32>
        %mul3A_586 = arith.constant 11.3137083 : f32
        %mul3A_587 = vector.broadcast %mul3A_586 : f32 to vector<16xf32>
        %mul3A_588 = arith.mulf %get3A_585, %mul3A_587 : vector<16xf32>
        %add3A_589 = arith.constant 40 : i32
        %add3A_590 = arith.addi %add3A_589, %add3A_543 : i32
        %get3A_591 = arith.index_cast %add3A_590 : i32 to index
        %get3A_592 = arith.constant 32 : index
        %get3A_593 = tpu.vector_load %arg7[%get3A_591, %get3A_592] {strides = array<i32>} : memref<200x128xf32, #tpu.memory_space<vmem>>, vector<1x16xf32>,
        %get3A_594 = vector.shape_cast %get3A_593 : vector<1x16xf32> to vector<16xf32>
        %add3A_595 = arith.addf %mul3A_588, %get3A_594 : vector<16xf32>
        %swap3A_596 = arith.index_cast %add3A_543 : i32 to index
        %swap3A_597 = arith.constant 32 : index
        %swap3A_598 = tpu.vector_load %arg14[%swap3A_596, %swap3A_597] {strides = array<i32>} : memref<40x128xf32, #tpu.memory_space<vmem>>, vector<1x16xf32>,
        %swap3A_599 = vector.shape_cast %swap3A_598 : vector<1x16xf32> to vector<16xf32>
        %swap3A_600 = vector.shape_cast %add3A_595 : vector<16xf32> to vector<1x16xf32>
        tpu.vector_store %arg14[%swap3A_596, %swap3A_597], %swap3A_600 {strides = array<i32>} : memref<40x128xf32, #tpu.memory_space<vmem>>, vector<1x16xf32>,
        %get3A_601 = arith.index_cast %add3A_543 : i32 to index
        %get3A_602 = arith.constant 48 : index
        %get3A_603 = tpu.vector_load %arg9[%get3A_601, %get3A_602] {strides = array<i32>} : memref<40x128xf32, #tpu.memory_space<vmem>>, vector<1x16xf32>,
        %get3A_604 = vector.shape_cast %get3A_603 : vector<1x16xf32> to vector<16xf32>
        %mul3A_605 = arith.constant 11.3137083 : f32
        %mul3A_606 = vector.broadcast %mul3A_605 : f32 to vector<16xf32>
        %mul3A_607 = arith.mulf %get3A_604, %mul3A_606 : vector<16xf32>
        %add3A_608 = arith.constant 40 : i32
        %add3A_609 = arith.addi %add3A_608, %add3A_543 : i32
        %get3A_610 = arith.index_cast %add3A_609 : i32 to index
        %get3A_611 = arith.constant 48 : index
        %get3A_612 = tpu.vector_load %arg7[%get3A_610, %get3A_611] {strides = array<i32>} : memref<200x128xf32, #tpu.memory_space<vmem>>, vector<1x16xf32>,
        %get3A_613 = vector.shape_cast %get3A_612 : vector<1x16xf32> to vector<16xf32>
        %add3A_614 = arith.addf %mul3A_607, %get3A_613 : vector<16xf32>
        %swap3A_615 = arith.index_cast %add3A_543 : i32 to index
        %swap3A_616 = arith.constant 48 : index
        %swap3A_617 = tpu.vector_load %arg14[%swap3A_615, %swap3A_616] {strides = array<i32>} : memref<40x128xf32, #tpu.memory_space<vmem>>, vector<1x16xf32>,
        %swap3A_618 = vector.shape_cast %swap3A_617 : vector<1x16xf32> to vector<16xf32>
        %swap3A_619 = vector.shape_cast %add3A_614 : vector<16xf32> to vector<1x16xf32>
        tpu.vector_store %arg14[%swap3A_615, %swap3A_616], %swap3A_619 {strides = array<i32>} : memref<40x128xf32, #tpu.memory_space<vmem>>, vector<1x16xf32>,
        %get3A_620 = arith.index_cast %add3A_543 : i32 to index
        %get3A_621 = arith.constant 64 : index
        %get3A_622 = tpu.vector_load %arg9[%get3A_620, %get3A_621] {strides = array<i32>} : memref<40x128xf32, #tpu.memory_space<vmem>>, vector<1x16xf32>,
        %get3A_623 = vector.shape_cast %get3A_622 : vector<1x16xf32> to vector<16xf32>
        %mul3A_624 = arith.constant 11.3137083 : f32
        %mul3A_625 = vector.broadcast %mul3A_624 : f32 to vector<16xf32>
        %mul3A_626 = arith.mulf %get3A_623, %mul3A_625 : vector<16xf32>
        %add3A_627 = arith.constant 40 : i32
        %add3A_628 = arith.addi %add3A_627, %add3A_543 : i32
        %get3A_629 = arith.index_cast %add3A_628 : i32 to index
        %get3A_630 = arith.constant 64 : index
        %get3A_631 = tpu.vector_load %arg7[%get3A_629, %get3A_630] {strides = array<i32>} : memref<200x128xf32, #tpu.memory_space<vmem>>, vector<1x16xf32>,
        %get3A_632 = vector.shape_cast %get3A_631 : vector<1x16xf32> to vector<16xf32>
        %add3A_633 = arith.addf %mul3A_626, %get3A_632 : vector<16xf32>
        %swap3A_634 = arith.index_cast %add3A_543 : i32 to index
        %swap3A_635 = arith.constant 64 : index
        %swap3A_636 = tpu.vector_load %arg14[%swap3A_634, %swap3A_635] {strides = array<i32>} : memref<40x128xf32, #tpu.memory_space<vmem>>, vector<1x16xf32>,
        %swap3A_637 = vector.shape_cast %swap3A_636 : vector<1x16xf32> to vector<16xf32>
        %swap3A_638 = vector.shape_cast %add3A_633 : vector<16xf32> to vector<1x16xf32>
        tpu.vector_store %arg14[%swap3A_634, %swap3A_635], %swap3A_638 {strides = array<i32>} : memref<40x128xf32, #tpu.memory_space<vmem>>, vector<1x16xf32>,
        %get3A_639 = arith.index_cast %add3A_543 : i32 to index
        %get3A_640 = arith.constant 80 : index
        %get3A_641 = tpu.vector_load %arg9[%get3A_639, %get3A_640] {strides = array<i32>} : memref<40x128xf32, #tpu.memory_space<vmem>>, vector<1x16xf32>,
        %get3A_642 = vector.shape_cast %get3A_641 : vector<1x16xf32> to vector<16xf32>
        %mul3A_643 = arith.constant 11.3137083 : f32
        %mul3A_644 = vector.broadcast %mul3A_643 : f32 to vector<16xf32>
        %mul3A_645 = arith.mulf %get3A_642, %mul3A_644 : vector<16xf32>
        %add3A_646 = arith.constant 40 : i32
        %add3A_647 = arith.addi %add3A_646, %add3A_543 : i32
        %get3A_648 = arith.index_cast %add3A_647 : i32 to index
        %get3A_649 = arith.constant 80 : index
        %get3A_650 = tpu.vector_load %arg7[%get3A_648, %get3A_649] {strides = array<i32>} : memref<200x128xf32, #tpu.memory_space<vmem>>, vector<1x16xf32>,
        %get3A_651 = vector.shape_cast %get3A_650 : vector<1x16xf32> to vector<16xf32>
        %add3A_652 = arith.addf %mul3A_645, %get3A_651 : vector<16xf32>
        %swap3A_653 = arith.index_cast %add3A_543 : i32 to index
        %swap3A_654 = arith.constant 80 : index
        %swap3A_655 = tpu.vector_load %arg14[%swap3A_653, %swap3A_654] {strides = array<i32>} : memref<40x128xf32, #tpu.memory_space<vmem>>, vector<1x16xf32>,
        %swap3A_656 = vector.shape_cast %swap3A_655 : vector<1x16xf32> to vector<16xf32>
        %swap3A_657 = vector.shape_cast %add3A_652 : vector<16xf32> to vector<1x16xf32>
        tpu.vector_store %arg14[%swap3A_653, %swap3A_654], %swap3A_657 {strides = array<i32>} : memref<40x128xf32, #tpu.memory_space<vmem>>, vector<1x16xf32>,
        %get3A_658 = arith.index_cast %add3A_543 : i32 to index
        %get3A_659 = arith.constant 96 : index
        %get3A_660 = tpu.vector_load %arg9[%get3A_658, %get3A_659] {strides = array<i32>} : memref<40x128xf32, #tpu.memory_space<vmem>>, vector<1x16xf32>,
        %get3A_661 = vector.shape_cast %get3A_660 : vector<1x16xf32> to vector<16xf32>
        %mul3A_662 = arith.constant 11.3137083 : f32
        %mul3A_663 = vector.broadcast %mul3A_662 : f32 to vector<16xf32>
        %mul3A_664 = arith.mulf %get3A_661, %mul3A_663 : vector<16xf32>
        %add3A_665 = arith.constant 40 : i32
        %add3A_666 = arith.addi %add3A_665, %add3A_543 : i32
        %get3A_667 = arith.index_cast %add3A_666 : i32 to index
        %get3A_668 = arith.constant 96 : index
        %get3A_669 = tpu.vector_load %arg7[%get3A_667, %get3A_668] {strides = array<i32>} : memref<200x128xf32, #tpu.memory_space<vmem>>, vector<1x16xf32>,
        %get3A_670 = vector.shape_cast %get3A_669 : vector<1x16xf32> to vector<16xf32>
        %add3A_671 = arith.addf %mul3A_664, %get3A_670 : vector<16xf32>
        %swap3A_672 = arith.index_cast %add3A_543 : i32 to index
        %swap3A_673 = arith.constant 96 : index
        %swap3A_674 = tpu.vector_load %arg14[%swap3A_672, %swap3A_673] {strides = array<i32>} : memref<40x128xf32, #tpu.memory_space<vmem>>, vector<1x16xf32>,
        %swap3A_675 = vector.shape_cast %swap3A_674 : vector<1x16xf32> to vector<16xf32>
        %swap3A_676 = vector.shape_cast %add3A_671 : vector<16xf32> to vector<1x16xf32>
        tpu.vector_store %arg14[%swap3A_672, %swap3A_673], %swap3A_676 {strides = array<i32>} : memref<40x128xf32, #tpu.memory_space<vmem>>, vector<1x16xf32>,
        %get3A_677 = arith.index_cast %add3A_543 : i32 to index
        %get3A_678 = arith.constant 112 : index
        %get3A_679 = tpu.vector_load %arg9[%get3A_677, %get3A_678] {strides = array<i32>} : memref<40x128xf32, #tpu.memory_space<vmem>>, vector<1x16xf32>,
        %get3A_680 = vector.shape_cast %get3A_679 : vector<1x16xf32> to vector<16xf32>
        %mul3A_681 = arith.constant 11.3137083 : f32
        %mul3A_682 = vector.broadcast %mul3A_681 : f32 to vector<16xf32>
        %mul3A_683 = arith.mulf %get3A_680, %mul3A_682 : vector<16xf32>
        %add3A_684 = arith.constant 40 : i32
        %add3A_685 = arith.addi %add3A_684, %add3A_543 : i32
        %get3A_686 = arith.index_cast %add3A_685 : i32 to index
        %get3A_687 = arith.constant 112 : index
        %get3A_688 = tpu.vector_load %arg7[%get3A_686, %get3A_687] {strides = array<i32>} : memref<200x128xf32, #tpu.memory_space<vmem>>, vector<1x16xf32>,
        %get3A_689 = vector.shape_cast %get3A_688 : vector<1x16xf32> to vector<16xf32>
        %add3A_690 = arith.addf %mul3A_683, %get3A_689 : vector<16xf32>
        %swap3A_691 = arith.index_cast %add3A_543 : i32 to index
        %swap3A_692 = arith.constant 112 : index
        %swap3A_693 = tpu.vector_load %arg14[%swap3A_691, %swap3A_692] {strides = array<i32>} : memref<40x128xf32, #tpu.memory_space<vmem>>, vector<1x16xf32>,
        %swap3A_694 = vector.shape_cast %swap3A_693 : vector<1x16xf32> to vector<16xf32>
        %swap3A_695 = vector.shape_cast %add3A_690 : vector<16xf32> to vector<1x16xf32>
        tpu.vector_store %arg14[%swap3A_691, %swap3A_692], %swap3A_695 {strides = array<i32>} : memref<40x128xf32, #tpu.memory_space<vmem>>, vector<1x16xf32>,
        %mul3A_696 = arith.constant 4 : i32
        %mul3A_697 = arith.muli %mul3A_696, %scan3A_229 : i32
        %add3A_698 = arith.constant 3 : i32
        %add3A_699 = arith.addi %mul3A_697, %add3A_698 : i32
        %get3A_700 = arith.index_cast %add3A_699 : i32 to index
        %get3A_701 = arith.constant 0 : index
        %get3A_702 = tpu.vector_load %arg9[%get3A_700, %get3A_701] {strides = array<i32>} : memref<40x128xf32, #tpu.memory_space<vmem>>, vector<1x16xf32>,
        %get3A_703 = vector.shape_cast %get3A_702 : vector<1x16xf32> to vector<16xf32>
        %mul3A_704 = arith.constant 11.3137083 : f32
        %mul3A_705 = vector.broadcast %mul3A_704 : f32 to vector<16xf32>
        %mul3A_706 = arith.mulf %get3A_703, %mul3A_705 : vector<16xf32>
        %add3A_707 = arith.constant 40 : i32
        %add3A_708 = arith.addi %add3A_707, %add3A_699 : i32
        %get3A_709 = arith.index_cast %add3A_708 : i32 to index
        %get3A_710 = arith.constant 0 : index
        %get3A_711 = tpu.vector_load %arg7[%get3A_709, %get3A_710] {strides = array<i32>} : memref<200x128xf32, #tpu.memory_space<vmem>>, vector<1x16xf32>,
        %get3A_712 = vector.shape_cast %get3A_711 : vector<1x16xf32> to vector<16xf32>
        %add3A_713 = arith.addf %mul3A_706, %get3A_712 : vector<16xf32>
        %swap3A_714 = arith.index_cast %add3A_699 : i32 to index
        %swap3A_715 = arith.constant 0 : index
        %swap3A_716 = tpu.vector_load %arg14[%swap3A_714, %swap3A_715] {strides = array<i32>} : memref<40x128xf32, #tpu.memory_space<vmem>>, vector<1x16xf32>,
        %swap3A_717 = vector.shape_cast %swap3A_716 : vector<1x16xf32> to vector<16xf32>
        %swap3A_718 = vector.shape_cast %add3A_713 : vector<16xf32> to vector<1x16xf32>
        tpu.vector_store %arg14[%swap3A_714, %swap3A_715], %swap3A_718 {strides = array<i32>} : memref<40x128xf32, #tpu.memory_space<vmem>>, vector<1x16xf32>,
        %get3A_719 = arith.index_cast %add3A_699 : i32 to index
        %get3A_720 = arith.constant 16 : index
        %get3A_721 = tpu.vector_load %arg9[%get3A_719, %get3A_720] {strides = array<i32>} : memref<40x128xf32, #tpu.memory_space<vmem>>, vector<1x16xf32>,
        %get3A_722 = vector.shape_cast %get3A_721 : vector<1x16xf32> to vector<16xf32>
        %mul3A_723 = arith.constant 11.3137083 : f32
        %mul3A_724 = vector.broadcast %mul3A_723 : f32 to vector<16xf32>
        %mul3A_725 = arith.mulf %get3A_722, %mul3A_724 : vector<16xf32>
        %add3A_726 = arith.constant 40 : i32
        %add3A_727 = arith.addi %add3A_726, %add3A_699 : i32
        %get3A_728 = arith.index_cast %add3A_727 : i32 to index
        %get3A_729 = arith.constant 16 : index
        %get3A_730 = tpu.vector_load %arg7[%get3A_728, %get3A_729] {strides = array<i32>} : memref<200x128xf32, #tpu.memory_space<vmem>>, vector<1x16xf32>,
        %get3A_731 = vector.shape_cast %get3A_730 : vector<1x16xf32> to vector<16xf32>
        %add3A_732 = arith.addf %mul3A_725, %get3A_731 : vector<16xf32>
        %swap3A_733 = arith.index_cast %add3A_699 : i32 to index
        %swap3A_734 = arith.constant 16 : index
        %swap3A_735 = tpu.vector_load %arg14[%swap3A_733, %swap3A_734] {strides = array<i32>} : memref<40x128xf32, #tpu.memory_space<vmem>>, vector<1x16xf32>,
        %swap3A_736 = vector.shape_cast %swap3A_735 : vector<1x16xf32> to vector<16xf32>
        %swap3A_737 = vector.shape_cast %add3A_732 : vector<16xf32> to vector<1x16xf32>
        tpu.vector_store %arg14[%swap3A_733, %swap3A_734], %swap3A_737 {strides = array<i32>} : memref<40x128xf32, #tpu.memory_space<vmem>>, vector<1x16xf32>,
        %get3A_738 = arith.index_cast %add3A_699 : i32 to index
        %get3A_739 = arith.constant 32 : index
        %get3A_740 = tpu.vector_load %arg9[%get3A_738, %get3A_739] {strides = array<i32>} : memref<40x128xf32, #tpu.memory_space<vmem>>, vector<1x16xf32>,
        %get3A_741 = vector.shape_cast %get3A_740 : vector<1x16xf32> to vector<16xf32>
        %mul3A_742 = arith.constant 11.3137083 : f32
        %mul3A_743 = vector.broadcast %mul3A_742 : f32 to vector<16xf32>
        %mul3A_744 = arith.mulf %get3A_741, %mul3A_743 : vector<16xf32>
        %add3A_745 = arith.constant 40 : i32
        %add3A_746 = arith.addi %add3A_745, %add3A_699 : i32
        %get3A_747 = arith.index_cast %add3A_746 : i32 to index
        %get3A_748 = arith.constant 32 : index
        %get3A_749 = tpu.vector_load %arg7[%get3A_747, %get3A_748] {strides = array<i32>} : memref<200x128xf32, #tpu.memory_space<vmem>>, vector<1x16xf32>,
        %get3A_750 = vector.shape_cast %get3A_749 : vector<1x16xf32> to vector<16xf32>
        %add3A_751 = arith.addf %mul3A_744, %get3A_750 : vector<16xf32>
        %swap3A_752 = arith.index_cast %add3A_699 : i32 to index
        %swap3A_753 = arith.constant 32 : index
        %swap3A_754 = tpu.vector_load %arg14[%swap3A_752, %swap3A_753] {strides = array<i32>} : memref<40x128xf32, #tpu.memory_space<vmem>>, vector<1x16xf32>,
        %swap3A_755 = vector.shape_cast %swap3A_754 : vector<1x16xf32> to vector<16xf32>
        %swap3A_756 = vector.shape_cast %add3A_751 : vector<16xf32> to vector<1x16xf32>
        tpu.vector_store %arg14[%swap3A_752, %swap3A_753], %swap3A_756 {strides = array<i32>} : memref<40x128xf32, #tpu.memory_space<vmem>>, vector<1x16xf32>,
        %get3A_757 = arith.index_cast %add3A_699 : i32 to index
        %get3A_758 = arith.constant 48 : index
        %get3A_759 = tpu.vector_load %arg9[%get3A_757, %get3A_758] {strides = array<i32>} : memref<40x128xf32, #tpu.memory_space<vmem>>, vector<1x16xf32>,
        %get3A_760 = vector.shape_cast %get3A_759 : vector<1x16xf32> to vector<16xf32>
        %mul3A_761 = arith.constant 11.3137083 : f32
        %mul3A_762 = vector.broadcast %mul3A_761 : f32 to vector<16xf32>
        %mul3A_763 = arith.mulf %get3A_760, %mul3A_762 : vector<16xf32>
        %add3A_764 = arith.constant 40 : i32
        %add3A_765 = arith.addi %add3A_764, %add3A_699 : i32
        %get3A_766 = arith.index_cast %add3A_765 : i32 to index
        %get3A_767 = arith.constant 48 : index
        %get3A_768 = tpu.vector_load %arg7[%get3A_766, %get3A_767] {strides = array<i32>} : memref<200x128xf32, #tpu.memory_space<vmem>>, vector<1x16xf32>,
        %get3A_769 = vector.shape_cast %get3A_768 : vector<1x16xf32> to vector<16xf32>
        %add3A_770 = arith.addf %mul3A_763, %get3A_769 : vector<16xf32>
        %swap3A_771 = arith.index_cast %add3A_699 : i32 to index
        %swap3A_772 = arith.constant 48 : index
        %swap3A_773 = tpu.vector_load %arg14[%swap3A_771, %swap3A_772] {strides = array<i32>} : memref<40x128xf32, #tpu.memory_space<vmem>>, vector<1x16xf32>,
        %swap3A_774 = vector.shape_cast %swap3A_773 : vector<1x16xf32> to vector<16xf32>
        %swap3A_775 = vector.shape_cast %add3A_770 : vector<16xf32> to vector<1x16xf32>
        tpu.vector_store %arg14[%swap3A_771, %swap3A_772], %swap3A_775 {strides = array<i32>} : memref<40x128xf32, #tpu.memory_space<vmem>>, vector<1x16xf32>,
        %get3A_776 = arith.index_cast %add3A_699 : i32 to index
        %get3A_777 = arith.constant 64 : index
        %get3A_778 = tpu.vector_load %arg9[%get3A_776, %get3A_777] {strides = array<i32>} : memref<40x128xf32, #tpu.memory_space<vmem>>, vector<1x16xf32>,
        %get3A_779 = vector.shape_cast %get3A_778 : vector<1x16xf32> to vector<16xf32>
        %mul3A_780 = arith.constant 11.3137083 : f32
        %mul3A_781 = vector.broadcast %mul3A_780 : f32 to vector<16xf32>
        %mul3A_782 = arith.mulf %get3A_779, %mul3A_781 : vector<16xf32>
        %add3A_783 = arith.constant 40 : i32
        %add3A_784 = arith.addi %add3A_783, %add3A_699 : i32
        %get3A_785 = arith.index_cast %add3A_784 : i32 to index
        %get3A_786 = arith.constant 64 : index
        %get3A_787 = tpu.vector_load %arg7[%get3A_785, %get3A_786] {strides = array<i32>} : memref<200x128xf32, #tpu.memory_space<vmem>>, vector<1x16xf32>,
        %get3A_788 = vector.shape_cast %get3A_787 : vector<1x16xf32> to vector<16xf32>
        %add3A_789 = arith.addf %mul3A_782, %get3A_788 : vector<16xf32>
        %swap3A_790 = arith.index_cast %add3A_699 : i32 to index
        %swap3A_791 = arith.constant 64 : index
        %swap3A_792 = tpu.vector_load %arg14[%swap3A_790, %swap3A_791] {strides = array<i32>} : memref<40x128xf32, #tpu.memory_space<vmem>>, vector<1x16xf32>,
        %swap3A_793 = vector.shape_cast %swap3A_792 : vector<1x16xf32> to vector<16xf32>
        %swap3A_794 = vector.shape_cast %add3A_789 : vector<16xf32> to vector<1x16xf32>
        tpu.vector_store %arg14[%swap3A_790, %swap3A_791], %swap3A_794 {strides = array<i32>} : memref<40x128xf32, #tpu.memory_space<vmem>>, vector<1x16xf32>,
        %get3A_795 = arith.index_cast %add3A_699 : i32 to index
        %get3A_796 = arith.constant 80 : index
        %get3A_797 = tpu.vector_load %arg9[%get3A_795, %get3A_796] {strides = array<i32>} : memref<40x128xf32, #tpu.memory_space<vmem>>, vector<1x16xf32>,
        %get3A_798 = vector.shape_cast %get3A_797 : vector<1x16xf32> to vector<16xf32>
        %mul3A_799 = arith.constant 11.3137083 : f32
        %mul3A_800 = vector.broadcast %mul3A_799 : f32 to vector<16xf32>
        %mul3A_801 = arith.mulf %get3A_798, %mul3A_800 : vector<16xf32>
        %add3A_802 = arith.constant 40 : i32
        %add3A_803 = arith.addi %add3A_802, %add3A_699 : i32
        %get3A_804 = arith.index_cast %add3A_803 : i32 to index
        %get3A_805 = arith.constant 80 : index
        %get3A_806 = tpu.vector_load %arg7[%get3A_804, %get3A_805] {strides = array<i32>} : memref<200x128xf32, #tpu.memory_space<vmem>>, vector<1x16xf32>,
        %get3A_807 = vector.shape_cast %get3A_806 : vector<1x16xf32> to vector<16xf32>
        %add3A_808 = arith.addf %mul3A_801, %get3A_807 : vector<16xf32>
        %swap3A_809 = arith.index_cast %add3A_699 : i32 to index
        %swap3A_810 = arith.constant 80 : index
        %swap3A_811 = tpu.vector_load %arg14[%swap3A_809, %swap3A_810] {strides = array<i32>} : memref<40x128xf32, #tpu.memory_space<vmem>>, vector<1x16xf32>,
        %swap3A_812 = vector.shape_cast %swap3A_811 : vector<1x16xf32> to vector<16xf32>
        %swap3A_813 = vector.shape_cast %add3A_808 : vector<16xf32> to vector<1x16xf32>
        tpu.vector_store %arg14[%swap3A_809, %swap3A_810], %swap3A_813 {strides = array<i32>} : memref<40x128xf32, #tpu.memory_space<vmem>>, vector<1x16xf32>,
        %get3A_814 = arith.index_cast %add3A_699 : i32 to index
        %get3A_815 = arith.constant 96 : index
        %get3A_816 = tpu.vector_load %arg9[%get3A_814, %get3A_815] {strides = array<i32>} : memref<40x128xf32, #tpu.memory_space<vmem>>, vector<1x16xf32>,
        %get3A_817 = vector.shape_cast %get3A_816 : vector<1x16xf32> to vector<16xf32>
        %mul3A_818 = arith.constant 11.3137083 : f32
        %mul3A_819 = vector.broadcast %mul3A_818 : f32 to vector<16xf32>
        %mul3A_820 = arith.mulf %get3A_817, %mul3A_819 : vector<16xf32>
        %add3A_821 = arith.constant 40 : i32
        %add3A_822 = arith.addi %add3A_821, %add3A_699 : i32
        %get3A_823 = arith.index_cast %add3A_822 : i32 to index
        %get3A_824 = arith.constant 96 : index
        %get3A_825 = tpu.vector_load %arg7[%get3A_823, %get3A_824] {strides = array<i32>} : memref<200x128xf32, #tpu.memory_space<vmem>>, vector<1x16xf32>,
        %get3A_826 = vector.shape_cast %get3A_825 : vector<1x16xf32> to vector<16xf32>
        %add3A_827 = arith.addf %mul3A_820, %get3A_826 : vector<16xf32>
        %swap3A_828 = arith.index_cast %add3A_699 : i32 to index
        %swap3A_829 = arith.constant 96 : index
        %swap3A_830 = tpu.vector_load %arg14[%swap3A_828, %swap3A_829] {strides = array<i32>} : memref<40x128xf32, #tpu.memory_space<vmem>>, vector<1x16xf32>,
        %swap3A_831 = vector.shape_cast %swap3A_830 : vector<1x16xf32> to vector<16xf32>
        %swap3A_832 = vector.shape_cast %add3A_827 : vector<16xf32> to vector<1x16xf32>
        tpu.vector_store %arg14[%swap3A_828, %swap3A_829], %swap3A_832 {strides = array<i32>} : memref<40x128xf32, #tpu.memory_space<vmem>>, vector<1x16xf32>,
        %get3A_833 = arith.index_cast %add3A_699 : i32 to index
        %get3A_834 = arith.constant 112 : index
        %get3A_835 = tpu.vector_load %arg9[%get3A_833, %get3A_834] {strides = array<i32>} : memref<40x128xf32, #tpu.memory_space<vmem>>, vector<1x16xf32>,
        %get3A_836 = vector.shape_cast %get3A_835 : vector<1x16xf32> to vector<16xf32>
        %mul3A_837 = arith.constant 11.3137083 : f32
        %mul3A_838 = vector.broadcast %mul3A_837 : f32 to vector<16xf32>
        %mul3A_839 = arith.mulf %get3A_836, %mul3A_838 : vector<16xf32>
        %add3A_840 = arith.constant 40 : i32
        %add3A_841 = arith.addi %add3A_840, %add3A_699 : i32
        %get3A_842 = arith.index_cast %add3A_841 : i32 to index
        %get3A_843 = arith.constant 112 : index
        %get3A_844 = tpu.vector_load %arg7[%get3A_842, %get3A_843] {strides = array<i32>} : memref<200x128xf32, #tpu.memory_space<vmem>>, vector<1x16xf32>,
        %get3A_845 = vector.shape_cast %get3A_844 : vector<1x16xf32> to vector<16xf32>
        %add3A_846 = arith.addf %mul3A_839, %get3A_845 : vector<16xf32>
        %swap3A_847 = arith.index_cast %add3A_699 : i32 to index
        %swap3A_848 = arith.constant 112 : index
        %swap3A_849 = tpu.vector_load %arg14[%swap3A_847, %swap3A_848] {strides = array<i32>} : memref<40x128xf32, #tpu.memory_space<vmem>>, vector<1x16xf32>,
        %swap3A_850 = vector.shape_cast %swap3A_849 : vector<1x16xf32> to vector<16xf32>
        %swap3A_851 = vector.shape_cast %add3A_846 : vector<16xf32> to vector<1x16xf32>
        tpu.vector_store %arg14[%swap3A_847, %swap3A_848], %swap3A_851 {strides = array<i32>} : memref<40x128xf32, #tpu.memory_space<vmem>>, vector<1x16xf32>,
      }
      %scan3A_128 = arith.constant 10 : i32
      %lt3A_129 = arith.constant 127 : i32
      %lt3A_130 = arith.cmpi slt, %scan3A_83, %lt3A_129 : i32
      %convert_element_type3A_131 = arith.extui %lt3A_130 : i1 to i32
      %cond3A_132 = arith.constant 0 : i32
      %cond3A_133 = arith.cmpi ne, %convert_element_type3A_131, %cond3A_132 : i32
      scf.if %cond3A_133 {
        %add3A_229 = arith.constant 1 : i32
        %add3A_230 = arith.addi %scan3A_83, %add3A_229 : i32
        %mul3A_231 = arith.constant 5 : i32
        %mul3A_232 = arith.muli %mul3A_231, %add3A_230 : i32
        %add3A_233 = arith.constant 1 : i32
        %add3A_234 = arith.addi %mul3A_232, %add3A_233 : i32
        %ge3A = arith.constant 63 : i32
        %ge3A_235 = arith.cmpi sge, %scan3A_83, %ge3A : i32
        %jit3A = arith.constant 320 : i32
        %jit3A_236 = arith.constant 0 : i32
        %select_n3A = arith.select %ge3A_235, %jit3A, %jit3A_236 : i32
        %sub3A = arith.subi %add3A_234, %select_n3A : i32
        %dma_start3A_237 = arith.constant 0 : i32
        %dma_start3A_238 = tpu.memref_slice %arg6[%sub3A, %dma_start3A_237] : memref<320x40xi32, #tpu.memory_space<vmem>> -> memref<1x40xi32, #tpu.memory_space<vmem>>
        %dma_start3A_239 = tpu.memref_squeeze %dma_start3A_238 : memref<1x40xi32, #tpu.memory_space<vmem>> -> memref<40xi32, #tpu.memory_space<vmem>>
        %dma_start3A_240 = arith.constant 0 : i32
        %dma_start3A_241 = arith.constant 0 : i32
        %dma_start3A_242 = tpu.memref_slice %arg3[%dma_start3A_240, %dma_start3A_241] : memref<100000x128xf32, #tpu.memory_space<hbm>> -> memref<100000x128xf32, #tpu.memory_space<hbm>>
        tpu.enqueue_indirect_dma source(%dma_start3A_242 : memref<100000x128xf32, #tpu.memory_space<hbm>>) target(%arg9 : memref<40x128xf32, #tpu.memory_space<vmem>>) offsets(%dma_start3A_239 : memref<40xi32, #tpu.memory_space<vmem>>) semaphore(%arg19 : memref<!tpu.dma_semaphore, #tpu.memory_space<semaphore_mem>>)
      } else {
      }
      %dma_start3A_134 = arith.constant 40 : i32
      %dma_start3A_135 = arith.constant 0 : i32
      %dma_start3A_136 = tpu.memref_slice %arg5[%add3A_84, %dma_start3A_134, %dma_start3A_135] : memref<4096x200x128xf32, #tpu.memory_space<hbm>> -> memref<1x40x128xf32, #tpu.memory_space<hbm>>
      %dma_start3A_137 = tpu.memref_squeeze %dma_start3A_136 : memref<1x40x128xf32, #tpu.memory_space<hbm>> -> memref<40x128xf32, #tpu.memory_space<hbm>>
      %dma_start3A_138 = arith.constant 40 : i32
      %dma_start3A_139 = arith.constant 0 : i32
      %dma_start3A_140 = tpu.memref_slice %arg5[%add3A_84, %dma_start3A_138, %dma_start3A_139] : memref<4096x200x128xf32, #tpu.memory_space<hbm>> -> memref<1x40x128xf32, #tpu.memory_space<hbm>>
      %dma_start3A_141 = tpu.memref_squeeze %dma_start3A_140 : memref<1x40x128xf32, #tpu.memory_space<hbm>> -> memref<40x128xf32, #tpu.memory_space<hbm>>
      tpu.enqueue_dma source(%arg14 : memref<40x128xf32, #tpu.memory_space<vmem>>) target(%dma_start3A_141 : memref<40x128xf32, #tpu.memory_space<hbm>>) target_semaphore(%arg24 : memref<!tpu.dma_semaphore, #tpu.memory_space<semaphore_mem>>)
      %ne3A_142 = arith.constant 63 : i32
      %ne3A_143 = arith.cmpi ne, %scan3A_83, %ne3A_142 : i32
      %convert_element_type3A_144 = arith.extui %ne3A_143 : i1 to i32
      %cond3A_145 = arith.constant 0 : i32
      %cond3A_146 = arith.cmpi ne, %convert_element_type3A_144, %cond3A_145 : i32
      scf.if %cond3A_146 {
        %dma_wait3A_229 = arith.constant 80 : i32
        %dma_wait3A_230 = arith.constant 0 : i32
        %dma_wait3A_231 = tpu.memref_slice %arg5[%mul3A_2, %dma_wait3A_229, %dma_wait3A_230] : memref<4096x200x128xf32, #tpu.memory_space<hbm>> -> memref<1x40x128xf32, #tpu.memory_space<hbm>>
        %dma_wait3A_232 = tpu.memref_squeeze %dma_wait3A_231 : memref<1x40x128xf32, #tpu.memory_space<hbm>> -> memref<40x128xf32, #tpu.memory_space<hbm>>
        %dma_wait3A_233 = arith.constant 80 : i32
        %dma_wait3A_234 = arith.constant 0 : i32
        %dma_wait3A_235 = tpu.memref_slice %arg5[%mul3A_2, %dma_wait3A_233, %dma_wait3A_234] : memref<4096x200x128xf32, #tpu.memory_space<hbm>> -> memref<1x40x128xf32, #tpu.memory_space<hbm>>
        %dma_wait3A_236 = tpu.memref_squeeze %dma_wait3A_235 : memref<1x40x128xf32, #tpu.memory_space<hbm>> -> memref<40x128xf32, #tpu.memory_space<hbm>>
        tpu.wait_dma2 semaphore(%arg20 : memref<!tpu.dma_semaphore, #tpu.memory_space<semaphore_mem>>) src(%dma_wait3A_236 : memref<40x128xf32, #tpu.memory_space<hbm>>) dst(%arg10 : memref<40x128xf32, #tpu.memory_space<vmem>>)
      } else {
      }
      %gt3A_147 = arith.constant 0 : i32
      %gt3A_148 = arith.cmpi sgt, %scan3A_83, %gt3A_147 : i32
      %convert_element_type3A_149 = arith.extui %gt3A_148 : i1 to i32
      %cond3A_150 = arith.constant 0 : i32
      %cond3A_151 = arith.cmpi ne, %convert_element_type3A_149, %cond3A_150 : i32
      scf.if %cond3A_151 {
        %dma_wait3A_229 = arith.constant 80 : i32
        %dma_wait3A_230 = arith.constant 0 : i32
        %dma_wait3A_231 = tpu.memref_slice %arg5[%mul3A_2, %dma_wait3A_229, %dma_wait3A_230] : memref<4096x200x128xf32, #tpu.memory_space<hbm>> -> memref<1x40x128xf32, #tpu.memory_space<hbm>>
        %dma_wait3A_232 = tpu.memref_squeeze %dma_wait3A_231 : memref<1x40x128xf32, #tpu.memory_space<hbm>> -> memref<40x128xf32, #tpu.memory_space<hbm>>
        %dma_wait3A_233 = arith.constant 80 : i32
        %dma_wait3A_234 = arith.constant 0 : i32
        %dma_wait3A_235 = tpu.memref_slice %arg5[%mul3A_2, %dma_wait3A_233, %dma_wait3A_234] : memref<4096x200x128xf32, #tpu.memory_space<hbm>> -> memref<1x40x128xf32, #tpu.memory_space<hbm>>
        %dma_wait3A_236 = tpu.memref_squeeze %dma_wait3A_235 : memref<1x40x128xf32, #tpu.memory_space<hbm>> -> memref<40x128xf32, #tpu.memory_space<hbm>>
        tpu.wait_dma2 semaphore(%arg25 : memref<!tpu.dma_semaphore, #tpu.memory_space<semaphore_mem>>) src(%arg15 : memref<40x128xf32, #tpu.memory_space<vmem>>) dst(%dma_wait3A_236 : memref<40x128xf32, #tpu.memory_space<hbm>>)
      } else {
      }
      %scan3A_152 = arith.constant 0 : i32
      %scan3A_153 = arith.constant 0 : i32
      %scan3A_154 = arith.constant 10 : i32
      %scan3A_155 = arith.addi %scan3A_153, %scan3A_154 : i32
      %scan3A_156 = arith.constant 1 : i32
      scf.for %scan3A_229 = %scan3A_153 to %scan3A_155 step %scan3A_156  : i32 {
        %mul3A_230 = arith.constant 4 : i32
        %mul3A_231 = arith.muli %mul3A_230, %scan3A_229 : i32
        %add3A_232 = arith.constant 0 : i32
        %add3A_233 = arith.addi %mul3A_231, %add3A_232 : i32
        %get3A = arith.index_cast %add3A_233 : i32 to index
        %get3A_234 = arith.constant 0 : index
        %get3A_235 = tpu.vector_load %arg10[%get3A, %get3A_234] {strides = array<i32>} : memref<40x128xf32, #tpu.memory_space<vmem>>, vector<1x16xf32>,
        %get3A_236 = vector.shape_cast %get3A_235 : vector<1x16xf32> to vector<16xf32>
        %mul3A_237 = arith.constant 11.3137083 : f32
        %mul3A_238 = vector.broadcast %mul3A_237 : f32 to vector<16xf32>
        %mul3A_239 = arith.mulf %get3A_236, %mul3A_238 : vector<16xf32>
        %add3A_240 = arith.constant 80 : i32
        %add3A_241 = arith.addi %add3A_240, %add3A_233 : i32
        %get3A_242 = arith.index_cast %add3A_241 : i32 to index
        %get3A_243 = arith.constant 0 : index
        %get3A_244 = tpu.vector_load %arg7[%get3A_242, %get3A_243] {strides = array<i32>} : memref<200x128xf32, #tpu.memory_space<vmem>>, vector<1x16xf32>,
        %get3A_245 = vector.shape_cast %get3A_244 : vector<1x16xf32> to vector<16xf32>
        %add3A_246 = arith.addf %mul3A_239, %get3A_245 : vector<16xf32>
        %swap3A = arith.index_cast %add3A_233 : i32 to index
        %swap3A_247 = arith.constant 0 : index
        %swap3A_248 = tpu.vector_load %arg15[%swap3A, %swap3A_247] {strides = array<i32>} : memref<40x128xf32, #tpu.memory_space<vmem>>, vector<1x16xf32>,
        %swap3A_249 = vector.shape_cast %swap3A_248 : vector<1x16xf32> to vector<16xf32>
        %swap3A_250 = vector.shape_cast %add3A_246 : vector<16xf32> to vector<1x16xf32>
        tpu.vector_store %arg15[%swap3A, %swap3A_247], %swap3A_250 {strides = array<i32>} : memref<40x128xf32, #tpu.memory_space<vmem>>, vector<1x16xf32>,
        %get3A_251 = arith.index_cast %add3A_233 : i32 to index
        %get3A_252 = arith.constant 16 : index
        %get3A_253 = tpu.vector_load %arg10[%get3A_251, %get3A_252] {strides = array<i32>} : memref<40x128xf32, #tpu.memory_space<vmem>>, vector<1x16xf32>,
        %get3A_254 = vector.shape_cast %get3A_253 : vector<1x16xf32> to vector<16xf32>
        %mul3A_255 = arith.constant 11.3137083 : f32
        %mul3A_256 = vector.broadcast %mul3A_255 : f32 to vector<16xf32>
        %mul3A_257 = arith.mulf %get3A_254, %mul3A_256 : vector<16xf32>
        %add3A_258 = arith.constant 80 : i32
        %add3A_259 = arith.addi %add3A_258, %add3A_233 : i32
        %get3A_260 = arith.index_cast %add3A_259 : i32 to index
        %get3A_261 = arith.constant 16 : index
        %get3A_262 = tpu.vector_load %arg7[%get3A_260, %get3A_261] {strides = array<i32>} : memref<200x128xf32, #tpu.memory_space<vmem>>, vector<1x16xf32>,
        %get3A_263 = vector.shape_cast %get3A_262 : vector<1x16xf32> to vector<16xf32>
        %add3A_264 = arith.addf %mul3A_257, %get3A_263 : vector<16xf32>
        %swap3A_265 = arith.index_cast %add3A_233 : i32 to index
        %swap3A_266 = arith.constant 16 : index
        %swap3A_267 = tpu.vector_load %arg15[%swap3A_265, %swap3A_266] {strides = array<i32>} : memref<40x128xf32, #tpu.memory_space<vmem>>, vector<1x16xf32>,
        %swap3A_268 = vector.shape_cast %swap3A_267 : vector<1x16xf32> to vector<16xf32>
        %swap3A_269 = vector.shape_cast %add3A_264 : vector<16xf32> to vector<1x16xf32>
        tpu.vector_store %arg15[%swap3A_265, %swap3A_266], %swap3A_269 {strides = array<i32>} : memref<40x128xf32, #tpu.memory_space<vmem>>, vector<1x16xf32>,
        %get3A_270 = arith.index_cast %add3A_233 : i32 to index
        %get3A_271 = arith.constant 32 : index
        %get3A_272 = tpu.vector_load %arg10[%get3A_270, %get3A_271] {strides = array<i32>} : memref<40x128xf32, #tpu.memory_space<vmem>>, vector<1x16xf32>,
        %get3A_273 = vector.shape_cast %get3A_272 : vector<1x16xf32> to vector<16xf32>
        %mul3A_274 = arith.constant 11.3137083 : f32
        %mul3A_275 = vector.broadcast %mul3A_274 : f32 to vector<16xf32>
        %mul3A_276 = arith.mulf %get3A_273, %mul3A_275 : vector<16xf32>
        %add3A_277 = arith.constant 80 : i32
        %add3A_278 = arith.addi %add3A_277, %add3A_233 : i32
        %get3A_279 = arith.index_cast %add3A_278 : i32 to index
        %get3A_280 = arith.constant 32 : index
        %get3A_281 = tpu.vector_load %arg7[%get3A_279, %get3A_280] {strides = array<i32>} : memref<200x128xf32, #tpu.memory_space<vmem>>, vector<1x16xf32>,
        %get3A_282 = vector.shape_cast %get3A_281 : vector<1x16xf32> to vector<16xf32>
        %add3A_283 = arith.addf %mul3A_276, %get3A_282 : vector<16xf32>
        %swap3A_284 = arith.index_cast %add3A_233 : i32 to index
        %swap3A_285 = arith.constant 32 : index
        %swap3A_286 = tpu.vector_load %arg15[%swap3A_284, %swap3A_285] {strides = array<i32>} : memref<40x128xf32, #tpu.memory_space<vmem>>, vector<1x16xf32>,
        %swap3A_287 = vector.shape_cast %swap3A_286 : vector<1x16xf32> to vector<16xf32>
        %swap3A_288 = vector.shape_cast %add3A_283 : vector<16xf32> to vector<1x16xf32>
        tpu.vector_store %arg15[%swap3A_284, %swap3A_285], %swap3A_288 {strides = array<i32>} : memref<40x128xf32, #tpu.memory_space<vmem>>, vector<1x16xf32>,
        %get3A_289 = arith.index_cast %add3A_233 : i32 to index
        %get3A_290 = arith.constant 48 : index
        %get3A_291 = tpu.vector_load %arg10[%get3A_289, %get3A_290] {strides = array<i32>} : memref<40x128xf32, #tpu.memory_space<vmem>>, vector<1x16xf32>,
        %get3A_292 = vector.shape_cast %get3A_291 : vector<1x16xf32> to vector<16xf32>
        %mul3A_293 = arith.constant 11.3137083 : f32
        %mul3A_294 = vector.broadcast %mul3A_293 : f32 to vector<16xf32>
        %mul3A_295 = arith.mulf %get3A_292, %mul3A_294 : vector<16xf32>
        %add3A_296 = arith.constant 80 : i32
        %add3A_297 = arith.addi %add3A_296, %add3A_233 : i32
        %get3A_298 = arith.index_cast %add3A_297 : i32 to index
        %get3A_299 = arith.constant 48 : index
        %get3A_300 = tpu.vector_load %arg7[%get3A_298, %get3A_299] {strides = array<i32>} : memref<200x128xf32, #tpu.memory_space<vmem>>, vector<1x16xf32>,
        %get3A_301 = vector.shape_cast %get3A_300 : vector<1x16xf32> to vector<16xf32>
        %add3A_302 = arith.addf %mul3A_295, %get3A_301 : vector<16xf32>
        %swap3A_303 = arith.index_cast %add3A_233 : i32 to index
        %swap3A_304 = arith.constant 48 : index
        %swap3A_305 = tpu.vector_load %arg15[%swap3A_303, %swap3A_304] {strides = array<i32>} : memref<40x128xf32, #tpu.memory_space<vmem>>, vector<1x16xf32>,
        %swap3A_306 = vector.shape_cast %swap3A_305 : vector<1x16xf32> to vector<16xf32>
        %swap3A_307 = vector.shape_cast %add3A_302 : vector<16xf32> to vector<1x16xf32>
        tpu.vector_store %arg15[%swap3A_303, %swap3A_304], %swap3A_307 {strides = array<i32>} : memref<40x128xf32, #tpu.memory_space<vmem>>, vector<1x16xf32>,
        %get3A_308 = arith.index_cast %add3A_233 : i32 to index
        %get3A_309 = arith.constant 64 : index
        %get3A_310 = tpu.vector_load %arg10[%get3A_308, %get3A_309] {strides = array<i32>} : memref<40x128xf32, #tpu.memory_space<vmem>>, vector<1x16xf32>,
        %get3A_311 = vector.shape_cast %get3A_310 : vector<1x16xf32> to vector<16xf32>
        %mul3A_312 = arith.constant 11.3137083 : f32
        %mul3A_313 = vector.broadcast %mul3A_312 : f32 to vector<16xf32>
        %mul3A_314 = arith.mulf %get3A_311, %mul3A_313 : vector<16xf32>
        %add3A_315 = arith.constant 80 : i32
        %add3A_316 = arith.addi %add3A_315, %add3A_233 : i32
        %get3A_317 = arith.index_cast %add3A_316 : i32 to index
        %get3A_318 = arith.constant 64 : index
        %get3A_319 = tpu.vector_load %arg7[%get3A_317, %get3A_318] {strides = array<i32>} : memref<200x128xf32, #tpu.memory_space<vmem>>, vector<1x16xf32>,
        %get3A_320 = vector.shape_cast %get3A_319 : vector<1x16xf32> to vector<16xf32>
        %add3A_321 = arith.addf %mul3A_314, %get3A_320 : vector<16xf32>
        %swap3A_322 = arith.index_cast %add3A_233 : i32 to index
        %swap3A_323 = arith.constant 64 : index
        %swap3A_324 = tpu.vector_load %arg15[%swap3A_322, %swap3A_323] {strides = array<i32>} : memref<40x128xf32, #tpu.memory_space<vmem>>, vector<1x16xf32>,
        %swap3A_325 = vector.shape_cast %swap3A_324 : vector<1x16xf32> to vector<16xf32>
        %swap3A_326 = vector.shape_cast %add3A_321 : vector<16xf32> to vector<1x16xf32>
        tpu.vector_store %arg15[%swap3A_322, %swap3A_323], %swap3A_326 {strides = array<i32>} : memref<40x128xf32, #tpu.memory_space<vmem>>, vector<1x16xf32>,
        %get3A_327 = arith.index_cast %add3A_233 : i32 to index
        %get3A_328 = arith.constant 80 : index
        %get3A_329 = tpu.vector_load %arg10[%get3A_327, %get3A_328] {strides = array<i32>} : memref<40x128xf32, #tpu.memory_space<vmem>>, vector<1x16xf32>,
        %get3A_330 = vector.shape_cast %get3A_329 : vector<1x16xf32> to vector<16xf32>
        %mul3A_331 = arith.constant 11.3137083 : f32
        %mul3A_332 = vector.broadcast %mul3A_331 : f32 to vector<16xf32>
        %mul3A_333 = arith.mulf %get3A_330, %mul3A_332 : vector<16xf32>
        %add3A_334 = arith.constant 80 : i32
        %add3A_335 = arith.addi %add3A_334, %add3A_233 : i32
        %get3A_336 = arith.index_cast %add3A_335 : i32 to index
        %get3A_337 = arith.constant 80 : index
        %get3A_338 = tpu.vector_load %arg7[%get3A_336, %get3A_337] {strides = array<i32>} : memref<200x128xf32, #tpu.memory_space<vmem>>, vector<1x16xf32>,
        %get3A_339 = vector.shape_cast %get3A_338 : vector<1x16xf32> to vector<16xf32>
        %add3A_340 = arith.addf %mul3A_333, %get3A_339 : vector<16xf32>
        %swap3A_341 = arith.index_cast %add3A_233 : i32 to index
        %swap3A_342 = arith.constant 80 : index
        %swap3A_343 = tpu.vector_load %arg15[%swap3A_341, %swap3A_342] {strides = array<i32>} : memref<40x128xf32, #tpu.memory_space<vmem>>, vector<1x16xf32>,
        %swap3A_344 = vector.shape_cast %swap3A_343 : vector<1x16xf32> to vector<16xf32>
        %swap3A_345 = vector.shape_cast %add3A_340 : vector<16xf32> to vector<1x16xf32>
        tpu.vector_store %arg15[%swap3A_341, %swap3A_342], %swap3A_345 {strides = array<i32>} : memref<40x128xf32, #tpu.memory_space<vmem>>, vector<1x16xf32>,
        %get3A_346 = arith.index_cast %add3A_233 : i32 to index
        %get3A_347 = arith.constant 96 : index
        %get3A_348 = tpu.vector_load %arg10[%get3A_346, %get3A_347] {strides = array<i32>} : memref<40x128xf32, #tpu.memory_space<vmem>>, vector<1x16xf32>,
        %get3A_349 = vector.shape_cast %get3A_348 : vector<1x16xf32> to vector<16xf32>
        %mul3A_350 = arith.constant 11.3137083 : f32
        %mul3A_351 = vector.broadcast %mul3A_350 : f32 to vector<16xf32>
        %mul3A_352 = arith.mulf %get3A_349, %mul3A_351 : vector<16xf32>
        %add3A_353 = arith.constant 80 : i32
        %add3A_354 = arith.addi %add3A_353, %add3A_233 : i32
        %get3A_355 = arith.index_cast %add3A_354 : i32 to index
        %get3A_356 = arith.constant 96 : index
        %get3A_357 = tpu.vector_load %arg7[%get3A_355, %get3A_356] {strides = array<i32>} : memref<200x128xf32, #tpu.memory_space<vmem>>, vector<1x16xf32>,
        %get3A_358 = vector.shape_cast %get3A_357 : vector<1x16xf32> to vector<16xf32>
        %add3A_359 = arith.addf %mul3A_352, %get3A_358 : vector<16xf32>
        %swap3A_360 = arith.index_cast %add3A_233 : i32 to index
        %swap3A_361 = arith.constant 96 : index
        %swap3A_362 = tpu.vector_load %arg15[%swap3A_360, %swap3A_361] {strides = array<i32>} : memref<40x128xf32, #tpu.memory_space<vmem>>, vector<1x16xf32>,
        %swap3A_363 = vector.shape_cast %swap3A_362 : vector<1x16xf32> to vector<16xf32>
        %swap3A_364 = vector.shape_cast %add3A_359 : vector<16xf32> to vector<1x16xf32>
        tpu.vector_store %arg15[%swap3A_360, %swap3A_361], %swap3A_364 {strides = array<i32>} : memref<40x128xf32, #tpu.memory_space<vmem>>, vector<1x16xf32>,
        %get3A_365 = arith.index_cast %add3A_233 : i32 to index
        %get3A_366 = arith.constant 112 : index
        %get3A_367 = tpu.vector_load %arg10[%get3A_365, %get3A_366] {strides = array<i32>} : memref<40x128xf32, #tpu.memory_space<vmem>>, vector<1x16xf32>,
        %get3A_368 = vector.shape_cast %get3A_367 : vector<1x16xf32> to vector<16xf32>
        %mul3A_369 = arith.constant 11.3137083 : f32
        %mul3A_370 = vector.broadcast %mul3A_369 : f32 to vector<16xf32>
        %mul3A_371 = arith.mulf %get3A_368, %mul3A_370 : vector<16xf32>
        %add3A_372 = arith.constant 80 : i32
        %add3A_373 = arith.addi %add3A_372, %add3A_233 : i32
        %get3A_374 = arith.index_cast %add3A_373 : i32 to index
        %get3A_375 = arith.constant 112 : index
        %get3A_376 = tpu.vector_load %arg7[%get3A_374, %get3A_375] {strides = array<i32>} : memref<200x128xf32, #tpu.memory_space<vmem>>, vector<1x16xf32>,
        %get3A_377 = vector.shape_cast %get3A_376 : vector<1x16xf32> to vector<16xf32>
        %add3A_378 = arith.addf %mul3A_371, %get3A_377 : vector<16xf32>
        %swap3A_379 = arith.index_cast %add3A_233 : i32 to index
        %swap3A_380 = arith.constant 112 : index
        %swap3A_381 = tpu.vector_load %arg15[%swap3A_379, %swap3A_380] {strides = array<i32>} : memref<40x128xf32, #tpu.memory_space<vmem>>, vector<1x16xf32>,
        %swap3A_382 = vector.shape_cast %swap3A_381 : vector<1x16xf32> to vector<16xf32>
        %swap3A_383 = vector.shape_cast %add3A_378 : vector<16xf32> to vector<1x16xf32>
        tpu.vector_store %arg15[%swap3A_379, %swap3A_380], %swap3A_383 {strides = array<i32>} : memref<40x128xf32, #tpu.memory_space<vmem>>, vector<1x16xf32>,
        %mul3A_384 = arith.constant 4 : i32
        %mul3A_385 = arith.muli %mul3A_384, %scan3A_229 : i32
        %add3A_386 = arith.constant 1 : i32
        %add3A_387 = arith.addi %mul3A_385, %add3A_386 : i32
        %get3A_388 = arith.index_cast %add3A_387 : i32 to index
        %get3A_389 = arith.constant 0 : index
        %get3A_390 = tpu.vector_load %arg10[%get3A_388, %get3A_389] {strides = array<i32>} : memref<40x128xf32, #tpu.memory_space<vmem>>, vector<1x16xf32>,
        %get3A_391 = vector.shape_cast %get3A_390 : vector<1x16xf32> to vector<16xf32>
        %mul3A_392 = arith.constant 11.3137083 : f32
        %mul3A_393 = vector.broadcast %mul3A_392 : f32 to vector<16xf32>
        %mul3A_394 = arith.mulf %get3A_391, %mul3A_393 : vector<16xf32>
        %add3A_395 = arith.constant 80 : i32
        %add3A_396 = arith.addi %add3A_395, %add3A_387 : i32
        %get3A_397 = arith.index_cast %add3A_396 : i32 to index
        %get3A_398 = arith.constant 0 : index
        %get3A_399 = tpu.vector_load %arg7[%get3A_397, %get3A_398] {strides = array<i32>} : memref<200x128xf32, #tpu.memory_space<vmem>>, vector<1x16xf32>,
        %get3A_400 = vector.shape_cast %get3A_399 : vector<1x16xf32> to vector<16xf32>
        %add3A_401 = arith.addf %mul3A_394, %get3A_400 : vector<16xf32>
        %swap3A_402 = arith.index_cast %add3A_387 : i32 to index
        %swap3A_403 = arith.constant 0 : index
        %swap3A_404 = tpu.vector_load %arg15[%swap3A_402, %swap3A_403] {strides = array<i32>} : memref<40x128xf32, #tpu.memory_space<vmem>>, vector<1x16xf32>,
        %swap3A_405 = vector.shape_cast %swap3A_404 : vector<1x16xf32> to vector<16xf32>
        %swap3A_406 = vector.shape_cast %add3A_401 : vector<16xf32> to vector<1x16xf32>
        tpu.vector_store %arg15[%swap3A_402, %swap3A_403], %swap3A_406 {strides = array<i32>} : memref<40x128xf32, #tpu.memory_space<vmem>>, vector<1x16xf32>,
        %get3A_407 = arith.index_cast %add3A_387 : i32 to index
        %get3A_408 = arith.constant 16 : index
        %get3A_409 = tpu.vector_load %arg10[%get3A_407, %get3A_408] {strides = array<i32>} : memref<40x128xf32, #tpu.memory_space<vmem>>, vector<1x16xf32>,
        %get3A_410 = vector.shape_cast %get3A_409 : vector<1x16xf32> to vector<16xf32>
        %mul3A_411 = arith.constant 11.3137083 : f32
        %mul3A_412 = vector.broadcast %mul3A_411 : f32 to vector<16xf32>
        %mul3A_413 = arith.mulf %get3A_410, %mul3A_412 : vector<16xf32>
        %add3A_414 = arith.constant 80 : i32
        %add3A_415 = arith.addi %add3A_414, %add3A_387 : i32
        %get3A_416 = arith.index_cast %add3A_415 : i32 to index
        %get3A_417 = arith.constant 16 : index
        %get3A_418 = tpu.vector_load %arg7[%get3A_416, %get3A_417] {strides = array<i32>} : memref<200x128xf32, #tpu.memory_space<vmem>>, vector<1x16xf32>,
        %get3A_419 = vector.shape_cast %get3A_418 : vector<1x16xf32> to vector<16xf32>
        %add3A_420 = arith.addf %mul3A_413, %get3A_419 : vector<16xf32>
        %swap3A_421 = arith.index_cast %add3A_387 : i32 to index
        %swap3A_422 = arith.constant 16 : index
        %swap3A_423 = tpu.vector_load %arg15[%swap3A_421, %swap3A_422] {strides = array<i32>} : memref<40x128xf32, #tpu.memory_space<vmem>>, vector<1x16xf32>,
        %swap3A_424 = vector.shape_cast %swap3A_423 : vector<1x16xf32> to vector<16xf32>
        %swap3A_425 = vector.shape_cast %add3A_420 : vector<16xf32> to vector<1x16xf32>
        tpu.vector_store %arg15[%swap3A_421, %swap3A_422], %swap3A_425 {strides = array<i32>} : memref<40x128xf32, #tpu.memory_space<vmem>>, vector<1x16xf32>,
        %get3A_426 = arith.index_cast %add3A_387 : i32 to index
        %get3A_427 = arith.constant 32 : index
        %get3A_428 = tpu.vector_load %arg10[%get3A_426, %get3A_427] {strides = array<i32>} : memref<40x128xf32, #tpu.memory_space<vmem>>, vector<1x16xf32>,
        %get3A_429 = vector.shape_cast %get3A_428 : vector<1x16xf32> to vector<16xf32>
        %mul3A_430 = arith.constant 11.3137083 : f32
        %mul3A_431 = vector.broadcast %mul3A_430 : f32 to vector<16xf32>
        %mul3A_432 = arith.mulf %get3A_429, %mul3A_431 : vector<16xf32>
        %add3A_433 = arith.constant 80 : i32
        %add3A_434 = arith.addi %add3A_433, %add3A_387 : i32
        %get3A_435 = arith.index_cast %add3A_434 : i32 to index
        %get3A_436 = arith.constant 32 : index
        %get3A_437 = tpu.vector_load %arg7[%get3A_435, %get3A_436] {strides = array<i32>} : memref<200x128xf32, #tpu.memory_space<vmem>>, vector<1x16xf32>,
        %get3A_438 = vector.shape_cast %get3A_437 : vector<1x16xf32> to vector<16xf32>
        %add3A_439 = arith.addf %mul3A_432, %get3A_438 : vector<16xf32>
        %swap3A_440 = arith.index_cast %add3A_387 : i32 to index
        %swap3A_441 = arith.constant 32 : index
        %swap3A_442 = tpu.vector_load %arg15[%swap3A_440, %swap3A_441] {strides = array<i32>} : memref<40x128xf32, #tpu.memory_space<vmem>>, vector<1x16xf32>,
        %swap3A_443 = vector.shape_cast %swap3A_442 : vector<1x16xf32> to vector<16xf32>
        %swap3A_444 = vector.shape_cast %add3A_439 : vector<16xf32> to vector<1x16xf32>
        tpu.vector_store %arg15[%swap3A_440, %swap3A_441], %swap3A_444 {strides = array<i32>} : memref<40x128xf32, #tpu.memory_space<vmem>>, vector<1x16xf32>,
        %get3A_445 = arith.index_cast %add3A_387 : i32 to index
        %get3A_446 = arith.constant 48 : index
        %get3A_447 = tpu.vector_load %arg10[%get3A_445, %get3A_446] {strides = array<i32>} : memref<40x128xf32, #tpu.memory_space<vmem>>, vector<1x16xf32>,
        %get3A_448 = vector.shape_cast %get3A_447 : vector<1x16xf32> to vector<16xf32>
        %mul3A_449 = arith.constant 11.3137083 : f32
        %mul3A_450 = vector.broadcast %mul3A_449 : f32 to vector<16xf32>
        %mul3A_451 = arith.mulf %get3A_448, %mul3A_450 : vector<16xf32>
        %add3A_452 = arith.constant 80 : i32
        %add3A_453 = arith.addi %add3A_452, %add3A_387 : i32
        %get3A_454 = arith.index_cast %add3A_453 : i32 to index
        %get3A_455 = arith.constant 48 : index
        %get3A_456 = tpu.vector_load %arg7[%get3A_454, %get3A_455] {strides = array<i32>} : memref<200x128xf32, #tpu.memory_space<vmem>>, vector<1x16xf32>,
        %get3A_457 = vector.shape_cast %get3A_456 : vector<1x16xf32> to vector<16xf32>
        %add3A_458 = arith.addf %mul3A_451, %get3A_457 : vector<16xf32>
        %swap3A_459 = arith.index_cast %add3A_387 : i32 to index
        %swap3A_460 = arith.constant 48 : index
        %swap3A_461 = tpu.vector_load %arg15[%swap3A_459, %swap3A_460] {strides = array<i32>} : memref<40x128xf32, #tpu.memory_space<vmem>>, vector<1x16xf32>,
        %swap3A_462 = vector.shape_cast %swap3A_461 : vector<1x16xf32> to vector<16xf32>
        %swap3A_463 = vector.shape_cast %add3A_458 : vector<16xf32> to vector<1x16xf32>
        tpu.vector_store %arg15[%swap3A_459, %swap3A_460], %swap3A_463 {strides = array<i32>} : memref<40x128xf32, #tpu.memory_space<vmem>>, vector<1x16xf32>,
        %get3A_464 = arith.index_cast %add3A_387 : i32 to index
        %get3A_465 = arith.constant 64 : index
        %get3A_466 = tpu.vector_load %arg10[%get3A_464, %get3A_465] {strides = array<i32>} : memref<40x128xf32, #tpu.memory_space<vmem>>, vector<1x16xf32>,
        %get3A_467 = vector.shape_cast %get3A_466 : vector<1x16xf32> to vector<16xf32>
        %mul3A_468 = arith.constant 11.3137083 : f32
        %mul3A_469 = vector.broadcast %mul3A_468 : f32 to vector<16xf32>
        %mul3A_470 = arith.mulf %get3A_467, %mul3A_469 : vector<16xf32>
        %add3A_471 = arith.constant 80 : i32
        %add3A_472 = arith.addi %add3A_471, %add3A_387 : i32
        %get3A_473 = arith.index_cast %add3A_472 : i32 to index
        %get3A_474 = arith.constant 64 : index
        %get3A_475 = tpu.vector_load %arg7[%get3A_473, %get3A_474] {strides = array<i32>} : memref<200x128xf32, #tpu.memory_space<vmem>>, vector<1x16xf32>,
        %get3A_476 = vector.shape_cast %get3A_475 : vector<1x16xf32> to vector<16xf32>
        %add3A_477 = arith.addf %mul3A_470, %get3A_476 : vector<16xf32>
        %swap3A_478 = arith.index_cast %add3A_387 : i32 to index
        %swap3A_479 = arith.constant 64 : index
        %swap3A_480 = tpu.vector_load %arg15[%swap3A_478, %swap3A_479] {strides = array<i32>} : memref<40x128xf32, #tpu.memory_space<vmem>>, vector<1x16xf32>,
        %swap3A_481 = vector.shape_cast %swap3A_480 : vector<1x16xf32> to vector<16xf32>
        %swap3A_482 = vector.shape_cast %add3A_477 : vector<16xf32> to vector<1x16xf32>
        tpu.vector_store %arg15[%swap3A_478, %swap3A_479], %swap3A_482 {strides = array<i32>} : memref<40x128xf32, #tpu.memory_space<vmem>>, vector<1x16xf32>,
        %get3A_483 = arith.index_cast %add3A_387 : i32 to index
        %get3A_484 = arith.constant 80 : index
        %get3A_485 = tpu.vector_load %arg10[%get3A_483, %get3A_484] {strides = array<i32>} : memref<40x128xf32, #tpu.memory_space<vmem>>, vector<1x16xf32>,
        %get3A_486 = vector.shape_cast %get3A_485 : vector<1x16xf32> to vector<16xf32>
        %mul3A_487 = arith.constant 11.3137083 : f32
        %mul3A_488 = vector.broadcast %mul3A_487 : f32 to vector<16xf32>
        %mul3A_489 = arith.mulf %get3A_486, %mul3A_488 : vector<16xf32>
        %add3A_490 = arith.constant 80 : i32
        %add3A_491 = arith.addi %add3A_490, %add3A_387 : i32
        %get3A_492 = arith.index_cast %add3A_491 : i32 to index
        %get3A_493 = arith.constant 80 : index
        %get3A_494 = tpu.vector_load %arg7[%get3A_492, %get3A_493] {strides = array<i32>} : memref<200x128xf32, #tpu.memory_space<vmem>>, vector<1x16xf32>,
        %get3A_495 = vector.shape_cast %get3A_494 : vector<1x16xf32> to vector<16xf32>
        %add3A_496 = arith.addf %mul3A_489, %get3A_495 : vector<16xf32>
        %swap3A_497 = arith.index_cast %add3A_387 : i32 to index
        %swap3A_498 = arith.constant 80 : index
        %swap3A_499 = tpu.vector_load %arg15[%swap3A_497, %swap3A_498] {strides = array<i32>} : memref<40x128xf32, #tpu.memory_space<vmem>>, vector<1x16xf32>,
        %swap3A_500 = vector.shape_cast %swap3A_499 : vector<1x16xf32> to vector<16xf32>
        %swap3A_501 = vector.shape_cast %add3A_496 : vector<16xf32> to vector<1x16xf32>
        tpu.vector_store %arg15[%swap3A_497, %swap3A_498], %swap3A_501 {strides = array<i32>} : memref<40x128xf32, #tpu.memory_space<vmem>>, vector<1x16xf32>,
        %get3A_502 = arith.index_cast %add3A_387 : i32 to index
        %get3A_503 = arith.constant 96 : index
        %get3A_504 = tpu.vector_load %arg10[%get3A_502, %get3A_503] {strides = array<i32>} : memref<40x128xf32, #tpu.memory_space<vmem>>, vector<1x16xf32>,
        %get3A_505 = vector.shape_cast %get3A_504 : vector<1x16xf32> to vector<16xf32>
        %mul3A_506 = arith.constant 11.3137083 : f32
        %mul3A_507 = vector.broadcast %mul3A_506 : f32 to vector<16xf32>
        %mul3A_508 = arith.mulf %get3A_505, %mul3A_507 : vector<16xf32>
        %add3A_509 = arith.constant 80 : i32
        %add3A_510 = arith.addi %add3A_509, %add3A_387 : i32
        %get3A_511 = arith.index_cast %add3A_510 : i32 to index
        %get3A_512 = arith.constant 96 : index
        %get3A_513 = tpu.vector_load %arg7[%get3A_511, %get3A_512] {strides = array<i32>} : memref<200x128xf32, #tpu.memory_space<vmem>>, vector<1x16xf32>,
        %get3A_514 = vector.shape_cast %get3A_513 : vector<1x16xf32> to vector<16xf32>
        %add3A_515 = arith.addf %mul3A_508, %get3A_514 : vector<16xf32>
        %swap3A_516 = arith.index_cast %add3A_387 : i32 to index
        %swap3A_517 = arith.constant 96 : index
        %swap3A_518 = tpu.vector_load %arg15[%swap3A_516, %swap3A_517] {strides = array<i32>} : memref<40x128xf32, #tpu.memory_space<vmem>>, vector<1x16xf32>,
        %swap3A_519 = vector.shape_cast %swap3A_518 : vector<1x16xf32> to vector<16xf32>
        %swap3A_520 = vector.shape_cast %add3A_515 : vector<16xf32> to vector<1x16xf32>
        tpu.vector_store %arg15[%swap3A_516, %swap3A_517], %swap3A_520 {strides = array<i32>} : memref<40x128xf32, #tpu.memory_space<vmem>>, vector<1x16xf32>,
        %get3A_521 = arith.index_cast %add3A_387 : i32 to index
        %get3A_522 = arith.constant 112 : index
        %get3A_523 = tpu.vector_load %arg10[%get3A_521, %get3A_522] {strides = array<i32>} : memref<40x128xf32, #tpu.memory_space<vmem>>, vector<1x16xf32>,
        %get3A_524 = vector.shape_cast %get3A_523 : vector<1x16xf32> to vector<16xf32>
        %mul3A_525 = arith.constant 11.3137083 : f32
        %mul3A_526 = vector.broadcast %mul3A_525 : f32 to vector<16xf32>
        %mul3A_527 = arith.mulf %get3A_524, %mul3A_526 : vector<16xf32>
        %add3A_528 = arith.constant 80 : i32
        %add3A_529 = arith.addi %add3A_528, %add3A_387 : i32
        %get3A_530 = arith.index_cast %add3A_529 : i32 to index
        %get3A_531 = arith.constant 112 : index
        %get3A_532 = tpu.vector_load %arg7[%get3A_530, %get3A_531] {strides = array<i32>} : memref<200x128xf32, #tpu.memory_space<vmem>>, vector<1x16xf32>,
        %get3A_533 = vector.shape_cast %get3A_532 : vector<1x16xf32> to vector<16xf32>
        %add3A_534 = arith.addf %mul3A_527, %get3A_533 : vector<16xf32>
        %swap3A_535 = arith.index_cast %add3A_387 : i32 to index
        %swap3A_536 = arith.constant 112 : index
        %swap3A_537 = tpu.vector_load %arg15[%swap3A_535, %swap3A_536] {strides = array<i32>} : memref<40x128xf32, #tpu.memory_space<vmem>>, vector<1x16xf32>,
        %swap3A_538 = vector.shape_cast %swap3A_537 : vector<1x16xf32> to vector<16xf32>
        %swap3A_539 = vector.shape_cast %add3A_534 : vector<16xf32> to vector<1x16xf32>
        tpu.vector_store %arg15[%swap3A_535, %swap3A_536], %swap3A_539 {strides = array<i32>} : memref<40x128xf32, #tpu.memory_space<vmem>>, vector<1x16xf32>,
        %mul3A_540 = arith.constant 4 : i32
        %mul3A_541 = arith.muli %mul3A_540, %scan3A_229 : i32
        %add3A_542 = arith.constant 2 : i32
        %add3A_543 = arith.addi %mul3A_541, %add3A_542 : i32
        %get3A_544 = arith.index_cast %add3A_543 : i32 to index
        %get3A_545 = arith.constant 0 : index
        %get3A_546 = tpu.vector_load %arg10[%get3A_544, %get3A_545] {strides = array<i32>} : memref<40x128xf32, #tpu.memory_space<vmem>>, vector<1x16xf32>,
        %get3A_547 = vector.shape_cast %get3A_546 : vector<1x16xf32> to vector<16xf32>
        %mul3A_548 = arith.constant 11.3137083 : f32
        %mul3A_549 = vector.broadcast %mul3A_548 : f32 to vector<16xf32>
        %mul3A_550 = arith.mulf %get3A_547, %mul3A_549 : vector<16xf32>
        %add3A_551 = arith.constant 80 : i32
        %add3A_552 = arith.addi %add3A_551, %add3A_543 : i32
        %get3A_553 = arith.index_cast %add3A_552 : i32 to index
        %get3A_554 = arith.constant 0 : index
        %get3A_555 = tpu.vector_load %arg7[%get3A_553, %get3A_554] {strides = array<i32>} : memref<200x128xf32, #tpu.memory_space<vmem>>, vector<1x16xf32>,
        %get3A_556 = vector.shape_cast %get3A_555 : vector<1x16xf32> to vector<16xf32>
        %add3A_557 = arith.addf %mul3A_550, %get3A_556 : vector<16xf32>
        %swap3A_558 = arith.index_cast %add3A_543 : i32 to index
        %swap3A_559 = arith.constant 0 : index
        %swap3A_560 = tpu.vector_load %arg15[%swap3A_558, %swap3A_559] {strides = array<i32>} : memref<40x128xf32, #tpu.memory_space<vmem>>, vector<1x16xf32>,
        %swap3A_561 = vector.shape_cast %swap3A_560 : vector<1x16xf32> to vector<16xf32>
        %swap3A_562 = vector.shape_cast %add3A_557 : vector<16xf32> to vector<1x16xf32>
        tpu.vector_store %arg15[%swap3A_558, %swap3A_559], %swap3A_562 {strides = array<i32>} : memref<40x128xf32, #tpu.memory_space<vmem>>, vector<1x16xf32>,
        %get3A_563 = arith.index_cast %add3A_543 : i32 to index
        %get3A_564 = arith.constant 16 : index
        %get3A_565 = tpu.vector_load %arg10[%get3A_563, %get3A_564] {strides = array<i32>} : memref<40x128xf32, #tpu.memory_space<vmem>>, vector<1x16xf32>,
        %get3A_566 = vector.shape_cast %get3A_565 : vector<1x16xf32> to vector<16xf32>
        %mul3A_567 = arith.constant 11.3137083 : f32
        %mul3A_568 = vector.broadcast %mul3A_567 : f32 to vector<16xf32>
        %mul3A_569 = arith.mulf %get3A_566, %mul3A_568 : vector<16xf32>
        %add3A_570 = arith.constant 80 : i32
        %add3A_571 = arith.addi %add3A_570, %add3A_543 : i32
        %get3A_572 = arith.index_cast %add3A_571 : i32 to index
        %get3A_573 = arith.constant 16 : index
        %get3A_574 = tpu.vector_load %arg7[%get3A_572, %get3A_573] {strides = array<i32>} : memref<200x128xf32, #tpu.memory_space<vmem>>, vector<1x16xf32>,
        %get3A_575 = vector.shape_cast %get3A_574 : vector<1x16xf32> to vector<16xf32>
        %add3A_576 = arith.addf %mul3A_569, %get3A_575 : vector<16xf32>
        %swap3A_577 = arith.index_cast %add3A_543 : i32 to index
        %swap3A_578 = arith.constant 16 : index
        %swap3A_579 = tpu.vector_load %arg15[%swap3A_577, %swap3A_578] {strides = array<i32>} : memref<40x128xf32, #tpu.memory_space<vmem>>, vector<1x16xf32>,
        %swap3A_580 = vector.shape_cast %swap3A_579 : vector<1x16xf32> to vector<16xf32>
        %swap3A_581 = vector.shape_cast %add3A_576 : vector<16xf32> to vector<1x16xf32>
        tpu.vector_store %arg15[%swap3A_577, %swap3A_578], %swap3A_581 {strides = array<i32>} : memref<40x128xf32, #tpu.memory_space<vmem>>, vector<1x16xf32>,
        %get3A_582 = arith.index_cast %add3A_543 : i32 to index
        %get3A_583 = arith.constant 32 : index
        %get3A_584 = tpu.vector_load %arg10[%get3A_582, %get3A_583] {strides = array<i32>} : memref<40x128xf32, #tpu.memory_space<vmem>>, vector<1x16xf32>,
        %get3A_585 = vector.shape_cast %get3A_584 : vector<1x16xf32> to vector<16xf32>
        %mul3A_586 = arith.constant 11.3137083 : f32
        %mul3A_587 = vector.broadcast %mul3A_586 : f32 to vector<16xf32>
        %mul3A_588 = arith.mulf %get3A_585, %mul3A_587 : vector<16xf32>
        %add3A_589 = arith.constant 80 : i32
        %add3A_590 = arith.addi %add3A_589, %add3A_543 : i32
        %get3A_591 = arith.index_cast %add3A_590 : i32 to index
        %get3A_592 = arith.constant 32 : index
        %get3A_593 = tpu.vector_load %arg7[%get3A_591, %get3A_592] {strides = array<i32>} : memref<200x128xf32, #tpu.memory_space<vmem>>, vector<1x16xf32>,
        %get3A_594 = vector.shape_cast %get3A_593 : vector<1x16xf32> to vector<16xf32>
        %add3A_595 = arith.addf %mul3A_588, %get3A_594 : vector<16xf32>
        %swap3A_596 = arith.index_cast %add3A_543 : i32 to index
        %swap3A_597 = arith.constant 32 : index
        %swap3A_598 = tpu.vector_load %arg15[%swap3A_596, %swap3A_597] {strides = array<i32>} : memref<40x128xf32, #tpu.memory_space<vmem>>, vector<1x16xf32>,
        %swap3A_599 = vector.shape_cast %swap3A_598 : vector<1x16xf32> to vector<16xf32>
        %swap3A_600 = vector.shape_cast %add3A_595 : vector<16xf32> to vector<1x16xf32>
        tpu.vector_store %arg15[%swap3A_596, %swap3A_597], %swap3A_600 {strides = array<i32>} : memref<40x128xf32, #tpu.memory_space<vmem>>, vector<1x16xf32>,
        %get3A_601 = arith.index_cast %add3A_543 : i32 to index
        %get3A_602 = arith.constant 48 : index
        %get3A_603 = tpu.vector_load %arg10[%get3A_601, %get3A_602] {strides = array<i32>} : memref<40x128xf32, #tpu.memory_space<vmem>>, vector<1x16xf32>,
        %get3A_604 = vector.shape_cast %get3A_603 : vector<1x16xf32> to vector<16xf32>
        %mul3A_605 = arith.constant 11.3137083 : f32
        %mul3A_606 = vector.broadcast %mul3A_605 : f32 to vector<16xf32>
        %mul3A_607 = arith.mulf %get3A_604, %mul3A_606 : vector<16xf32>
        %add3A_608 = arith.constant 80 : i32
        %add3A_609 = arith.addi %add3A_608, %add3A_543 : i32
        %get3A_610 = arith.index_cast %add3A_609 : i32 to index
        %get3A_611 = arith.constant 48 : index
        %get3A_612 = tpu.vector_load %arg7[%get3A_610, %get3A_611] {strides = array<i32>} : memref<200x128xf32, #tpu.memory_space<vmem>>, vector<1x16xf32>,
        %get3A_613 = vector.shape_cast %get3A_612 : vector<1x16xf32> to vector<16xf32>
        %add3A_614 = arith.addf %mul3A_607, %get3A_613 : vector<16xf32>
        %swap3A_615 = arith.index_cast %add3A_543 : i32 to index
        %swap3A_616 = arith.constant 48 : index
        %swap3A_617 = tpu.vector_load %arg15[%swap3A_615, %swap3A_616] {strides = array<i32>} : memref<40x128xf32, #tpu.memory_space<vmem>>, vector<1x16xf32>,
        %swap3A_618 = vector.shape_cast %swap3A_617 : vector<1x16xf32> to vector<16xf32>
        %swap3A_619 = vector.shape_cast %add3A_614 : vector<16xf32> to vector<1x16xf32>
        tpu.vector_store %arg15[%swap3A_615, %swap3A_616], %swap3A_619 {strides = array<i32>} : memref<40x128xf32, #tpu.memory_space<vmem>>, vector<1x16xf32>,
        %get3A_620 = arith.index_cast %add3A_543 : i32 to index
        %get3A_621 = arith.constant 64 : index
        %get3A_622 = tpu.vector_load %arg10[%get3A_620, %get3A_621] {strides = array<i32>} : memref<40x128xf32, #tpu.memory_space<vmem>>, vector<1x16xf32>,
        %get3A_623 = vector.shape_cast %get3A_622 : vector<1x16xf32> to vector<16xf32>
        %mul3A_624 = arith.constant 11.3137083 : f32
        %mul3A_625 = vector.broadcast %mul3A_624 : f32 to vector<16xf32>
        %mul3A_626 = arith.mulf %get3A_623, %mul3A_625 : vector<16xf32>
        %add3A_627 = arith.constant 80 : i32
        %add3A_628 = arith.addi %add3A_627, %add3A_543 : i32
        %get3A_629 = arith.index_cast %add3A_628 : i32 to index
        %get3A_630 = arith.constant 64 : index
        %get3A_631 = tpu.vector_load %arg7[%get3A_629, %get3A_630] {strides = array<i32>} : memref<200x128xf32, #tpu.memory_space<vmem>>, vector<1x16xf32>,
        %get3A_632 = vector.shape_cast %get3A_631 : vector<1x16xf32> to vector<16xf32>
        %add3A_633 = arith.addf %mul3A_626, %get3A_632 : vector<16xf32>
        %swap3A_634 = arith.index_cast %add3A_543 : i32 to index
        %swap3A_635 = arith.constant 64 : index
        %swap3A_636 = tpu.vector_load %arg15[%swap3A_634, %swap3A_635] {strides = array<i32>} : memref<40x128xf32, #tpu.memory_space<vmem>>, vector<1x16xf32>,
        %swap3A_637 = vector.shape_cast %swap3A_636 : vector<1x16xf32> to vector<16xf32>
        %swap3A_638 = vector.shape_cast %add3A_633 : vector<16xf32> to vector<1x16xf32>
        tpu.vector_store %arg15[%swap3A_634, %swap3A_635], %swap3A_638 {strides = array<i32>} : memref<40x128xf32, #tpu.memory_space<vmem>>, vector<1x16xf32>,
        %get3A_639 = arith.index_cast %add3A_543 : i32 to index
        %get3A_640 = arith.constant 80 : index
        %get3A_641 = tpu.vector_load %arg10[%get3A_639, %get3A_640] {strides = array<i32>} : memref<40x128xf32, #tpu.memory_space<vmem>>, vector<1x16xf32>,
        %get3A_642 = vector.shape_cast %get3A_641 : vector<1x16xf32> to vector<16xf32>
        %mul3A_643 = arith.constant 11.3137083 : f32
        %mul3A_644 = vector.broadcast %mul3A_643 : f32 to vector<16xf32>
        %mul3A_645 = arith.mulf %get3A_642, %mul3A_644 : vector<16xf32>
        %add3A_646 = arith.constant 80 : i32
        %add3A_647 = arith.addi %add3A_646, %add3A_543 : i32
        %get3A_648 = arith.index_cast %add3A_647 : i32 to index
        %get3A_649 = arith.constant 80 : index
        %get3A_650 = tpu.vector_load %arg7[%get3A_648, %get3A_649] {strides = array<i32>} : memref<200x128xf32, #tpu.memory_space<vmem>>, vector<1x16xf32>,
        %get3A_651 = vector.shape_cast %get3A_650 : vector<1x16xf32> to vector<16xf32>
        %add3A_652 = arith.addf %mul3A_645, %get3A_651 : vector<16xf32>
        %swap3A_653 = arith.index_cast %add3A_543 : i32 to index
        %swap3A_654 = arith.constant 80 : index
        %swap3A_655 = tpu.vector_load %arg15[%swap3A_653, %swap3A_654] {strides = array<i32>} : memref<40x128xf32, #tpu.memory_space<vmem>>, vector<1x16xf32>,
        %swap3A_656 = vector.shape_cast %swap3A_655 : vector<1x16xf32> to vector<16xf32>
        %swap3A_657 = vector.shape_cast %add3A_652 : vector<16xf32> to vector<1x16xf32>
        tpu.vector_store %arg15[%swap3A_653, %swap3A_654], %swap3A_657 {strides = array<i32>} : memref<40x128xf32, #tpu.memory_space<vmem>>, vector<1x16xf32>,
        %get3A_658 = arith.index_cast %add3A_543 : i32 to index
        %get3A_659 = arith.constant 96 : index
        %get3A_660 = tpu.vector_load %arg10[%get3A_658, %get3A_659] {strides = array<i32>} : memref<40x128xf32, #tpu.memory_space<vmem>>, vector<1x16xf32>,
        %get3A_661 = vector.shape_cast %get3A_660 : vector<1x16xf32> to vector<16xf32>
        %mul3A_662 = arith.constant 11.3137083 : f32
        %mul3A_663 = vector.broadcast %mul3A_662 : f32 to vector<16xf32>
        %mul3A_664 = arith.mulf %get3A_661, %mul3A_663 : vector<16xf32>
        %add3A_665 = arith.constant 80 : i32
        %add3A_666 = arith.addi %add3A_665, %add3A_543 : i32
        %get3A_667 = arith.index_cast %add3A_666 : i32 to index
        %get3A_668 = arith.constant 96 : index
        %get3A_669 = tpu.vector_load %arg7[%get3A_667, %get3A_668] {strides = array<i32>} : memref<200x128xf32, #tpu.memory_space<vmem>>, vector<1x16xf32>,
        %get3A_670 = vector.shape_cast %get3A_669 : vector<1x16xf32> to vector<16xf32>
        %add3A_671 = arith.addf %mul3A_664, %get3A_670 : vector<16xf32>
        %swap3A_672 = arith.index_cast %add3A_543 : i32 to index
        %swap3A_673 = arith.constant 96 : index
        %swap3A_674 = tpu.vector_load %arg15[%swap3A_672, %swap3A_673] {strides = array<i32>} : memref<40x128xf32, #tpu.memory_space<vmem>>, vector<1x16xf32>,
        %swap3A_675 = vector.shape_cast %swap3A_674 : vector<1x16xf32> to vector<16xf32>
        %swap3A_676 = vector.shape_cast %add3A_671 : vector<16xf32> to vector<1x16xf32>
        tpu.vector_store %arg15[%swap3A_672, %swap3A_673], %swap3A_676 {strides = array<i32>} : memref<40x128xf32, #tpu.memory_space<vmem>>, vector<1x16xf32>,
        %get3A_677 = arith.index_cast %add3A_543 : i32 to index
        %get3A_678 = arith.constant 112 : index
        %get3A_679 = tpu.vector_load %arg10[%get3A_677, %get3A_678] {strides = array<i32>} : memref<40x128xf32, #tpu.memory_space<vmem>>, vector<1x16xf32>,
        %get3A_680 = vector.shape_cast %get3A_679 : vector<1x16xf32> to vector<16xf32>
        %mul3A_681 = arith.constant 11.3137083 : f32
        %mul3A_682 = vector.broadcast %mul3A_681 : f32 to vector<16xf32>
        %mul3A_683 = arith.mulf %get3A_680, %mul3A_682 : vector<16xf32>
        %add3A_684 = arith.constant 80 : i32
        %add3A_685 = arith.addi %add3A_684, %add3A_543 : i32
        %get3A_686 = arith.index_cast %add3A_685 : i32 to index
        %get3A_687 = arith.constant 112 : index
        %get3A_688 = tpu.vector_load %arg7[%get3A_686, %get3A_687] {strides = array<i32>} : memref<200x128xf32, #tpu.memory_space<vmem>>, vector<1x16xf32>,
        %get3A_689 = vector.shape_cast %get3A_688 : vector<1x16xf32> to vector<16xf32>
        %add3A_690 = arith.addf %mul3A_683, %get3A_689 : vector<16xf32>
        %swap3A_691 = arith.index_cast %add3A_543 : i32 to index
        %swap3A_692 = arith.constant 112 : index
        %swap3A_693 = tpu.vector_load %arg15[%swap3A_691, %swap3A_692] {strides = array<i32>} : memref<40x128xf32, #tpu.memory_space<vmem>>, vector<1x16xf32>,
        %swap3A_694 = vector.shape_cast %swap3A_693 : vector<1x16xf32> to vector<16xf32>
        %swap3A_695 = vector.shape_cast %add3A_690 : vector<16xf32> to vector<1x16xf32>
        tpu.vector_store %arg15[%swap3A_691, %swap3A_692], %swap3A_695 {strides = array<i32>} : memref<40x128xf32, #tpu.memory_space<vmem>>, vector<1x16xf32>,
        %mul3A_696 = arith.constant 4 : i32
        %mul3A_697 = arith.muli %mul3A_696, %scan3A_229 : i32
        %add3A_698 = arith.constant 3 : i32
        %add3A_699 = arith.addi %mul3A_697, %add3A_698 : i32
        %get3A_700 = arith.index_cast %add3A_699 : i32 to index
        %get3A_701 = arith.constant 0 : index
        %get3A_702 = tpu.vector_load %arg10[%get3A_700, %get3A_701] {strides = array<i32>} : memref<40x128xf32, #tpu.memory_space<vmem>>, vector<1x16xf32>,
        %get3A_703 = vector.shape_cast %get3A_702 : vector<1x16xf32> to vector<16xf32>
        %mul3A_704 = arith.constant 11.3137083 : f32
        %mul3A_705 = vector.broadcast %mul3A_704 : f32 to vector<16xf32>
        %mul3A_706 = arith.mulf %get3A_703, %mul3A_705 : vector<16xf32>
        %add3A_707 = arith.constant 80 : i32
        %add3A_708 = arith.addi %add3A_707, %add3A_699 : i32
        %get3A_709 = arith.index_cast %add3A_708 : i32 to index
        %get3A_710 = arith.constant 0 : index
        %get3A_711 = tpu.vector_load %arg7[%get3A_709, %get3A_710] {strides = array<i32>} : memref<200x128xf32, #tpu.memory_space<vmem>>, vector<1x16xf32>,
        %get3A_712 = vector.shape_cast %get3A_711 : vector<1x16xf32> to vector<16xf32>
        %add3A_713 = arith.addf %mul3A_706, %get3A_712 : vector<16xf32>
        %swap3A_714 = arith.index_cast %add3A_699 : i32 to index
        %swap3A_715 = arith.constant 0 : index
        %swap3A_716 = tpu.vector_load %arg15[%swap3A_714, %swap3A_715] {strides = array<i32>} : memref<40x128xf32, #tpu.memory_space<vmem>>, vector<1x16xf32>,
        %swap3A_717 = vector.shape_cast %swap3A_716 : vector<1x16xf32> to vector<16xf32>
        %swap3A_718 = vector.shape_cast %add3A_713 : vector<16xf32> to vector<1x16xf32>
        tpu.vector_store %arg15[%swap3A_714, %swap3A_715], %swap3A_718 {strides = array<i32>} : memref<40x128xf32, #tpu.memory_space<vmem>>, vector<1x16xf32>,
        %get3A_719 = arith.index_cast %add3A_699 : i32 to index
        %get3A_720 = arith.constant 16 : index
        %get3A_721 = tpu.vector_load %arg10[%get3A_719, %get3A_720] {strides = array<i32>} : memref<40x128xf32, #tpu.memory_space<vmem>>, vector<1x16xf32>,
        %get3A_722 = vector.shape_cast %get3A_721 : vector<1x16xf32> to vector<16xf32>
        %mul3A_723 = arith.constant 11.3137083 : f32
        %mul3A_724 = vector.broadcast %mul3A_723 : f32 to vector<16xf32>
        %mul3A_725 = arith.mulf %get3A_722, %mul3A_724 : vector<16xf32>
        %add3A_726 = arith.constant 80 : i32
        %add3A_727 = arith.addi %add3A_726, %add3A_699 : i32
        %get3A_728 = arith.index_cast %add3A_727 : i32 to index
        %get3A_729 = arith.constant 16 : index
        %get3A_730 = tpu.vector_load %arg7[%get3A_728, %get3A_729] {strides = array<i32>} : memref<200x128xf32, #tpu.memory_space<vmem>>, vector<1x16xf32>,
        %get3A_731 = vector.shape_cast %get3A_730 : vector<1x16xf32> to vector<16xf32>
        %add3A_732 = arith.addf %mul3A_725, %get3A_731 : vector<16xf32>
        %swap3A_733 = arith.index_cast %add3A_699 : i32 to index
        %swap3A_734 = arith.constant 16 : index
        %swap3A_735 = tpu.vector_load %arg15[%swap3A_733, %swap3A_734] {strides = array<i32>} : memref<40x128xf32, #tpu.memory_space<vmem>>, vector<1x16xf32>,
        %swap3A_736 = vector.shape_cast %swap3A_735 : vector<1x16xf32> to vector<16xf32>
        %swap3A_737 = vector.shape_cast %add3A_732 : vector<16xf32> to vector<1x16xf32>
        tpu.vector_store %arg15[%swap3A_733, %swap3A_734], %swap3A_737 {strides = array<i32>} : memref<40x128xf32, #tpu.memory_space<vmem>>, vector<1x16xf32>,
        %get3A_738 = arith.index_cast %add3A_699 : i32 to index
        %get3A_739 = arith.constant 32 : index
        %get3A_740 = tpu.vector_load %arg10[%get3A_738, %get3A_739] {strides = array<i32>} : memref<40x128xf32, #tpu.memory_space<vmem>>, vector<1x16xf32>,
        %get3A_741 = vector.shape_cast %get3A_740 : vector<1x16xf32> to vector<16xf32>
        %mul3A_742 = arith.constant 11.3137083 : f32
        %mul3A_743 = vector.broadcast %mul3A_742 : f32 to vector<16xf32>
        %mul3A_744 = arith.mulf %get3A_741, %mul3A_743 : vector<16xf32>
        %add3A_745 = arith.constant 80 : i32
        %add3A_746 = arith.addi %add3A_745, %add3A_699 : i32
        %get3A_747 = arith.index_cast %add3A_746 : i32 to index
        %get3A_748 = arith.constant 32 : index
        %get3A_749 = tpu.vector_load %arg7[%get3A_747, %get3A_748] {strides = array<i32>} : memref<200x128xf32, #tpu.memory_space<vmem>>, vector<1x16xf32>,
        %get3A_750 = vector.shape_cast %get3A_749 : vector<1x16xf32> to vector<16xf32>
        %add3A_751 = arith.addf %mul3A_744, %get3A_750 : vector<16xf32>
        %swap3A_752 = arith.index_cast %add3A_699 : i32 to index
        %swap3A_753 = arith.constant 32 : index
        %swap3A_754 = tpu.vector_load %arg15[%swap3A_752, %swap3A_753] {strides = array<i32>} : memref<40x128xf32, #tpu.memory_space<vmem>>, vector<1x16xf32>,
        %swap3A_755 = vector.shape_cast %swap3A_754 : vector<1x16xf32> to vector<16xf32>
        %swap3A_756 = vector.shape_cast %add3A_751 : vector<16xf32> to vector<1x16xf32>
        tpu.vector_store %arg15[%swap3A_752, %swap3A_753], %swap3A_756 {strides = array<i32>} : memref<40x128xf32, #tpu.memory_space<vmem>>, vector<1x16xf32>,
        %get3A_757 = arith.index_cast %add3A_699 : i32 to index
        %get3A_758 = arith.constant 48 : index
        %get3A_759 = tpu.vector_load %arg10[%get3A_757, %get3A_758] {strides = array<i32>} : memref<40x128xf32, #tpu.memory_space<vmem>>, vector<1x16xf32>,
        %get3A_760 = vector.shape_cast %get3A_759 : vector<1x16xf32> to vector<16xf32>
        %mul3A_761 = arith.constant 11.3137083 : f32
        %mul3A_762 = vector.broadcast %mul3A_761 : f32 to vector<16xf32>
        %mul3A_763 = arith.mulf %get3A_760, %mul3A_762 : vector<16xf32>
        %add3A_764 = arith.constant 80 : i32
        %add3A_765 = arith.addi %add3A_764, %add3A_699 : i32
        %get3A_766 = arith.index_cast %add3A_765 : i32 to index
        %get3A_767 = arith.constant 48 : index
        %get3A_768 = tpu.vector_load %arg7[%get3A_766, %get3A_767] {strides = array<i32>} : memref<200x128xf32, #tpu.memory_space<vmem>>, vector<1x16xf32>,
        %get3A_769 = vector.shape_cast %get3A_768 : vector<1x16xf32> to vector<16xf32>
        %add3A_770 = arith.addf %mul3A_763, %get3A_769 : vector<16xf32>
        %swap3A_771 = arith.index_cast %add3A_699 : i32 to index
        %swap3A_772 = arith.constant 48 : index
        %swap3A_773 = tpu.vector_load %arg15[%swap3A_771, %swap3A_772] {strides = array<i32>} : memref<40x128xf32, #tpu.memory_space<vmem>>, vector<1x16xf32>,
        %swap3A_774 = vector.shape_cast %swap3A_773 : vector<1x16xf32> to vector<16xf32>
        %swap3A_775 = vector.shape_cast %add3A_770 : vector<16xf32> to vector<1x16xf32>
        tpu.vector_store %arg15[%swap3A_771, %swap3A_772], %swap3A_775 {strides = array<i32>} : memref<40x128xf32, #tpu.memory_space<vmem>>, vector<1x16xf32>,
        %get3A_776 = arith.index_cast %add3A_699 : i32 to index
        %get3A_777 = arith.constant 64 : index
        %get3A_778 = tpu.vector_load %arg10[%get3A_776, %get3A_777] {strides = array<i32>} : memref<40x128xf32, #tpu.memory_space<vmem>>, vector<1x16xf32>,
        %get3A_779 = vector.shape_cast %get3A_778 : vector<1x16xf32> to vector<16xf32>
        %mul3A_780 = arith.constant 11.3137083 : f32
        %mul3A_781 = vector.broadcast %mul3A_780 : f32 to vector<16xf32>
        %mul3A_782 = arith.mulf %get3A_779, %mul3A_781 : vector<16xf32>
        %add3A_783 = arith.constant 80 : i32
        %add3A_784 = arith.addi %add3A_783, %add3A_699 : i32
        %get3A_785 = arith.index_cast %add3A_784 : i32 to index
        %get3A_786 = arith.constant 64 : index
        %get3A_787 = tpu.vector_load %arg7[%get3A_785, %get3A_786] {strides = array<i32>} : memref<200x128xf32, #tpu.memory_space<vmem>>, vector<1x16xf32>,
        %get3A_788 = vector.shape_cast %get3A_787 : vector<1x16xf32> to vector<16xf32>
        %add3A_789 = arith.addf %mul3A_782, %get3A_788 : vector<16xf32>
        %swap3A_790 = arith.index_cast %add3A_699 : i32 to index
        %swap3A_791 = arith.constant 64 : index
        %swap3A_792 = tpu.vector_load %arg15[%swap3A_790, %swap3A_791] {strides = array<i32>} : memref<40x128xf32, #tpu.memory_space<vmem>>, vector<1x16xf32>,
        %swap3A_793 = vector.shape_cast %swap3A_792 : vector<1x16xf32> to vector<16xf32>
        %swap3A_794 = vector.shape_cast %add3A_789 : vector<16xf32> to vector<1x16xf32>
        tpu.vector_store %arg15[%swap3A_790, %swap3A_791], %swap3A_794 {strides = array<i32>} : memref<40x128xf32, #tpu.memory_space<vmem>>, vector<1x16xf32>,
        %get3A_795 = arith.index_cast %add3A_699 : i32 to index
        %get3A_796 = arith.constant 80 : index
        %get3A_797 = tpu.vector_load %arg10[%get3A_795, %get3A_796] {strides = array<i32>} : memref<40x128xf32, #tpu.memory_space<vmem>>, vector<1x16xf32>,
        %get3A_798 = vector.shape_cast %get3A_797 : vector<1x16xf32> to vector<16xf32>
        %mul3A_799 = arith.constant 11.3137083 : f32
        %mul3A_800 = vector.broadcast %mul3A_799 : f32 to vector<16xf32>
        %mul3A_801 = arith.mulf %get3A_798, %mul3A_800 : vector<16xf32>
        %add3A_802 = arith.constant 80 : i32
        %add3A_803 = arith.addi %add3A_802, %add3A_699 : i32
        %get3A_804 = arith.index_cast %add3A_803 : i32 to index
        %get3A_805 = arith.constant 80 : index
        %get3A_806 = tpu.vector_load %arg7[%get3A_804, %get3A_805] {strides = array<i32>} : memref<200x128xf32, #tpu.memory_space<vmem>>, vector<1x16xf32>,
        %get3A_807 = vector.shape_cast %get3A_806 : vector<1x16xf32> to vector<16xf32>
        %add3A_808 = arith.addf %mul3A_801, %get3A_807 : vector<16xf32>
        %swap3A_809 = arith.index_cast %add3A_699 : i32 to index
        %swap3A_810 = arith.constant 80 : index
        %swap3A_811 = tpu.vector_load %arg15[%swap3A_809, %swap3A_810] {strides = array<i32>} : memref<40x128xf32, #tpu.memory_space<vmem>>, vector<1x16xf32>,
        %swap3A_812 = vector.shape_cast %swap3A_811 : vector<1x16xf32> to vector<16xf32>
        %swap3A_813 = vector.shape_cast %add3A_808 : vector<16xf32> to vector<1x16xf32>
        tpu.vector_store %arg15[%swap3A_809, %swap3A_810], %swap3A_813 {strides = array<i32>} : memref<40x128xf32, #tpu.memory_space<vmem>>, vector<1x16xf32>,
        %get3A_814 = arith.index_cast %add3A_699 : i32 to index
        %get3A_815 = arith.constant 96 : index
        %get3A_816 = tpu.vector_load %arg10[%get3A_814, %get3A_815] {strides = array<i32>} : memref<40x128xf32, #tpu.memory_space<vmem>>, vector<1x16xf32>,
        %get3A_817 = vector.shape_cast %get3A_816 : vector<1x16xf32> to vector<16xf32>
        %mul3A_818 = arith.constant 11.3137083 : f32
        %mul3A_819 = vector.broadcast %mul3A_818 : f32 to vector<16xf32>
        %mul3A_820 = arith.mulf %get3A_817, %mul3A_819 : vector<16xf32>
        %add3A_821 = arith.constant 80 : i32
        %add3A_822 = arith.addi %add3A_821, %add3A_699 : i32
        %get3A_823 = arith.index_cast %add3A_822 : i32 to index
        %get3A_824 = arith.constant 96 : index
        %get3A_825 = tpu.vector_load %arg7[%get3A_823, %get3A_824] {strides = array<i32>} : memref<200x128xf32, #tpu.memory_space<vmem>>, vector<1x16xf32>,
        %get3A_826 = vector.shape_cast %get3A_825 : vector<1x16xf32> to vector<16xf32>
        %add3A_827 = arith.addf %mul3A_820, %get3A_826 : vector<16xf32>
        %swap3A_828 = arith.index_cast %add3A_699 : i32 to index
        %swap3A_829 = arith.constant 96 : index
        %swap3A_830 = tpu.vector_load %arg15[%swap3A_828, %swap3A_829] {strides = array<i32>} : memref<40x128xf32, #tpu.memory_space<vmem>>, vector<1x16xf32>,
        %swap3A_831 = vector.shape_cast %swap3A_830 : vector<1x16xf32> to vector<16xf32>
        %swap3A_832 = vector.shape_cast %add3A_827 : vector<16xf32> to vector<1x16xf32>
        tpu.vector_store %arg15[%swap3A_828, %swap3A_829], %swap3A_832 {strides = array<i32>} : memref<40x128xf32, #tpu.memory_space<vmem>>, vector<1x16xf32>,
        %get3A_833 = arith.index_cast %add3A_699 : i32 to index
        %get3A_834 = arith.constant 112 : index
        %get3A_835 = tpu.vector_load %arg10[%get3A_833, %get3A_834] {strides = array<i32>} : memref<40x128xf32, #tpu.memory_space<vmem>>, vector<1x16xf32>,
        %get3A_836 = vector.shape_cast %get3A_835 : vector<1x16xf32> to vector<16xf32>
        %mul3A_837 = arith.constant 11.3137083 : f32
        %mul3A_838 = vector.broadcast %mul3A_837 : f32 to vector<16xf32>
        %mul3A_839 = arith.mulf %get3A_836, %mul3A_838 : vector<16xf32>
        %add3A_840 = arith.constant 80 : i32
        %add3A_841 = arith.addi %add3A_840, %add3A_699 : i32
        %get3A_842 = arith.index_cast %add3A_841 : i32 to index
        %get3A_843 = arith.constant 112 : index
        %get3A_844 = tpu.vector_load %arg7[%get3A_842, %get3A_843] {strides = array<i32>} : memref<200x128xf32, #tpu.memory_space<vmem>>, vector<1x16xf32>,
        %get3A_845 = vector.shape_cast %get3A_844 : vector<1x16xf32> to vector<16xf32>
        %add3A_846 = arith.addf %mul3A_839, %get3A_845 : vector<16xf32>
        %swap3A_847 = arith.index_cast %add3A_699 : i32 to index
        %swap3A_848 = arith.constant 112 : index
        %swap3A_849 = tpu.vector_load %arg15[%swap3A_847, %swap3A_848] {strides = array<i32>} : memref<40x128xf32, #tpu.memory_space<vmem>>, vector<1x16xf32>,
        %swap3A_850 = vector.shape_cast %swap3A_849 : vector<1x16xf32> to vector<16xf32>
        %swap3A_851 = vector.shape_cast %add3A_846 : vector<16xf32> to vector<1x16xf32>
        tpu.vector_store %arg15[%swap3A_847, %swap3A_848], %swap3A_851 {strides = array<i32>} : memref<40x128xf32, #tpu.memory_space<vmem>>, vector<1x16xf32>,
      }
      %scan3A_157 = arith.constant 10 : i32
      %lt3A_158 = arith.constant 127 : i32
      %lt3A_159 = arith.cmpi slt, %scan3A_83, %lt3A_158 : i32
      %convert_element_type3A_160 = arith.extui %lt3A_159 : i1 to i32
      %cond3A_161 = arith.constant 0 : i32
      %cond3A_162 = arith.cmpi ne, %convert_element_type3A_160, %cond3A_161 : i32
      scf.if %cond3A_162 {
        %add3A_229 = arith.constant 1 : i32
        %add3A_230 = arith.addi %scan3A_83, %add3A_229 : i32
        %mul3A_231 = arith.constant 5 : i32
        %mul3A_232 = arith.muli %mul3A_231, %add3A_230 : i32
        %add3A_233 = arith.constant 2 : i32
        %add3A_234 = arith.addi %mul3A_232, %add3A_233 : i32
        %ge3A = arith.constant 63 : i32
        %ge3A_235 = arith.cmpi sge, %scan3A_83, %ge3A : i32
        %jit3A = arith.constant 320 : i32
        %jit3A_236 = arith.constant 0 : i32
        %select_n3A = arith.select %ge3A_235, %jit3A, %jit3A_236 : i32
        %sub3A = arith.subi %add3A_234, %select_n3A : i32
        %dma_start3A_237 = arith.constant 0 : i32
        %dma_start3A_238 = tpu.memref_slice %arg6[%sub3A, %dma_start3A_237] : memref<320x40xi32, #tpu.memory_space<vmem>> -> memref<1x40xi32, #tpu.memory_space<vmem>>
        %dma_start3A_239 = tpu.memref_squeeze %dma_start3A_238 : memref<1x40xi32, #tpu.memory_space<vmem>> -> memref<40xi32, #tpu.memory_space<vmem>>
        %dma_start3A_240 = arith.constant 0 : i32
        %dma_start3A_241 = arith.constant 0 : i32
        %dma_start3A_242 = tpu.memref_slice %arg3[%dma_start3A_240, %dma_start3A_241] : memref<100000x128xf32, #tpu.memory_space<hbm>> -> memref<100000x128xf32, #tpu.memory_space<hbm>>
        tpu.enqueue_indirect_dma source(%dma_start3A_242 : memref<100000x128xf32, #tpu.memory_space<hbm>>) target(%arg10 : memref<40x128xf32, #tpu.memory_space<vmem>>) offsets(%dma_start3A_239 : memref<40xi32, #tpu.memory_space<vmem>>) semaphore(%arg20 : memref<!tpu.dma_semaphore, #tpu.memory_space<semaphore_mem>>)
      } else {
      }
      %dma_start3A_163 = arith.constant 80 : i32
      %dma_start3A_164 = arith.constant 0 : i32
      %dma_start3A_165 = tpu.memref_slice %arg5[%add3A_84, %dma_start3A_163, %dma_start3A_164] : memref<4096x200x128xf32, #tpu.memory_space<hbm>> -> memref<1x40x128xf32, #tpu.memory_space<hbm>>
      %dma_start3A_166 = tpu.memref_squeeze %dma_start3A_165 : memref<1x40x128xf32, #tpu.memory_space<hbm>> -> memref<40x128xf32, #tpu.memory_space<hbm>>
      %dma_start3A_167 = arith.constant 80 : i32
      %dma_start3A_168 = arith.constant 0 : i32
      %dma_start3A_169 = tpu.memref_slice %arg5[%add3A_84, %dma_start3A_167, %dma_start3A_168] : memref<4096x200x128xf32, #tpu.memory_space<hbm>> -> memref<1x40x128xf32, #tpu.memory_space<hbm>>
      %dma_start3A_170 = tpu.memref_squeeze %dma_start3A_169 : memref<1x40x128xf32, #tpu.memory_space<hbm>> -> memref<40x128xf32, #tpu.memory_space<hbm>>
      tpu.enqueue_dma source(%arg15 : memref<40x128xf32, #tpu.memory_space<vmem>>) target(%dma_start3A_170 : memref<40x128xf32, #tpu.memory_space<hbm>>) target_semaphore(%arg25 : memref<!tpu.dma_semaphore, #tpu.memory_space<semaphore_mem>>)
      %ne3A_171 = arith.constant 63 : i32
      %ne3A_172 = arith.cmpi ne, %scan3A_83, %ne3A_171 : i32
      %convert_element_type3A_173 = arith.extui %ne3A_172 : i1 to i32
      %cond3A_174 = arith.constant 0 : i32
      %cond3A_175 = arith.cmpi ne, %convert_element_type3A_173, %cond3A_174 : i32
      scf.if %cond3A_175 {
        %dma_wait3A_229 = arith.constant 120 : i32
        %dma_wait3A_230 = arith.constant 0 : i32
        %dma_wait3A_231 = tpu.memref_slice %arg5[%mul3A_2, %dma_wait3A_229, %dma_wait3A_230] : memref<4096x200x128xf32, #tpu.memory_space<hbm>> -> memref<1x40x128xf32, #tpu.memory_space<hbm>>
        %dma_wait3A_232 = tpu.memref_squeeze %dma_wait3A_231 : memref<1x40x128xf32, #tpu.memory_space<hbm>> -> memref<40x128xf32, #tpu.memory_space<hbm>>
        %dma_wait3A_233 = arith.constant 120 : i32
        %dma_wait3A_234 = arith.constant 0 : i32
        %dma_wait3A_235 = tpu.memref_slice %arg5[%mul3A_2, %dma_wait3A_233, %dma_wait3A_234] : memref<4096x200x128xf32, #tpu.memory_space<hbm>> -> memref<1x40x128xf32, #tpu.memory_space<hbm>>
        %dma_wait3A_236 = tpu.memref_squeeze %dma_wait3A_235 : memref<1x40x128xf32, #tpu.memory_space<hbm>> -> memref<40x128xf32, #tpu.memory_space<hbm>>
        tpu.wait_dma2 semaphore(%arg21 : memref<!tpu.dma_semaphore, #tpu.memory_space<semaphore_mem>>) src(%dma_wait3A_236 : memref<40x128xf32, #tpu.memory_space<hbm>>) dst(%arg11 : memref<40x128xf32, #tpu.memory_space<vmem>>)
      } else {
      }
      %gt3A_176 = arith.constant 0 : i32
      %gt3A_177 = arith.cmpi sgt, %scan3A_83, %gt3A_176 : i32
      %convert_element_type3A_178 = arith.extui %gt3A_177 : i1 to i32
      %cond3A_179 = arith.constant 0 : i32
      %cond3A_180 = arith.cmpi ne, %convert_element_type3A_178, %cond3A_179 : i32
      scf.if %cond3A_180 {
        %dma_wait3A_229 = arith.constant 120 : i32
        %dma_wait3A_230 = arith.constant 0 : i32
        %dma_wait3A_231 = tpu.memref_slice %arg5[%mul3A_2, %dma_wait3A_229, %dma_wait3A_230] : memref<4096x200x128xf32, #tpu.memory_space<hbm>> -> memref<1x40x128xf32, #tpu.memory_space<hbm>>
        %dma_wait3A_232 = tpu.memref_squeeze %dma_wait3A_231 : memref<1x40x128xf32, #tpu.memory_space<hbm>> -> memref<40x128xf32, #tpu.memory_space<hbm>>
        %dma_wait3A_233 = arith.constant 120 : i32
        %dma_wait3A_234 = arith.constant 0 : i32
        %dma_wait3A_235 = tpu.memref_slice %arg5[%mul3A_2, %dma_wait3A_233, %dma_wait3A_234] : memref<4096x200x128xf32, #tpu.memory_space<hbm>> -> memref<1x40x128xf32, #tpu.memory_space<hbm>>
        %dma_wait3A_236 = tpu.memref_squeeze %dma_wait3A_235 : memref<1x40x128xf32, #tpu.memory_space<hbm>> -> memref<40x128xf32, #tpu.memory_space<hbm>>
        tpu.wait_dma2 semaphore(%arg26 : memref<!tpu.dma_semaphore, #tpu.memory_space<semaphore_mem>>) src(%arg16 : memref<40x128xf32, #tpu.memory_space<vmem>>) dst(%dma_wait3A_236 : memref<40x128xf32, #tpu.memory_space<hbm>>)
      } else {
      }
      %scan3A_181 = arith.constant 0 : i32
      %scan3A_182 = arith.constant 0 : i32
      %scan3A_183 = arith.constant 10 : i32
      %scan3A_184 = arith.addi %scan3A_182, %scan3A_183 : i32
      %scan3A_185 = arith.constant 1 : i32
      scf.for %scan3A_229 = %scan3A_182 to %scan3A_184 step %scan3A_185  : i32 {
        %mul3A_230 = arith.constant 4 : i32
        %mul3A_231 = arith.muli %mul3A_230, %scan3A_229 : i32
        %add3A_232 = arith.constant 0 : i32
        %add3A_233 = arith.addi %mul3A_231, %add3A_232 : i32
        %get3A = arith.index_cast %add3A_233 : i32 to index
        %get3A_234 = arith.constant 0 : index
        %get3A_235 = tpu.vector_load %arg11[%get3A, %get3A_234] {strides = array<i32>} : memref<40x128xf32, #tpu.memory_space<vmem>>, vector<1x16xf32>,
        %get3A_236 = vector.shape_cast %get3A_235 : vector<1x16xf32> to vector<16xf32>
        %mul3A_237 = arith.constant 11.3137083 : f32
        %mul3A_238 = vector.broadcast %mul3A_237 : f32 to vector<16xf32>
        %mul3A_239 = arith.mulf %get3A_236, %mul3A_238 : vector<16xf32>
        %add3A_240 = arith.constant 120 : i32
        %add3A_241 = arith.addi %add3A_240, %add3A_233 : i32
        %get3A_242 = arith.index_cast %add3A_241 : i32 to index
        %get3A_243 = arith.constant 0 : index
        %get3A_244 = tpu.vector_load %arg7[%get3A_242, %get3A_243] {strides = array<i32>} : memref<200x128xf32, #tpu.memory_space<vmem>>, vector<1x16xf32>,
        %get3A_245 = vector.shape_cast %get3A_244 : vector<1x16xf32> to vector<16xf32>
        %add3A_246 = arith.addf %mul3A_239, %get3A_245 : vector<16xf32>
        %swap3A = arith.index_cast %add3A_233 : i32 to index
        %swap3A_247 = arith.constant 0 : index
        %swap3A_248 = tpu.vector_load %arg16[%swap3A, %swap3A_247] {strides = array<i32>} : memref<40x128xf32, #tpu.memory_space<vmem>>, vector<1x16xf32>,
        %swap3A_249 = vector.shape_cast %swap3A_248 : vector<1x16xf32> to vector<16xf32>
        %swap3A_250 = vector.shape_cast %add3A_246 : vector<16xf32> to vector<1x16xf32>
        tpu.vector_store %arg16[%swap3A, %swap3A_247], %swap3A_250 {strides = array<i32>} : memref<40x128xf32, #tpu.memory_space<vmem>>, vector<1x16xf32>,
        %get3A_251 = arith.index_cast %add3A_233 : i32 to index
        %get3A_252 = arith.constant 16 : index
        %get3A_253 = tpu.vector_load %arg11[%get3A_251, %get3A_252] {strides = array<i32>} : memref<40x128xf32, #tpu.memory_space<vmem>>, vector<1x16xf32>,
        %get3A_254 = vector.shape_cast %get3A_253 : vector<1x16xf32> to vector<16xf32>
        %mul3A_255 = arith.constant 11.3137083 : f32
        %mul3A_256 = vector.broadcast %mul3A_255 : f32 to vector<16xf32>
        %mul3A_257 = arith.mulf %get3A_254, %mul3A_256 : vector<16xf32>
        %add3A_258 = arith.constant 120 : i32
        %add3A_259 = arith.addi %add3A_258, %add3A_233 : i32
        %get3A_260 = arith.index_cast %add3A_259 : i32 to index
        %get3A_261 = arith.constant 16 : index
        %get3A_262 = tpu.vector_load %arg7[%get3A_260, %get3A_261] {strides = array<i32>} : memref<200x128xf32, #tpu.memory_space<vmem>>, vector<1x16xf32>,
        %get3A_263 = vector.shape_cast %get3A_262 : vector<1x16xf32> to vector<16xf32>
        %add3A_264 = arith.addf %mul3A_257, %get3A_263 : vector<16xf32>
        %swap3A_265 = arith.index_cast %add3A_233 : i32 to index
        %swap3A_266 = arith.constant 16 : index
        %swap3A_267 = tpu.vector_load %arg16[%swap3A_265, %swap3A_266] {strides = array<i32>} : memref<40x128xf32, #tpu.memory_space<vmem>>, vector<1x16xf32>,
        %swap3A_268 = vector.shape_cast %swap3A_267 : vector<1x16xf32> to vector<16xf32>
        %swap3A_269 = vector.shape_cast %add3A_264 : vector<16xf32> to vector<1x16xf32>
        tpu.vector_store %arg16[%swap3A_265, %swap3A_266], %swap3A_269 {strides = array<i32>} : memref<40x128xf32, #tpu.memory_space<vmem>>, vector<1x16xf32>,
        %get3A_270 = arith.index_cast %add3A_233 : i32 to index
        %get3A_271 = arith.constant 32 : index
        %get3A_272 = tpu.vector_load %arg11[%get3A_270, %get3A_271] {strides = array<i32>} : memref<40x128xf32, #tpu.memory_space<vmem>>, vector<1x16xf32>,
        %get3A_273 = vector.shape_cast %get3A_272 : vector<1x16xf32> to vector<16xf32>
        %mul3A_274 = arith.constant 11.3137083 : f32
        %mul3A_275 = vector.broadcast %mul3A_274 : f32 to vector<16xf32>
        %mul3A_276 = arith.mulf %get3A_273, %mul3A_275 : vector<16xf32>
        %add3A_277 = arith.constant 120 : i32
        %add3A_278 = arith.addi %add3A_277, %add3A_233 : i32
        %get3A_279 = arith.index_cast %add3A_278 : i32 to index
        %get3A_280 = arith.constant 32 : index
        %get3A_281 = tpu.vector_load %arg7[%get3A_279, %get3A_280] {strides = array<i32>} : memref<200x128xf32, #tpu.memory_space<vmem>>, vector<1x16xf32>,
        %get3A_282 = vector.shape_cast %get3A_281 : vector<1x16xf32> to vector<16xf32>
        %add3A_283 = arith.addf %mul3A_276, %get3A_282 : vector<16xf32>
        %swap3A_284 = arith.index_cast %add3A_233 : i32 to index
        %swap3A_285 = arith.constant 32 : index
        %swap3A_286 = tpu.vector_load %arg16[%swap3A_284, %swap3A_285] {strides = array<i32>} : memref<40x128xf32, #tpu.memory_space<vmem>>, vector<1x16xf32>,
        %swap3A_287 = vector.shape_cast %swap3A_286 : vector<1x16xf32> to vector<16xf32>
        %swap3A_288 = vector.shape_cast %add3A_283 : vector<16xf32> to vector<1x16xf32>
        tpu.vector_store %arg16[%swap3A_284, %swap3A_285], %swap3A_288 {strides = array<i32>} : memref<40x128xf32, #tpu.memory_space<vmem>>, vector<1x16xf32>,
        %get3A_289 = arith.index_cast %add3A_233 : i32 to index
        %get3A_290 = arith.constant 48 : index
        %get3A_291 = tpu.vector_load %arg11[%get3A_289, %get3A_290] {strides = array<i32>} : memref<40x128xf32, #tpu.memory_space<vmem>>, vector<1x16xf32>,
        %get3A_292 = vector.shape_cast %get3A_291 : vector<1x16xf32> to vector<16xf32>
        %mul3A_293 = arith.constant 11.3137083 : f32
        %mul3A_294 = vector.broadcast %mul3A_293 : f32 to vector<16xf32>
        %mul3A_295 = arith.mulf %get3A_292, %mul3A_294 : vector<16xf32>
        %add3A_296 = arith.constant 120 : i32
        %add3A_297 = arith.addi %add3A_296, %add3A_233 : i32
        %get3A_298 = arith.index_cast %add3A_297 : i32 to index
        %get3A_299 = arith.constant 48 : index
        %get3A_300 = tpu.vector_load %arg7[%get3A_298, %get3A_299] {strides = array<i32>} : memref<200x128xf32, #tpu.memory_space<vmem>>, vector<1x16xf32>,
        %get3A_301 = vector.shape_cast %get3A_300 : vector<1x16xf32> to vector<16xf32>
        %add3A_302 = arith.addf %mul3A_295, %get3A_301 : vector<16xf32>
        %swap3A_303 = arith.index_cast %add3A_233 : i32 to index
        %swap3A_304 = arith.constant 48 : index
        %swap3A_305 = tpu.vector_load %arg16[%swap3A_303, %swap3A_304] {strides = array<i32>} : memref<40x128xf32, #tpu.memory_space<vmem>>, vector<1x16xf32>,
        %swap3A_306 = vector.shape_cast %swap3A_305 : vector<1x16xf32> to vector<16xf32>
        %swap3A_307 = vector.shape_cast %add3A_302 : vector<16xf32> to vector<1x16xf32>
        tpu.vector_store %arg16[%swap3A_303, %swap3A_304], %swap3A_307 {strides = array<i32>} : memref<40x128xf32, #tpu.memory_space<vmem>>, vector<1x16xf32>,
        %get3A_308 = arith.index_cast %add3A_233 : i32 to index
        %get3A_309 = arith.constant 64 : index
        %get3A_310 = tpu.vector_load %arg11[%get3A_308, %get3A_309] {strides = array<i32>} : memref<40x128xf32, #tpu.memory_space<vmem>>, vector<1x16xf32>,
        %get3A_311 = vector.shape_cast %get3A_310 : vector<1x16xf32> to vector<16xf32>
        %mul3A_312 = arith.constant 11.3137083 : f32
        %mul3A_313 = vector.broadcast %mul3A_312 : f32 to vector<16xf32>
        %mul3A_314 = arith.mulf %get3A_311, %mul3A_313 : vector<16xf32>
        %add3A_315 = arith.constant 120 : i32
        %add3A_316 = arith.addi %add3A_315, %add3A_233 : i32
        %get3A_317 = arith.index_cast %add3A_316 : i32 to index
        %get3A_318 = arith.constant 64 : index
        %get3A_319 = tpu.vector_load %arg7[%get3A_317, %get3A_318] {strides = array<i32>} : memref<200x128xf32, #tpu.memory_space<vmem>>, vector<1x16xf32>,
        %get3A_320 = vector.shape_cast %get3A_319 : vector<1x16xf32> to vector<16xf32>
        %add3A_321 = arith.addf %mul3A_314, %get3A_320 : vector<16xf32>
        %swap3A_322 = arith.index_cast %add3A_233 : i32 to index
        %swap3A_323 = arith.constant 64 : index
        %swap3A_324 = tpu.vector_load %arg16[%swap3A_322, %swap3A_323] {strides = array<i32>} : memref<40x128xf32, #tpu.memory_space<vmem>>, vector<1x16xf32>,
        %swap3A_325 = vector.shape_cast %swap3A_324 : vector<1x16xf32> to vector<16xf32>
        %swap3A_326 = vector.shape_cast %add3A_321 : vector<16xf32> to vector<1x16xf32>
        tpu.vector_store %arg16[%swap3A_322, %swap3A_323], %swap3A_326 {strides = array<i32>} : memref<40x128xf32, #tpu.memory_space<vmem>>, vector<1x16xf32>,
        %get3A_327 = arith.index_cast %add3A_233 : i32 to index
        %get3A_328 = arith.constant 80 : index
        %get3A_329 = tpu.vector_load %arg11[%get3A_327, %get3A_328] {strides = array<i32>} : memref<40x128xf32, #tpu.memory_space<vmem>>, vector<1x16xf32>,
        %get3A_330 = vector.shape_cast %get3A_329 : vector<1x16xf32> to vector<16xf32>
        %mul3A_331 = arith.constant 11.3137083 : f32
        %mul3A_332 = vector.broadcast %mul3A_331 : f32 to vector<16xf32>
        %mul3A_333 = arith.mulf %get3A_330, %mul3A_332 : vector<16xf32>
        %add3A_334 = arith.constant 120 : i32
        %add3A_335 = arith.addi %add3A_334, %add3A_233 : i32
        %get3A_336 = arith.index_cast %add3A_335 : i32 to index
        %get3A_337 = arith.constant 80 : index
        %get3A_338 = tpu.vector_load %arg7[%get3A_336, %get3A_337] {strides = array<i32>} : memref<200x128xf32, #tpu.memory_space<vmem>>, vector<1x16xf32>,
        %get3A_339 = vector.shape_cast %get3A_338 : vector<1x16xf32> to vector<16xf32>
        %add3A_340 = arith.addf %mul3A_333, %get3A_339 : vector<16xf32>
        %swap3A_341 = arith.index_cast %add3A_233 : i32 to index
        %swap3A_342 = arith.constant 80 : index
        %swap3A_343 = tpu.vector_load %arg16[%swap3A_341, %swap3A_342] {strides = array<i32>} : memref<40x128xf32, #tpu.memory_space<vmem>>, vector<1x16xf32>,
        %swap3A_344 = vector.shape_cast %swap3A_343 : vector<1x16xf32> to vector<16xf32>
        %swap3A_345 = vector.shape_cast %add3A_340 : vector<16xf32> to vector<1x16xf32>
        tpu.vector_store %arg16[%swap3A_341, %swap3A_342], %swap3A_345 {strides = array<i32>} : memref<40x128xf32, #tpu.memory_space<vmem>>, vector<1x16xf32>,
        %get3A_346 = arith.index_cast %add3A_233 : i32 to index
        %get3A_347 = arith.constant 96 : index
        %get3A_348 = tpu.vector_load %arg11[%get3A_346, %get3A_347] {strides = array<i32>} : memref<40x128xf32, #tpu.memory_space<vmem>>, vector<1x16xf32>,
        %get3A_349 = vector.shape_cast %get3A_348 : vector<1x16xf32> to vector<16xf32>
        %mul3A_350 = arith.constant 11.3137083 : f32
        %mul3A_351 = vector.broadcast %mul3A_350 : f32 to vector<16xf32>
        %mul3A_352 = arith.mulf %get3A_349, %mul3A_351 : vector<16xf32>
        %add3A_353 = arith.constant 120 : i32
        %add3A_354 = arith.addi %add3A_353, %add3A_233 : i32
        %get3A_355 = arith.index_cast %add3A_354 : i32 to index
        %get3A_356 = arith.constant 96 : index
        %get3A_357 = tpu.vector_load %arg7[%get3A_355, %get3A_356] {strides = array<i32>} : memref<200x128xf32, #tpu.memory_space<vmem>>, vector<1x16xf32>,
        %get3A_358 = vector.shape_cast %get3A_357 : vector<1x16xf32> to vector<16xf32>
        %add3A_359 = arith.addf %mul3A_352, %get3A_358 : vector<16xf32>
        %swap3A_360 = arith.index_cast %add3A_233 : i32 to index
        %swap3A_361 = arith.constant 96 : index
        %swap3A_362 = tpu.vector_load %arg16[%swap3A_360, %swap3A_361] {strides = array<i32>} : memref<40x128xf32, #tpu.memory_space<vmem>>, vector<1x16xf32>,
        %swap3A_363 = vector.shape_cast %swap3A_362 : vector<1x16xf32> to vector<16xf32>
        %swap3A_364 = vector.shape_cast %add3A_359 : vector<16xf32> to vector<1x16xf32>
        tpu.vector_store %arg16[%swap3A_360, %swap3A_361], %swap3A_364 {strides = array<i32>} : memref<40x128xf32, #tpu.memory_space<vmem>>, vector<1x16xf32>,
        %get3A_365 = arith.index_cast %add3A_233 : i32 to index
        %get3A_366 = arith.constant 112 : index
        %get3A_367 = tpu.vector_load %arg11[%get3A_365, %get3A_366] {strides = array<i32>} : memref<40x128xf32, #tpu.memory_space<vmem>>, vector<1x16xf32>,
        %get3A_368 = vector.shape_cast %get3A_367 : vector<1x16xf32> to vector<16xf32>
        %mul3A_369 = arith.constant 11.3137083 : f32
        %mul3A_370 = vector.broadcast %mul3A_369 : f32 to vector<16xf32>
        %mul3A_371 = arith.mulf %get3A_368, %mul3A_370 : vector<16xf32>
        %add3A_372 = arith.constant 120 : i32
        %add3A_373 = arith.addi %add3A_372, %add3A_233 : i32
        %get3A_374 = arith.index_cast %add3A_373 : i32 to index
        %get3A_375 = arith.constant 112 : index
        %get3A_376 = tpu.vector_load %arg7[%get3A_374, %get3A_375] {strides = array<i32>} : memref<200x128xf32, #tpu.memory_space<vmem>>, vector<1x16xf32>,
        %get3A_377 = vector.shape_cast %get3A_376 : vector<1x16xf32> to vector<16xf32>
        %add3A_378 = arith.addf %mul3A_371, %get3A_377 : vector<16xf32>
        %swap3A_379 = arith.index_cast %add3A_233 : i32 to index
        %swap3A_380 = arith.constant 112 : index
        %swap3A_381 = tpu.vector_load %arg16[%swap3A_379, %swap3A_380] {strides = array<i32>} : memref<40x128xf32, #tpu.memory_space<vmem>>, vector<1x16xf32>,
        %swap3A_382 = vector.shape_cast %swap3A_381 : vector<1x16xf32> to vector<16xf32>
        %swap3A_383 = vector.shape_cast %add3A_378 : vector<16xf32> to vector<1x16xf32>
        tpu.vector_store %arg16[%swap3A_379, %swap3A_380], %swap3A_383 {strides = array<i32>} : memref<40x128xf32, #tpu.memory_space<vmem>>, vector<1x16xf32>,
        %mul3A_384 = arith.constant 4 : i32
        %mul3A_385 = arith.muli %mul3A_384, %scan3A_229 : i32
        %add3A_386 = arith.constant 1 : i32
        %add3A_387 = arith.addi %mul3A_385, %add3A_386 : i32
        %get3A_388 = arith.index_cast %add3A_387 : i32 to index
        %get3A_389 = arith.constant 0 : index
        %get3A_390 = tpu.vector_load %arg11[%get3A_388, %get3A_389] {strides = array<i32>} : memref<40x128xf32, #tpu.memory_space<vmem>>, vector<1x16xf32>,
        %get3A_391 = vector.shape_cast %get3A_390 : vector<1x16xf32> to vector<16xf32>
        %mul3A_392 = arith.constant 11.3137083 : f32
        %mul3A_393 = vector.broadcast %mul3A_392 : f32 to vector<16xf32>
        %mul3A_394 = arith.mulf %get3A_391, %mul3A_393 : vector<16xf32>
        %add3A_395 = arith.constant 120 : i32
        %add3A_396 = arith.addi %add3A_395, %add3A_387 : i32
        %get3A_397 = arith.index_cast %add3A_396 : i32 to index
        %get3A_398 = arith.constant 0 : index
        %get3A_399 = tpu.vector_load %arg7[%get3A_397, %get3A_398] {strides = array<i32>} : memref<200x128xf32, #tpu.memory_space<vmem>>, vector<1x16xf32>,
        %get3A_400 = vector.shape_cast %get3A_399 : vector<1x16xf32> to vector<16xf32>
        %add3A_401 = arith.addf %mul3A_394, %get3A_400 : vector<16xf32>
        %swap3A_402 = arith.index_cast %add3A_387 : i32 to index
        %swap3A_403 = arith.constant 0 : index
        %swap3A_404 = tpu.vector_load %arg16[%swap3A_402, %swap3A_403] {strides = array<i32>} : memref<40x128xf32, #tpu.memory_space<vmem>>, vector<1x16xf32>,
        %swap3A_405 = vector.shape_cast %swap3A_404 : vector<1x16xf32> to vector<16xf32>
        %swap3A_406 = vector.shape_cast %add3A_401 : vector<16xf32> to vector<1x16xf32>
        tpu.vector_store %arg16[%swap3A_402, %swap3A_403], %swap3A_406 {strides = array<i32>} : memref<40x128xf32, #tpu.memory_space<vmem>>, vector<1x16xf32>,
        %get3A_407 = arith.index_cast %add3A_387 : i32 to index
        %get3A_408 = arith.constant 16 : index
        %get3A_409 = tpu.vector_load %arg11[%get3A_407, %get3A_408] {strides = array<i32>} : memref<40x128xf32, #tpu.memory_space<vmem>>, vector<1x16xf32>,
        %get3A_410 = vector.shape_cast %get3A_409 : vector<1x16xf32> to vector<16xf32>
        %mul3A_411 = arith.constant 11.3137083 : f32
        %mul3A_412 = vector.broadcast %mul3A_411 : f32 to vector<16xf32>
        %mul3A_413 = arith.mulf %get3A_410, %mul3A_412 : vector<16xf32>
        %add3A_414 = arith.constant 120 : i32
        %add3A_415 = arith.addi %add3A_414, %add3A_387 : i32
        %get3A_416 = arith.index_cast %add3A_415 : i32 to index
        %get3A_417 = arith.constant 16 : index
        %get3A_418 = tpu.vector_load %arg7[%get3A_416, %get3A_417] {strides = array<i32>} : memref<200x128xf32, #tpu.memory_space<vmem>>, vector<1x16xf32>,
        %get3A_419 = vector.shape_cast %get3A_418 : vector<1x16xf32> to vector<16xf32>
        %add3A_420 = arith.addf %mul3A_413, %get3A_419 : vector<16xf32>
        %swap3A_421 = arith.index_cast %add3A_387 : i32 to index
        %swap3A_422 = arith.constant 16 : index
        %swap3A_423 = tpu.vector_load %arg16[%swap3A_421, %swap3A_422] {strides = array<i32>} : memref<40x128xf32, #tpu.memory_space<vmem>>, vector<1x16xf32>,
        %swap3A_424 = vector.shape_cast %swap3A_423 : vector<1x16xf32> to vector<16xf32>
        %swap3A_425 = vector.shape_cast %add3A_420 : vector<16xf32> to vector<1x16xf32>
        tpu.vector_store %arg16[%swap3A_421, %swap3A_422], %swap3A_425 {strides = array<i32>} : memref<40x128xf32, #tpu.memory_space<vmem>>, vector<1x16xf32>,
        %get3A_426 = arith.index_cast %add3A_387 : i32 to index
        %get3A_427 = arith.constant 32 : index
        %get3A_428 = tpu.vector_load %arg11[%get3A_426, %get3A_427] {strides = array<i32>} : memref<40x128xf32, #tpu.memory_space<vmem>>, vector<1x16xf32>,
        %get3A_429 = vector.shape_cast %get3A_428 : vector<1x16xf32> to vector<16xf32>
        %mul3A_430 = arith.constant 11.3137083 : f32
        %mul3A_431 = vector.broadcast %mul3A_430 : f32 to vector<16xf32>
        %mul3A_432 = arith.mulf %get3A_429, %mul3A_431 : vector<16xf32>
        %add3A_433 = arith.constant 120 : i32
        %add3A_434 = arith.addi %add3A_433, %add3A_387 : i32
        %get3A_435 = arith.index_cast %add3A_434 : i32 to index
        %get3A_436 = arith.constant 32 : index
        %get3A_437 = tpu.vector_load %arg7[%get3A_435, %get3A_436] {strides = array<i32>} : memref<200x128xf32, #tpu.memory_space<vmem>>, vector<1x16xf32>,
        %get3A_438 = vector.shape_cast %get3A_437 : vector<1x16xf32> to vector<16xf32>
        %add3A_439 = arith.addf %mul3A_432, %get3A_438 : vector<16xf32>
        %swap3A_440 = arith.index_cast %add3A_387 : i32 to index
        %swap3A_441 = arith.constant 32 : index
        %swap3A_442 = tpu.vector_load %arg16[%swap3A_440, %swap3A_441] {strides = array<i32>} : memref<40x128xf32, #tpu.memory_space<vmem>>, vector<1x16xf32>,
        %swap3A_443 = vector.shape_cast %swap3A_442 : vector<1x16xf32> to vector<16xf32>
        %swap3A_444 = vector.shape_cast %add3A_439 : vector<16xf32> to vector<1x16xf32>
        tpu.vector_store %arg16[%swap3A_440, %swap3A_441], %swap3A_444 {strides = array<i32>} : memref<40x128xf32, #tpu.memory_space<vmem>>, vector<1x16xf32>,
        %get3A_445 = arith.index_cast %add3A_387 : i32 to index
        %get3A_446 = arith.constant 48 : index
        %get3A_447 = tpu.vector_load %arg11[%get3A_445, %get3A_446] {strides = array<i32>} : memref<40x128xf32, #tpu.memory_space<vmem>>, vector<1x16xf32>,
        %get3A_448 = vector.shape_cast %get3A_447 : vector<1x16xf32> to vector<16xf32>
        %mul3A_449 = arith.constant 11.3137083 : f32
        %mul3A_450 = vector.broadcast %mul3A_449 : f32 to vector<16xf32>
        %mul3A_451 = arith.mulf %get3A_448, %mul3A_450 : vector<16xf32>
        %add3A_452 = arith.constant 120 : i32
        %add3A_453 = arith.addi %add3A_452, %add3A_387 : i32
        %get3A_454 = arith.index_cast %add3A_453 : i32 to index
        %get3A_455 = arith.constant 48 : index
        %get3A_456 = tpu.vector_load %arg7[%get3A_454, %get3A_455] {strides = array<i32>} : memref<200x128xf32, #tpu.memory_space<vmem>>, vector<1x16xf32>,
        %get3A_457 = vector.shape_cast %get3A_456 : vector<1x16xf32> to vector<16xf32>
        %add3A_458 = arith.addf %mul3A_451, %get3A_457 : vector<16xf32>
        %swap3A_459 = arith.index_cast %add3A_387 : i32 to index
        %swap3A_460 = arith.constant 48 : index
        %swap3A_461 = tpu.vector_load %arg16[%swap3A_459, %swap3A_460] {strides = array<i32>} : memref<40x128xf32, #tpu.memory_space<vmem>>, vector<1x16xf32>,
        %swap3A_462 = vector.shape_cast %swap3A_461 : vector<1x16xf32> to vector<16xf32>
        %swap3A_463 = vector.shape_cast %add3A_458 : vector<16xf32> to vector<1x16xf32>
        tpu.vector_store %arg16[%swap3A_459, %swap3A_460], %swap3A_463 {strides = array<i32>} : memref<40x128xf32, #tpu.memory_space<vmem>>, vector<1x16xf32>,
        %get3A_464 = arith.index_cast %add3A_387 : i32 to index
        %get3A_465 = arith.constant 64 : index
        %get3A_466 = tpu.vector_load %arg11[%get3A_464, %get3A_465] {strides = array<i32>} : memref<40x128xf32, #tpu.memory_space<vmem>>, vector<1x16xf32>,
        %get3A_467 = vector.shape_cast %get3A_466 : vector<1x16xf32> to vector<16xf32>
        %mul3A_468 = arith.constant 11.3137083 : f32
        %mul3A_469 = vector.broadcast %mul3A_468 : f32 to vector<16xf32>
        %mul3A_470 = arith.mulf %get3A_467, %mul3A_469 : vector<16xf32>
        %add3A_471 = arith.constant 120 : i32
        %add3A_472 = arith.addi %add3A_471, %add3A_387 : i32
        %get3A_473 = arith.index_cast %add3A_472 : i32 to index
        %get3A_474 = arith.constant 64 : index
        %get3A_475 = tpu.vector_load %arg7[%get3A_473, %get3A_474] {strides = array<i32>} : memref<200x128xf32, #tpu.memory_space<vmem>>, vector<1x16xf32>,
        %get3A_476 = vector.shape_cast %get3A_475 : vector<1x16xf32> to vector<16xf32>
        %add3A_477 = arith.addf %mul3A_470, %get3A_476 : vector<16xf32>
        %swap3A_478 = arith.index_cast %add3A_387 : i32 to index
        %swap3A_479 = arith.constant 64 : index
        %swap3A_480 = tpu.vector_load %arg16[%swap3A_478, %swap3A_479] {strides = array<i32>} : memref<40x128xf32, #tpu.memory_space<vmem>>, vector<1x16xf32>,
        %swap3A_481 = vector.shape_cast %swap3A_480 : vector<1x16xf32> to vector<16xf32>
        %swap3A_482 = vector.shape_cast %add3A_477 : vector<16xf32> to vector<1x16xf32>
        tpu.vector_store %arg16[%swap3A_478, %swap3A_479], %swap3A_482 {strides = array<i32>} : memref<40x128xf32, #tpu.memory_space<vmem>>, vector<1x16xf32>,
        %get3A_483 = arith.index_cast %add3A_387 : i32 to index
        %get3A_484 = arith.constant 80 : index
        %get3A_485 = tpu.vector_load %arg11[%get3A_483, %get3A_484] {strides = array<i32>} : memref<40x128xf32, #tpu.memory_space<vmem>>, vector<1x16xf32>,
        %get3A_486 = vector.shape_cast %get3A_485 : vector<1x16xf32> to vector<16xf32>
        %mul3A_487 = arith.constant 11.3137083 : f32
        %mul3A_488 = vector.broadcast %mul3A_487 : f32 to vector<16xf32>
        %mul3A_489 = arith.mulf %get3A_486, %mul3A_488 : vector<16xf32>
        %add3A_490 = arith.constant 120 : i32
        %add3A_491 = arith.addi %add3A_490, %add3A_387 : i32
        %get3A_492 = arith.index_cast %add3A_491 : i32 to index
        %get3A_493 = arith.constant 80 : index
        %get3A_494 = tpu.vector_load %arg7[%get3A_492, %get3A_493] {strides = array<i32>} : memref<200x128xf32, #tpu.memory_space<vmem>>, vector<1x16xf32>,
        %get3A_495 = vector.shape_cast %get3A_494 : vector<1x16xf32> to vector<16xf32>
        %add3A_496 = arith.addf %mul3A_489, %get3A_495 : vector<16xf32>
        %swap3A_497 = arith.index_cast %add3A_387 : i32 to index
        %swap3A_498 = arith.constant 80 : index
        %swap3A_499 = tpu.vector_load %arg16[%swap3A_497, %swap3A_498] {strides = array<i32>} : memref<40x128xf32, #tpu.memory_space<vmem>>, vector<1x16xf32>,
        %swap3A_500 = vector.shape_cast %swap3A_499 : vector<1x16xf32> to vector<16xf32>
        %swap3A_501 = vector.shape_cast %add3A_496 : vector<16xf32> to vector<1x16xf32>
        tpu.vector_store %arg16[%swap3A_497, %swap3A_498], %swap3A_501 {strides = array<i32>} : memref<40x128xf32, #tpu.memory_space<vmem>>, vector<1x16xf32>,
        %get3A_502 = arith.index_cast %add3A_387 : i32 to index
        %get3A_503 = arith.constant 96 : index
        %get3A_504 = tpu.vector_load %arg11[%get3A_502, %get3A_503] {strides = array<i32>} : memref<40x128xf32, #tpu.memory_space<vmem>>, vector<1x16xf32>,
        %get3A_505 = vector.shape_cast %get3A_504 : vector<1x16xf32> to vector<16xf32>
        %mul3A_506 = arith.constant 11.3137083 : f32
        %mul3A_507 = vector.broadcast %mul3A_506 : f32 to vector<16xf32>
        %mul3A_508 = arith.mulf %get3A_505, %mul3A_507 : vector<16xf32>
        %add3A_509 = arith.constant 120 : i32
        %add3A_510 = arith.addi %add3A_509, %add3A_387 : i32
        %get3A_511 = arith.index_cast %add3A_510 : i32 to index
        %get3A_512 = arith.constant 96 : index
        %get3A_513 = tpu.vector_load %arg7[%get3A_511, %get3A_512] {strides = array<i32>} : memref<200x128xf32, #tpu.memory_space<vmem>>, vector<1x16xf32>,
        %get3A_514 = vector.shape_cast %get3A_513 : vector<1x16xf32> to vector<16xf32>
        %add3A_515 = arith.addf %mul3A_508, %get3A_514 : vector<16xf32>
        %swap3A_516 = arith.index_cast %add3A_387 : i32 to index
        %swap3A_517 = arith.constant 96 : index
        %swap3A_518 = tpu.vector_load %arg16[%swap3A_516, %swap3A_517] {strides = array<i32>} : memref<40x128xf32, #tpu.memory_space<vmem>>, vector<1x16xf32>,
        %swap3A_519 = vector.shape_cast %swap3A_518 : vector<1x16xf32> to vector<16xf32>
        %swap3A_520 = vector.shape_cast %add3A_515 : vector<16xf32> to vector<1x16xf32>
        tpu.vector_store %arg16[%swap3A_516, %swap3A_517], %swap3A_520 {strides = array<i32>} : memref<40x128xf32, #tpu.memory_space<vmem>>, vector<1x16xf32>,
        %get3A_521 = arith.index_cast %add3A_387 : i32 to index
        %get3A_522 = arith.constant 112 : index
        %get3A_523 = tpu.vector_load %arg11[%get3A_521, %get3A_522] {strides = array<i32>} : memref<40x128xf32, #tpu.memory_space<vmem>>, vector<1x16xf32>,
        %get3A_524 = vector.shape_cast %get3A_523 : vector<1x16xf32> to vector<16xf32>
        %mul3A_525 = arith.constant 11.3137083 : f32
        %mul3A_526 = vector.broadcast %mul3A_525 : f32 to vector<16xf32>
        %mul3A_527 = arith.mulf %get3A_524, %mul3A_526 : vector<16xf32>
        %add3A_528 = arith.constant 120 : i32
        %add3A_529 = arith.addi %add3A_528, %add3A_387 : i32
        %get3A_530 = arith.index_cast %add3A_529 : i32 to index
        %get3A_531 = arith.constant 112 : index
        %get3A_532 = tpu.vector_load %arg7[%get3A_530, %get3A_531] {strides = array<i32>} : memref<200x128xf32, #tpu.memory_space<vmem>>, vector<1x16xf32>,
        %get3A_533 = vector.shape_cast %get3A_532 : vector<1x16xf32> to vector<16xf32>
        %add3A_534 = arith.addf %mul3A_527, %get3A_533 : vector<16xf32>
        %swap3A_535 = arith.index_cast %add3A_387 : i32 to index
        %swap3A_536 = arith.constant 112 : index
        %swap3A_537 = tpu.vector_load %arg16[%swap3A_535, %swap3A_536] {strides = array<i32>} : memref<40x128xf32, #tpu.memory_space<vmem>>, vector<1x16xf32>,
        %swap3A_538 = vector.shape_cast %swap3A_537 : vector<1x16xf32> to vector<16xf32>
        %swap3A_539 = vector.shape_cast %add3A_534 : vector<16xf32> to vector<1x16xf32>
        tpu.vector_store %arg16[%swap3A_535, %swap3A_536], %swap3A_539 {strides = array<i32>} : memref<40x128xf32, #tpu.memory_space<vmem>>, vector<1x16xf32>,
        %mul3A_540 = arith.constant 4 : i32
        %mul3A_541 = arith.muli %mul3A_540, %scan3A_229 : i32
        %add3A_542 = arith.constant 2 : i32
        %add3A_543 = arith.addi %mul3A_541, %add3A_542 : i32
        %get3A_544 = arith.index_cast %add3A_543 : i32 to index
        %get3A_545 = arith.constant 0 : index
        %get3A_546 = tpu.vector_load %arg11[%get3A_544, %get3A_545] {strides = array<i32>} : memref<40x128xf32, #tpu.memory_space<vmem>>, vector<1x16xf32>,
        %get3A_547 = vector.shape_cast %get3A_546 : vector<1x16xf32> to vector<16xf32>
        %mul3A_548 = arith.constant 11.3137083 : f32
        %mul3A_549 = vector.broadcast %mul3A_548 : f32 to vector<16xf32>
        %mul3A_550 = arith.mulf %get3A_547, %mul3A_549 : vector<16xf32>
        %add3A_551 = arith.constant 120 : i32
        %add3A_552 = arith.addi %add3A_551, %add3A_543 : i32
        %get3A_553 = arith.index_cast %add3A_552 : i32 to index
        %get3A_554 = arith.constant 0 : index
        %get3A_555 = tpu.vector_load %arg7[%get3A_553, %get3A_554] {strides = array<i32>} : memref<200x128xf32, #tpu.memory_space<vmem>>, vector<1x16xf32>,
        %get3A_556 = vector.shape_cast %get3A_555 : vector<1x16xf32> to vector<16xf32>
        %add3A_557 = arith.addf %mul3A_550, %get3A_556 : vector<16xf32>
        %swap3A_558 = arith.index_cast %add3A_543 : i32 to index
        %swap3A_559 = arith.constant 0 : index
        %swap3A_560 = tpu.vector_load %arg16[%swap3A_558, %swap3A_559] {strides = array<i32>} : memref<40x128xf32, #tpu.memory_space<vmem>>, vector<1x16xf32>,
        %swap3A_561 = vector.shape_cast %swap3A_560 : vector<1x16xf32> to vector<16xf32>
        %swap3A_562 = vector.shape_cast %add3A_557 : vector<16xf32> to vector<1x16xf32>
        tpu.vector_store %arg16[%swap3A_558, %swap3A_559], %swap3A_562 {strides = array<i32>} : memref<40x128xf32, #tpu.memory_space<vmem>>, vector<1x16xf32>,
        %get3A_563 = arith.index_cast %add3A_543 : i32 to index
        %get3A_564 = arith.constant 16 : index
        %get3A_565 = tpu.vector_load %arg11[%get3A_563, %get3A_564] {strides = array<i32>} : memref<40x128xf32, #tpu.memory_space<vmem>>, vector<1x16xf32>,
        %get3A_566 = vector.shape_cast %get3A_565 : vector<1x16xf32> to vector<16xf32>
        %mul3A_567 = arith.constant 11.3137083 : f32
        %mul3A_568 = vector.broadcast %mul3A_567 : f32 to vector<16xf32>
        %mul3A_569 = arith.mulf %get3A_566, %mul3A_568 : vector<16xf32>
        %add3A_570 = arith.constant 120 : i32
        %add3A_571 = arith.addi %add3A_570, %add3A_543 : i32
        %get3A_572 = arith.index_cast %add3A_571 : i32 to index
        %get3A_573 = arith.constant 16 : index
        %get3A_574 = tpu.vector_load %arg7[%get3A_572, %get3A_573] {strides = array<i32>} : memref<200x128xf32, #tpu.memory_space<vmem>>, vector<1x16xf32>,
        %get3A_575 = vector.shape_cast %get3A_574 : vector<1x16xf32> to vector<16xf32>
        %add3A_576 = arith.addf %mul3A_569, %get3A_575 : vector<16xf32>
        %swap3A_577 = arith.index_cast %add3A_543 : i32 to index
        %swap3A_578 = arith.constant 16 : index
        %swap3A_579 = tpu.vector_load %arg16[%swap3A_577, %swap3A_578] {strides = array<i32>} : memref<40x128xf32, #tpu.memory_space<vmem>>, vector<1x16xf32>,
        %swap3A_580 = vector.shape_cast %swap3A_579 : vector<1x16xf32> to vector<16xf32>
        %swap3A_581 = vector.shape_cast %add3A_576 : vector<16xf32> to vector<1x16xf32>
        tpu.vector_store %arg16[%swap3A_577, %swap3A_578], %swap3A_581 {strides = array<i32>} : memref<40x128xf32, #tpu.memory_space<vmem>>, vector<1x16xf32>,
        %get3A_582 = arith.index_cast %add3A_543 : i32 to index
        %get3A_583 = arith.constant 32 : index
        %get3A_584 = tpu.vector_load %arg11[%get3A_582, %get3A_583] {strides = array<i32>} : memref<40x128xf32, #tpu.memory_space<vmem>>, vector<1x16xf32>,
        %get3A_585 = vector.shape_cast %get3A_584 : vector<1x16xf32> to vector<16xf32>
        %mul3A_586 = arith.constant 11.3137083 : f32
        %mul3A_587 = vector.broadcast %mul3A_586 : f32 to vector<16xf32>
        %mul3A_588 = arith.mulf %get3A_585, %mul3A_587 : vector<16xf32>
        %add3A_589 = arith.constant 120 : i32
        %add3A_590 = arith.addi %add3A_589, %add3A_543 : i32
        %get3A_591 = arith.index_cast %add3A_590 : i32 to index
        %get3A_592 = arith.constant 32 : index
        %get3A_593 = tpu.vector_load %arg7[%get3A_591, %get3A_592] {strides = array<i32>} : memref<200x128xf32, #tpu.memory_space<vmem>>, vector<1x16xf32>,
        %get3A_594 = vector.shape_cast %get3A_593 : vector<1x16xf32> to vector<16xf32>
        %add3A_595 = arith.addf %mul3A_588, %get3A_594 : vector<16xf32>
        %swap3A_596 = arith.index_cast %add3A_543 : i32 to index
        %swap3A_597 = arith.constant 32 : index
        %swap3A_598 = tpu.vector_load %arg16[%swap3A_596, %swap3A_597] {strides = array<i32>} : memref<40x128xf32, #tpu.memory_space<vmem>>, vector<1x16xf32>,
        %swap3A_599 = vector.shape_cast %swap3A_598 : vector<1x16xf32> to vector<16xf32>
        %swap3A_600 = vector.shape_cast %add3A_595 : vector<16xf32> to vector<1x16xf32>
        tpu.vector_store %arg16[%swap3A_596, %swap3A_597], %swap3A_600 {strides = array<i32>} : memref<40x128xf32, #tpu.memory_space<vmem>>, vector<1x16xf32>,
        %get3A_601 = arith.index_cast %add3A_543 : i32 to index
        %get3A_602 = arith.constant 48 : index
        %get3A_603 = tpu.vector_load %arg11[%get3A_601, %get3A_602] {strides = array<i32>} : memref<40x128xf32, #tpu.memory_space<vmem>>, vector<1x16xf32>,
        %get3A_604 = vector.shape_cast %get3A_603 : vector<1x16xf32> to vector<16xf32>
        %mul3A_605 = arith.constant 11.3137083 : f32
        %mul3A_606 = vector.broadcast %mul3A_605 : f32 to vector<16xf32>
        %mul3A_607 = arith.mulf %get3A_604, %mul3A_606 : vector<16xf32>
        %add3A_608 = arith.constant 120 : i32
        %add3A_609 = arith.addi %add3A_608, %add3A_543 : i32
        %get3A_610 = arith.index_cast %add3A_609 : i32 to index
        %get3A_611 = arith.constant 48 : index
        %get3A_612 = tpu.vector_load %arg7[%get3A_610, %get3A_611] {strides = array<i32>} : memref<200x128xf32, #tpu.memory_space<vmem>>, vector<1x16xf32>,
        %get3A_613 = vector.shape_cast %get3A_612 : vector<1x16xf32> to vector<16xf32>
        %add3A_614 = arith.addf %mul3A_607, %get3A_613 : vector<16xf32>
        %swap3A_615 = arith.index_cast %add3A_543 : i32 to index
        %swap3A_616 = arith.constant 48 : index
        %swap3A_617 = tpu.vector_load %arg16[%swap3A_615, %swap3A_616] {strides = array<i32>} : memref<40x128xf32, #tpu.memory_space<vmem>>, vector<1x16xf32>,
        %swap3A_618 = vector.shape_cast %swap3A_617 : vector<1x16xf32> to vector<16xf32>
        %swap3A_619 = vector.shape_cast %add3A_614 : vector<16xf32> to vector<1x16xf32>
        tpu.vector_store %arg16[%swap3A_615, %swap3A_616], %swap3A_619 {strides = array<i32>} : memref<40x128xf32, #tpu.memory_space<vmem>>, vector<1x16xf32>,
        %get3A_620 = arith.index_cast %add3A_543 : i32 to index
        %get3A_621 = arith.constant 64 : index
        %get3A_622 = tpu.vector_load %arg11[%get3A_620, %get3A_621] {strides = array<i32>} : memref<40x128xf32, #tpu.memory_space<vmem>>, vector<1x16xf32>,
        %get3A_623 = vector.shape_cast %get3A_622 : vector<1x16xf32> to vector<16xf32>
        %mul3A_624 = arith.constant 11.3137083 : f32
        %mul3A_625 = vector.broadcast %mul3A_624 : f32 to vector<16xf32>
        %mul3A_626 = arith.mulf %get3A_623, %mul3A_625 : vector<16xf32>
        %add3A_627 = arith.constant 120 : i32
        %add3A_628 = arith.addi %add3A_627, %add3A_543 : i32
        %get3A_629 = arith.index_cast %add3A_628 : i32 to index
        %get3A_630 = arith.constant 64 : index
        %get3A_631 = tpu.vector_load %arg7[%get3A_629, %get3A_630] {strides = array<i32>} : memref<200x128xf32, #tpu.memory_space<vmem>>, vector<1x16xf32>,
        %get3A_632 = vector.shape_cast %get3A_631 : vector<1x16xf32> to vector<16xf32>
        %add3A_633 = arith.addf %mul3A_626, %get3A_632 : vector<16xf32>
        %swap3A_634 = arith.index_cast %add3A_543 : i32 to index
        %swap3A_635 = arith.constant 64 : index
        %swap3A_636 = tpu.vector_load %arg16[%swap3A_634, %swap3A_635] {strides = array<i32>} : memref<40x128xf32, #tpu.memory_space<vmem>>, vector<1x16xf32>,
        %swap3A_637 = vector.shape_cast %swap3A_636 : vector<1x16xf32> to vector<16xf32>
        %swap3A_638 = vector.shape_cast %add3A_633 : vector<16xf32> to vector<1x16xf32>
        tpu.vector_store %arg16[%swap3A_634, %swap3A_635], %swap3A_638 {strides = array<i32>} : memref<40x128xf32, #tpu.memory_space<vmem>>, vector<1x16xf32>,
        %get3A_639 = arith.index_cast %add3A_543 : i32 to index
        %get3A_640 = arith.constant 80 : index
        %get3A_641 = tpu.vector_load %arg11[%get3A_639, %get3A_640] {strides = array<i32>} : memref<40x128xf32, #tpu.memory_space<vmem>>, vector<1x16xf32>,
        %get3A_642 = vector.shape_cast %get3A_641 : vector<1x16xf32> to vector<16xf32>
        %mul3A_643 = arith.constant 11.3137083 : f32
        %mul3A_644 = vector.broadcast %mul3A_643 : f32 to vector<16xf32>
        %mul3A_645 = arith.mulf %get3A_642, %mul3A_644 : vector<16xf32>
        %add3A_646 = arith.constant 120 : i32
        %add3A_647 = arith.addi %add3A_646, %add3A_543 : i32
        %get3A_648 = arith.index_cast %add3A_647 : i32 to index
        %get3A_649 = arith.constant 80 : index
        %get3A_650 = tpu.vector_load %arg7[%get3A_648, %get3A_649] {strides = array<i32>} : memref<200x128xf32, #tpu.memory_space<vmem>>, vector<1x16xf32>,
        %get3A_651 = vector.shape_cast %get3A_650 : vector<1x16xf32> to vector<16xf32>
        %add3A_652 = arith.addf %mul3A_645, %get3A_651 : vector<16xf32>
        %swap3A_653 = arith.index_cast %add3A_543 : i32 to index
        %swap3A_654 = arith.constant 80 : index
        %swap3A_655 = tpu.vector_load %arg16[%swap3A_653, %swap3A_654] {strides = array<i32>} : memref<40x128xf32, #tpu.memory_space<vmem>>, vector<1x16xf32>,
        %swap3A_656 = vector.shape_cast %swap3A_655 : vector<1x16xf32> to vector<16xf32>
        %swap3A_657 = vector.shape_cast %add3A_652 : vector<16xf32> to vector<1x16xf32>
        tpu.vector_store %arg16[%swap3A_653, %swap3A_654], %swap3A_657 {strides = array<i32>} : memref<40x128xf32, #tpu.memory_space<vmem>>, vector<1x16xf32>,
        %get3A_658 = arith.index_cast %add3A_543 : i32 to index
        %get3A_659 = arith.constant 96 : index
        %get3A_660 = tpu.vector_load %arg11[%get3A_658, %get3A_659] {strides = array<i32>} : memref<40x128xf32, #tpu.memory_space<vmem>>, vector<1x16xf32>,
        %get3A_661 = vector.shape_cast %get3A_660 : vector<1x16xf32> to vector<16xf32>
        %mul3A_662 = arith.constant 11.3137083 : f32
        %mul3A_663 = vector.broadcast %mul3A_662 : f32 to vector<16xf32>
        %mul3A_664 = arith.mulf %get3A_661, %mul3A_663 : vector<16xf32>
        %add3A_665 = arith.constant 120 : i32
        %add3A_666 = arith.addi %add3A_665, %add3A_543 : i32
        %get3A_667 = arith.index_cast %add3A_666 : i32 to index
        %get3A_668 = arith.constant 96 : index
        %get3A_669 = tpu.vector_load %arg7[%get3A_667, %get3A_668] {strides = array<i32>} : memref<200x128xf32, #tpu.memory_space<vmem>>, vector<1x16xf32>,
        %get3A_670 = vector.shape_cast %get3A_669 : vector<1x16xf32> to vector<16xf32>
        %add3A_671 = arith.addf %mul3A_664, %get3A_670 : vector<16xf32>
        %swap3A_672 = arith.index_cast %add3A_543 : i32 to index
        %swap3A_673 = arith.constant 96 : index
        %swap3A_674 = tpu.vector_load %arg16[%swap3A_672, %swap3A_673] {strides = array<i32>} : memref<40x128xf32, #tpu.memory_space<vmem>>, vector<1x16xf32>,
        %swap3A_675 = vector.shape_cast %swap3A_674 : vector<1x16xf32> to vector<16xf32>
        %swap3A_676 = vector.shape_cast %add3A_671 : vector<16xf32> to vector<1x16xf32>
        tpu.vector_store %arg16[%swap3A_672, %swap3A_673], %swap3A_676 {strides = array<i32>} : memref<40x128xf32, #tpu.memory_space<vmem>>, vector<1x16xf32>,
        %get3A_677 = arith.index_cast %add3A_543 : i32 to index
        %get3A_678 = arith.constant 112 : index
        %get3A_679 = tpu.vector_load %arg11[%get3A_677, %get3A_678] {strides = array<i32>} : memref<40x128xf32, #tpu.memory_space<vmem>>, vector<1x16xf32>,
        %get3A_680 = vector.shape_cast %get3A_679 : vector<1x16xf32> to vector<16xf32>
        %mul3A_681 = arith.constant 11.3137083 : f32
        %mul3A_682 = vector.broadcast %mul3A_681 : f32 to vector<16xf32>
        %mul3A_683 = arith.mulf %get3A_680, %mul3A_682 : vector<16xf32>
        %add3A_684 = arith.constant 120 : i32
        %add3A_685 = arith.addi %add3A_684, %add3A_543 : i32
        %get3A_686 = arith.index_cast %add3A_685 : i32 to index
        %get3A_687 = arith.constant 112 : index
        %get3A_688 = tpu.vector_load %arg7[%get3A_686, %get3A_687] {strides = array<i32>} : memref<200x128xf32, #tpu.memory_space<vmem>>, vector<1x16xf32>,
        %get3A_689 = vector.shape_cast %get3A_688 : vector<1x16xf32> to vector<16xf32>
        %add3A_690 = arith.addf %mul3A_683, %get3A_689 : vector<16xf32>
        %swap3A_691 = arith.index_cast %add3A_543 : i32 to index
        %swap3A_692 = arith.constant 112 : index
        %swap3A_693 = tpu.vector_load %arg16[%swap3A_691, %swap3A_692] {strides = array<i32>} : memref<40x128xf32, #tpu.memory_space<vmem>>, vector<1x16xf32>,
        %swap3A_694 = vector.shape_cast %swap3A_693 : vector<1x16xf32> to vector<16xf32>
        %swap3A_695 = vector.shape_cast %add3A_690 : vector<16xf32> to vector<1x16xf32>
        tpu.vector_store %arg16[%swap3A_691, %swap3A_692], %swap3A_695 {strides = array<i32>} : memref<40x128xf32, #tpu.memory_space<vmem>>, vector<1x16xf32>,
        %mul3A_696 = arith.constant 4 : i32
        %mul3A_697 = arith.muli %mul3A_696, %scan3A_229 : i32
        %add3A_698 = arith.constant 3 : i32
        %add3A_699 = arith.addi %mul3A_697, %add3A_698 : i32
        %get3A_700 = arith.index_cast %add3A_699 : i32 to index
        %get3A_701 = arith.constant 0 : index
        %get3A_702 = tpu.vector_load %arg11[%get3A_700, %get3A_701] {strides = array<i32>} : memref<40x128xf32, #tpu.memory_space<vmem>>, vector<1x16xf32>,
        %get3A_703 = vector.shape_cast %get3A_702 : vector<1x16xf32> to vector<16xf32>
        %mul3A_704 = arith.constant 11.3137083 : f32
        %mul3A_705 = vector.broadcast %mul3A_704 : f32 to vector<16xf32>
        %mul3A_706 = arith.mulf %get3A_703, %mul3A_705 : vector<16xf32>
        %add3A_707 = arith.constant 120 : i32
        %add3A_708 = arith.addi %add3A_707, %add3A_699 : i32
        %get3A_709 = arith.index_cast %add3A_708 : i32 to index
        %get3A_710 = arith.constant 0 : index
        %get3A_711 = tpu.vector_load %arg7[%get3A_709, %get3A_710] {strides = array<i32>} : memref<200x128xf32, #tpu.memory_space<vmem>>, vector<1x16xf32>,
        %get3A_712 = vector.shape_cast %get3A_711 : vector<1x16xf32> to vector<16xf32>
        %add3A_713 = arith.addf %mul3A_706, %get3A_712 : vector<16xf32>
        %swap3A_714 = arith.index_cast %add3A_699 : i32 to index
        %swap3A_715 = arith.constant 0 : index
        %swap3A_716 = tpu.vector_load %arg16[%swap3A_714, %swap3A_715] {strides = array<i32>} : memref<40x128xf32, #tpu.memory_space<vmem>>, vector<1x16xf32>,
        %swap3A_717 = vector.shape_cast %swap3A_716 : vector<1x16xf32> to vector<16xf32>
        %swap3A_718 = vector.shape_cast %add3A_713 : vector<16xf32> to vector<1x16xf32>
        tpu.vector_store %arg16[%swap3A_714, %swap3A_715], %swap3A_718 {strides = array<i32>} : memref<40x128xf32, #tpu.memory_space<vmem>>, vector<1x16xf32>,
        %get3A_719 = arith.index_cast %add3A_699 : i32 to index
        %get3A_720 = arith.constant 16 : index
        %get3A_721 = tpu.vector_load %arg11[%get3A_719, %get3A_720] {strides = array<i32>} : memref<40x128xf32, #tpu.memory_space<vmem>>, vector<1x16xf32>,
        %get3A_722 = vector.shape_cast %get3A_721 : vector<1x16xf32> to vector<16xf32>
        %mul3A_723 = arith.constant 11.3137083 : f32
        %mul3A_724 = vector.broadcast %mul3A_723 : f32 to vector<16xf32>
        %mul3A_725 = arith.mulf %get3A_722, %mul3A_724 : vector<16xf32>
        %add3A_726 = arith.constant 120 : i32
        %add3A_727 = arith.addi %add3A_726, %add3A_699 : i32
        %get3A_728 = arith.index_cast %add3A_727 : i32 to index
        %get3A_729 = arith.constant 16 : index
        %get3A_730 = tpu.vector_load %arg7[%get3A_728, %get3A_729] {strides = array<i32>} : memref<200x128xf32, #tpu.memory_space<vmem>>, vector<1x16xf32>,
        %get3A_731 = vector.shape_cast %get3A_730 : vector<1x16xf32> to vector<16xf32>
        %add3A_732 = arith.addf %mul3A_725, %get3A_731 : vector<16xf32>
        %swap3A_733 = arith.index_cast %add3A_699 : i32 to index
        %swap3A_734 = arith.constant 16 : index
        %swap3A_735 = tpu.vector_load %arg16[%swap3A_733, %swap3A_734] {strides = array<i32>} : memref<40x128xf32, #tpu.memory_space<vmem>>, vector<1x16xf32>,
        %swap3A_736 = vector.shape_cast %swap3A_735 : vector<1x16xf32> to vector<16xf32>
        %swap3A_737 = vector.shape_cast %add3A_732 : vector<16xf32> to vector<1x16xf32>
        tpu.vector_store %arg16[%swap3A_733, %swap3A_734], %swap3A_737 {strides = array<i32>} : memref<40x128xf32, #tpu.memory_space<vmem>>, vector<1x16xf32>,
        %get3A_738 = arith.index_cast %add3A_699 : i32 to index
        %get3A_739 = arith.constant 32 : index
        %get3A_740 = tpu.vector_load %arg11[%get3A_738, %get3A_739] {strides = array<i32>} : memref<40x128xf32, #tpu.memory_space<vmem>>, vector<1x16xf32>,
        %get3A_741 = vector.shape_cast %get3A_740 : vector<1x16xf32> to vector<16xf32>
        %mul3A_742 = arith.constant 11.3137083 : f32
        %mul3A_743 = vector.broadcast %mul3A_742 : f32 to vector<16xf32>
        %mul3A_744 = arith.mulf %get3A_741, %mul3A_743 : vector<16xf32>
        %add3A_745 = arith.constant 120 : i32
        %add3A_746 = arith.addi %add3A_745, %add3A_699 : i32
        %get3A_747 = arith.index_cast %add3A_746 : i32 to index
        %get3A_748 = arith.constant 32 : index
        %get3A_749 = tpu.vector_load %arg7[%get3A_747, %get3A_748] {strides = array<i32>} : memref<200x128xf32, #tpu.memory_space<vmem>>, vector<1x16xf32>,
        %get3A_750 = vector.shape_cast %get3A_749 : vector<1x16xf32> to vector<16xf32>
        %add3A_751 = arith.addf %mul3A_744, %get3A_750 : vector<16xf32>
        %swap3A_752 = arith.index_cast %add3A_699 : i32 to index
        %swap3A_753 = arith.constant 32 : index
        %swap3A_754 = tpu.vector_load %arg16[%swap3A_752, %swap3A_753] {strides = array<i32>} : memref<40x128xf32, #tpu.memory_space<vmem>>, vector<1x16xf32>,
        %swap3A_755 = vector.shape_cast %swap3A_754 : vector<1x16xf32> to vector<16xf32>
        %swap3A_756 = vector.shape_cast %add3A_751 : vector<16xf32> to vector<1x16xf32>
        tpu.vector_store %arg16[%swap3A_752, %swap3A_753], %swap3A_756 {strides = array<i32>} : memref<40x128xf32, #tpu.memory_space<vmem>>, vector<1x16xf32>,
        %get3A_757 = arith.index_cast %add3A_699 : i32 to index
        %get3A_758 = arith.constant 48 : index
        %get3A_759 = tpu.vector_load %arg11[%get3A_757, %get3A_758] {strides = array<i32>} : memref<40x128xf32, #tpu.memory_space<vmem>>, vector<1x16xf32>,
        %get3A_760 = vector.shape_cast %get3A_759 : vector<1x16xf32> to vector<16xf32>
        %mul3A_761 = arith.constant 11.3137083 : f32
        %mul3A_762 = vector.broadcast %mul3A_761 : f32 to vector<16xf32>
        %mul3A_763 = arith.mulf %get3A_760, %mul3A_762 : vector<16xf32>
        %add3A_764 = arith.constant 120 : i32
        %add3A_765 = arith.addi %add3A_764, %add3A_699 : i32
        %get3A_766 = arith.index_cast %add3A_765 : i32 to index
        %get3A_767 = arith.constant 48 : index
        %get3A_768 = tpu.vector_load %arg7[%get3A_766, %get3A_767] {strides = array<i32>} : memref<200x128xf32, #tpu.memory_space<vmem>>, vector<1x16xf32>,
        %get3A_769 = vector.shape_cast %get3A_768 : vector<1x16xf32> to vector<16xf32>
        %add3A_770 = arith.addf %mul3A_763, %get3A_769 : vector<16xf32>
        %swap3A_771 = arith.index_cast %add3A_699 : i32 to index
        %swap3A_772 = arith.constant 48 : index
        %swap3A_773 = tpu.vector_load %arg16[%swap3A_771, %swap3A_772] {strides = array<i32>} : memref<40x128xf32, #tpu.memory_space<vmem>>, vector<1x16xf32>,
        %swap3A_774 = vector.shape_cast %swap3A_773 : vector<1x16xf32> to vector<16xf32>
        %swap3A_775 = vector.shape_cast %add3A_770 : vector<16xf32> to vector<1x16xf32>
        tpu.vector_store %arg16[%swap3A_771, %swap3A_772], %swap3A_775 {strides = array<i32>} : memref<40x128xf32, #tpu.memory_space<vmem>>, vector<1x16xf32>,
        %get3A_776 = arith.index_cast %add3A_699 : i32 to index
        %get3A_777 = arith.constant 64 : index
        %get3A_778 = tpu.vector_load %arg11[%get3A_776, %get3A_777] {strides = array<i32>} : memref<40x128xf32, #tpu.memory_space<vmem>>, vector<1x16xf32>,
        %get3A_779 = vector.shape_cast %get3A_778 : vector<1x16xf32> to vector<16xf32>
        %mul3A_780 = arith.constant 11.3137083 : f32
        %mul3A_781 = vector.broadcast %mul3A_780 : f32 to vector<16xf32>
        %mul3A_782 = arith.mulf %get3A_779, %mul3A_781 : vector<16xf32>
        %add3A_783 = arith.constant 120 : i32
        %add3A_784 = arith.addi %add3A_783, %add3A_699 : i32
        %get3A_785 = arith.index_cast %add3A_784 : i32 to index
        %get3A_786 = arith.constant 64 : index
        %get3A_787 = tpu.vector_load %arg7[%get3A_785, %get3A_786] {strides = array<i32>} : memref<200x128xf32, #tpu.memory_space<vmem>>, vector<1x16xf32>,
        %get3A_788 = vector.shape_cast %get3A_787 : vector<1x16xf32> to vector<16xf32>
        %add3A_789 = arith.addf %mul3A_782, %get3A_788 : vector<16xf32>
        %swap3A_790 = arith.index_cast %add3A_699 : i32 to index
        %swap3A_791 = arith.constant 64 : index
        %swap3A_792 = tpu.vector_load %arg16[%swap3A_790, %swap3A_791] {strides = array<i32>} : memref<40x128xf32, #tpu.memory_space<vmem>>, vector<1x16xf32>,
        %swap3A_793 = vector.shape_cast %swap3A_792 : vector<1x16xf32> to vector<16xf32>
        %swap3A_794 = vector.shape_cast %add3A_789 : vector<16xf32> to vector<1x16xf32>
        tpu.vector_store %arg16[%swap3A_790, %swap3A_791], %swap3A_794 {strides = array<i32>} : memref<40x128xf32, #tpu.memory_space<vmem>>, vector<1x16xf32>,
        %get3A_795 = arith.index_cast %add3A_699 : i32 to index
        %get3A_796 = arith.constant 80 : index
        %get3A_797 = tpu.vector_load %arg11[%get3A_795, %get3A_796] {strides = array<i32>} : memref<40x128xf32, #tpu.memory_space<vmem>>, vector<1x16xf32>,
        %get3A_798 = vector.shape_cast %get3A_797 : vector<1x16xf32> to vector<16xf32>
        %mul3A_799 = arith.constant 11.3137083 : f32
        %mul3A_800 = vector.broadcast %mul3A_799 : f32 to vector<16xf32>
        %mul3A_801 = arith.mulf %get3A_798, %mul3A_800 : vector<16xf32>
        %add3A_802 = arith.constant 120 : i32
        %add3A_803 = arith.addi %add3A_802, %add3A_699 : i32
        %get3A_804 = arith.index_cast %add3A_803 : i32 to index
        %get3A_805 = arith.constant 80 : index
        %get3A_806 = tpu.vector_load %arg7[%get3A_804, %get3A_805] {strides = array<i32>} : memref<200x128xf32, #tpu.memory_space<vmem>>, vector<1x16xf32>,
        %get3A_807 = vector.shape_cast %get3A_806 : vector<1x16xf32> to vector<16xf32>
        %add3A_808 = arith.addf %mul3A_801, %get3A_807 : vector<16xf32>
        %swap3A_809 = arith.index_cast %add3A_699 : i32 to index
        %swap3A_810 = arith.constant 80 : index
        %swap3A_811 = tpu.vector_load %arg16[%swap3A_809, %swap3A_810] {strides = array<i32>} : memref<40x128xf32, #tpu.memory_space<vmem>>, vector<1x16xf32>,
        %swap3A_812 = vector.shape_cast %swap3A_811 : vector<1x16xf32> to vector<16xf32>
        %swap3A_813 = vector.shape_cast %add3A_808 : vector<16xf32> to vector<1x16xf32>
        tpu.vector_store %arg16[%swap3A_809, %swap3A_810], %swap3A_813 {strides = array<i32>} : memref<40x128xf32, #tpu.memory_space<vmem>>, vector<1x16xf32>,
        %get3A_814 = arith.index_cast %add3A_699 : i32 to index
        %get3A_815 = arith.constant 96 : index
        %get3A_816 = tpu.vector_load %arg11[%get3A_814, %get3A_815] {strides = array<i32>} : memref<40x128xf32, #tpu.memory_space<vmem>>, vector<1x16xf32>,
        %get3A_817 = vector.shape_cast %get3A_816 : vector<1x16xf32> to vector<16xf32>
        %mul3A_818 = arith.constant 11.3137083 : f32
        %mul3A_819 = vector.broadcast %mul3A_818 : f32 to vector<16xf32>
        %mul3A_820 = arith.mulf %get3A_817, %mul3A_819 : vector<16xf32>
        %add3A_821 = arith.constant 120 : i32
        %add3A_822 = arith.addi %add3A_821, %add3A_699 : i32
        %get3A_823 = arith.index_cast %add3A_822 : i32 to index
        %get3A_824 = arith.constant 96 : index
        %get3A_825 = tpu.vector_load %arg7[%get3A_823, %get3A_824] {strides = array<i32>} : memref<200x128xf32, #tpu.memory_space<vmem>>, vector<1x16xf32>,
        %get3A_826 = vector.shape_cast %get3A_825 : vector<1x16xf32> to vector<16xf32>
        %add3A_827 = arith.addf %mul3A_820, %get3A_826 : vector<16xf32>
        %swap3A_828 = arith.index_cast %add3A_699 : i32 to index
        %swap3A_829 = arith.constant 96 : index
        %swap3A_830 = tpu.vector_load %arg16[%swap3A_828, %swap3A_829] {strides = array<i32>} : memref<40x128xf32, #tpu.memory_space<vmem>>, vector<1x16xf32>,
        %swap3A_831 = vector.shape_cast %swap3A_830 : vector<1x16xf32> to vector<16xf32>
        %swap3A_832 = vector.shape_cast %add3A_827 : vector<16xf32> to vector<1x16xf32>
        tpu.vector_store %arg16[%swap3A_828, %swap3A_829], %swap3A_832 {strides = array<i32>} : memref<40x128xf32, #tpu.memory_space<vmem>>, vector<1x16xf32>,
        %get3A_833 = arith.index_cast %add3A_699 : i32 to index
        %get3A_834 = arith.constant 112 : index
        %get3A_835 = tpu.vector_load %arg11[%get3A_833, %get3A_834] {strides = array<i32>} : memref<40x128xf32, #tpu.memory_space<vmem>>, vector<1x16xf32>,
        %get3A_836 = vector.shape_cast %get3A_835 : vector<1x16xf32> to vector<16xf32>
        %mul3A_837 = arith.constant 11.3137083 : f32
        %mul3A_838 = vector.broadcast %mul3A_837 : f32 to vector<16xf32>
        %mul3A_839 = arith.mulf %get3A_836, %mul3A_838 : vector<16xf32>
        %add3A_840 = arith.constant 120 : i32
        %add3A_841 = arith.addi %add3A_840, %add3A_699 : i32
        %get3A_842 = arith.index_cast %add3A_841 : i32 to index
        %get3A_843 = arith.constant 112 : index
        %get3A_844 = tpu.vector_load %arg7[%get3A_842, %get3A_843] {strides = array<i32>} : memref<200x128xf32, #tpu.memory_space<vmem>>, vector<1x16xf32>,
        %get3A_845 = vector.shape_cast %get3A_844 : vector<1x16xf32> to vector<16xf32>
        %add3A_846 = arith.addf %mul3A_839, %get3A_845 : vector<16xf32>
        %swap3A_847 = arith.index_cast %add3A_699 : i32 to index
        %swap3A_848 = arith.constant 112 : index
        %swap3A_849 = tpu.vector_load %arg16[%swap3A_847, %swap3A_848] {strides = array<i32>} : memref<40x128xf32, #tpu.memory_space<vmem>>, vector<1x16xf32>,
        %swap3A_850 = vector.shape_cast %swap3A_849 : vector<1x16xf32> to vector<16xf32>
        %swap3A_851 = vector.shape_cast %add3A_846 : vector<16xf32> to vector<1x16xf32>
        tpu.vector_store %arg16[%swap3A_847, %swap3A_848], %swap3A_851 {strides = array<i32>} : memref<40x128xf32, #tpu.memory_space<vmem>>, vector<1x16xf32>,
      }
      %scan3A_186 = arith.constant 10 : i32
      %lt3A_187 = arith.constant 127 : i32
      %lt3A_188 = arith.cmpi slt, %scan3A_83, %lt3A_187 : i32
      %convert_element_type3A_189 = arith.extui %lt3A_188 : i1 to i32
      %cond3A_190 = arith.constant 0 : i32
      %cond3A_191 = arith.cmpi ne, %convert_element_type3A_189, %cond3A_190 : i32
      scf.if %cond3A_191 {
        %add3A_229 = arith.constant 1 : i32
        %add3A_230 = arith.addi %scan3A_83, %add3A_229 : i32
        %mul3A_231 = arith.constant 5 : i32
        %mul3A_232 = arith.muli %mul3A_231, %add3A_230 : i32
        %add3A_233 = arith.constant 3 : i32
        %add3A_234 = arith.addi %mul3A_232, %add3A_233 : i32
        %ge3A = arith.constant 63 : i32
        %ge3A_235 = arith.cmpi sge, %scan3A_83, %ge3A : i32
        %jit3A = arith.constant 320 : i32
        %jit3A_236 = arith.constant 0 : i32
        %select_n3A = arith.select %ge3A_235, %jit3A, %jit3A_236 : i32
        %sub3A = arith.subi %add3A_234, %select_n3A : i32
        %dma_start3A_237 = arith.constant 0 : i32
        %dma_start3A_238 = tpu.memref_slice %arg6[%sub3A, %dma_start3A_237] : memref<320x40xi32, #tpu.memory_space<vmem>> -> memref<1x40xi32, #tpu.memory_space<vmem>>
        %dma_start3A_239 = tpu.memref_squeeze %dma_start3A_238 : memref<1x40xi32, #tpu.memory_space<vmem>> -> memref<40xi32, #tpu.memory_space<vmem>>
        %dma_start3A_240 = arith.constant 0 : i32
        %dma_start3A_241 = arith.constant 0 : i32
        %dma_start3A_242 = tpu.memref_slice %arg3[%dma_start3A_240, %dma_start3A_241] : memref<100000x128xf32, #tpu.memory_space<hbm>> -> memref<100000x128xf32, #tpu.memory_space<hbm>>
        tpu.enqueue_indirect_dma source(%dma_start3A_242 : memref<100000x128xf32, #tpu.memory_space<hbm>>) target(%arg11 : memref<40x128xf32, #tpu.memory_space<vmem>>) offsets(%dma_start3A_239 : memref<40xi32, #tpu.memory_space<vmem>>) semaphore(%arg21 : memref<!tpu.dma_semaphore, #tpu.memory_space<semaphore_mem>>)
      } else {
      }
      %dma_start3A_192 = arith.constant 120 : i32
      %dma_start3A_193 = arith.constant 0 : i32
      %dma_start3A_194 = tpu.memref_slice %arg5[%add3A_84, %dma_start3A_192, %dma_start3A_193] : memref<4096x200x128xf32, #tpu.memory_space<hbm>> -> memref<1x40x128xf32, #tpu.memory_space<hbm>>
      %dma_start3A_195 = tpu.memref_squeeze %dma_start3A_194 : memref<1x40x128xf32, #tpu.memory_space<hbm>> -> memref<40x128xf32, #tpu.memory_space<hbm>>
      %dma_start3A_196 = arith.constant 120 : i32
      %dma_start3A_197 = arith.constant 0 : i32
      %dma_start3A_198 = tpu.memref_slice %arg5[%add3A_84, %dma_start3A_196, %dma_start3A_197] : memref<4096x200x128xf32, #tpu.memory_space<hbm>> -> memref<1x40x128xf32, #tpu.memory_space<hbm>>
      %dma_start3A_199 = tpu.memref_squeeze %dma_start3A_198 : memref<1x40x128xf32, #tpu.memory_space<hbm>> -> memref<40x128xf32, #tpu.memory_space<hbm>>
      tpu.enqueue_dma source(%arg16 : memref<40x128xf32, #tpu.memory_space<vmem>>) target(%dma_start3A_199 : memref<40x128xf32, #tpu.memory_space<hbm>>) target_semaphore(%arg26 : memref<!tpu.dma_semaphore, #tpu.memory_space<semaphore_mem>>)
      %ne3A_200 = arith.constant 63 : i32
      %ne3A_201 = arith.cmpi ne, %scan3A_83, %ne3A_200 : i32
      %convert_element_type3A_202 = arith.extui %ne3A_201 : i1 to i32
      %cond3A_203 = arith.constant 0 : i32
      %cond3A_204 = arith.cmpi ne, %convert_element_type3A_202, %cond3A_203 : i32
      scf.if %cond3A_204 {
        %dma_wait3A_229 = arith.constant 160 : i32
        %dma_wait3A_230 = arith.constant 0 : i32
        %dma_wait3A_231 = tpu.memref_slice %arg5[%mul3A_2, %dma_wait3A_229, %dma_wait3A_230] : memref<4096x200x128xf32, #tpu.memory_space<hbm>> -> memref<1x40x128xf32, #tpu.memory_space<hbm>>
        %dma_wait3A_232 = tpu.memref_squeeze %dma_wait3A_231 : memref<1x40x128xf32, #tpu.memory_space<hbm>> -> memref<40x128xf32, #tpu.memory_space<hbm>>
        %dma_wait3A_233 = arith.constant 160 : i32
        %dma_wait3A_234 = arith.constant 0 : i32
        %dma_wait3A_235 = tpu.memref_slice %arg5[%mul3A_2, %dma_wait3A_233, %dma_wait3A_234] : memref<4096x200x128xf32, #tpu.memory_space<hbm>> -> memref<1x40x128xf32, #tpu.memory_space<hbm>>
        %dma_wait3A_236 = tpu.memref_squeeze %dma_wait3A_235 : memref<1x40x128xf32, #tpu.memory_space<hbm>> -> memref<40x128xf32, #tpu.memory_space<hbm>>
        tpu.wait_dma2 semaphore(%arg22 : memref<!tpu.dma_semaphore, #tpu.memory_space<semaphore_mem>>) src(%dma_wait3A_236 : memref<40x128xf32, #tpu.memory_space<hbm>>) dst(%arg12 : memref<40x128xf32, #tpu.memory_space<vmem>>)
      } else {
      }
      %gt3A_205 = arith.constant 0 : i32
      %gt3A_206 = arith.cmpi sgt, %scan3A_83, %gt3A_205 : i32
      %convert_element_type3A_207 = arith.extui %gt3A_206 : i1 to i32
      %cond3A_208 = arith.constant 0 : i32
      %cond3A_209 = arith.cmpi ne, %convert_element_type3A_207, %cond3A_208 : i32
      scf.if %cond3A_209 {
        %dma_wait3A_229 = arith.constant 160 : i32
        %dma_wait3A_230 = arith.constant 0 : i32
        %dma_wait3A_231 = tpu.memref_slice %arg5[%mul3A_2, %dma_wait3A_229, %dma_wait3A_230] : memref<4096x200x128xf32, #tpu.memory_space<hbm>> -> memref<1x40x128xf32, #tpu.memory_space<hbm>>
        %dma_wait3A_232 = tpu.memref_squeeze %dma_wait3A_231 : memref<1x40x128xf32, #tpu.memory_space<hbm>> -> memref<40x128xf32, #tpu.memory_space<hbm>>
        %dma_wait3A_233 = arith.constant 160 : i32
        %dma_wait3A_234 = arith.constant 0 : i32
        %dma_wait3A_235 = tpu.memref_slice %arg5[%mul3A_2, %dma_wait3A_233, %dma_wait3A_234] : memref<4096x200x128xf32, #tpu.memory_space<hbm>> -> memref<1x40x128xf32, #tpu.memory_space<hbm>>
        %dma_wait3A_236 = tpu.memref_squeeze %dma_wait3A_235 : memref<1x40x128xf32, #tpu.memory_space<hbm>> -> memref<40x128xf32, #tpu.memory_space<hbm>>
        tpu.wait_dma2 semaphore(%arg27 : memref<!tpu.dma_semaphore, #tpu.memory_space<semaphore_mem>>) src(%arg17 : memref<40x128xf32, #tpu.memory_space<vmem>>) dst(%dma_wait3A_236 : memref<40x128xf32, #tpu.memory_space<hbm>>)
      } else {
      }
      %scan3A_210 = arith.constant 0 : i32
      %scan3A_211 = arith.constant 0 : i32
      %scan3A_212 = arith.constant 10 : i32
      %scan3A_213 = arith.addi %scan3A_211, %scan3A_212 : i32
      %scan3A_214 = arith.constant 1 : i32
      scf.for %scan3A_229 = %scan3A_211 to %scan3A_213 step %scan3A_214  : i32 {
        %mul3A_230 = arith.constant 4 : i32
        %mul3A_231 = arith.muli %mul3A_230, %scan3A_229 : i32
        %add3A_232 = arith.constant 0 : i32
        %add3A_233 = arith.addi %mul3A_231, %add3A_232 : i32
        %get3A = arith.index_cast %add3A_233 : i32 to index
        %get3A_234 = arith.constant 0 : index
        %get3A_235 = tpu.vector_load %arg12[%get3A, %get3A_234] {strides = array<i32>} : memref<40x128xf32, #tpu.memory_space<vmem>>, vector<1x16xf32>,
        %get3A_236 = vector.shape_cast %get3A_235 : vector<1x16xf32> to vector<16xf32>
        %mul3A_237 = arith.constant 11.3137083 : f32
        %mul3A_238 = vector.broadcast %mul3A_237 : f32 to vector<16xf32>
        %mul3A_239 = arith.mulf %get3A_236, %mul3A_238 : vector<16xf32>
        %add3A_240 = arith.constant 160 : i32
        %add3A_241 = arith.addi %add3A_240, %add3A_233 : i32
        %get3A_242 = arith.index_cast %add3A_241 : i32 to index
        %get3A_243 = arith.constant 0 : index
        %get3A_244 = tpu.vector_load %arg7[%get3A_242, %get3A_243] {strides = array<i32>} : memref<200x128xf32, #tpu.memory_space<vmem>>, vector<1x16xf32>,
        %get3A_245 = vector.shape_cast %get3A_244 : vector<1x16xf32> to vector<16xf32>
        %add3A_246 = arith.addf %mul3A_239, %get3A_245 : vector<16xf32>
        %swap3A = arith.index_cast %add3A_233 : i32 to index
        %swap3A_247 = arith.constant 0 : index
        %swap3A_248 = tpu.vector_load %arg17[%swap3A, %swap3A_247] {strides = array<i32>} : memref<40x128xf32, #tpu.memory_space<vmem>>, vector<1x16xf32>,
        %swap3A_249 = vector.shape_cast %swap3A_248 : vector<1x16xf32> to vector<16xf32>
        %swap3A_250 = vector.shape_cast %add3A_246 : vector<16xf32> to vector<1x16xf32>
        tpu.vector_store %arg17[%swap3A, %swap3A_247], %swap3A_250 {strides = array<i32>} : memref<40x128xf32, #tpu.memory_space<vmem>>, vector<1x16xf32>,
        %get3A_251 = arith.index_cast %add3A_233 : i32 to index
        %get3A_252 = arith.constant 16 : index
        %get3A_253 = tpu.vector_load %arg12[%get3A_251, %get3A_252] {strides = array<i32>} : memref<40x128xf32, #tpu.memory_space<vmem>>, vector<1x16xf32>,
        %get3A_254 = vector.shape_cast %get3A_253 : vector<1x16xf32> to vector<16xf32>
        %mul3A_255 = arith.constant 11.3137083 : f32
        %mul3A_256 = vector.broadcast %mul3A_255 : f32 to vector<16xf32>
        %mul3A_257 = arith.mulf %get3A_254, %mul3A_256 : vector<16xf32>
        %add3A_258 = arith.constant 160 : i32
        %add3A_259 = arith.addi %add3A_258, %add3A_233 : i32
        %get3A_260 = arith.index_cast %add3A_259 : i32 to index
        %get3A_261 = arith.constant 16 : index
        %get3A_262 = tpu.vector_load %arg7[%get3A_260, %get3A_261] {strides = array<i32>} : memref<200x128xf32, #tpu.memory_space<vmem>>, vector<1x16xf32>,
        %get3A_263 = vector.shape_cast %get3A_262 : vector<1x16xf32> to vector<16xf32>
        %add3A_264 = arith.addf %mul3A_257, %get3A_263 : vector<16xf32>
        %swap3A_265 = arith.index_cast %add3A_233 : i32 to index
        %swap3A_266 = arith.constant 16 : index
        %swap3A_267 = tpu.vector_load %arg17[%swap3A_265, %swap3A_266] {strides = array<i32>} : memref<40x128xf32, #tpu.memory_space<vmem>>, vector<1x16xf32>,
        %swap3A_268 = vector.shape_cast %swap3A_267 : vector<1x16xf32> to vector<16xf32>
        %swap3A_269 = vector.shape_cast %add3A_264 : vector<16xf32> to vector<1x16xf32>
        tpu.vector_store %arg17[%swap3A_265, %swap3A_266], %swap3A_269 {strides = array<i32>} : memref<40x128xf32, #tpu.memory_space<vmem>>, vector<1x16xf32>,
        %get3A_270 = arith.index_cast %add3A_233 : i32 to index
        %get3A_271 = arith.constant 32 : index
        %get3A_272 = tpu.vector_load %arg12[%get3A_270, %get3A_271] {strides = array<i32>} : memref<40x128xf32, #tpu.memory_space<vmem>>, vector<1x16xf32>,
        %get3A_273 = vector.shape_cast %get3A_272 : vector<1x16xf32> to vector<16xf32>
        %mul3A_274 = arith.constant 11.3137083 : f32
        %mul3A_275 = vector.broadcast %mul3A_274 : f32 to vector<16xf32>
        %mul3A_276 = arith.mulf %get3A_273, %mul3A_275 : vector<16xf32>
        %add3A_277 = arith.constant 160 : i32
        %add3A_278 = arith.addi %add3A_277, %add3A_233 : i32
        %get3A_279 = arith.index_cast %add3A_278 : i32 to index
        %get3A_280 = arith.constant 32 : index
        %get3A_281 = tpu.vector_load %arg7[%get3A_279, %get3A_280] {strides = array<i32>} : memref<200x128xf32, #tpu.memory_space<vmem>>, vector<1x16xf32>,
        %get3A_282 = vector.shape_cast %get3A_281 : vector<1x16xf32> to vector<16xf32>
        %add3A_283 = arith.addf %mul3A_276, %get3A_282 : vector<16xf32>
        %swap3A_284 = arith.index_cast %add3A_233 : i32 to index
        %swap3A_285 = arith.constant 32 : index
        %swap3A_286 = tpu.vector_load %arg17[%swap3A_284, %swap3A_285] {strides = array<i32>} : memref<40x128xf32, #tpu.memory_space<vmem>>, vector<1x16xf32>,
        %swap3A_287 = vector.shape_cast %swap3A_286 : vector<1x16xf32> to vector<16xf32>
        %swap3A_288 = vector.shape_cast %add3A_283 : vector<16xf32> to vector<1x16xf32>
        tpu.vector_store %arg17[%swap3A_284, %swap3A_285], %swap3A_288 {strides = array<i32>} : memref<40x128xf32, #tpu.memory_space<vmem>>, vector<1x16xf32>,
        %get3A_289 = arith.index_cast %add3A_233 : i32 to index
        %get3A_290 = arith.constant 48 : index
        %get3A_291 = tpu.vector_load %arg12[%get3A_289, %get3A_290] {strides = array<i32>} : memref<40x128xf32, #tpu.memory_space<vmem>>, vector<1x16xf32>,
        %get3A_292 = vector.shape_cast %get3A_291 : vector<1x16xf32> to vector<16xf32>
        %mul3A_293 = arith.constant 11.3137083 : f32
        %mul3A_294 = vector.broadcast %mul3A_293 : f32 to vector<16xf32>
        %mul3A_295 = arith.mulf %get3A_292, %mul3A_294 : vector<16xf32>
        %add3A_296 = arith.constant 160 : i32
        %add3A_297 = arith.addi %add3A_296, %add3A_233 : i32
        %get3A_298 = arith.index_cast %add3A_297 : i32 to index
        %get3A_299 = arith.constant 48 : index
        %get3A_300 = tpu.vector_load %arg7[%get3A_298, %get3A_299] {strides = array<i32>} : memref<200x128xf32, #tpu.memory_space<vmem>>, vector<1x16xf32>,
        %get3A_301 = vector.shape_cast %get3A_300 : vector<1x16xf32> to vector<16xf32>
        %add3A_302 = arith.addf %mul3A_295, %get3A_301 : vector<16xf32>
        %swap3A_303 = arith.index_cast %add3A_233 : i32 to index
        %swap3A_304 = arith.constant 48 : index
        %swap3A_305 = tpu.vector_load %arg17[%swap3A_303, %swap3A_304] {strides = array<i32>} : memref<40x128xf32, #tpu.memory_space<vmem>>, vector<1x16xf32>,
        %swap3A_306 = vector.shape_cast %swap3A_305 : vector<1x16xf32> to vector<16xf32>
        %swap3A_307 = vector.shape_cast %add3A_302 : vector<16xf32> to vector<1x16xf32>
        tpu.vector_store %arg17[%swap3A_303, %swap3A_304], %swap3A_307 {strides = array<i32>} : memref<40x128xf32, #tpu.memory_space<vmem>>, vector<1x16xf32>,
        %get3A_308 = arith.index_cast %add3A_233 : i32 to index
        %get3A_309 = arith.constant 64 : index
        %get3A_310 = tpu.vector_load %arg12[%get3A_308, %get3A_309] {strides = array<i32>} : memref<40x128xf32, #tpu.memory_space<vmem>>, vector<1x16xf32>,
        %get3A_311 = vector.shape_cast %get3A_310 : vector<1x16xf32> to vector<16xf32>
        %mul3A_312 = arith.constant 11.3137083 : f32
        %mul3A_313 = vector.broadcast %mul3A_312 : f32 to vector<16xf32>
        %mul3A_314 = arith.mulf %get3A_311, %mul3A_313 : vector<16xf32>
        %add3A_315 = arith.constant 160 : i32
        %add3A_316 = arith.addi %add3A_315, %add3A_233 : i32
        %get3A_317 = arith.index_cast %add3A_316 : i32 to index
        %get3A_318 = arith.constant 64 : index
        %get3A_319 = tpu.vector_load %arg7[%get3A_317, %get3A_318] {strides = array<i32>} : memref<200x128xf32, #tpu.memory_space<vmem>>, vector<1x16xf32>,
        %get3A_320 = vector.shape_cast %get3A_319 : vector<1x16xf32> to vector<16xf32>
        %add3A_321 = arith.addf %mul3A_314, %get3A_320 : vector<16xf32>
        %swap3A_322 = arith.index_cast %add3A_233 : i32 to index
        %swap3A_323 = arith.constant 64 : index
        %swap3A_324 = tpu.vector_load %arg17[%swap3A_322, %swap3A_323] {strides = array<i32>} : memref<40x128xf32, #tpu.memory_space<vmem>>, vector<1x16xf32>,
        %swap3A_325 = vector.shape_cast %swap3A_324 : vector<1x16xf32> to vector<16xf32>
        %swap3A_326 = vector.shape_cast %add3A_321 : vector<16xf32> to vector<1x16xf32>
        tpu.vector_store %arg17[%swap3A_322, %swap3A_323], %swap3A_326 {strides = array<i32>} : memref<40x128xf32, #tpu.memory_space<vmem>>, vector<1x16xf32>,
        %get3A_327 = arith.index_cast %add3A_233 : i32 to index
        %get3A_328 = arith.constant 80 : index
        %get3A_329 = tpu.vector_load %arg12[%get3A_327, %get3A_328] {strides = array<i32>} : memref<40x128xf32, #tpu.memory_space<vmem>>, vector<1x16xf32>,
        %get3A_330 = vector.shape_cast %get3A_329 : vector<1x16xf32> to vector<16xf32>
        %mul3A_331 = arith.constant 11.3137083 : f32
        %mul3A_332 = vector.broadcast %mul3A_331 : f32 to vector<16xf32>
        %mul3A_333 = arith.mulf %get3A_330, %mul3A_332 : vector<16xf32>
        %add3A_334 = arith.constant 160 : i32
        %add3A_335 = arith.addi %add3A_334, %add3A_233 : i32
        %get3A_336 = arith.index_cast %add3A_335 : i32 to index
        %get3A_337 = arith.constant 80 : index
        %get3A_338 = tpu.vector_load %arg7[%get3A_336, %get3A_337] {strides = array<i32>} : memref<200x128xf32, #tpu.memory_space<vmem>>, vector<1x16xf32>,
        %get3A_339 = vector.shape_cast %get3A_338 : vector<1x16xf32> to vector<16xf32>
        %add3A_340 = arith.addf %mul3A_333, %get3A_339 : vector<16xf32>
        %swap3A_341 = arith.index_cast %add3A_233 : i32 to index
        %swap3A_342 = arith.constant 80 : index
        %swap3A_343 = tpu.vector_load %arg17[%swap3A_341, %swap3A_342] {strides = array<i32>} : memref<40x128xf32, #tpu.memory_space<vmem>>, vector<1x16xf32>,
        %swap3A_344 = vector.shape_cast %swap3A_343 : vector<1x16xf32> to vector<16xf32>
        %swap3A_345 = vector.shape_cast %add3A_340 : vector<16xf32> to vector<1x16xf32>
        tpu.vector_store %arg17[%swap3A_341, %swap3A_342], %swap3A_345 {strides = array<i32>} : memref<40x128xf32, #tpu.memory_space<vmem>>, vector<1x16xf32>,
        %get3A_346 = arith.index_cast %add3A_233 : i32 to index
        %get3A_347 = arith.constant 96 : index
        %get3A_348 = tpu.vector_load %arg12[%get3A_346, %get3A_347] {strides = array<i32>} : memref<40x128xf32, #tpu.memory_space<vmem>>, vector<1x16xf32>,
        %get3A_349 = vector.shape_cast %get3A_348 : vector<1x16xf32> to vector<16xf32>
        %mul3A_350 = arith.constant 11.3137083 : f32
        %mul3A_351 = vector.broadcast %mul3A_350 : f32 to vector<16xf32>
        %mul3A_352 = arith.mulf %get3A_349, %mul3A_351 : vector<16xf32>
        %add3A_353 = arith.constant 160 : i32
        %add3A_354 = arith.addi %add3A_353, %add3A_233 : i32
        %get3A_355 = arith.index_cast %add3A_354 : i32 to index
        %get3A_356 = arith.constant 96 : index
        %get3A_357 = tpu.vector_load %arg7[%get3A_355, %get3A_356] {strides = array<i32>} : memref<200x128xf32, #tpu.memory_space<vmem>>, vector<1x16xf32>,
        %get3A_358 = vector.shape_cast %get3A_357 : vector<1x16xf32> to vector<16xf32>
        %add3A_359 = arith.addf %mul3A_352, %get3A_358 : vector<16xf32>
        %swap3A_360 = arith.index_cast %add3A_233 : i32 to index
        %swap3A_361 = arith.constant 96 : index
        %swap3A_362 = tpu.vector_load %arg17[%swap3A_360, %swap3A_361] {strides = array<i32>} : memref<40x128xf32, #tpu.memory_space<vmem>>, vector<1x16xf32>,
        %swap3A_363 = vector.shape_cast %swap3A_362 : vector<1x16xf32> to vector<16xf32>
        %swap3A_364 = vector.shape_cast %add3A_359 : vector<16xf32> to vector<1x16xf32>
        tpu.vector_store %arg17[%swap3A_360, %swap3A_361], %swap3A_364 {strides = array<i32>} : memref<40x128xf32, #tpu.memory_space<vmem>>, vector<1x16xf32>,
        %get3A_365 = arith.index_cast %add3A_233 : i32 to index
        %get3A_366 = arith.constant 112 : index
        %get3A_367 = tpu.vector_load %arg12[%get3A_365, %get3A_366] {strides = array<i32>} : memref<40x128xf32, #tpu.memory_space<vmem>>, vector<1x16xf32>,
        %get3A_368 = vector.shape_cast %get3A_367 : vector<1x16xf32> to vector<16xf32>
        %mul3A_369 = arith.constant 11.3137083 : f32
        %mul3A_370 = vector.broadcast %mul3A_369 : f32 to vector<16xf32>
        %mul3A_371 = arith.mulf %get3A_368, %mul3A_370 : vector<16xf32>
        %add3A_372 = arith.constant 160 : i32
        %add3A_373 = arith.addi %add3A_372, %add3A_233 : i32
        %get3A_374 = arith.index_cast %add3A_373 : i32 to index
        %get3A_375 = arith.constant 112 : index
        %get3A_376 = tpu.vector_load %arg7[%get3A_374, %get3A_375] {strides = array<i32>} : memref<200x128xf32, #tpu.memory_space<vmem>>, vector<1x16xf32>,
        %get3A_377 = vector.shape_cast %get3A_376 : vector<1x16xf32> to vector<16xf32>
        %add3A_378 = arith.addf %mul3A_371, %get3A_377 : vector<16xf32>
        %swap3A_379 = arith.index_cast %add3A_233 : i32 to index
        %swap3A_380 = arith.constant 112 : index
        %swap3A_381 = tpu.vector_load %arg17[%swap3A_379, %swap3A_380] {strides = array<i32>} : memref<40x128xf32, #tpu.memory_space<vmem>>, vector<1x16xf32>,
        %swap3A_382 = vector.shape_cast %swap3A_381 : vector<1x16xf32> to vector<16xf32>
        %swap3A_383 = vector.shape_cast %add3A_378 : vector<16xf32> to vector<1x16xf32>
        tpu.vector_store %arg17[%swap3A_379, %swap3A_380], %swap3A_383 {strides = array<i32>} : memref<40x128xf32, #tpu.memory_space<vmem>>, vector<1x16xf32>,
        %mul3A_384 = arith.constant 4 : i32
        %mul3A_385 = arith.muli %mul3A_384, %scan3A_229 : i32
        %add3A_386 = arith.constant 1 : i32
        %add3A_387 = arith.addi %mul3A_385, %add3A_386 : i32
        %get3A_388 = arith.index_cast %add3A_387 : i32 to index
        %get3A_389 = arith.constant 0 : index
        %get3A_390 = tpu.vector_load %arg12[%get3A_388, %get3A_389] {strides = array<i32>} : memref<40x128xf32, #tpu.memory_space<vmem>>, vector<1x16xf32>,
        %get3A_391 = vector.shape_cast %get3A_390 : vector<1x16xf32> to vector<16xf32>
        %mul3A_392 = arith.constant 11.3137083 : f32
        %mul3A_393 = vector.broadcast %mul3A_392 : f32 to vector<16xf32>
        %mul3A_394 = arith.mulf %get3A_391, %mul3A_393 : vector<16xf32>
        %add3A_395 = arith.constant 160 : i32
        %add3A_396 = arith.addi %add3A_395, %add3A_387 : i32
        %get3A_397 = arith.index_cast %add3A_396 : i32 to index
        %get3A_398 = arith.constant 0 : index
        %get3A_399 = tpu.vector_load %arg7[%get3A_397, %get3A_398] {strides = array<i32>} : memref<200x128xf32, #tpu.memory_space<vmem>>, vector<1x16xf32>,
        %get3A_400 = vector.shape_cast %get3A_399 : vector<1x16xf32> to vector<16xf32>
        %add3A_401 = arith.addf %mul3A_394, %get3A_400 : vector<16xf32>
        %swap3A_402 = arith.index_cast %add3A_387 : i32 to index
        %swap3A_403 = arith.constant 0 : index
        %swap3A_404 = tpu.vector_load %arg17[%swap3A_402, %swap3A_403] {strides = array<i32>} : memref<40x128xf32, #tpu.memory_space<vmem>>, vector<1x16xf32>,
        %swap3A_405 = vector.shape_cast %swap3A_404 : vector<1x16xf32> to vector<16xf32>
        %swap3A_406 = vector.shape_cast %add3A_401 : vector<16xf32> to vector<1x16xf32>
        tpu.vector_store %arg17[%swap3A_402, %swap3A_403], %swap3A_406 {strides = array<i32>} : memref<40x128xf32, #tpu.memory_space<vmem>>, vector<1x16xf32>,
        %get3A_407 = arith.index_cast %add3A_387 : i32 to index
        %get3A_408 = arith.constant 16 : index
        %get3A_409 = tpu.vector_load %arg12[%get3A_407, %get3A_408] {strides = array<i32>} : memref<40x128xf32, #tpu.memory_space<vmem>>, vector<1x16xf32>,
        %get3A_410 = vector.shape_cast %get3A_409 : vector<1x16xf32> to vector<16xf32>
        %mul3A_411 = arith.constant 11.3137083 : f32
        %mul3A_412 = vector.broadcast %mul3A_411 : f32 to vector<16xf32>
        %mul3A_413 = arith.mulf %get3A_410, %mul3A_412 : vector<16xf32>
        %add3A_414 = arith.constant 160 : i32
        %add3A_415 = arith.addi %add3A_414, %add3A_387 : i32
        %get3A_416 = arith.index_cast %add3A_415 : i32 to index
        %get3A_417 = arith.constant 16 : index
        %get3A_418 = tpu.vector_load %arg7[%get3A_416, %get3A_417] {strides = array<i32>} : memref<200x128xf32, #tpu.memory_space<vmem>>, vector<1x16xf32>,
        %get3A_419 = vector.shape_cast %get3A_418 : vector<1x16xf32> to vector<16xf32>
        %add3A_420 = arith.addf %mul3A_413, %get3A_419 : vector<16xf32>
        %swap3A_421 = arith.index_cast %add3A_387 : i32 to index
        %swap3A_422 = arith.constant 16 : index
        %swap3A_423 = tpu.vector_load %arg17[%swap3A_421, %swap3A_422] {strides = array<i32>} : memref<40x128xf32, #tpu.memory_space<vmem>>, vector<1x16xf32>,
        %swap3A_424 = vector.shape_cast %swap3A_423 : vector<1x16xf32> to vector<16xf32>
        %swap3A_425 = vector.shape_cast %add3A_420 : vector<16xf32> to vector<1x16xf32>
        tpu.vector_store %arg17[%swap3A_421, %swap3A_422], %swap3A_425 {strides = array<i32>} : memref<40x128xf32, #tpu.memory_space<vmem>>, vector<1x16xf32>,
        %get3A_426 = arith.index_cast %add3A_387 : i32 to index
        %get3A_427 = arith.constant 32 : index
        %get3A_428 = tpu.vector_load %arg12[%get3A_426, %get3A_427] {strides = array<i32>} : memref<40x128xf32, #tpu.memory_space<vmem>>, vector<1x16xf32>,
        %get3A_429 = vector.shape_cast %get3A_428 : vector<1x16xf32> to vector<16xf32>
        %mul3A_430 = arith.constant 11.3137083 : f32
        %mul3A_431 = vector.broadcast %mul3A_430 : f32 to vector<16xf32>
        %mul3A_432 = arith.mulf %get3A_429, %mul3A_431 : vector<16xf32>
        %add3A_433 = arith.constant 160 : i32
        %add3A_434 = arith.addi %add3A_433, %add3A_387 : i32
        %get3A_435 = arith.index_cast %add3A_434 : i32 to index
        %get3A_436 = arith.constant 32 : index
        %get3A_437 = tpu.vector_load %arg7[%get3A_435, %get3A_436] {strides = array<i32>} : memref<200x128xf32, #tpu.memory_space<vmem>>, vector<1x16xf32>,
        %get3A_438 = vector.shape_cast %get3A_437 : vector<1x16xf32> to vector<16xf32>
        %add3A_439 = arith.addf %mul3A_432, %get3A_438 : vector<16xf32>
        %swap3A_440 = arith.index_cast %add3A_387 : i32 to index
        %swap3A_441 = arith.constant 32 : index
        %swap3A_442 = tpu.vector_load %arg17[%swap3A_440, %swap3A_441] {strides = array<i32>} : memref<40x128xf32, #tpu.memory_space<vmem>>, vector<1x16xf32>,
        %swap3A_443 = vector.shape_cast %swap3A_442 : vector<1x16xf32> to vector<16xf32>
        %swap3A_444 = vector.shape_cast %add3A_439 : vector<16xf32> to vector<1x16xf32>
        tpu.vector_store %arg17[%swap3A_440, %swap3A_441], %swap3A_444 {strides = array<i32>} : memref<40x128xf32, #tpu.memory_space<vmem>>, vector<1x16xf32>,
        %get3A_445 = arith.index_cast %add3A_387 : i32 to index
        %get3A_446 = arith.constant 48 : index
        %get3A_447 = tpu.vector_load %arg12[%get3A_445, %get3A_446] {strides = array<i32>} : memref<40x128xf32, #tpu.memory_space<vmem>>, vector<1x16xf32>,
        %get3A_448 = vector.shape_cast %get3A_447 : vector<1x16xf32> to vector<16xf32>
        %mul3A_449 = arith.constant 11.3137083 : f32
        %mul3A_450 = vector.broadcast %mul3A_449 : f32 to vector<16xf32>
        %mul3A_451 = arith.mulf %get3A_448, %mul3A_450 : vector<16xf32>
        %add3A_452 = arith.constant 160 : i32
        %add3A_453 = arith.addi %add3A_452, %add3A_387 : i32
        %get3A_454 = arith.index_cast %add3A_453 : i32 to index
        %get3A_455 = arith.constant 48 : index
        %get3A_456 = tpu.vector_load %arg7[%get3A_454, %get3A_455] {strides = array<i32>} : memref<200x128xf32, #tpu.memory_space<vmem>>, vector<1x16xf32>,
        %get3A_457 = vector.shape_cast %get3A_456 : vector<1x16xf32> to vector<16xf32>
        %add3A_458 = arith.addf %mul3A_451, %get3A_457 : vector<16xf32>
        %swap3A_459 = arith.index_cast %add3A_387 : i32 to index
        %swap3A_460 = arith.constant 48 : index
        %swap3A_461 = tpu.vector_load %arg17[%swap3A_459, %swap3A_460] {strides = array<i32>} : memref<40x128xf32, #tpu.memory_space<vmem>>, vector<1x16xf32>,
        %swap3A_462 = vector.shape_cast %swap3A_461 : vector<1x16xf32> to vector<16xf32>
        %swap3A_463 = vector.shape_cast %add3A_458 : vector<16xf32> to vector<1x16xf32>
        tpu.vector_store %arg17[%swap3A_459, %swap3A_460], %swap3A_463 {strides = array<i32>} : memref<40x128xf32, #tpu.memory_space<vmem>>, vector<1x16xf32>,
        %get3A_464 = arith.index_cast %add3A_387 : i32 to index
        %get3A_465 = arith.constant 64 : index
        %get3A_466 = tpu.vector_load %arg12[%get3A_464, %get3A_465] {strides = array<i32>} : memref<40x128xf32, #tpu.memory_space<vmem>>, vector<1x16xf32>,
        %get3A_467 = vector.shape_cast %get3A_466 : vector<1x16xf32> to vector<16xf32>
        %mul3A_468 = arith.constant 11.3137083 : f32
        %mul3A_469 = vector.broadcast %mul3A_468 : f32 to vector<16xf32>
        %mul3A_470 = arith.mulf %get3A_467, %mul3A_469 : vector<16xf32>
        %add3A_471 = arith.constant 160 : i32
        %add3A_472 = arith.addi %add3A_471, %add3A_387 : i32
        %get3A_473 = arith.index_cast %add3A_472 : i32 to index
        %get3A_474 = arith.constant 64 : index
        %get3A_475 = tpu.vector_load %arg7[%get3A_473, %get3A_474] {strides = array<i32>} : memref<200x128xf32, #tpu.memory_space<vmem>>, vector<1x16xf32>,
        %get3A_476 = vector.shape_cast %get3A_475 : vector<1x16xf32> to vector<16xf32>
        %add3A_477 = arith.addf %mul3A_470, %get3A_476 : vector<16xf32>
        %swap3A_478 = arith.index_cast %add3A_387 : i32 to index
        %swap3A_479 = arith.constant 64 : index
        %swap3A_480 = tpu.vector_load %arg17[%swap3A_478, %swap3A_479] {strides = array<i32>} : memref<40x128xf32, #tpu.memory_space<vmem>>, vector<1x16xf32>,
        %swap3A_481 = vector.shape_cast %swap3A_480 : vector<1x16xf32> to vector<16xf32>
        %swap3A_482 = vector.shape_cast %add3A_477 : vector<16xf32> to vector<1x16xf32>
        tpu.vector_store %arg17[%swap3A_478, %swap3A_479], %swap3A_482 {strides = array<i32>} : memref<40x128xf32, #tpu.memory_space<vmem>>, vector<1x16xf32>,
        %get3A_483 = arith.index_cast %add3A_387 : i32 to index
        %get3A_484 = arith.constant 80 : index
        %get3A_485 = tpu.vector_load %arg12[%get3A_483, %get3A_484] {strides = array<i32>} : memref<40x128xf32, #tpu.memory_space<vmem>>, vector<1x16xf32>,
        %get3A_486 = vector.shape_cast %get3A_485 : vector<1x16xf32> to vector<16xf32>
        %mul3A_487 = arith.constant 11.3137083 : f32
        %mul3A_488 = vector.broadcast %mul3A_487 : f32 to vector<16xf32>
        %mul3A_489 = arith.mulf %get3A_486, %mul3A_488 : vector<16xf32>
        %add3A_490 = arith.constant 160 : i32
        %add3A_491 = arith.addi %add3A_490, %add3A_387 : i32
        %get3A_492 = arith.index_cast %add3A_491 : i32 to index
        %get3A_493 = arith.constant 80 : index
        %get3A_494 = tpu.vector_load %arg7[%get3A_492, %get3A_493] {strides = array<i32>} : memref<200x128xf32, #tpu.memory_space<vmem>>, vector<1x16xf32>,
        %get3A_495 = vector.shape_cast %get3A_494 : vector<1x16xf32> to vector<16xf32>
        %add3A_496 = arith.addf %mul3A_489, %get3A_495 : vector<16xf32>
        %swap3A_497 = arith.index_cast %add3A_387 : i32 to index
        %swap3A_498 = arith.constant 80 : index
        %swap3A_499 = tpu.vector_load %arg17[%swap3A_497, %swap3A_498] {strides = array<i32>} : memref<40x128xf32, #tpu.memory_space<vmem>>, vector<1x16xf32>,
        %swap3A_500 = vector.shape_cast %swap3A_499 : vector<1x16xf32> to vector<16xf32>
        %swap3A_501 = vector.shape_cast %add3A_496 : vector<16xf32> to vector<1x16xf32>
        tpu.vector_store %arg17[%swap3A_497, %swap3A_498], %swap3A_501 {strides = array<i32>} : memref<40x128xf32, #tpu.memory_space<vmem>>, vector<1x16xf32>,
        %get3A_502 = arith.index_cast %add3A_387 : i32 to index
        %get3A_503 = arith.constant 96 : index
        %get3A_504 = tpu.vector_load %arg12[%get3A_502, %get3A_503] {strides = array<i32>} : memref<40x128xf32, #tpu.memory_space<vmem>>, vector<1x16xf32>,
        %get3A_505 = vector.shape_cast %get3A_504 : vector<1x16xf32> to vector<16xf32>
        %mul3A_506 = arith.constant 11.3137083 : f32
        %mul3A_507 = vector.broadcast %mul3A_506 : f32 to vector<16xf32>
        %mul3A_508 = arith.mulf %get3A_505, %mul3A_507 : vector<16xf32>
        %add3A_509 = arith.constant 160 : i32
        %add3A_510 = arith.addi %add3A_509, %add3A_387 : i32
        %get3A_511 = arith.index_cast %add3A_510 : i32 to index
        %get3A_512 = arith.constant 96 : index
        %get3A_513 = tpu.vector_load %arg7[%get3A_511, %get3A_512] {strides = array<i32>} : memref<200x128xf32, #tpu.memory_space<vmem>>, vector<1x16xf32>,
        %get3A_514 = vector.shape_cast %get3A_513 : vector<1x16xf32> to vector<16xf32>
        %add3A_515 = arith.addf %mul3A_508, %get3A_514 : vector<16xf32>
        %swap3A_516 = arith.index_cast %add3A_387 : i32 to index
        %swap3A_517 = arith.constant 96 : index
        %swap3A_518 = tpu.vector_load %arg17[%swap3A_516, %swap3A_517] {strides = array<i32>} : memref<40x128xf32, #tpu.memory_space<vmem>>, vector<1x16xf32>,
        %swap3A_519 = vector.shape_cast %swap3A_518 : vector<1x16xf32> to vector<16xf32>
        %swap3A_520 = vector.shape_cast %add3A_515 : vector<16xf32> to vector<1x16xf32>
        tpu.vector_store %arg17[%swap3A_516, %swap3A_517], %swap3A_520 {strides = array<i32>} : memref<40x128xf32, #tpu.memory_space<vmem>>, vector<1x16xf32>,
        %get3A_521 = arith.index_cast %add3A_387 : i32 to index
        %get3A_522 = arith.constant 112 : index
        %get3A_523 = tpu.vector_load %arg12[%get3A_521, %get3A_522] {strides = array<i32>} : memref<40x128xf32, #tpu.memory_space<vmem>>, vector<1x16xf32>,
        %get3A_524 = vector.shape_cast %get3A_523 : vector<1x16xf32> to vector<16xf32>
        %mul3A_525 = arith.constant 11.3137083 : f32
        %mul3A_526 = vector.broadcast %mul3A_525 : f32 to vector<16xf32>
        %mul3A_527 = arith.mulf %get3A_524, %mul3A_526 : vector<16xf32>
        %add3A_528 = arith.constant 160 : i32
        %add3A_529 = arith.addi %add3A_528, %add3A_387 : i32
        %get3A_530 = arith.index_cast %add3A_529 : i32 to index
        %get3A_531 = arith.constant 112 : index
        %get3A_532 = tpu.vector_load %arg7[%get3A_530, %get3A_531] {strides = array<i32>} : memref<200x128xf32, #tpu.memory_space<vmem>>, vector<1x16xf32>,
        %get3A_533 = vector.shape_cast %get3A_532 : vector<1x16xf32> to vector<16xf32>
        %add3A_534 = arith.addf %mul3A_527, %get3A_533 : vector<16xf32>
        %swap3A_535 = arith.index_cast %add3A_387 : i32 to index
        %swap3A_536 = arith.constant 112 : index
        %swap3A_537 = tpu.vector_load %arg17[%swap3A_535, %swap3A_536] {strides = array<i32>} : memref<40x128xf32, #tpu.memory_space<vmem>>, vector<1x16xf32>,
        %swap3A_538 = vector.shape_cast %swap3A_537 : vector<1x16xf32> to vector<16xf32>
        %swap3A_539 = vector.shape_cast %add3A_534 : vector<16xf32> to vector<1x16xf32>
        tpu.vector_store %arg17[%swap3A_535, %swap3A_536], %swap3A_539 {strides = array<i32>} : memref<40x128xf32, #tpu.memory_space<vmem>>, vector<1x16xf32>,
        %mul3A_540 = arith.constant 4 : i32
        %mul3A_541 = arith.muli %mul3A_540, %scan3A_229 : i32
        %add3A_542 = arith.constant 2 : i32
        %add3A_543 = arith.addi %mul3A_541, %add3A_542 : i32
        %get3A_544 = arith.index_cast %add3A_543 : i32 to index
        %get3A_545 = arith.constant 0 : index
        %get3A_546 = tpu.vector_load %arg12[%get3A_544, %get3A_545] {strides = array<i32>} : memref<40x128xf32, #tpu.memory_space<vmem>>, vector<1x16xf32>,
        %get3A_547 = vector.shape_cast %get3A_546 : vector<1x16xf32> to vector<16xf32>
        %mul3A_548 = arith.constant 11.3137083 : f32
        %mul3A_549 = vector.broadcast %mul3A_548 : f32 to vector<16xf32>
        %mul3A_550 = arith.mulf %get3A_547, %mul3A_549 : vector<16xf32>
        %add3A_551 = arith.constant 160 : i32
        %add3A_552 = arith.addi %add3A_551, %add3A_543 : i32
        %get3A_553 = arith.index_cast %add3A_552 : i32 to index
        %get3A_554 = arith.constant 0 : index
        %get3A_555 = tpu.vector_load %arg7[%get3A_553, %get3A_554] {strides = array<i32>} : memref<200x128xf32, #tpu.memory_space<vmem>>, vector<1x16xf32>,
        %get3A_556 = vector.shape_cast %get3A_555 : vector<1x16xf32> to vector<16xf32>
        %add3A_557 = arith.addf %mul3A_550, %get3A_556 : vector<16xf32>
        %swap3A_558 = arith.index_cast %add3A_543 : i32 to index
        %swap3A_559 = arith.constant 0 : index
        %swap3A_560 = tpu.vector_load %arg17[%swap3A_558, %swap3A_559] {strides = array<i32>} : memref<40x128xf32, #tpu.memory_space<vmem>>, vector<1x16xf32>,
        %swap3A_561 = vector.shape_cast %swap3A_560 : vector<1x16xf32> to vector<16xf32>
        %swap3A_562 = vector.shape_cast %add3A_557 : vector<16xf32> to vector<1x16xf32>
        tpu.vector_store %arg17[%swap3A_558, %swap3A_559], %swap3A_562 {strides = array<i32>} : memref<40x128xf32, #tpu.memory_space<vmem>>, vector<1x16xf32>,
        %get3A_563 = arith.index_cast %add3A_543 : i32 to index
        %get3A_564 = arith.constant 16 : index
        %get3A_565 = tpu.vector_load %arg12[%get3A_563, %get3A_564] {strides = array<i32>} : memref<40x128xf32, #tpu.memory_space<vmem>>, vector<1x16xf32>,
        %get3A_566 = vector.shape_cast %get3A_565 : vector<1x16xf32> to vector<16xf32>
        %mul3A_567 = arith.constant 11.3137083 : f32
        %mul3A_568 = vector.broadcast %mul3A_567 : f32 to vector<16xf32>
        %mul3A_569 = arith.mulf %get3A_566, %mul3A_568 : vector<16xf32>
        %add3A_570 = arith.constant 160 : i32
        %add3A_571 = arith.addi %add3A_570, %add3A_543 : i32
        %get3A_572 = arith.index_cast %add3A_571 : i32 to index
        %get3A_573 = arith.constant 16 : index
        %get3A_574 = tpu.vector_load %arg7[%get3A_572, %get3A_573] {strides = array<i32>} : memref<200x128xf32, #tpu.memory_space<vmem>>, vector<1x16xf32>,
        %get3A_575 = vector.shape_cast %get3A_574 : vector<1x16xf32> to vector<16xf32>
        %add3A_576 = arith.addf %mul3A_569, %get3A_575 : vector<16xf32>
        %swap3A_577 = arith.index_cast %add3A_543 : i32 to index
        %swap3A_578 = arith.constant 16 : index
        %swap3A_579 = tpu.vector_load %arg17[%swap3A_577, %swap3A_578] {strides = array<i32>} : memref<40x128xf32, #tpu.memory_space<vmem>>, vector<1x16xf32>,
        %swap3A_580 = vector.shape_cast %swap3A_579 : vector<1x16xf32> to vector<16xf32>
        %swap3A_581 = vector.shape_cast %add3A_576 : vector<16xf32> to vector<1x16xf32>
        tpu.vector_store %arg17[%swap3A_577, %swap3A_578], %swap3A_581 {strides = array<i32>} : memref<40x128xf32, #tpu.memory_space<vmem>>, vector<1x16xf32>,
        %get3A_582 = arith.index_cast %add3A_543 : i32 to index
        %get3A_583 = arith.constant 32 : index
        %get3A_584 = tpu.vector_load %arg12[%get3A_582, %get3A_583] {strides = array<i32>} : memref<40x128xf32, #tpu.memory_space<vmem>>, vector<1x16xf32>,
        %get3A_585 = vector.shape_cast %get3A_584 : vector<1x16xf32> to vector<16xf32>
        %mul3A_586 = arith.constant 11.3137083 : f32
        %mul3A_587 = vector.broadcast %mul3A_586 : f32 to vector<16xf32>
        %mul3A_588 = arith.mulf %get3A_585, %mul3A_587 : vector<16xf32>
        %add3A_589 = arith.constant 160 : i32
        %add3A_590 = arith.addi %add3A_589, %add3A_543 : i32
        %get3A_591 = arith.index_cast %add3A_590 : i32 to index
        %get3A_592 = arith.constant 32 : index
        %get3A_593 = tpu.vector_load %arg7[%get3A_591, %get3A_592] {strides = array<i32>} : memref<200x128xf32, #tpu.memory_space<vmem>>, vector<1x16xf32>,
        %get3A_594 = vector.shape_cast %get3A_593 : vector<1x16xf32> to vector<16xf32>
        %add3A_595 = arith.addf %mul3A_588, %get3A_594 : vector<16xf32>
        %swap3A_596 = arith.index_cast %add3A_543 : i32 to index
        %swap3A_597 = arith.constant 32 : index
        %swap3A_598 = tpu.vector_load %arg17[%swap3A_596, %swap3A_597] {strides = array<i32>} : memref<40x128xf32, #tpu.memory_space<vmem>>, vector<1x16xf32>,
        %swap3A_599 = vector.shape_cast %swap3A_598 : vector<1x16xf32> to vector<16xf32>
        %swap3A_600 = vector.shape_cast %add3A_595 : vector<16xf32> to vector<1x16xf32>
        tpu.vector_store %arg17[%swap3A_596, %swap3A_597], %swap3A_600 {strides = array<i32>} : memref<40x128xf32, #tpu.memory_space<vmem>>, vector<1x16xf32>,
        %get3A_601 = arith.index_cast %add3A_543 : i32 to index
        %get3A_602 = arith.constant 48 : index
        %get3A_603 = tpu.vector_load %arg12[%get3A_601, %get3A_602] {strides = array<i32>} : memref<40x128xf32, #tpu.memory_space<vmem>>, vector<1x16xf32>,
        %get3A_604 = vector.shape_cast %get3A_603 : vector<1x16xf32> to vector<16xf32>
        %mul3A_605 = arith.constant 11.3137083 : f32
        %mul3A_606 = vector.broadcast %mul3A_605 : f32 to vector<16xf32>
        %mul3A_607 = arith.mulf %get3A_604, %mul3A_606 : vector<16xf32>
        %add3A_608 = arith.constant 160 : i32
        %add3A_609 = arith.addi %add3A_608, %add3A_543 : i32
        %get3A_610 = arith.index_cast %add3A_609 : i32 to index
        %get3A_611 = arith.constant 48 : index
        %get3A_612 = tpu.vector_load %arg7[%get3A_610, %get3A_611] {strides = array<i32>} : memref<200x128xf32, #tpu.memory_space<vmem>>, vector<1x16xf32>,
        %get3A_613 = vector.shape_cast %get3A_612 : vector<1x16xf32> to vector<16xf32>
        %add3A_614 = arith.addf %mul3A_607, %get3A_613 : vector<16xf32>
        %swap3A_615 = arith.index_cast %add3A_543 : i32 to index
        %swap3A_616 = arith.constant 48 : index
        %swap3A_617 = tpu.vector_load %arg17[%swap3A_615, %swap3A_616] {strides = array<i32>} : memref<40x128xf32, #tpu.memory_space<vmem>>, vector<1x16xf32>,
        %swap3A_618 = vector.shape_cast %swap3A_617 : vector<1x16xf32> to vector<16xf32>
        %swap3A_619 = vector.shape_cast %add3A_614 : vector<16xf32> to vector<1x16xf32>
        tpu.vector_store %arg17[%swap3A_615, %swap3A_616], %swap3A_619 {strides = array<i32>} : memref<40x128xf32, #tpu.memory_space<vmem>>, vector<1x16xf32>,
        %get3A_620 = arith.index_cast %add3A_543 : i32 to index
        %get3A_621 = arith.constant 64 : index
        %get3A_622 = tpu.vector_load %arg12[%get3A_620, %get3A_621] {strides = array<i32>} : memref<40x128xf32, #tpu.memory_space<vmem>>, vector<1x16xf32>,
        %get3A_623 = vector.shape_cast %get3A_622 : vector<1x16xf32> to vector<16xf32>
        %mul3A_624 = arith.constant 11.3137083 : f32
        %mul3A_625 = vector.broadcast %mul3A_624 : f32 to vector<16xf32>
        %mul3A_626 = arith.mulf %get3A_623, %mul3A_625 : vector<16xf32>
        %add3A_627 = arith.constant 160 : i32
        %add3A_628 = arith.addi %add3A_627, %add3A_543 : i32
        %get3A_629 = arith.index_cast %add3A_628 : i32 to index
        %get3A_630 = arith.constant 64 : index
        %get3A_631 = tpu.vector_load %arg7[%get3A_629, %get3A_630] {strides = array<i32>} : memref<200x128xf32, #tpu.memory_space<vmem>>, vector<1x16xf32>,
        %get3A_632 = vector.shape_cast %get3A_631 : vector<1x16xf32> to vector<16xf32>
        %add3A_633 = arith.addf %mul3A_626, %get3A_632 : vector<16xf32>
        %swap3A_634 = arith.index_cast %add3A_543 : i32 to index
        %swap3A_635 = arith.constant 64 : index
        %swap3A_636 = tpu.vector_load %arg17[%swap3A_634, %swap3A_635] {strides = array<i32>} : memref<40x128xf32, #tpu.memory_space<vmem>>, vector<1x16xf32>,
        %swap3A_637 = vector.shape_cast %swap3A_636 : vector<1x16xf32> to vector<16xf32>
        %swap3A_638 = vector.shape_cast %add3A_633 : vector<16xf32> to vector<1x16xf32>
        tpu.vector_store %arg17[%swap3A_634, %swap3A_635], %swap3A_638 {strides = array<i32>} : memref<40x128xf32, #tpu.memory_space<vmem>>, vector<1x16xf32>,
        %get3A_639 = arith.index_cast %add3A_543 : i32 to index
        %get3A_640 = arith.constant 80 : index
        %get3A_641 = tpu.vector_load %arg12[%get3A_639, %get3A_640] {strides = array<i32>} : memref<40x128xf32, #tpu.memory_space<vmem>>, vector<1x16xf32>,
        %get3A_642 = vector.shape_cast %get3A_641 : vector<1x16xf32> to vector<16xf32>
        %mul3A_643 = arith.constant 11.3137083 : f32
        %mul3A_644 = vector.broadcast %mul3A_643 : f32 to vector<16xf32>
        %mul3A_645 = arith.mulf %get3A_642, %mul3A_644 : vector<16xf32>
        %add3A_646 = arith.constant 160 : i32
        %add3A_647 = arith.addi %add3A_646, %add3A_543 : i32
        %get3A_648 = arith.index_cast %add3A_647 : i32 to index
        %get3A_649 = arith.constant 80 : index
        %get3A_650 = tpu.vector_load %arg7[%get3A_648, %get3A_649] {strides = array<i32>} : memref<200x128xf32, #tpu.memory_space<vmem>>, vector<1x16xf32>,
        %get3A_651 = vector.shape_cast %get3A_650 : vector<1x16xf32> to vector<16xf32>
        %add3A_652 = arith.addf %mul3A_645, %get3A_651 : vector<16xf32>
        %swap3A_653 = arith.index_cast %add3A_543 : i32 to index
        %swap3A_654 = arith.constant 80 : index
        %swap3A_655 = tpu.vector_load %arg17[%swap3A_653, %swap3A_654] {strides = array<i32>} : memref<40x128xf32, #tpu.memory_space<vmem>>, vector<1x16xf32>,
        %swap3A_656 = vector.shape_cast %swap3A_655 : vector<1x16xf32> to vector<16xf32>
        %swap3A_657 = vector.shape_cast %add3A_652 : vector<16xf32> to vector<1x16xf32>
        tpu.vector_store %arg17[%swap3A_653, %swap3A_654], %swap3A_657 {strides = array<i32>} : memref<40x128xf32, #tpu.memory_space<vmem>>, vector<1x16xf32>,
        %get3A_658 = arith.index_cast %add3A_543 : i32 to index
        %get3A_659 = arith.constant 96 : index
        %get3A_660 = tpu.vector_load %arg12[%get3A_658, %get3A_659] {strides = array<i32>} : memref<40x128xf32, #tpu.memory_space<vmem>>, vector<1x16xf32>,
        %get3A_661 = vector.shape_cast %get3A_660 : vector<1x16xf32> to vector<16xf32>
        %mul3A_662 = arith.constant 11.3137083 : f32
        %mul3A_663 = vector.broadcast %mul3A_662 : f32 to vector<16xf32>
        %mul3A_664 = arith.mulf %get3A_661, %mul3A_663 : vector<16xf32>
        %add3A_665 = arith.constant 160 : i32
        %add3A_666 = arith.addi %add3A_665, %add3A_543 : i32
        %get3A_667 = arith.index_cast %add3A_666 : i32 to index
        %get3A_668 = arith.constant 96 : index
        %get3A_669 = tpu.vector_load %arg7[%get3A_667, %get3A_668] {strides = array<i32>} : memref<200x128xf32, #tpu.memory_space<vmem>>, vector<1x16xf32>,
        %get3A_670 = vector.shape_cast %get3A_669 : vector<1x16xf32> to vector<16xf32>
        %add3A_671 = arith.addf %mul3A_664, %get3A_670 : vector<16xf32>
        %swap3A_672 = arith.index_cast %add3A_543 : i32 to index
        %swap3A_673 = arith.constant 96 : index
        %swap3A_674 = tpu.vector_load %arg17[%swap3A_672, %swap3A_673] {strides = array<i32>} : memref<40x128xf32, #tpu.memory_space<vmem>>, vector<1x16xf32>,
        %swap3A_675 = vector.shape_cast %swap3A_674 : vector<1x16xf32> to vector<16xf32>
        %swap3A_676 = vector.shape_cast %add3A_671 : vector<16xf32> to vector<1x16xf32>
        tpu.vector_store %arg17[%swap3A_672, %swap3A_673], %swap3A_676 {strides = array<i32>} : memref<40x128xf32, #tpu.memory_space<vmem>>, vector<1x16xf32>,
        %get3A_677 = arith.index_cast %add3A_543 : i32 to index
        %get3A_678 = arith.constant 112 : index
        %get3A_679 = tpu.vector_load %arg12[%get3A_677, %get3A_678] {strides = array<i32>} : memref<40x128xf32, #tpu.memory_space<vmem>>, vector<1x16xf32>,
        %get3A_680 = vector.shape_cast %get3A_679 : vector<1x16xf32> to vector<16xf32>
        %mul3A_681 = arith.constant 11.3137083 : f32
        %mul3A_682 = vector.broadcast %mul3A_681 : f32 to vector<16xf32>
        %mul3A_683 = arith.mulf %get3A_680, %mul3A_682 : vector<16xf32>
        %add3A_684 = arith.constant 160 : i32
        %add3A_685 = arith.addi %add3A_684, %add3A_543 : i32
        %get3A_686 = arith.index_cast %add3A_685 : i32 to index
        %get3A_687 = arith.constant 112 : index
        %get3A_688 = tpu.vector_load %arg7[%get3A_686, %get3A_687] {strides = array<i32>} : memref<200x128xf32, #tpu.memory_space<vmem>>, vector<1x16xf32>,
        %get3A_689 = vector.shape_cast %get3A_688 : vector<1x16xf32> to vector<16xf32>
        %add3A_690 = arith.addf %mul3A_683, %get3A_689 : vector<16xf32>
        %swap3A_691 = arith.index_cast %add3A_543 : i32 to index
        %swap3A_692 = arith.constant 112 : index
        %swap3A_693 = tpu.vector_load %arg17[%swap3A_691, %swap3A_692] {strides = array<i32>} : memref<40x128xf32, #tpu.memory_space<vmem>>, vector<1x16xf32>,
        %swap3A_694 = vector.shape_cast %swap3A_693 : vector<1x16xf32> to vector<16xf32>
        %swap3A_695 = vector.shape_cast %add3A_690 : vector<16xf32> to vector<1x16xf32>
        tpu.vector_store %arg17[%swap3A_691, %swap3A_692], %swap3A_695 {strides = array<i32>} : memref<40x128xf32, #tpu.memory_space<vmem>>, vector<1x16xf32>,
        %mul3A_696 = arith.constant 4 : i32
        %mul3A_697 = arith.muli %mul3A_696, %scan3A_229 : i32
        %add3A_698 = arith.constant 3 : i32
        %add3A_699 = arith.addi %mul3A_697, %add3A_698 : i32
        %get3A_700 = arith.index_cast %add3A_699 : i32 to index
        %get3A_701 = arith.constant 0 : index
        %get3A_702 = tpu.vector_load %arg12[%get3A_700, %get3A_701] {strides = array<i32>} : memref<40x128xf32, #tpu.memory_space<vmem>>, vector<1x16xf32>,
        %get3A_703 = vector.shape_cast %get3A_702 : vector<1x16xf32> to vector<16xf32>
        %mul3A_704 = arith.constant 11.3137083 : f32
        %mul3A_705 = vector.broadcast %mul3A_704 : f32 to vector<16xf32>
        %mul3A_706 = arith.mulf %get3A_703, %mul3A_705 : vector<16xf32>
        %add3A_707 = arith.constant 160 : i32
        %add3A_708 = arith.addi %add3A_707, %add3A_699 : i32
        %get3A_709 = arith.index_cast %add3A_708 : i32 to index
        %get3A_710 = arith.constant 0 : index
        %get3A_711 = tpu.vector_load %arg7[%get3A_709, %get3A_710] {strides = array<i32>} : memref<200x128xf32, #tpu.memory_space<vmem>>, vector<1x16xf32>,
        %get3A_712 = vector.shape_cast %get3A_711 : vector<1x16xf32> to vector<16xf32>
        %add3A_713 = arith.addf %mul3A_706, %get3A_712 : vector<16xf32>
        %swap3A_714 = arith.index_cast %add3A_699 : i32 to index
        %swap3A_715 = arith.constant 0 : index
        %swap3A_716 = tpu.vector_load %arg17[%swap3A_714, %swap3A_715] {strides = array<i32>} : memref<40x128xf32, #tpu.memory_space<vmem>>, vector<1x16xf32>,
        %swap3A_717 = vector.shape_cast %swap3A_716 : vector<1x16xf32> to vector<16xf32>
        %swap3A_718 = vector.shape_cast %add3A_713 : vector<16xf32> to vector<1x16xf32>
        tpu.vector_store %arg17[%swap3A_714, %swap3A_715], %swap3A_718 {strides = array<i32>} : memref<40x128xf32, #tpu.memory_space<vmem>>, vector<1x16xf32>,
        %get3A_719 = arith.index_cast %add3A_699 : i32 to index
        %get3A_720 = arith.constant 16 : index
        %get3A_721 = tpu.vector_load %arg12[%get3A_719, %get3A_720] {strides = array<i32>} : memref<40x128xf32, #tpu.memory_space<vmem>>, vector<1x16xf32>,
        %get3A_722 = vector.shape_cast %get3A_721 : vector<1x16xf32> to vector<16xf32>
        %mul3A_723 = arith.constant 11.3137083 : f32
        %mul3A_724 = vector.broadcast %mul3A_723 : f32 to vector<16xf32>
        %mul3A_725 = arith.mulf %get3A_722, %mul3A_724 : vector<16xf32>
        %add3A_726 = arith.constant 160 : i32
        %add3A_727 = arith.addi %add3A_726, %add3A_699 : i32
        %get3A_728 = arith.index_cast %add3A_727 : i32 to index
        %get3A_729 = arith.constant 16 : index
        %get3A_730 = tpu.vector_load %arg7[%get3A_728, %get3A_729] {strides = array<i32>} : memref<200x128xf32, #tpu.memory_space<vmem>>, vector<1x16xf32>,
        %get3A_731 = vector.shape_cast %get3A_730 : vector<1x16xf32> to vector<16xf32>
        %add3A_732 = arith.addf %mul3A_725, %get3A_731 : vector<16xf32>
        %swap3A_733 = arith.index_cast %add3A_699 : i32 to index
        %swap3A_734 = arith.constant 16 : index
        %swap3A_735 = tpu.vector_load %arg17[%swap3A_733, %swap3A_734] {strides = array<i32>} : memref<40x128xf32, #tpu.memory_space<vmem>>, vector<1x16xf32>,
        %swap3A_736 = vector.shape_cast %swap3A_735 : vector<1x16xf32> to vector<16xf32>
        %swap3A_737 = vector.shape_cast %add3A_732 : vector<16xf32> to vector<1x16xf32>
        tpu.vector_store %arg17[%swap3A_733, %swap3A_734], %swap3A_737 {strides = array<i32>} : memref<40x128xf32, #tpu.memory_space<vmem>>, vector<1x16xf32>,
        %get3A_738 = arith.index_cast %add3A_699 : i32 to index
        %get3A_739 = arith.constant 32 : index
        %get3A_740 = tpu.vector_load %arg12[%get3A_738, %get3A_739] {strides = array<i32>} : memref<40x128xf32, #tpu.memory_space<vmem>>, vector<1x16xf32>,
        %get3A_741 = vector.shape_cast %get3A_740 : vector<1x16xf32> to vector<16xf32>
        %mul3A_742 = arith.constant 11.3137083 : f32
        %mul3A_743 = vector.broadcast %mul3A_742 : f32 to vector<16xf32>
        %mul3A_744 = arith.mulf %get3A_741, %mul3A_743 : vector<16xf32>
        %add3A_745 = arith.constant 160 : i32
        %add3A_746 = arith.addi %add3A_745, %add3A_699 : i32
        %get3A_747 = arith.index_cast %add3A_746 : i32 to index
        %get3A_748 = arith.constant 32 : index
        %get3A_749 = tpu.vector_load %arg7[%get3A_747, %get3A_748] {strides = array<i32>} : memref<200x128xf32, #tpu.memory_space<vmem>>, vector<1x16xf32>,
        %get3A_750 = vector.shape_cast %get3A_749 : vector<1x16xf32> to vector<16xf32>
        %add3A_751 = arith.addf %mul3A_744, %get3A_750 : vector<16xf32>
        %swap3A_752 = arith.index_cast %add3A_699 : i32 to index
        %swap3A_753 = arith.constant 32 : index
        %swap3A_754 = tpu.vector_load %arg17[%swap3A_752, %swap3A_753] {strides = array<i32>} : memref<40x128xf32, #tpu.memory_space<vmem>>, vector<1x16xf32>,
        %swap3A_755 = vector.shape_cast %swap3A_754 : vector<1x16xf32> to vector<16xf32>
        %swap3A_756 = vector.shape_cast %add3A_751 : vector<16xf32> to vector<1x16xf32>
        tpu.vector_store %arg17[%swap3A_752, %swap3A_753], %swap3A_756 {strides = array<i32>} : memref<40x128xf32, #tpu.memory_space<vmem>>, vector<1x16xf32>,
        %get3A_757 = arith.index_cast %add3A_699 : i32 to index
        %get3A_758 = arith.constant 48 : index
        %get3A_759 = tpu.vector_load %arg12[%get3A_757, %get3A_758] {strides = array<i32>} : memref<40x128xf32, #tpu.memory_space<vmem>>, vector<1x16xf32>,
        %get3A_760 = vector.shape_cast %get3A_759 : vector<1x16xf32> to vector<16xf32>
        %mul3A_761 = arith.constant 11.3137083 : f32
        %mul3A_762 = vector.broadcast %mul3A_761 : f32 to vector<16xf32>
        %mul3A_763 = arith.mulf %get3A_760, %mul3A_762 : vector<16xf32>
        %add3A_764 = arith.constant 160 : i32
        %add3A_765 = arith.addi %add3A_764, %add3A_699 : i32
        %get3A_766 = arith.index_cast %add3A_765 : i32 to index
        %get3A_767 = arith.constant 48 : index
        %get3A_768 = tpu.vector_load %arg7[%get3A_766, %get3A_767] {strides = array<i32>} : memref<200x128xf32, #tpu.memory_space<vmem>>, vector<1x16xf32>,
        %get3A_769 = vector.shape_cast %get3A_768 : vector<1x16xf32> to vector<16xf32>
        %add3A_770 = arith.addf %mul3A_763, %get3A_769 : vector<16xf32>
        %swap3A_771 = arith.index_cast %add3A_699 : i32 to index
        %swap3A_772 = arith.constant 48 : index
        %swap3A_773 = tpu.vector_load %arg17[%swap3A_771, %swap3A_772] {strides = array<i32>} : memref<40x128xf32, #tpu.memory_space<vmem>>, vector<1x16xf32>,
        %swap3A_774 = vector.shape_cast %swap3A_773 : vector<1x16xf32> to vector<16xf32>
        %swap3A_775 = vector.shape_cast %add3A_770 : vector<16xf32> to vector<1x16xf32>
        tpu.vector_store %arg17[%swap3A_771, %swap3A_772], %swap3A_775 {strides = array<i32>} : memref<40x128xf32, #tpu.memory_space<vmem>>, vector<1x16xf32>,
        %get3A_776 = arith.index_cast %add3A_699 : i32 to index
        %get3A_777 = arith.constant 64 : index
        %get3A_778 = tpu.vector_load %arg12[%get3A_776, %get3A_777] {strides = array<i32>} : memref<40x128xf32, #tpu.memory_space<vmem>>, vector<1x16xf32>,
        %get3A_779 = vector.shape_cast %get3A_778 : vector<1x16xf32> to vector<16xf32>
        %mul3A_780 = arith.constant 11.3137083 : f32
        %mul3A_781 = vector.broadcast %mul3A_780 : f32 to vector<16xf32>
        %mul3A_782 = arith.mulf %get3A_779, %mul3A_781 : vector<16xf32>
        %add3A_783 = arith.constant 160 : i32
        %add3A_784 = arith.addi %add3A_783, %add3A_699 : i32
        %get3A_785 = arith.index_cast %add3A_784 : i32 to index
        %get3A_786 = arith.constant 64 : index
        %get3A_787 = tpu.vector_load %arg7[%get3A_785, %get3A_786] {strides = array<i32>} : memref<200x128xf32, #tpu.memory_space<vmem>>, vector<1x16xf32>,
        %get3A_788 = vector.shape_cast %get3A_787 : vector<1x16xf32> to vector<16xf32>
        %add3A_789 = arith.addf %mul3A_782, %get3A_788 : vector<16xf32>
        %swap3A_790 = arith.index_cast %add3A_699 : i32 to index
        %swap3A_791 = arith.constant 64 : index
        %swap3A_792 = tpu.vector_load %arg17[%swap3A_790, %swap3A_791] {strides = array<i32>} : memref<40x128xf32, #tpu.memory_space<vmem>>, vector<1x16xf32>,
        %swap3A_793 = vector.shape_cast %swap3A_792 : vector<1x16xf32> to vector<16xf32>
        %swap3A_794 = vector.shape_cast %add3A_789 : vector<16xf32> to vector<1x16xf32>
        tpu.vector_store %arg17[%swap3A_790, %swap3A_791], %swap3A_794 {strides = array<i32>} : memref<40x128xf32, #tpu.memory_space<vmem>>, vector<1x16xf32>,
        %get3A_795 = arith.index_cast %add3A_699 : i32 to index
        %get3A_796 = arith.constant 80 : index
        %get3A_797 = tpu.vector_load %arg12[%get3A_795, %get3A_796] {strides = array<i32>} : memref<40x128xf32, #tpu.memory_space<vmem>>, vector<1x16xf32>,
        %get3A_798 = vector.shape_cast %get3A_797 : vector<1x16xf32> to vector<16xf32>
        %mul3A_799 = arith.constant 11.3137083 : f32
        %mul3A_800 = vector.broadcast %mul3A_799 : f32 to vector<16xf32>
        %mul3A_801 = arith.mulf %get3A_798, %mul3A_800 : vector<16xf32>
        %add3A_802 = arith.constant 160 : i32
        %add3A_803 = arith.addi %add3A_802, %add3A_699 : i32
        %get3A_804 = arith.index_cast %add3A_803 : i32 to index
        %get3A_805 = arith.constant 80 : index
        %get3A_806 = tpu.vector_load %arg7[%get3A_804, %get3A_805] {strides = array<i32>} : memref<200x128xf32, #tpu.memory_space<vmem>>, vector<1x16xf32>,
        %get3A_807 = vector.shape_cast %get3A_806 : vector<1x16xf32> to vector<16xf32>
        %add3A_808 = arith.addf %mul3A_801, %get3A_807 : vector<16xf32>
        %swap3A_809 = arith.index_cast %add3A_699 : i32 to index
        %swap3A_810 = arith.constant 80 : index
        %swap3A_811 = tpu.vector_load %arg17[%swap3A_809, %swap3A_810] {strides = array<i32>} : memref<40x128xf32, #tpu.memory_space<vmem>>, vector<1x16xf32>,
        %swap3A_812 = vector.shape_cast %swap3A_811 : vector<1x16xf32> to vector<16xf32>
        %swap3A_813 = vector.shape_cast %add3A_808 : vector<16xf32> to vector<1x16xf32>
        tpu.vector_store %arg17[%swap3A_809, %swap3A_810], %swap3A_813 {strides = array<i32>} : memref<40x128xf32, #tpu.memory_space<vmem>>, vector<1x16xf32>,
        %get3A_814 = arith.index_cast %add3A_699 : i32 to index
        %get3A_815 = arith.constant 96 : index
        %get3A_816 = tpu.vector_load %arg12[%get3A_814, %get3A_815] {strides = array<i32>} : memref<40x128xf32, #tpu.memory_space<vmem>>, vector<1x16xf32>,
        %get3A_817 = vector.shape_cast %get3A_816 : vector<1x16xf32> to vector<16xf32>
        %mul3A_818 = arith.constant 11.3137083 : f32
        %mul3A_819 = vector.broadcast %mul3A_818 : f32 to vector<16xf32>
        %mul3A_820 = arith.mulf %get3A_817, %mul3A_819 : vector<16xf32>
        %add3A_821 = arith.constant 160 : i32
        %add3A_822 = arith.addi %add3A_821, %add3A_699 : i32
        %get3A_823 = arith.index_cast %add3A_822 : i32 to index
        %get3A_824 = arith.constant 96 : index
        %get3A_825 = tpu.vector_load %arg7[%get3A_823, %get3A_824] {strides = array<i32>} : memref<200x128xf32, #tpu.memory_space<vmem>>, vector<1x16xf32>,
        %get3A_826 = vector.shape_cast %get3A_825 : vector<1x16xf32> to vector<16xf32>
        %add3A_827 = arith.addf %mul3A_820, %get3A_826 : vector<16xf32>
        %swap3A_828 = arith.index_cast %add3A_699 : i32 to index
        %swap3A_829 = arith.constant 96 : index
        %swap3A_830 = tpu.vector_load %arg17[%swap3A_828, %swap3A_829] {strides = array<i32>} : memref<40x128xf32, #tpu.memory_space<vmem>>, vector<1x16xf32>,
        %swap3A_831 = vector.shape_cast %swap3A_830 : vector<1x16xf32> to vector<16xf32>
        %swap3A_832 = vector.shape_cast %add3A_827 : vector<16xf32> to vector<1x16xf32>
        tpu.vector_store %arg17[%swap3A_828, %swap3A_829], %swap3A_832 {strides = array<i32>} : memref<40x128xf32, #tpu.memory_space<vmem>>, vector<1x16xf32>,
        %get3A_833 = arith.index_cast %add3A_699 : i32 to index
        %get3A_834 = arith.constant 112 : index
        %get3A_835 = tpu.vector_load %arg12[%get3A_833, %get3A_834] {strides = array<i32>} : memref<40x128xf32, #tpu.memory_space<vmem>>, vector<1x16xf32>,
        %get3A_836 = vector.shape_cast %get3A_835 : vector<1x16xf32> to vector<16xf32>
        %mul3A_837 = arith.constant 11.3137083 : f32
        %mul3A_838 = vector.broadcast %mul3A_837 : f32 to vector<16xf32>
        %mul3A_839 = arith.mulf %get3A_836, %mul3A_838 : vector<16xf32>
        %add3A_840 = arith.constant 160 : i32
        %add3A_841 = arith.addi %add3A_840, %add3A_699 : i32
        %get3A_842 = arith.index_cast %add3A_841 : i32 to index
        %get3A_843 = arith.constant 112 : index
        %get3A_844 = tpu.vector_load %arg7[%get3A_842, %get3A_843] {strides = array<i32>} : memref<200x128xf32, #tpu.memory_space<vmem>>, vector<1x16xf32>,
        %get3A_845 = vector.shape_cast %get3A_844 : vector<1x16xf32> to vector<16xf32>
        %add3A_846 = arith.addf %mul3A_839, %get3A_845 : vector<16xf32>
        %swap3A_847 = arith.index_cast %add3A_699 : i32 to index
        %swap3A_848 = arith.constant 112 : index
        %swap3A_849 = tpu.vector_load %arg17[%swap3A_847, %swap3A_848] {strides = array<i32>} : memref<40x128xf32, #tpu.memory_space<vmem>>, vector<1x16xf32>,
        %swap3A_850 = vector.shape_cast %swap3A_849 : vector<1x16xf32> to vector<16xf32>
        %swap3A_851 = vector.shape_cast %add3A_846 : vector<16xf32> to vector<1x16xf32>
        tpu.vector_store %arg17[%swap3A_847, %swap3A_848], %swap3A_851 {strides = array<i32>} : memref<40x128xf32, #tpu.memory_space<vmem>>, vector<1x16xf32>,
      }
      %scan3A_215 = arith.constant 10 : i32
      %lt3A_216 = arith.constant 127 : i32
      %lt3A_217 = arith.cmpi slt, %scan3A_83, %lt3A_216 : i32
      %convert_element_type3A_218 = arith.extui %lt3A_217 : i1 to i32
      %cond3A_219 = arith.constant 0 : i32
      %cond3A_220 = arith.cmpi ne, %convert_element_type3A_218, %cond3A_219 : i32
      scf.if %cond3A_220 {
        %add3A_229 = arith.constant 1 : i32
        %add3A_230 = arith.addi %scan3A_83, %add3A_229 : i32
        %mul3A_231 = arith.constant 5 : i32
        %mul3A_232 = arith.muli %mul3A_231, %add3A_230 : i32
        %add3A_233 = arith.constant 4 : i32
        %add3A_234 = arith.addi %mul3A_232, %add3A_233 : i32
        %ge3A = arith.constant 63 : i32
        %ge3A_235 = arith.cmpi sge, %scan3A_83, %ge3A : i32
        %jit3A = arith.constant 320 : i32
        %jit3A_236 = arith.constant 0 : i32
        %select_n3A = arith.select %ge3A_235, %jit3A, %jit3A_236 : i32
        %sub3A = arith.subi %add3A_234, %select_n3A : i32
        %dma_start3A_237 = arith.constant 0 : i32
        %dma_start3A_238 = tpu.memref_slice %arg6[%sub3A, %dma_start3A_237] : memref<320x40xi32, #tpu.memory_space<vmem>> -> memref<1x40xi32, #tpu.memory_space<vmem>>
        %dma_start3A_239 = tpu.memref_squeeze %dma_start3A_238 : memref<1x40xi32, #tpu.memory_space<vmem>> -> memref<40xi32, #tpu.memory_space<vmem>>
        %dma_start3A_240 = arith.constant 0 : i32
        %dma_start3A_241 = arith.constant 0 : i32
        %dma_start3A_242 = tpu.memref_slice %arg3[%dma_start3A_240, %dma_start3A_241] : memref<100000x128xf32, #tpu.memory_space<hbm>> -> memref<100000x128xf32, #tpu.memory_space<hbm>>
        tpu.enqueue_indirect_dma source(%dma_start3A_242 : memref<100000x128xf32, #tpu.memory_space<hbm>>) target(%arg12 : memref<40x128xf32, #tpu.memory_space<vmem>>) offsets(%dma_start3A_239 : memref<40xi32, #tpu.memory_space<vmem>>) semaphore(%arg22 : memref<!tpu.dma_semaphore, #tpu.memory_space<semaphore_mem>>)
      } else {
      }
      %dma_start3A_221 = arith.constant 160 : i32
      %dma_start3A_222 = arith.constant 0 : i32
      %dma_start3A_223 = tpu.memref_slice %arg5[%add3A_84, %dma_start3A_221, %dma_start3A_222] : memref<4096x200x128xf32, #tpu.memory_space<hbm>> -> memref<1x40x128xf32, #tpu.memory_space<hbm>>
      %dma_start3A_224 = tpu.memref_squeeze %dma_start3A_223 : memref<1x40x128xf32, #tpu.memory_space<hbm>> -> memref<40x128xf32, #tpu.memory_space<hbm>>
      %dma_start3A_225 = arith.constant 160 : i32
      %dma_start3A_226 = arith.constant 0 : i32
      %dma_start3A_227 = tpu.memref_slice %arg5[%add3A_84, %dma_start3A_225, %dma_start3A_226] : memref<4096x200x128xf32, #tpu.memory_space<hbm>> -> memref<1x40x128xf32, #tpu.memory_space<hbm>>
      %dma_start3A_228 = tpu.memref_squeeze %dma_start3A_227 : memref<1x40x128xf32, #tpu.memory_space<hbm>> -> memref<40x128xf32, #tpu.memory_space<hbm>>
      tpu.enqueue_dma source(%arg17 : memref<40x128xf32, #tpu.memory_space<vmem>>) target(%dma_start3A_228 : memref<40x128xf32, #tpu.memory_space<hbm>>) target_semaphore(%arg27 : memref<!tpu.dma_semaphore, #tpu.memory_space<semaphore_mem>>)
    }
    %scan3A_43 = arith.constant 128 : i32
    %dma_wait3A = arith.constant 0 : i32
    %dma_wait3A_44 = arith.constant 0 : i32
    %dma_wait3A_45 = tpu.memref_slice %arg5[%mul3A_2, %dma_wait3A, %dma_wait3A_44] : memref<4096x200x128xf32, #tpu.memory_space<hbm>> -> memref<1x40x128xf32, #tpu.memory_space<hbm>>
    %dma_wait3A_46 = tpu.memref_squeeze %dma_wait3A_45 : memref<1x40x128xf32, #tpu.memory_space<hbm>> -> memref<40x128xf32, #tpu.memory_space<hbm>>
    %dma_wait3A_47 = arith.constant 0 : i32
    %dma_wait3A_48 = arith.constant 0 : i32
    %dma_wait3A_49 = tpu.memref_slice %arg5[%mul3A_2, %dma_wait3A_47, %dma_wait3A_48] : memref<4096x200x128xf32, #tpu.memory_space<hbm>> -> memref<1x40x128xf32, #tpu.memory_space<hbm>>
    %dma_wait3A_50 = tpu.memref_squeeze %dma_wait3A_49 : memref<1x40x128xf32, #tpu.memory_space<hbm>> -> memref<40x128xf32, #tpu.memory_space<hbm>>
    tpu.wait_dma2 semaphore(%arg23 : memref<!tpu.dma_semaphore, #tpu.memory_space<semaphore_mem>>) src(%arg13 : memref<40x128xf32, #tpu.memory_space<vmem>>) dst(%dma_wait3A_50 : memref<40x128xf32, #tpu.memory_space<hbm>>)
    %dma_wait3A_51 = arith.constant 40 : i32
    %dma_wait3A_52 = arith.constant 0 : i32
    %dma_wait3A_53 = tpu.memref_slice %arg5[%mul3A_2, %dma_wait3A_51, %dma_wait3A_52] : memref<4096x200x128xf32, #tpu.memory_space<hbm>> -> memref<1x40x128xf32, #tpu.memory_space<hbm>>
    %dma_wait3A_54 = tpu.memref_squeeze %dma_wait3A_53 : memref<1x40x128xf32, #tpu.memory_space<hbm>> -> memref<40x128xf32, #tpu.memory_space<hbm>>
    %dma_wait3A_55 = arith.constant 40 : i32
    %dma_wait3A_56 = arith.constant 0 : i32
    %dma_wait3A_57 = tpu.memref_slice %arg5[%mul3A_2, %dma_wait3A_55, %dma_wait3A_56] : memref<4096x200x128xf32, #tpu.memory_space<hbm>> -> memref<1x40x128xf32, #tpu.memory_space<hbm>>
    %dma_wait3A_58 = tpu.memref_squeeze %dma_wait3A_57 : memref<1x40x128xf32, #tpu.memory_space<hbm>> -> memref<40x128xf32, #tpu.memory_space<hbm>>
    tpu.wait_dma2 semaphore(%arg24 : memref<!tpu.dma_semaphore, #tpu.memory_space<semaphore_mem>>) src(%arg14 : memref<40x128xf32, #tpu.memory_space<vmem>>) dst(%dma_wait3A_58 : memref<40x128xf32, #tpu.memory_space<hbm>>)
    %dma_wait3A_59 = arith.constant 80 : i32
    %dma_wait3A_60 = arith.constant 0 : i32
    %dma_wait3A_61 = tpu.memref_slice %arg5[%mul3A_2, %dma_wait3A_59, %dma_wait3A_60] : memref<4096x200x128xf32, #tpu.memory_space<hbm>> -> memref<1x40x128xf32, #tpu.memory_space<hbm>>
    %dma_wait3A_62 = tpu.memref_squeeze %dma_wait3A_61 : memref<1x40x128xf32, #tpu.memory_space<hbm>> -> memref<40x128xf32, #tpu.memory_space<hbm>>
    %dma_wait3A_63 = arith.constant 80 : i32
    %dma_wait3A_64 = arith.constant 0 : i32
    %dma_wait3A_65 = tpu.memref_slice %arg5[%mul3A_2, %dma_wait3A_63, %dma_wait3A_64] : memref<4096x200x128xf32, #tpu.memory_space<hbm>> -> memref<1x40x128xf32, #tpu.memory_space<hbm>>
    %dma_wait3A_66 = tpu.memref_squeeze %dma_wait3A_65 : memref<1x40x128xf32, #tpu.memory_space<hbm>> -> memref<40x128xf32, #tpu.memory_space<hbm>>
    tpu.wait_dma2 semaphore(%arg25 : memref<!tpu.dma_semaphore, #tpu.memory_space<semaphore_mem>>) src(%arg15 : memref<40x128xf32, #tpu.memory_space<vmem>>) dst(%dma_wait3A_66 : memref<40x128xf32, #tpu.memory_space<hbm>>)
    %dma_wait3A_67 = arith.constant 120 : i32
    %dma_wait3A_68 = arith.constant 0 : i32
    %dma_wait3A_69 = tpu.memref_slice %arg5[%mul3A_2, %dma_wait3A_67, %dma_wait3A_68] : memref<4096x200x128xf32, #tpu.memory_space<hbm>> -> memref<1x40x128xf32, #tpu.memory_space<hbm>>
    %dma_wait3A_70 = tpu.memref_squeeze %dma_wait3A_69 : memref<1x40x128xf32, #tpu.memory_space<hbm>> -> memref<40x128xf32, #tpu.memory_space<hbm>>
    %dma_wait3A_71 = arith.constant 120 : i32
    %dma_wait3A_72 = arith.constant 0 : i32
    %dma_wait3A_73 = tpu.memref_slice %arg5[%mul3A_2, %dma_wait3A_71, %dma_wait3A_72] : memref<4096x200x128xf32, #tpu.memory_space<hbm>> -> memref<1x40x128xf32, #tpu.memory_space<hbm>>
    %dma_wait3A_74 = tpu.memref_squeeze %dma_wait3A_73 : memref<1x40x128xf32, #tpu.memory_space<hbm>> -> memref<40x128xf32, #tpu.memory_space<hbm>>
    tpu.wait_dma2 semaphore(%arg26 : memref<!tpu.dma_semaphore, #tpu.memory_space<semaphore_mem>>) src(%arg16 : memref<40x128xf32, #tpu.memory_space<vmem>>) dst(%dma_wait3A_74 : memref<40x128xf32, #tpu.memory_space<hbm>>)
    %dma_wait3A_75 = arith.constant 160 : i32
    %dma_wait3A_76 = arith.constant 0 : i32
    %dma_wait3A_77 = tpu.memref_slice %arg5[%mul3A_2, %dma_wait3A_75, %dma_wait3A_76] : memref<4096x200x128xf32, #tpu.memory_space<hbm>> -> memref<1x40x128xf32, #tpu.memory_space<hbm>>
    %dma_wait3A_78 = tpu.memref_squeeze %dma_wait3A_77 : memref<1x40x128xf32, #tpu.memory_space<hbm>> -> memref<40x128xf32, #tpu.memory_space<hbm>>
    %dma_wait3A_79 = arith.constant 160 : i32
    %dma_wait3A_80 = arith.constant 0 : i32
    %dma_wait3A_81 = tpu.memref_slice %arg5[%mul3A_2, %dma_wait3A_79, %dma_wait3A_80] : memref<4096x200x128xf32, #tpu.memory_space<hbm>> -> memref<1x40x128xf32, #tpu.memory_space<hbm>>
    %dma_wait3A_82 = tpu.memref_squeeze %dma_wait3A_81 : memref<1x40x128xf32, #tpu.memory_space<hbm>> -> memref<40x128xf32, #tpu.memory_space<hbm>>
    tpu.wait_dma2 semaphore(%arg27 : memref<!tpu.dma_semaphore, #tpu.memory_space<semaphore_mem>>) src(%arg17 : memref<40x128xf32, #tpu.memory_space<vmem>>) dst(%dma_wait3A_82 : memref<40x128xf32, #tpu.memory_space<hbm>>)
    return
  }
}

</mosaic_0001>

<sc_bundles>
// kernel: kernel.3.cloned.1.call-start
scs
__scs_entry_jumppad:
0x0: {  	(pc) =	sbr.rel $0x88, $3  }
0x1: {  	(tag) =	ssettag $0x0;
	lr =	simm.s32 $0x1  }
0x2: {  	[smem:$0x3F9F] =	sst lr;
	_ =	strace $0xD0000000  }
0x3: {  	_ = 	snop  }
0x4: {  	_ = 	snop  }
0x5: {  	_ = 	snop  }
0x6: {  	_ = 	snop  }
0x7: {  	_ = 	snop  }
__scs_overlays_trampoline_lowered:
0x8: {  	[smem:$0x3FAE] =	sst s0  }
0x9: {  	[smem:$0x3FAF] =	sst s1  }
0xa: {  	[smem:$0x3FB0] =	sst s2  }
0xb: {  	[smem:$0x3FB1] =	sst s3  }
0xc: {  	[smem:$0x3FB2] =	sst s4  }
0xd: {  	[smem:$0x3FB3] =	sst s5  }
0xe: {  	[smem:$0x3FB4] =	sst s6  }
0xf: {  	[smem:$0x3FB5] =	sst s7  }
0x10: {  	[smem:$0x3FB6] =	sst s8  }
0x11: {  	[smem:$0x3FB7] =	sst s9;
	s0 =	simm.s32 @!p0 $0x0  }
0x12: {  	s1 =	sld [smem:$0x3F9D];
	s0 =	simm.s32 @p0 $0x1  }
0x13: {  	[smem:$0x3FB8] =	sst s0;
	s0 =	simm.s32 @!p1 $0x0  }
0x14: {  	s2 =	sld [smem:$0x3F9C];
	s0 =	simm.s32 @p1 $0x1  }
0x15: {  	[smem:$0x3FB9] =	sst s0;
	s0 =	simm.s32 @!p2 $0x0  }
0x16: {  	s3 =	sld [smem:$0x3FDB];
	s0 =	simm.s32 @p2 $0x1  }
0x17: {  	s4 =	simm.s32 $0x1BF5;
	[smem:$0x3FBB] =	sst s0  }
0x18: {  	s0 =	sld [smem:$0x3F9E];
	_ =	swait.ge [sflag:s4], $0x0  }
0x19: {  	s7 =	sld [smem:$0x3F9F]  }
0x1a: {  	s8 =	sadd.s32 $0xFFFFE003, lr  }
0x1b: {  	s9 =	sadd.s32 $0xFFFFFEF7, lr;
	s5 =	simm.s32 $0xFFFFFFFF;
	p2 =	slt.u32 s8, $0xFFFFF086  }
0x1c: {  	p1 =	slt.u32 s9, $0xF7A;
	s5 =	simm.s32 @!p2 $0x0  }
0x1d: {  	s5 =	simm.s32 @p1 $0x1;
	p0 =	seq.s32 s7, s2  }
0x1e: {  	s7 =	smul.u32 @!p0 $0xF7A, s2;
	p2 =	seq.s32 @!p0 s5, $0x0  }
0x1f: {  	s9 =	smul.u32 $0xF7A, s1;
	s8 =	simm.s32 @!p0 $0x1BF5;
	p2 =	por !p2, p0  }
0x20: {  	[sflag:s8] =	ssyncset.s32 @!p0 $0xFFFFF086;
	s6 =	sadd.s32 @!p0 s3, s7;
	s7 =	simm.s32 @!p0 $0x108  }
0x21: {  	s3 =	sadd.s32 s3, s9;
	s6 =	sadd.s32 @!p0 $0x88, s6;
	s7 =	simm.s32 @p2 $0x1082  }
0x22: {  	[simem:s7], [sflag:s8] =	dma.local @!p0 [hbm:s6], $0xF7A  }
0x23: {  	s9 =	sor.u32 $0xD0000000, s2;
	s6 =	simm.s32 $0x108;
	_ =	swait.ge @!p0 [sflag:s8], $0x0  }
0x24: {  	s3 =	sadd.s32 $0x88, s3;
	s6 =	simm.s32 @!p1 $0x1082;
	[sflag:s4] =	ssyncset.s32 $0xFFFFF086  }
0x25: {  	[simem:s6], [sflag:s4] =	dma.local [hbm:s3], $0xF7A  }
0x26: {  	[smem:$0x3F9F] =	sst s1;
	(tag) =	ssettag s2;
	_ =	strace s9  }
0x27: {  	s1 =	sld [smem:$0x3FAF]  }
0x28: {  	s2 =	sld [smem:$0x3FB0]  }
0x29: {  	s4 =	sld [smem:$0x3FB2]  }
0x2a: {  	p0 =	seq.s32 s5, $0x0;
	s5 =	sld [smem:$0x3FB3]  }
0x2b: {  	s6 =	sld [smem:$0x3FB4]  }
0x2c: {  	s7 =	sld [smem:$0x3FB5]  }
0x2d: {  	s3 =	simm.s32 $0x108;
	s8 =	sld [smem:$0x3FB6]  }
0x2e: {  	s3 =	simm.s32 @!p0 $0x1082;
	s9 =	sld [smem:$0x3FB7]  }
0x2f: {  	lr =	sadd.s32 s0, s3;
	s0 =	sld [smem:$0x3FAE]  }
0x30: {  	s3 =	sld [smem:$0x3FB1]  }
0x31: {  	[smem:$0x3FBA] =	sst s10  }
0x32: {  	s10 =	sld [smem:$0x3FB8];
	_ =	sdelay $0x3  }
0x33: {  	p0 =	seq.s32 s10, $0x1;
	s10 =	sld [smem:$0x3FBA];
	_ =	sdelay $0x3  }
0x34: {  	[smem:$0x3FBA] =	sst s10  }
0x35: {  	s10 =	sld [smem:$0x3FB9];
	_ =	sdelay $0x3  }
0x36: {  	p1 =	seq.s32 s10, $0x1;
	s10 =	sld [smem:$0x3FBA];
	_ =	sdelay $0x3  }
0x37: {  	[smem:$0x3FBA] =	sst s10  }
0x38: {  	s10 =	sld [smem:$0x3FBB]  }
0x39: {  	_ = 	snop;
	(pc) =	sbr.ind lr, $3  }
0x3a: {  	_ = 	snop  }
0x3b: {  	_ = 	snop  }
0x3c: {  	p2 =	seq.s32 s10, $0x1;
	s10 =	sld [smem:$0x3FBA]  }
0x3d: {  	_ =	shalt  }
0x3e: {  	_ =	shalt  }
0x3f: {  	_ =	shalt  }
0x40: {  	_ =	shalt  }
0x41: {  	_ =	shalt  }
0x42: {  	_ =	shalt  }
0x43: {  	_ =	shalt  }
0x44: {  	_ =	shalt  }
0x45: {  	_ =	shalt  }
0x46: {  	_ =	shalt  }
0x47: {  	_ =	shalt  }
0x48: {  	_ =	shalt  }
0x49: {  	_ =	shalt  }
0x4a: {  	_ =	shalt  }
0x4b: {  	_ =	shalt  }
0x4c: {  	_ =	shalt  }
0x4d: {  	_ =	shalt  }
0x4e: {  	_ =	shalt  }
0x4f: {  	_ =	shalt  }
0x50: {  	_ =	shalt  }
0x51: {  	_ =	shalt  }
0x52: {  	_ =	shalt  }
0x53: {  	_ =	shalt  }
0x54: {  	_ =	shalt  }
0x55: {  	_ =	shalt  }
0x56: {  	_ =	shalt  }
0x57: {  	_ =	shalt  }
0x58: {  	_ =	shalt  }
0x59: {  	_ =	shalt  }
0x5a: {  	_ =	shalt  }
0x5b: {  	_ =	shalt  }
0x5c: {  	_ =	shalt  }
0x5d: {  	_ =	shalt  }
0x5e: {  	_ =	shalt  }
0x5f: {  	_ =	shalt  }
0x60: {  	_ =	shalt  }
0x61: {  	_ =	shalt  }
0x62: {  	_ =	shalt  }
0x63: {  	_ =	shalt  }
0x64: {  	_ =	shalt  }
0x65: {  	_ =	shalt  }
0x66: {  	_ =	shalt  }
0x67: {  	_ =	shalt  }
0x68: {  	_ =	shalt  }
0x69: {  	_ =	shalt  }
0x6a: {  	_ =	shalt  }
0x6b: {  	_ =	shalt  }
0x6c: {  	_ =	shalt  }
0x6d: {  	_ =	shalt  }
0x6e: {  	_ =	shalt  }
0x6f: {  	_ =	shalt  }
0x70: {  	_ =	shalt  }
0x71: {  	_ =	shalt  }
0x72: {  	_ =	shalt  }
0x73: {  	_ =	shalt  }
0x74: {  	_ =	shalt  }
0x75: {  	_ =	shalt  }
0x76: {  	_ =	shalt  }
0x77: {  	_ =	shalt  }
0x78: {  	_ =	shalt  }
0x79: {  	_ =	shalt  }
0x7a: {  	_ =	shalt  }
0x7b: {  	_ =	shalt  }
0x7c: {  	_ =	shalt  }
0x7d: {  	_ =	shalt  }
0x7e: {  	_ =	shalt  }
0x7f: {  	_ =	shalt  }
0x80: {  	_ =	shalt  }
0x81: {  	_ =	shalt  }
0x82: {  	_ =	shalt  }
0x83: {  	_ =	shalt  }
0x84: {  	_ =	shalt  }
0x85: {  	_ =	shalt  }
0x86: {  	_ =	shalt  }
0x87: {  	_ =	shalt  }
.Lfunc_end0:
.L_simem_size_0:
called_computation_lowered:
.L_overlay_start_0:
0x88: {  	s2 =	sld [smem:$0x3FD9]  }
0x89: {  	s3 =	sld [smem:$0x3FFE];
	_ =	sdelay $0x1  }
0x8a: {  	s1 =	srdreg.scid  }
0x8b: {  	s0 =	sand.u32 $0x1, s1  }
0x8c: {  	s17 =	sshll.u32 s0, $0xA;
	s2 =	sadd.s32 s3, s2  }
0x8d: {  	s2 =	sadd.s32 s2, s17  }
0x8e: {  	[smem:$0x3FC6] =	sst s2  }
0x8f: {  	_ = 	snop  }
0x90: {  	s2 =	sld [smem:$0x3FC8]  }
0x91: {  	s18 =	sld [smem:$0x3FD0];
	(tm) =	ssettm $0x1  }
0x92: {  	s4 =	sld [smem:$0x3FFB];
	_ =	sdelay $0x3  }
0x93: {  	_ =	strace s4  }
0x94: {  	s4 =	sld [smem:$0x3FFC];
	_ =	sdelay $0x3  }
0x95: {  	_ =	strace s4  }
0x96: {  	s4 =	sld [smem:$0x3FFD];
	_ =	sdelay $0x3  }
0x97: {  	_ =	strace s4  }
0x98: {  	_ =	strace $0x8FFFFFFF  }
0x99: {  	s19 =	sld [smem:$0x3FDB];
	_ =	sdelay $0x1  }
0x9a: {  	s5 =	simm.s32 $_scs_section_size  }
0x9b: {  	s6 =	simm.s32 $_size__tile_overlayer_lowered;
	s7 =	simm.s32 $_tile_overlayer_lowered  }
0x9c: {  	s22 =	simm.s32 $0x1BFF;
	s21 =	sshll.u32 s7, $0x1;
	s4 =	sadd.s32 s5, s19  }
0x9d: {  	s8 =	simm.s32 $0x0;
	s20 =	sshll.u32 s6, $0x1;
	s6 =	sadd.s32 s21, s4  }
0x9e: {  	[timem:s8], [sflag:s22] =	dma.local [hbm:s6], s20  }
0x9f: {  	_ =	swait.ge [sflag:s22], s20  }
0xa0: {  	s5 =	ssub.s32 $0x0, s20;
	[sflag:s22] =	ssyncset.done $0x0  }
0xa1: {  	[sflag:s22] =	ssyncadd.s32 s5;
	_ =	sdelay $0x1  }
0xa2: {  	s23 =	simm.s32 $0x1B8B  }
0xa3: {  	_ =	swait.ge [sflag:s23], $0x1  }
0xa4: {  	[sflag:s23] =	ssyncset.done $0x0  }
0xa5: {  	s25 =	simm.s32 $0x1B8E;
	s24 =	sld [smem:$0x3FFE];
	[sflag:s23] =	ssyncadd.s32 $0xFFFFFFFF  }
0xa6: {  	s26 =	simm.s32 $execute0_lowered;
	[smem:$0x3FD2] =	sst s25  }
0xa7: {  	s6 =	sshll.u32 s26, $0x1;
	_ =	strace $0x80000046;
	[dreg:$0x1] =	wrdreg $0xFFFFFFFF  }
0xa8: {  	s28 =	simm.s32 $_size_execute0_lowered;
	s4 =	sadd.s32 s4, s6;
	[dreg:$0x0] =	wrdreg $0x0  }
0xa9: {  	s6 =	sshll.u32 s28, $0x1;
	[dreg:$0x2] =	wrdreg s4  }
0xaa: {  	[dreg:$0x3] =	wrdreg s6  }
0xab: {  	[dreg:$0x4] =	wrdreg $0xC0  }
0xac: {  	_ =	task [dreg:s8], $0x5FFFF  }
0xad: {  	[dreg:$0x1] =	wrdreg $0xFFFFFFFF  }
0xae: {  	[dreg:$0x0] =	wrdreg $0x60  }
0xaf: {  	[dreg:$0x2] =	wrdreg s24  }
0xb0: {  	[dreg:$0x3] =	wrdreg s2  }
0xb1: {  	[dreg:$0x4] =	wrdreg s18  }
0xb2: {  	[dreg:$0x5] =	wrdreg $0x9  }
0xb3: {  	_ =	task.clear_ibuf [dreg:s8], $0x6FFFF;
	_ =	strace $0x90000046  }
0xb4: {  	s29 =	simm.s32 $0x9;
	_ =	strace $0x80000048  }
0xb5: {  	_ =	swait.ge [sflag:s29], $0x1  }
0xb6: {  	[sflag:s29] =	ssyncadd.s32 $0xFFFFFFFF  }
0xb7: {  	_ =	strace $0x90000048  }
0xb8: {  	_ =	sfence  }
0xb9: {  	s30 =	sld [smem:$0x0];
	_ =	sdelay $0x2  }
0xba: {  	s31 =	sshll.u32 s1, $0xD;
	s1 =	sshrl.u32 s1, $0x2  }
0xbb: {  	s3 =	sand.u32 $0x4000, s31;
	s1 =	sadd.s32 s1, s30  }
0xbc: {  	s0 =	sor.u32 s3, s0;
	s1 =	sshll.u32 s1, $0x11  }
0xbd: {  	s0 =	sor.u32 s1, s0  }
0xbe: {  	s0 =	sadd.s32 $0x8F2B, s0  }
0xbf: {  	[sflag:s0] =	ssyncadd.remote.s32 $0x1  }
0xc0: {  	_ =	sfence.sel $0xFFFF  }
0xc1: {  	[dreg:$0x0] =	wrdreg $0xFFFFFFFF;
	(pc) =	sbr.abs _section_cstart, $3  }
0xc2: {  	[dreg:$0x1] =	wrdreg $0xFFFFFFFF  }
0xc3: {  	_ =	task.clear_ibuf [dreg:s8], $0x2FFFF;
	_ =	strace $0x9FFFFFFF  }
0xc4: {  	(tm) =	ssettm $0x7FFFFFFF  }
0xc5: {  	_ =	shalt  }
tec
execute0_lowered:
.L_overlay_start_1:
0x0: {  	(tag) =	ssettag $0x1  }
0x1: {  	s0 =	rddreg [dreg:$0x0]  }
0x2: {  	s2 =	rddreg [dreg:$0x1]  }
0x3: {  	s3 =	rddreg [dreg:$0x2]  }
0x4: {  	s1 =	srdreg.scid;
	s5 =	stileid.u32  }
0x5: {  	s4 =	simm.s32 $0x0;
	s12 =	simm.s32 $0x28;
	s20 =	simm.s32 $0x200  }
0x6: {  	s21 =	simm.s32 $0x15400;
	s22 =	simm.s32 $0xB;
	s23 =	simm.s32 $0x1  }
0x7: {  	s24 =	simm.s32 $0x16800;
	s28 =	simm.s32 $0x1A400;
	s29 =	simm.s32 $0x1B800  }
0x8: {  	s30 =	simm.s32 $0x6;
	s31 =	simm.s32 $0x7;
	s11 =	simm.s32 $0xA  }
0x9: {  	s13 =	simm.s32 $0x0;
	s1 =	sand.u32 $0x1, s1;
	s5 =	sshll.u32 s5, $0x1  }
0xa: {  	[smem:$0x7FF] =	sst s4;
	s8 =	sadd.s32 $0x600, s0;
	s6 =	sor.u32 s1, s5  }
0xb: {  	_ =	strace $0x80000047;
	s1 =	ssub.s32 $0x2, s1;
	s7 =	smul.u32 $0x14000, s6  }
0xc: {  	s5 =	sadd.s32 $0x50600, s0;
	s9 =	sshrl.u32 s1, $0x1;
	s10 =	smul.u32 $0x2800, s6  }
0xd: {  	s0 =	simm.s32 $0x8;
	s6 =	sshll.u32 s6, $0x7;
	s25 =	ssub.s32 s1, s9  }
0xe: {  	s26 =	sshrl.u32 s7, $0x3;
	s7 =	sadd.s32 s8, s10;
	s9 =	smax.u32 s25, $0x1  }
0xf: {  	s10 =	simm.s32 $0xC;
	s25 =	simm.s32 $0x17C00;
	s1 =	sadd.s32 s8, s26  }
0x10: {  	s26 =	simm.s32 $0x19000;
	s8 =	sadd.s32 $0x1400, s1;
	s1 =	simm.s32 $0x9  }
.LBB2_1:
0x11: {  	[tilespmem:s4], [sflag:$0xC] =	stream.linear.gather [hbm4b:s7+s4], $0xA000, $0x38;
	[tilespmem:$0x1CC00] =	vst v63  }
0x12: {  	_ =	swait.ge [sflag:s10], $0xA000  }
0x13: {  	[sflag:s10] =	ssyncset.done $0x0  }
0x14: {  	s14 =	simm.s32 $0xA000;
	[sflag:s10] =	ssyncadd.s32 $0xFFFF6000  }
0x15: {  	[tilespmem:s14], [sflag:$0xB] =	stream.linear.gather [hbm4b:s5+s4], $0x6400, $0x38;
	[tilespmem:$0x1CC00] =	vst v63  }
0x16: {  	s18 =	simm.s32 $0x10400  }
0x17: {  	[tilespmem:s18], [sflag:$0x1] =	stream.indirect.gather [hbm4b:s2+s12], $0x80, s4, s12, $0xb8;
	[tilespmem:$0x1CC00] =	vst v63  }
0x18: {  	s19 =	simm.s32 $0x80;
	s15 =	simm.s32 $0x11800  }
0x19: {  	[tilespmem:s15], [sflag:$0x2] =	stream.indirect.gather [hbm4b:s2+s12], $0x80, s19, s12, $0xb8;
	[tilespmem:$0x1CC00] =	vst v63  }
0x1a: {  	s16 =	simm.s32 $0x100;
	s17 =	simm.s32 $0x12C00  }
0x1b: {  	[tilespmem:s17], [sflag:$0x3] =	stream.indirect.gather [hbm4b:s2+s12], $0x80, s16, s12, $0xb8;
	[tilespmem:$0x1CC00] =	vst v63  }
0x1c: {  	s18 =	simm.s32 $0x180;
	s19 =	simm.s32 $0x14000  }
0x1d: {  	[tilespmem:s19], [sflag:$0x4] =	stream.indirect.gather [hbm4b:s2+s12], $0x80, s18, s12, $0xb8;
	[tilespmem:$0x1CC00] =	vst v63  }
0x1e: {  	_ = 	snop  }
0x1f: {  	[tilespmem:s21], [sflag:$0x5] =	stream.indirect.gather [hbm4b:s2+s12], $0x80, s20, s12, $0xb8;
	[tilespmem:$0x1CC00] =	vst v63  }
0x20: {  	_ =	swait.ge [sflag:s22], $0x6400  }
0x21: {  	[sflag:s22] =	ssyncset.done $0x0  }
0x22: {  	s14 =	simm.s32 $0x0;
	[sflag:s22] =	ssyncadd.s32 $0xFFFF9C00  }
.LBB2_2:
0x23: {  	p0 =	seq.s32 s14, $0x0  }
0x24: {  	_ =	swait.ge [sflag:s23], $0x1400;
	p1 =	sne.s32 @!p0 s14, $0x3F  }
0x25: {  	[sflag:s23] =	ssyncset.done $0x0;
	p1 =	por p1, p0  }
0x26: {  	[sflag:s23] =	ssyncadd.s32 $0xFFFFEC00;
	s15 =	simm.s32 @!p1 $0x2  }
0x27: {  	_ =	swait.ge @!p1 [sflag:s15], $0x1400  }
0x28: {  	[sflag:s15] =	ssyncset.done @!p1 $0x0  }
0x29: {  	[sflag:s15] =	ssyncadd.s32 @!p1 $0xFFFFEC00;
	s15 =	simm.s32 @!p1 $0x3  }
0x2a: {  	_ =	swait.ge @!p1 [sflag:s15], $0x1400  }
0x2b: {  	[sflag:s15] =	ssyncset.done @!p1 $0x0  }
0x2c: {  	[sflag:s15] =	ssyncadd.s32 @!p1 $0xFFFFEC00;
	s15 =	simm.s32 @!p1 $0x4  }
0x2d: {  	_ =	swait.ge @!p1 [sflag:s15], $0x1400  }
0x2e: {  	[sflag:s15] =	ssyncset.done @!p1 $0x0  }
0x2f: {  	[sflag:s15] =	ssyncadd.s32 @!p1 $0xFFFFEC00;
	s15 =	simm.s32 @!p1 $0x5  }
0x30: {  	_ =	swait.ge @!p1 [sflag:s15], $0x1400  }
0x31: {  	[sflag:s15] =	ssyncset.done @!p1 $0x0  }
0x32: {  	[sflag:s15] =	ssyncadd.s32 @!p1 $0xFFFFEC00;
	s15 =	simm.s32 @!p1 $0x0  }
0x33: {  	[tilespmem:s15], [sflag:$0xC] =	stream.linear.gather @!p1 [hbm4b:s8+s15], $0xA000, $0x38;
	[tilespmem:$0x1CC00] =	vst v63  }
0x34: {  	s15 =	simm.s32 @!p1 $0xC  }
0x35: {  	_ =	swait.ge @!p1 [sflag:s15], $0xA000  }
0x36: {  	[sflag:s15] =	ssyncset.done @!p1 $0x0  }
0x37: {  	[sflag:s15] =	ssyncadd.s32 @!p1 $0xFFFF6000;
	s15 =	simm.s32 @!p0 $0x6  }
0x38: {  	_ =	swait.ge @!p0 [sflag:s15], $0x1400  }
0x39: {  	[sflag:s15] =	ssyncset.done @!p0 $0x0  }
0x3a: {  	[sflag:s15] =	ssyncadd.s32 @!p0 $0xFFFFEC00;
	s15 =	simm.s32 $0x0  }
0x3b: {  	v0 =	vld [tilespmem:s15+$0x105F0]  }
0x3c: {  	v1 =	vld [tilespmem:s15+$0x10400]  }
0x3d: {  	v2 =	vld [tilespmem:s15+$0xA1F0]  }
0x3e: {  	v3 =	vld [tilespmem:s15+$0x10410]  }
0x3f: {  	v4 =	vld [tilespmem:s15+$0x10420]  }
0x40: {  	v5 =	vld [tilespmem:s15+$0x10430]  }
0x41: {  	v6 =	vld [tilespmem:s15+$0x10440]  }
0x42: {  	v7 =	vld [tilespmem:s15+$0x10450]  }
0x43: {  	v8 =	vld [tilespmem:s15+$0x10470]  }
0x44: {  	v9 =	vld [tilespmem:s15+$0x10490]  }
0x45: {  	v10 =	vld [tilespmem:s15+$0x104A0]  }
0x46: {  	v11 =	vld [tilespmem:s15+$0x104B0]  }
0x47: {  	v12 =	vld [tilespmem:s15+$0x104C0]  }
0x48: {  	v13 =	vld [tilespmem:s15+$0x104D0]  }
0x49: {  	v14 =	vld [tilespmem:s15+$0x104E0]  }
0x4a: {  	v15 =	vld [tilespmem:s15+$0x104F0]  }
0x4b: {  	v16 =	vld [tilespmem:s15+$0x10500]  }
0x4c: {  	v17 =	vld [tilespmem:s15+$0x10510]  }
0x4d: {  	v18 =	vld [tilespmem:s15+$0x10520]  }
0x4e: {  	v19 =	vld [tilespmem:s15+$0x10530]  }
0x4f: {  	v20 =	vld [tilespmem:s15+$0x10540]  }
0x50: {  	v21 =	vld [tilespmem:s15+$0x10550]  }
0x51: {  	v22 =	vld [tilespmem:s15+$0x10560]  }
0x52: {  	v23 =	vld [tilespmem:s15+$0x10570]  }
0x53: {  	v24 =	vld [tilespmem:s15+$0x10580]  }
0x54: {  	v25 =	vld [tilespmem:s15+$0x10590]  }
0x55: {  	v26 =	vld [tilespmem:s15+$0x105A0]  }
0x56: {  	v27 =	vld [tilespmem:s15+$0x105B0]  }
0x57: {  	v28 =	vld [tilespmem:s15+$0x105C0]  }
0x58: {  	v31 =	vld [tilespmem:s15+$0xA000]  }
0x59: {  	v32 =	vld [tilespmem:s15+$0xA010]  }
0x5a: {  	v33 =	vld [tilespmem:s15+$0xA020]  }
0x5b: {  	v34 =	vld [tilespmem:s15+$0xA030]  }
0x5c: {  	v35 =	vld [tilespmem:s15+$0xA040];
	v0 =	vmul.f32 $1.131370830e+01, v0  }
0x5d: {  	v61 =	vld [tilespmem:s15+$0xA050];
	v1 =	vmul.f32 $1.131370830e+01, v1  }
0x5e: {  	v3 =	vmul.f32 $1.131370830e+01, v3;
	v0 =	vadd.f32 v2, v0;
	v2 =	vld [tilespmem:s15+$0x10460]  }
0x5f: {  	v36 =	vld [tilespmem:s15+$0xA060];
	v4 =	vmul.f32 $1.131370830e+01, v4;
	v1 =	vadd.f32 v31, v1  }
0x60: {  	v5 =	vmul.f32 $1.131370830e+01, v5;
	v3 =	vadd.f32 v32, v3;
	[tilespmem:s15+$0x169F0] =	vst v0;
	v0 =	vld [tilespmem:s15+$0x10480]  }
0x61: {  	v6 =	vmul.f32 $1.131370830e+01, v6;
	v4 =	vadd.f32 v33, v4;
	[tilespmem:s15+$0x16800] =	vst v1;
	v1 =	vld [tilespmem:s15+$0xA070]  }
0x62: {  	v7 =	vmul.f32 $1.131370830e+01, v7;
	v5 =	vadd.f32 v34, v5;
	[tilespmem:s15+$0x16810] =	vst v3;
	v3 =	vld [tilespmem:s15+$0xA080]  }
0x63: {  	v6 =	vadd.f32 v35, v6;
	[tilespmem:s15+$0x16820] =	vst v4;
	v4 =	vld [tilespmem:s15+$0xA090];
	v2 =	vmul.f32 $1.131370830e+01, v2  }
0x64: {  	v8 =	vmul.f32 $1.131370830e+01, v8;
	v7 =	vadd.f32 v61, v7;
	[tilespmem:s15+$0x16830] =	vst v5;
	v5 =	vld [tilespmem:s15+$0xA0A0]  }
0x65: {  	[tilespmem:s15+$0x16840] =	vst v6;
	v6 =	vld [tilespmem:s15+$0xA0B0];
	v2 =	vadd.f32 v36, v2;
	v0 =	vmul.f32 $1.131370830e+01, v0  }
0x66: {  	[tilespmem:s15+$0x16850] =	vst v7;
	v7 =	vld [tilespmem:s15+$0xA0C0];
	v1 =	vadd.f32 v1, v8;
	v8 =	vmul.f32 $1.131370830e+01, v9  }
0x67: {  	[tilespmem:s15+$0x16860] =	vst v2;
	v2 =	vld [tilespmem:s15+$0xA0D0];
	v0 =	vadd.f32 v3, v0;
	v3 =	vmul.f32 $1.131370830e+01, v10  }
0x68: {  	[tilespmem:s15+$0x16870] =	vst v1;
	v1 =	vld [tilespmem:s15+$0xA0E0];
	v4 =	vadd.f32 v4, v8;
	v8 =	vmul.f32 $1.131370830e+01, v11  }
0x69: {  	[tilespmem:s15+$0x16880] =	vst v0;
	v0 =	vld [tilespmem:s15+$0xA0F0];
	v3 =	vadd.f32 v5, v3;
	v5 =	vmul.f32 $1.131370830e+01, v12  }
0x6a: {  	[tilespmem:s15+$0x16890] =	vst v4;
	v4 =	vld [tilespmem:s15+$0xA100];
	v6 =	vadd.f32 v6, v8;
	v8 =	vmul.f32 $1.131370830e+01, v13  }
0x6b: {  	[tilespmem:s15+$0x168A0] =	vst v3;
	v3 =	vld [tilespmem:s15+$0xA110];
	v5 =	vadd.f32 v7, v5;
	v7 =	vmul.f32 $1.131370830e+01, v14  }
0x6c: {  	v29 =	vld [tilespmem:s15+$0x105D0];
	v2 =	vadd.f32 v2, v8;
	v8 =	vmul.f32 $1.131370830e+01, v15  }
0x6d: {  	[tilespmem:s15+$0x168B0] =	vst v6;
	v6 =	vld [tilespmem:s15+$0xA120];
	v1 =	vadd.f32 v1, v7  }
0x6e: {  	[tilespmem:s15+$0x168C0] =	vst v5;
	v5 =	vld [tilespmem:s15+$0xA130];
	v7 =	vmul.f32 $1.131370830e+01, v16;
	v0 =	vadd.f32 v0, v8;
	v8 =	vmul.f32 $1.131370830e+01, v17  }
0x6f: {  	[tilespmem:s15+$0x168D0] =	vst v2;
	v2 =	vld [tilespmem:s15+$0xA140]  }
0x70: {  	v30 =	vld [tilespmem:s15+$0x105E0];
	[tilespmem:s15+$0x168E0] =	vst v1;
	v4 =	vadd.f32 v4, v7;
	v7 =	vmul.f32 $1.131370830e+01, v18;
	v3 =	vadd.f32 v3, v8  }
0x71: {  	v1 =	vld [tilespmem:s15+$0xA150];
	[tilespmem:s15+$0x168F0] =	vst v0;
	v8 =	vmul.f32 $1.131370830e+01, v19  }
0x72: {  	v0 =	vld [tilespmem:s15+$0xA160];
	v6 =	vadd.f32 v6, v7;
	[tilespmem:s15+$0x16910] =	vst v3;
	v3 =	vmul.f32 $1.131370830e+01, v20  }
0x73: {  	[tilespmem:s15+$0x16900] =	vst v4;
	v4 =	vld [tilespmem:s15+$0xA170];
	v5 =	vadd.f32 v5, v8  }
0x74: {  	v9 =	vld [tilespmem:s15+$0xA180];
	[tilespmem:s15+$0x16920] =	vst v6;
	v6 =	vmul.f32 $1.131370830e+01, v21;
	v2 =	vadd.f32 v2, v3  }
0x75: {  	v11 =	vld [tilespmem:s15+$0xA190];
	[tilespmem:s15+$0x16930] =	vst v5;
	v3 =	vmul.f32 $1.131370830e+01, v22  }
0x76: {  	v5 =	vld [tilespmem:s15+$0xA1A0];
	v1 =	vadd.f32 v1, v6;
	[tilespmem:s15+$0x16940] =	vst v2;
	v2 =	vmul.f32 $1.131370830e+01, v23  }
0x77: {  	v10 =	vmul.f32 $1.131370830e+01, v24;
	v6 =	vld [tilespmem:s15+$0xA1B0];
	v0 =	vadd.f32 v0, v3  }
0x78: {  	v62 =	vmul.f32 $1.131370830e+01, v25;
	v7 =	vld [tilespmem:s15+$0xA1C0];
	v3 =	vmul.f32 $1.131370830e+01, v28;
	[tilespmem:s15+$0x16950] =	vst v1;
	v63 =	vadd.f32 v4, v2  }
0x79: {  	s16 =	sadd.s32 s6, s14;
	p2 =	por $0x1, $0x1;
	p1 =	por @!p0 $0x0, $0x0;
	v10 =	vadd.f32 v9, v10;
	v8 =	vld [tilespmem:s15+$0xA1D0];
	v1 =	vmul.f32 $1.131370830e+01, v29;
	[tilespmem:s15+$0x16960] =	vst v0;
	v4 =	vmul.f32 $1.131370830e+01, v26  }
0x7a: {  	s18 =	simm.s32 $0x200;
	s17 =	simm.s32 $0x1000;
	p2 =	por @!p0 p1, p1;
	v9 =	vld [tilespmem:s15+$0xA1E0];
	v11 =	vadd.f32 v11, v62;
	v2 =	vmul.f32 $1.131370830e+01, v27;
	v0 =	vmul.f32 $1.131370830e+01, v30;
	[tilespmem:s15+$0x16970] =	vst v63  }
.LBB2_3:
0x7b: {  	p0 =	sne.s32 s17, $0x4800;
	v12 =	vld [tilespmem:s18+$0x105F0];
	[tilespmem:s15+$0x16980] =	vst v10;
	v4 =	vadd.f32 v5, v4  }
0x7c: {  	v5 =	vld [tilespmem:s18+$0x10400];
	[tilespmem:s15+$0x16990] =	vst v11;
	v2 =	vadd.f32 v6, v2  }
0x7d: {  	v6 =	vld [tilespmem:s18+$0xA1F0];
	[tilespmem:s15+$0x169A0] =	vst v4;
	v3 =	vadd.f32 v7, v3  }
0x7e: {  	v4 =	vld [tilespmem:s18+$0x10410];
	[tilespmem:s15+$0x169B0] =	vst v2;
	v1 =	vadd.f32 v8, v1  }
0x7f: {  	v2 =	vld [tilespmem:s18+$0x10420];
	[tilespmem:s15+$0x169C0] =	vst v3;
	v0 =	vadd.f32 v9, v0  }
0x80: {  	v3 =	vld [tilespmem:s18+$0x10430];
	v7 =	vmul.f32 $1.131370830e+01, v12;
	[tilespmem:s15+$0x169D0] =	vst v1  }
0x81: {  	v5 =	vmul.f32 $1.131370830e+01, v5;
	v1 =	vld [tilespmem:s18+$0x10440];
	[tilespmem:s15+$0x169E0] =	vst v0;
	s15 =	smov.u32 s18  }
0x82: {  	v0 =	vld [tilespmem:s15+$0x10450];
	v6 =	vadd.f32 v6, v7  }
0x83: {  	v7 =	vmul.f32 $1.131370830e+01, v4;
	v4 =	vld [tilespmem:s15+$0x10460]  }
0x84: {  	v8 =	vmul.f32 $1.131370830e+01, v2;
	v2 =	vld [tilespmem:s15+$0x10470];
	[tilespmem:s15+$0x169F0] =	vst v6  }
0x85: {  	v6 =	vmul.f32 $1.131370830e+01, v3;
	v3 =	vld [tilespmem:s15+$0x10480]  }
0x86: {  	v9 =	vmul.f32 $1.131370830e+01, v1;
	v1 =	vld [tilespmem:s15+$0x10490]  }
0x87: {  	v10 =	vmul.f32 $1.131370830e+01, v0;
	v0 =	vld [tilespmem:s15+$0x104A0]  }
0x88: {  	v11 =	vmul.f32 $1.131370830e+01, v4;
	v4 =	vld [tilespmem:s15+$0x104B0]  }
0x89: {  	v12 =	vmul.f32 $1.131370830e+01, v2;
	v2 =	vld [tilespmem:s15+$0x104C0]  }
0x8a: {  	v13 =	vmul.f32 $1.131370830e+01, v3;
	v3 =	vld [tilespmem:s15+$0x104D0]  }
0x8b: {  	v14 =	vmul.f32 $1.131370830e+01, v1;
	v1 =	vld [tilespmem:s15+$0x104E0]  }
0x8c: {  	v15 =	vmul.f32 $1.131370830e+01, v0;
	v0 =	vld [tilespmem:s15+$0x104F0]  }
0x8d: {  	v16 =	vmul.f32 $1.131370830e+01, v4;
	v4 =	vld [tilespmem:s15+$0x10500]  }
0x8e: {  	v17 =	vmul.f32 $1.131370830e+01, v2;
	v2 =	vld [tilespmem:s15+$0x10510]  }
0x8f: {  	v18 =	vmul.f32 $1.131370830e+01, v3;
	v3 =	vld [tilespmem:s15+$0x10520]  }
0x90: {  	v19 =	vmul.f32 $1.131370830e+01, v1;
	v1 =	vld [tilespmem:s15+$0x10530]  }
0x91: {  	v20 =	vmul.f32 $1.131370830e+01, v0;
	v0 =	vld [tilespmem:s15+$0x10540]  }
0x92: {  	v21 =	vmul.f32 $1.131370830e+01, v4;
	v4 =	vld [tilespmem:s15+$0x10550]  }
0x93: {  	v22 =	vmul.f32 $1.131370830e+01, v2;
	v2 =	vld [tilespmem:s15+$0x10560]  }
0x94: {  	v23 =	vmul.f32 $1.131370830e+01, v3;
	v3 =	vld [tilespmem:s15+$0x10570]  }
0x95: {  	v24 =	vmul.f32 $1.131370830e+01, v1;
	v1 =	vld [tilespmem:s15+$0x10580]  }
0x96: {  	v25 =	vmul.f32 $1.131370830e+01, v0;
	v0 =	vld [tilespmem:s15+$0x10590]  }
0x97: {  	v26 =	vmul.f32 $1.131370830e+01, v4;
	v4 =	vld [tilespmem:s15+$0x105A0]  }
0x98: {  	v27 =	vmul.f32 $1.131370830e+01, v2;
	v2 =	vld [tilespmem:s15+$0x105B0]  }
0x99: {  	v28 =	vmul.f32 $1.131370830e+01, v3;
	v3 =	vld [tilespmem:s15+$0x105C0]  }
0x9a: {  	v29 =	vmul.f32 $1.131370830e+01, v1;
	v1 =	vld [tilespmem:s15+$0x105D0]  }
0x9b: {  	v30 =	vmul.f32 $1.131370830e+01, v0;
	v0 =	vld [tilespmem:s15+$0x105E0]  }
0x9c: {  	v31 =	vld [tilespmem:s15+$0xA000];
	v4 =	vmul.f32 $1.131370830e+01, v4  }
0x9d: {  	v32 =	vld [tilespmem:s15+$0xA010];
	v2 =	vmul.f32 $1.131370830e+01, v2  }
0x9e: {  	v33 =	vld [tilespmem:s15+$0xA020];
	v3 =	vmul.f32 $1.131370830e+01, v3  }
0x9f: {  	v34 =	vld [tilespmem:s15+$0xA030];
	v1 =	vmul.f32 $1.131370830e+01, v1  }
0xa0: {  	v35 =	vld [tilespmem:s15+$0xA040];
	v0 =	vmul.f32 $1.131370830e+01, v0  }
0xa1: {  	v5 =	vadd.f32 v31, v5;
	v31 =	vld [tilespmem:s15+$0xA050]  }
0xa2: {  	v7 =	vadd.f32 v32, v7;
	v32 =	vld [tilespmem:s15+$0xA060]  }
0xa3: {  	[tilespmem:s15+$0x16800] =	vst v5;
	v5 =	vadd.f32 v33, v8;
	v8 =	vld [tilespmem:s15+$0xA070]  }
0xa4: {  	[tilespmem:s15+$0x16810] =	vst v7;
	v6 =	vadd.f32 v34, v6;
	v7 =	vld [tilespmem:s15+$0xA080]  }
0xa5: {  	[tilespmem:s15+$0x16820] =	vst v5;
	v5 =	vadd.f32 v35, v9;
	v9 =	vld [tilespmem:s15+$0xA090]  }
0xa6: {  	[tilespmem:s15+$0x16830] =	vst v6;
	v6 =	vadd.f32 v31, v10;
	v10 =	vld [tilespmem:s15+$0xA0A0]  }
0xa7: {  	[tilespmem:s15+$0x16840] =	vst v5;
	v5 =	vadd.f32 v32, v11;
	v11 =	vld [tilespmem:s15+$0xA0B0]  }
0xa8: {  	[tilespmem:s15+$0x16850] =	vst v6;
	v6 =	vadd.f32 v8, v12;
	v8 =	vld [tilespmem:s15+$0xA0C0]  }
0xa9: {  	[tilespmem:s15+$0x16860] =	vst v5;
	v5 =	vadd.f32 v7, v13;
	v7 =	vld [tilespmem:s15+$0xA0D0]  }
0xaa: {  	[tilespmem:s15+$0x16870] =	vst v6;
	v6 =	vadd.f32 v9, v14;
	v9 =	vld [tilespmem:s15+$0xA0E0]  }
0xab: {  	[tilespmem:s15+$0x16880] =	vst v5;
	v5 =	vadd.f32 v10, v15;
	v10 =	vld [tilespmem:s15+$0xA0F0]  }
0xac: {  	[tilespmem:s15+$0x16890] =	vst v6;
	v6 =	vadd.f32 v11, v16;
	v11 =	vld [tilespmem:s15+$0xA100]  }
0xad: {  	[tilespmem:s15+$0x168A0] =	vst v5;
	v5 =	vadd.f32 v8, v17;
	v8 =	vld [tilespmem:s15+$0xA110]  }
0xae: {  	[tilespmem:s15+$0x168B0] =	vst v6;
	v6 =	vadd.f32 v7, v18;
	v7 =	vld [tilespmem:s15+$0xA120]  }
0xaf: {  	[tilespmem:s15+$0x168C0] =	vst v5;
	v5 =	vadd.f32 v9, v19;
	v9 =	vld [tilespmem:s15+$0xA130]  }
0xb0: {  	[tilespmem:s15+$0x168D0] =	vst v6;
	v6 =	vadd.f32 v10, v20;
	v10 =	vld [tilespmem:s15+$0xA140]  }
0xb1: {  	[tilespmem:s15+$0x168E0] =	vst v5;
	v5 =	vadd.f32 v11, v21;
	v11 =	vld [tilespmem:s15+$0xA150]  }
0xb2: {  	[tilespmem:s15+$0x168F0] =	vst v6;
	v6 =	vadd.f32 v8, v22;
	v8 =	vld [tilespmem:s15+$0xA160]  }
0xb3: {  	[tilespmem:s15+$0x16900] =	vst v5;
	v5 =	vadd.f32 v7, v23;
	v7 =	vld [tilespmem:s15+$0xA170]  }
0xb4: {  	[tilespmem:s15+$0x16910] =	vst v6;
	v6 =	vadd.f32 v9, v24;
	v9 =	vld [tilespmem:s15+$0xA180]  }
0xb5: {  	[tilespmem:s15+$0x16920] =	vst v5;
	v10 =	vadd.f32 v10, v25;
	v12 =	vld [tilespmem:s15+$0xA190]  }
.Ltmp0:
0xb6: {  	[tilespmem:s15+$0x16930] =	vst v6;
	v11 =	vadd.f32 v11, v26;
	v5 =	vld [tilespmem:s15+$0xA1A0];
	(pc) =	sbr.rel @p0 .LBB2_3-.Ltmp0, $4  }
0xb7: {  	[tilespmem:s15+$0x16940] =	vst v10;
	v8 =	vadd.f32 v8, v27;
	v6 =	vld [tilespmem:s15+$0xA1B0]  }
0xb8: {  	[tilespmem:s15+$0x16950] =	vst v11;
	v11 =	vadd.f32 v7, v28;
	v7 =	vld [tilespmem:s15+$0xA1C0]  }
0xb9: {  	[tilespmem:s15+$0x16960] =	vst v8;
	v10 =	vadd.f32 v9, v29;
	v8 =	vld [tilespmem:s15+$0xA1D0]  }
0xba: {  	s18 =	sshra.s32 s17, $0x2;
	s17 =	sadd.s32 $0x800, s17;
	[tilespmem:s15+$0x16970] =	vst v11;
	v11 =	vadd.f32 v12, v30;
	v9 =	vld [tilespmem:s15+$0xA1E0]  }
0xbb: {  	v12 =	vld [tilespmem:s18+$0x105F0];
	[tilespmem:s15+$0x16980] =	vst v10;
	v4 =	vadd.f32 v5, v4  }
0xbc: {  	v10 =	vld [tilespmem:s18+$0x10400];
	[tilespmem:s15+$0x16990] =	vst v11;
	v2 =	vadd.f32 v6, v2  }
0xbd: {  	v5 =	vld [tilespmem:s18+$0xA1F0];
	[tilespmem:s15+$0x169A0] =	vst v4;
	v3 =	vadd.f32 v7, v3  }
0xbe: {  	v4 =	vld [tilespmem:s18+$0x10410];
	[tilespmem:s15+$0x169B0] =	vst v2;
	v1 =	vadd.f32 v8, v1  }
0xbf: {  	v2 =	vld [tilespmem:s18+$0x10420];
	[tilespmem:s15+$0x169C0] =	vst v3;
	v0 =	vadd.f32 v9, v0  }
0xc0: {  	v3 =	vld [tilespmem:s18+$0x10430];
	[tilespmem:s15+$0x169D0] =	vst v1  }
0xc1: {  	v6 =	vmul.f32 $1.131370830e+01, v12;
	v1 =	vld [tilespmem:s18+$0x10440];
	[tilespmem:s15+$0x169E0] =	vst v0  }
0xc2: {  	v0 =	vld [tilespmem:s18+$0x10450]  }
0xc3: {  	v5 =	vadd.f32 v5, v6;
	v6 =	vld [tilespmem:s18+$0x10460]  }
0xc4: {  	v7 =	vld [tilespmem:s18+$0x10470]  }
0xc5: {  	v8 =	vld [tilespmem:s18+$0x10490]  }
0xc6: {  	v9 =	vld [tilespmem:s18+$0x104A0]  }
0xc7: {  	v11 =	vld [tilespmem:s18+$0x104B0]  }
0xc8: {  	v60 =	vld [tilespmem:s18+$0x104C0]  }
0xc9: {  	v13 =	vld [tilespmem:s18+$0x104D0]  }
0xca: {  	v14 =	vld [tilespmem:s18+$0x104E0]  }
0xcb: {  	v15 =	vld [tilespmem:s18+$0x104F0]  }
0xcc: {  	v16 =	vld [tilespmem:s18+$0x10500]  }
0xcd: {  	v17 =	vld [tilespmem:s18+$0x10510]  }
0xce: {  	v18 =	vld [tilespmem:s18+$0x10520]  }
0xcf: {  	v19 =	vld [tilespmem:s18+$0x10530]  }
0xd0: {  	v20 =	vld [tilespmem:s18+$0x10540]  }
0xd1: {  	v21 =	vld [tilespmem:s18+$0x10550]  }
0xd2: {  	v22 =	vld [tilespmem:s18+$0x10560]  }
0xd3: {  	v23 =	vld [tilespmem:s18+$0x10570]  }
0xd4: {  	v24 =	vld [tilespmem:s18+$0x10580]  }
0xd5: {  	v25 =	vld [tilespmem:s18+$0x10590]  }
0xd6: {  	v26 =	vld [tilespmem:s18+$0x105A0]  }
0xd7: {  	v27 =	vld [tilespmem:s18+$0x105B0]  }
0xd8: {  	v28 =	vld [tilespmem:s18+$0x105C0]  }
0xd9: {  	v31 =	vld [tilespmem:s18+$0xA000]  }
0xda: {  	v32 =	vld [tilespmem:s18+$0xA010]  }
0xdb: {  	v33 =	vld [tilespmem:s18+$0xA020]  }
0xdc: {  	v34 =	vld [tilespmem:s18+$0xA030]  }
0xdd: {  	v10 =	vmul.f32 $1.131370830e+01, v10;
	v35 =	vld [tilespmem:s18+$0xA040]  }
0xde: {  	v61 =	vld [tilespmem:s18+$0xA050];
	v4 =	vmul.f32 $1.131370830e+01, v4  }
0xdf: {  	v36 =	vld [tilespmem:s18+$0xA060];
	v2 =	vmul.f32 $1.131370830e+01, v2;
	v10 =	vadd.f32 v31, v10  }
0xe0: {  	[tilespmem:s18+$0x169F0] =	vst v5;
	v5 =	vld [tilespmem:s18+$0x10480];
	v3 =	vmul.f32 $1.131370830e+01, v3;
	v4 =	vadd.f32 v32, v4  }
0xe1: {  	v1 =	vmul.f32 $1.131370830e+01, v1;
	v2 =	vadd.f32 v33, v2;
	[tilespmem:s18+$0x16800] =	vst v10;
	v10 =	vld [tilespmem:s18+$0xA070]  }
0xe2: {  	v29 =	vld [tilespmem:s18+$0x105D0];
	v3 =	vadd.f32 v34, v3;
	v0 =	vmul.f32 $1.131370830e+01, v0;
	[tilespmem:s18+$0x16810] =	vst v4  }
0xe3: {  	v6 =	vmul.f32 $1.131370830e+01, v6;
	v1 =	vadd.f32 v35, v1;
	v4 =	vld [tilespmem:s18+$0xA080];
	[tilespmem:s18+$0x16820] =	vst v2  }
0xe4: {  	v7 =	vmul.f32 $1.131370830e+01, v7;
	v2 =	vld [tilespmem:s18+$0xA090];
	[tilespmem:s18+$0x16830] =	vst v3;
	v0 =	vadd.f32 v61, v0  }
0xe5: {  	v3 =	vld [tilespmem:s18+$0xA0A0];
	v6 =	vadd.f32 v36, v6;
	[tilespmem:s18+$0x16840] =	vst v1  }
0xe6: {  	v5 =	vmul.f32 $1.131370830e+01, v5;
	v1 =	vld [tilespmem:s18+$0xA0B0];
	[tilespmem:s18+$0x16850] =	vst v0;
	v7 =	vadd.f32 v10, v7  }
0xe7: {  	v8 =	vmul.f32 $1.131370830e+01, v8;
	v0 =	vld [tilespmem:s18+$0xA0C0];
	[tilespmem:s18+$0x16860] =	vst v6  }
0xe8: {  	v6 =	vld [tilespmem:s18+$0xA0D0];
	v4 =	vadd.f32 v4, v5;
	[tilespmem:s18+$0x16870] =	vst v7;
	v7 =	vmul.f32 $1.131370830e+01, v9  }
0xe9: {  	v5 =	vld [tilespmem:s18+$0xA0E0];
	v2 =	vadd.f32 v2, v8;
	v8 =	vmul.f32 $1.131370830e+01, v11  }
0xea: {  	[tilespmem:s18+$0x16880] =	vst v4;
	v4 =	vld [tilespmem:s18+$0xA0F0];
	v3 =	vadd.f32 v3, v7;
	v7 =	vmul.f32 $1.131370830e+01, v60  }
0xeb: {  	[tilespmem:s18+$0x16890] =	vst v2;
	v2 =	vld [tilespmem:s18+$0xA100];
	v1 =	vadd.f32 v1, v8;
	v8 =	vmul.f32 $1.131370830e+01, v13  }
0xec: {  	[tilespmem:s18+$0x168A0] =	vst v3;
	v3 =	vld [tilespmem:s18+$0xA110];
	v0 =	vadd.f32 v0, v7;
	v7 =	vmul.f32 $1.131370830e+01, v14  }
0xed: {  	[tilespmem:s18+$0x168B0] =	vst v1;
	v1 =	vld [tilespmem:s18+$0xA120];
	v6 =	vadd.f32 v6, v8;
	v8 =	vmul.f32 $1.131370830e+01, v15  }
0xee: {  	[tilespmem:s18+$0x168C0] =	vst v0;
	v0 =	vld [tilespmem:s18+$0xA130];
	v5 =	vadd.f32 v5, v7;
	v7 =	vmul.f32 $1.131370830e+01, v16  }
0xef: {  	[tilespmem:s18+$0x168D0] =	vst v6;
	v6 =	vld [tilespmem:s18+$0xA140];
	v4 =	vadd.f32 v4, v8;
	v8 =	vmul.f32 $1.131370830e+01, v17  }
0xf0: {  	[tilespmem:s18+$0x168E0] =	vst v5;
	v5 =	vld [tilespmem:s18+$0xA150];
	v2 =	vadd.f32 v2, v7;
	v7 =	vmul.f32 $1.131370830e+01, v18  }
0xf1: {  	[tilespmem:s18+$0x168F0] =	vst v4;
	v4 =	vld [tilespmem:s18+$0xA160];
	v3 =	vadd.f32 v3, v8;
	v8 =	vmul.f32 $1.131370830e+01, v19  }
0xf2: {  	v30 =	vld [tilespmem:s18+$0x105E0];
	[tilespmem:s18+$0x16900] =	vst v2;
	v1 =	vadd.f32 v1, v7;
	v7 =	vmul.f32 $1.131370830e+01, v20  }
0xf3: {  	v2 =	vld [tilespmem:s18+$0xA170];
	[tilespmem:s18+$0x16910] =	vst v3;
	v0 =	vadd.f32 v0, v8;
	v8 =	vmul.f32 $1.131370830e+01, v21  }
0xf4: {  	v3 =	vld [tilespmem:s18+$0xA180];
	[tilespmem:s18+$0x16920] =	vst v1;
	v6 =	vadd.f32 v6, v7;
	v7 =	vmul.f32 $1.131370830e+01, v22  }
0xf5: {  	v1 =	vld [tilespmem:s18+$0xA190];
	[tilespmem:s18+$0x16930] =	vst v0;
	v5 =	vadd.f32 v5, v8  }
0xf6: {  	v0 =	vld [tilespmem:s18+$0xA1A0];
	v8 =	vmul.f32 $1.131370830e+01, v23;
	[tilespmem:s18+$0x16940] =	vst v6;
	v4 =	vadd.f32 v4, v7  }
0xf7: {  	v6 =	vld [tilespmem:s18+$0xA1B0];
	v7 =	vmul.f32 $1.131370830e+01, v24;
	[tilespmem:s18+$0x16950] =	vst v5  }
0xf8: {  	v5 =	vld [tilespmem:s18+$0xA1C0];
	v2 =	vadd.f32 v2, v8;
	[tilespmem:s18+$0x16960] =	vst v4;
	v4 =	vmul.f32 $1.131370830e+01, v25  }
0xf9: {  	v9 =	vmul.f32 $1.131370830e+01, v26;
	v8 =	vld [tilespmem:s18+$0xA1D0];
	v3 =	vadd.f32 v3, v7  }
0xfa: {  	p0 =	seq.s32 s14, $0x7F;
	[tilespmem:s18+$0x16970] =	vst v2;
	v2 =	vmul.f32 $1.131370830e+01, v27;
	v1 =	vadd.f32 v1, v4;
	v4 =	vld [tilespmem:s18+$0xA1E0]  }
0xfb: {  	p1 =	sgt.u32 @!p0 s14, $0x3E;
	v7 =	vmul.f32 $1.131370830e+01, v28;
	[tilespmem:s18+$0x16980] =	vst v3;
	v0 =	vadd.f32 v0, v9  }
0xfc: {  	s17 =	simm.s32 @!p0 $0x7FFEC0;
	p1 =	por !p1, p0;
	s15 =	smul.u32 @!p0 $0x5, s14;
	v3 =	vmul.f32 $1.131370830e+01, v29;
	[tilespmem:s18+$0x16990] =	vst v1;
	v1 =	vadd.f32 v6, v2  }
0xfd: {  	s17 =	simm.s32 @p1 $0x0;
	v2 =	vmul.f32 $1.131370830e+01, v30;
	[tilespmem:s18+$0x169A0] =	vst v0;
	v0 =	vadd.f32 v5, v7  }
0xfe: {  	s17 =	sadd.s32 @!p0 s17, s15;
	[tilespmem:s18+$0x169B0] =	vst v1;
	v1 =	vadd.f32 v8, v3  }
0xff: {  	s16 =	smul.u32 $0x6400, s16;
	s17 =	sshll.u32 @!p0 s17, $0x9;
	[tilespmem:s18+$0x169C0] =	vst v0;
	v0 =	vadd.f32 v4, v2  }
0x100: {  	p3 =	seq.s32 s14, $0x3F;
	s19 =	simm.s32 @!p0 $0x10400;
	s17 =	sadd.s32 @!p0 $0xA00, s17;
	[tilespmem:s18+$0x169D0] =	vst v1  }
0x101: {  	s16 =	sshrl.u32 s16, $0x3;
	s17 =	sshra.s32 @!p0 s17, $0x2;
	[tilespmem:s18+$0x169E0] =	vst v0;
	s18 =	simm.s32 @!p0 $0x28  }
0x102: {  	[tilespmem:s19], [sflag:$0x1] =	stream.indirect.gather @!p0 [hbm4b:s2+s18], $0x80, s17, s18, $0xb8;
	[tilespmem:$0x1CC00] =	vst v63  }
0x103: {  	s16 =	sadd.s32 s3, s16;
	s17 =	simm.s32 @!p3 $0x2  }
0x104: {  	[hbm4b:s16+s4] =	stream.linear.scatter [tilespmem:s24], [sflag:$0x6], $0x1400, $0x38;
	[tilespmem:$0x1CC00] =	vst v63  }
0x105: {  	_ =	swait.ge @!p3 [sflag:s17], $0x1400  }
0x106: {  	[sflag:s17] =	ssyncset.done @!p3 $0x0  }
0x107: {  	[sflag:s17] =	ssyncadd.s32 @!p3 $0xFFFFEC00;
	s17 =	simm.s32 @!p2 $0x7  }
0x108: {  	_ =	swait.ge @!p2 [sflag:s17], $0x1400  }
0x109: {  	[sflag:s17] =	ssyncset.done @!p2 $0x0  }
0x10a: {  	[sflag:s17] =	ssyncadd.s32 @!p2 $0xFFFFEC00;
	s17 =	simm.s32 $0x0  }
0x10b: {  	v0 =	vld [tilespmem:s17+$0x119F0]  }
0x10c: {  	v1 =	vld [tilespmem:s17+$0x11800]  }
0x10d: {  	v2 =	vld [tilespmem:s17+$0xB5F0]  }
0x10e: {  	v3 =	vld [tilespmem:s17+$0x11810]  }
0x10f: {  	v4 =	vld [tilespmem:s17+$0x11820]  }
0x110: {  	v5 =	vld [tilespmem:s17+$0x11830]  }
0x111: {  	v6 =	vld [tilespmem:s17+$0x11840]  }
0x112: {  	v7 =	vld [tilespmem:s17+$0x11850]  }
0x113: {  	v8 =	vld [tilespmem:s17+$0x11870]  }
0x114: {  	v9 =	vld [tilespmem:s17+$0x11890]  }
0x115: {  	v10 =	vld [tilespmem:s17+$0x118A0]  }
0x116: {  	v11 =	vld [tilespmem:s17+$0x118B0]  }
0x117: {  	v12 =	vld [tilespmem:s17+$0x118C0]  }
0x118: {  	v13 =	vld [tilespmem:s17+$0x118D0]  }
0x119: {  	v62 =	vld [tilespmem:s17+$0x118E0]  }
0x11a: {  	v63 =	vld [tilespmem:s17+$0x118F0]  }
0x11b: {  	v40 =	vld [tilespmem:s17+$0x11900]  }
0x11c: {  	v41 =	vld [tilespmem:s17+$0x11910]  }
0x11d: {  	v42 =	vld [tilespmem:s17+$0x11920]  }
0x11e: {  	v43 =	vld [tilespmem:s17+$0x11930]  }
0x11f: {  	v44 =	vld [tilespmem:s17+$0x11940]  }
0x120: {  	v45 =	vld [tilespmem:s17+$0x11950]  }
0x121: {  	v46 =	vld [tilespmem:s17+$0x11960]  }
0x122: {  	v47 =	vld [tilespmem:s17+$0x11970]  }
0x123: {  	v48 =	vld [tilespmem:s17+$0x11980]  }
0x124: {  	v49 =	vld [tilespmem:s17+$0x11990]  }
0x125: {  	v50 =	vld [tilespmem:s17+$0x119A0]  }
0x126: {  	v51 =	vld [tilespmem:s17+$0x119B0]  }
0x127: {  	v52 =	vld [tilespmem:s17+$0x119C0]  }
0x128: {  	v55 =	vld [tilespmem:s17+$0xB400]  }
0x129: {  	v56 =	vld [tilespmem:s17+$0xB410]  }
0x12a: {  	v57 =	vld [tilespmem:s17+$0xB420]  }
0x12b: {  	v58 =	vld [tilespmem:s17+$0xB430]  }
0x12c: {  	v59 =	vld [tilespmem:s17+$0xB440];
	v0 =	vmul.f32 $1.131370830e+01, v0  }
0x12d: {  	v60 =	vld [tilespmem:s17+$0xB450];
	v1 =	vmul.f32 $1.131370830e+01, v1  }
0x12e: {  	v3 =	vmul.f32 $1.131370830e+01, v3;
	v0 =	vadd.f32 v2, v0;
	v2 =	vld [tilespmem:s17+$0x11860]  }
0x12f: {  	v61 =	vld [tilespmem:s17+$0xB460];
	v4 =	vmul.f32 $1.131370830e+01, v4;
	v1 =	vadd.f32 v55, v1  }
0x130: {  	v5 =	vmul.f32 $1.131370830e+01, v5;
	v3 =	vadd.f32 v56, v3;
	[tilespmem:s17+$0x17DF0] =	vst v0;
	v0 =	vld [tilespmem:s17+$0x11880]  }
0x131: {  	v6 =	vmul.f32 $1.131370830e+01, v6;
	v4 =	vadd.f32 v57, v4;
	[tilespmem:s17+$0x17C00] =	vst v1;
	v1 =	vld [tilespmem:s17+$0xB470]  }
0x132: {  	v7 =	vmul.f32 $1.131370830e+01, v7;
	v5 =	vadd.f32 v58, v5;
	[tilespmem:s17+$0x17C10] =	vst v3;
	v3 =	vld [tilespmem:s17+$0xB480]  }
0x133: {  	v6 =	vadd.f32 v59, v6;
	[tilespmem:s17+$0x17C20] =	vst v4;
	v4 =	vld [tilespmem:s17+$0xB490];
	v2 =	vmul.f32 $1.131370830e+01, v2  }
0x134: {  	v8 =	vmul.f32 $1.131370830e+01, v8;
	v7 =	vadd.f32 v60, v7;
	[tilespmem:s17+$0x17C30] =	vst v5;
	v5 =	vld [tilespmem:s17+$0xB4A0]  }
0x135: {  	[tilespmem:s17+$0x17C40] =	vst v6;
	v6 =	vld [tilespmem:s17+$0xB4B0];
	v2 =	vadd.f32 v61, v2;
	v0 =	vmul.f32 $1.131370830e+01, v0  }
0x136: {  	[tilespmem:s17+$0x17C50] =	vst v7;
	v7 =	vld [tilespmem:s17+$0xB4C0];
	v1 =	vadd.f32 v1, v8;
	v8 =	vmul.f32 $1.131370830e+01, v9  }
0x137: {  	[tilespmem:s17+$0x17C60] =	vst v2;
	v2 =	vld [tilespmem:s17+$0xB4D0];
	v0 =	vadd.f32 v3, v0;
	v3 =	vmul.f32 $1.131370830e+01, v10  }
0x138: {  	[tilespmem:s17+$0x17C70] =	vst v1;
	v1 =	vld [tilespmem:s17+$0xB4E0];
	v4 =	vadd.f32 v4, v8;
	v8 =	vmul.f32 $1.131370830e+01, v11  }
0x139: {  	[tilespmem:s17+$0x17C80] =	vst v0;
	v0 =	vld [tilespmem:s17+$0xB4F0];
	v3 =	vadd.f32 v5, v3;
	v5 =	vmul.f32 $1.131370830e+01, v12  }
0x13a: {  	[tilespmem:s17+$0x17C90] =	vst v4;
	v4 =	vld [tilespmem:s17+$0xB500];
	v6 =	vadd.f32 v6, v8;
	v8 =	vmul.f32 $1.131370830e+01, v13  }
0x13b: {  	[tilespmem:s17+$0x17CA0] =	vst v3;
	v3 =	vld [tilespmem:s17+$0xB510];
	v5 =	vadd.f32 v7, v5;
	v7 =	vmul.f32 $1.131370830e+01, v62  }
0x13c: {  	v53 =	vld [tilespmem:s17+$0x119D0];
	v2 =	vadd.f32 v2, v8;
	v8 =	vmul.f32 $1.131370830e+01, v63  }
0x13d: {  	[tilespmem:s17+$0x17CB0] =	vst v6;
	v6 =	vld [tilespmem:s17+$0xB520];
	v1 =	vadd.f32 v1, v7  }
0x13e: {  	[tilespmem:s17+$0x17CC0] =	vst v5;
	v5 =	vld [tilespmem:s17+$0xB530];
	v7 =	vmul.f32 $1.131370830e+01, v40;
	v0 =	vadd.f32 v0, v8;
	v8 =	vmul.f32 $1.131370830e+01, v41  }
0x13f: {  	[tilespmem:s17+$0x17CD0] =	vst v2;
	v2 =	vld [tilespmem:s17+$0xB540]  }
0x140: {  	v54 =	vld [tilespmem:s17+$0x119E0];
	[tilespmem:s17+$0x17CE0] =	vst v1;
	v4 =	vadd.f32 v4, v7;
	v7 =	vmul.f32 $1.131370830e+01, v42;
	v3 =	vadd.f32 v3, v8  }
0x141: {  	v1 =	vld [tilespmem:s17+$0xB550];
	[tilespmem:s17+$0x17CF0] =	vst v0;
	v8 =	vmul.f32 $1.131370830e+01, v43  }
0x142: {  	v0 =	vld [tilespmem:s17+$0xB560];
	v6 =	vadd.f32 v6, v7;
	[tilespmem:s17+$0x17D10] =	vst v3;
	v3 =	vmul.f32 $1.131370830e+01, v44  }
0x143: {  	[tilespmem:s17+$0x17D00] =	vst v4;
	v4 =	vld [tilespmem:s17+$0xB570];
	v5 =	vadd.f32 v5, v8  }
0x144: {  	v9 =	vld [tilespmem:s17+$0xB580];
	[tilespmem:s17+$0x17D20] =	vst v6;
	v6 =	vmul.f32 $1.131370830e+01, v45;
	v2 =	vadd.f32 v2, v3  }
0x145: {  	v11 =	vld [tilespmem:s17+$0xB590];
	[tilespmem:s17+$0x17D30] =	vst v5;
	v3 =	vmul.f32 $1.131370830e+01, v46  }
0x146: {  	v5 =	vld [tilespmem:s17+$0xB5A0];
	v1 =	vadd.f32 v1, v6;
	[tilespmem:s17+$0x17D40] =	vst v2;
	v2 =	vmul.f32 $1.131370830e+01, v47  }
0x147: {  	v10 =	vmul.f32 $1.131370830e+01, v48;
	v6 =	vld [tilespmem:s17+$0xB5B0];
	v0 =	vadd.f32 v0, v3  }
0x148: {  	v62 =	vmul.f32 $1.131370830e+01, v49;
	v7 =	vld [tilespmem:s17+$0xB5C0];
	v3 =	vmul.f32 $1.131370830e+01, v51;
	[tilespmem:s17+$0x17D50] =	vst v1;
	v63 =	vadd.f32 v4, v2  }
0x149: {  	v10 =	vadd.f32 v9, v10;
	v8 =	vld [tilespmem:s17+$0xB5D0];
	v1 =	vmul.f32 $1.131370830e+01, v53;
	[tilespmem:s17+$0x17D60] =	vst v0;
	v4 =	vmul.f32 $1.131370830e+01, v50  }
0x14a: {  	s19 =	simm.s32 $0x200;
	s18 =	simm.s32 $0x1000;
	v9 =	vld [tilespmem:s17+$0xB5E0];
	v11 =	vadd.f32 v11, v62;
	v2 =	vmul.f32 $1.131370830e+01, v52;
	v0 =	vmul.f32 $1.131370830e+01, v54;
	[tilespmem:s17+$0x17D70] =	vst v63  }
.LBB2_5:
0x14b: {  	p4 =	sne.s32 s18, $0x4800;
	v12 =	vld [tilespmem:s19+$0x119F0];
	[tilespmem:s17+$0x17D80] =	vst v10;
	v4 =	vadd.f32 v5, v4  }
0x14c: {  	v5 =	vld [tilespmem:s19+$0x11800];
	[tilespmem:s17+$0x17D90] =	vst v11;
	v3 =	vadd.f32 v6, v3  }
0x14d: {  	v6 =	vld [tilespmem:s19+$0xB5F0];
	[tilespmem:s17+$0x17DA0] =	vst v4;
	v2 =	vadd.f32 v7, v2  }
0x14e: {  	v4 =	vld [tilespmem:s19+$0x11810];
	[tilespmem:s17+$0x17DB0] =	vst v3;
	v1 =	vadd.f32 v8, v1  }
0x14f: {  	v3 =	vld [tilespmem:s19+$0x11820];
	[tilespmem:s17+$0x17DC0] =	vst v2;
	v0 =	vadd.f32 v9, v0  }
0x150: {  	v2 =	vld [tilespmem:s19+$0x11830];
	v7 =	vmul.f32 $1.131370830e+01, v12;
	[tilespmem:s17+$0x17DD0] =	vst v1  }
0x151: {  	v5 =	vmul.f32 $1.131370830e+01, v5;
	v1 =	vld [tilespmem:s19+$0x11840];
	[tilespmem:s17+$0x17DE0] =	vst v0;
	s17 =	smov.u32 s19  }
0x152: {  	v0 =	vld [tilespmem:s17+$0x11850];
	v6 =	vadd.f32 v6, v7  }
0x153: {  	v7 =	vmul.f32 $1.131370830e+01, v4;
	v4 =	vld [tilespmem:s17+$0x11860]  }
0x154: {  	v8 =	vmul.f32 $1.131370830e+01, v3;
	v3 =	vld [tilespmem:s17+$0x11870];
	[tilespmem:s17+$0x17DF0] =	vst v6  }
0x155: {  	v6 =	vmul.f32 $1.131370830e+01, v2;
	v2 =	vld [tilespmem:s17+$0x11880]  }
0x156: {  	v9 =	vmul.f32 $1.131370830e+01, v1;
	v1 =	vld [tilespmem:s17+$0x11890]  }
0x157: {  	v10 =	vmul.f32 $1.131370830e+01, v0;
	v0 =	vld [tilespmem:s17+$0x118A0]  }
0x158: {  	v11 =	vmul.f32 $1.131370830e+01, v4;
	v4 =	vld [tilespmem:s17+$0x118B0]  }
0x159: {  	v12 =	vmul.f32 $1.131370830e+01, v3;
	v3 =	vld [tilespmem:s17+$0x118C0]  }
0x15a: {  	v13 =	vmul.f32 $1.131370830e+01, v2;
	v2 =	vld [tilespmem:s17+$0x118D0]  }
0x15b: {  	v14 =	vmul.f32 $1.131370830e+01, v1;
	v1 =	vld [tilespmem:s17+$0x118E0]  }
0x15c: {  	v15 =	vmul.f32 $1.131370830e+01, v0;
	v0 =	vld [tilespmem:s17+$0x118F0]  }
0x15d: {  	v16 =	vmul.f32 $1.131370830e+01, v4;
	v4 =	vld [tilespmem:s17+$0x11900]  }
0x15e: {  	v17 =	vmul.f32 $1.131370830e+01, v3;
	v3 =	vld [tilespmem:s17+$0x11910]  }
0x15f: {  	v18 =	vmul.f32 $1.131370830e+01, v2;
	v2 =	vld [tilespmem:s17+$0x11920]  }
0x160: {  	v19 =	vmul.f32 $1.131370830e+01, v1;
	v1 =	vld [tilespmem:s17+$0x11930]  }
0x161: {  	v20 =	vmul.f32 $1.131370830e+01, v0;
	v0 =	vld [tilespmem:s17+$0x11940]  }
0x162: {  	v21 =	vmul.f32 $1.131370830e+01, v4;
	v4 =	vld [tilespmem:s17+$0x11950]  }
0x163: {  	v22 =	vmul.f32 $1.131370830e+01, v3;
	v3 =	vld [tilespmem:s17+$0x11960]  }
0x164: {  	v23 =	vmul.f32 $1.131370830e+01, v2;
	v2 =	vld [tilespmem:s17+$0x11970]  }
0x165: {  	v24 =	vmul.f32 $1.131370830e+01, v1;
	v1 =	vld [tilespmem:s17+$0x11980]  }
0x166: {  	v25 =	vmul.f32 $1.131370830e+01, v0;
	v0 =	vld [tilespmem:s17+$0x11990]  }
0x167: {  	v26 =	vmul.f32 $1.131370830e+01, v4;
	v4 =	vld [tilespmem:s17+$0x119A0]  }
0x168: {  	v27 =	vmul.f32 $1.131370830e+01, v3;
	v3 =	vld [tilespmem:s17+$0x119B0]  }
0x169: {  	v28 =	vmul.f32 $1.131370830e+01, v2;
	v2 =	vld [tilespmem:s17+$0x119C0]  }
0x16a: {  	v29 =	vmul.f32 $1.131370830e+01, v1;
	v1 =	vld [tilespmem:s17+$0x119D0]  }
0x16b: {  	v30 =	vmul.f32 $1.131370830e+01, v0;
	v0 =	vld [tilespmem:s17+$0x119E0]  }
0x16c: {  	v31 =	vld [tilespmem:s17+$0xB400];
	v4 =	vmul.f32 $1.131370830e+01, v4  }
0x16d: {  	v32 =	vld [tilespmem:s17+$0xB410];
	v3 =	vmul.f32 $1.131370830e+01, v3  }
0x16e: {  	v33 =	vld [tilespmem:s17+$0xB420];
	v2 =	vmul.f32 $1.131370830e+01, v2  }
0x16f: {  	v34 =	vld [tilespmem:s17+$0xB430];
	v1 =	vmul.f32 $1.131370830e+01, v1  }
0x170: {  	v35 =	vld [tilespmem:s17+$0xB440];
	v0 =	vmul.f32 $1.131370830e+01, v0  }
0x171: {  	v5 =	vadd.f32 v31, v5;
	v31 =	vld [tilespmem:s17+$0xB450]  }
0x172: {  	v7 =	vadd.f32 v32, v7;
	v32 =	vld [tilespmem:s17+$0xB460]  }
0x173: {  	[tilespmem:s17+$0x17C00] =	vst v5;
	v5 =	vadd.f32 v33, v8;
	v8 =	vld [tilespmem:s17+$0xB470]  }
0x174: {  	[tilespmem:s17+$0x17C10] =	vst v7;
	v6 =	vadd.f32 v34, v6;
	v7 =	vld [tilespmem:s17+$0xB480]  }
0x175: {  	[tilespmem:s17+$0x17C20] =	vst v5;
	v5 =	vadd.f32 v35, v9;
	v9 =	vld [tilespmem:s17+$0xB490]  }
0x176: {  	[tilespmem:s17+$0x17C30] =	vst v6;
	v6 =	vadd.f32 v31, v10;
	v10 =	vld [tilespmem:s17+$0xB4A0]  }
0x177: {  	[tilespmem:s17+$0x17C40] =	vst v5;
	v5 =	vadd.f32 v32, v11;
	v11 =	vld [tilespmem:s17+$0xB4B0]  }
0x178: {  	[tilespmem:s17+$0x17C50] =	vst v6;
	v6 =	vadd.f32 v8, v12;
	v8 =	vld [tilespmem:s17+$0xB4C0]  }
0x179: {  	[tilespmem:s17+$0x17C60] =	vst v5;
	v5 =	vadd.f32 v7, v13;
	v7 =	vld [tilespmem:s17+$0xB4D0]  }
0x17a: {  	[tilespmem:s17+$0x17C70] =	vst v6;
	v6 =	vadd.f32 v9, v14;
	v9 =	vld [tilespmem:s17+$0xB4E0]  }
0x17b: {  	[tilespmem:s17+$0x17C80] =	vst v5;
	v5 =	vadd.f32 v10, v15;
	v10 =	vld [tilespmem:s17+$0xB4F0]  }
0x17c: {  	[tilespmem:s17+$0x17C90] =	vst v6;
	v6 =	vadd.f32 v11, v16;
	v11 =	vld [tilespmem:s17+$0xB500]  }
0x17d: {  	[tilespmem:s17+$0x17CA0] =	vst v5;
	v5 =	vadd.f32 v8, v17;
	v8 =	vld [tilespmem:s17+$0xB510]  }
0x17e: {  	[tilespmem:s17+$0x17CB0] =	vst v6;
	v6 =	vadd.f32 v7, v18;
	v7 =	vld [tilespmem:s17+$0xB520]  }
0x17f: {  	[tilespmem:s17+$0x17CC0] =	vst v5;
	v5 =	vadd.f32 v9, v19;
	v9 =	vld [tilespmem:s17+$0xB530]  }
0x180: {  	[tilespmem:s17+$0x17CD0] =	vst v6;
	v6 =	vadd.f32 v10, v20;
	v10 =	vld [tilespmem:s17+$0xB540]  }
0x181: {  	[tilespmem:s17+$0x17CE0] =	vst v5;
	v5 =	vadd.f32 v11, v21;
	v11 =	vld [tilespmem:s17+$0xB550]  }
0x182: {  	[tilespmem:s17+$0x17CF0] =	vst v6;
	v6 =	vadd.f32 v8, v22;
	v8 =	vld [tilespmem:s17+$0xB560]  }
0x183: {  	[tilespmem:s17+$0x17D00] =	vst v5;
	v5 =	vadd.f32 v7, v23;
	v7 =	vld [tilespmem:s17+$0xB570]  }
0x184: {  	[tilespmem:s17+$0x17D10] =	vst v6;
	v6 =	vadd.f32 v9, v24;
	v9 =	vld [tilespmem:s17+$0xB580]  }
0x185: {  	[tilespmem:s17+$0x17D20] =	vst v5;
	v10 =	vadd.f32 v10, v25;
	v12 =	vld [tilespmem:s17+$0xB590]  }
.Ltmp1:
0x186: {  	[tilespmem:s17+$0x17D30] =	vst v6;
	v11 =	vadd.f32 v11, v26;
	v5 =	vld [tilespmem:s17+$0xB5A0];
	(pc) =	sbr.rel @p4 .LBB2_5-.Ltmp1, $4  }
0x187: {  	[tilespmem:s17+$0x17D40] =	vst v10;
	v8 =	vadd.f32 v8, v27;
	v6 =	vld [tilespmem:s17+$0xB5B0]  }
0x188: {  	[tilespmem:s17+$0x17D50] =	vst v11;
	v11 =	vadd.f32 v7, v28;
	v7 =	vld [tilespmem:s17+$0xB5C0]  }
0x189: {  	[tilespmem:s17+$0x17D60] =	vst v8;
	v10 =	vadd.f32 v9, v29;
	v8 =	vld [tilespmem:s17+$0xB5D0]  }
0x18a: {  	s19 =	sshra.s32 s18, $0x2;
	s18 =	sadd.s32 $0x800, s18;
	[tilespmem:s17+$0x17D70] =	vst v11;
	v11 =	vadd.f32 v12, v30;
	v9 =	vld [tilespmem:s17+$0xB5E0]  }
0x18b: {  	v12 =	vld [tilespmem:s19+$0x119F0];
	[tilespmem:s17+$0x17D80] =	vst v10;
	v4 =	vadd.f32 v5, v4  }
0x18c: {  	v10 =	vld [tilespmem:s19+$0x11800];
	[tilespmem:s17+$0x17D90] =	vst v11;
	v3 =	vadd.f32 v6, v3  }
0x18d: {  	v5 =	vld [tilespmem:s19+$0xB5F0];
	[tilespmem:s17+$0x17DA0] =	vst v4;
	v2 =	vadd.f32 v7, v2  }
0x18e: {  	v4 =	vld [tilespmem:s19+$0x11810];
	[tilespmem:s17+$0x17DB0] =	vst v3;
	v1 =	vadd.f32 v8, v1  }
0x18f: {  	v3 =	vld [tilespmem:s19+$0x11820];
	[tilespmem:s17+$0x17DC0] =	vst v2;
	v0 =	vadd.f32 v9, v0  }
0x190: {  	v2 =	vld [tilespmem:s19+$0x11830];
	[tilespmem:s17+$0x17DD0] =	vst v1  }
0x191: {  	v6 =	vmul.f32 $1.131370830e+01, v12;
	v1 =	vld [tilespmem:s19+$0x11840];
	[tilespmem:s17+$0x17DE0] =	vst v0  }
0x192: {  	v0 =	vld [tilespmem:s19+$0x11850]  }
0x193: {  	v5 =	vadd.f32 v5, v6;
	v6 =	vld [tilespmem:s19+$0x11860]  }
0x194: {  	v7 =	vld [tilespmem:s19+$0x11870]  }
0x195: {  	v8 =	vld [tilespmem:s19+$0x11890]  }
0x196: {  	v9 =	vld [tilespmem:s19+$0x118A0]  }
0x197: {  	v11 =	vld [tilespmem:s19+$0x118B0]  }
0x198: {  	v60 =	vld [tilespmem:s19+$0x118C0]  }
0x199: {  	v13 =	vld [tilespmem:s19+$0x118D0]  }
0x19a: {  	v14 =	vld [tilespmem:s19+$0x118E0]  }
0x19b: {  	v15 =	vld [tilespmem:s19+$0x118F0]  }
0x19c: {  	v16 =	vld [tilespmem:s19+$0x11900]  }
0x19d: {  	v17 =	vld [tilespmem:s19+$0x11910]  }
0x19e: {  	v18 =	vld [tilespmem:s19+$0x11920]  }
0x19f: {  	v19 =	vld [tilespmem:s19+$0x11930]  }
0x1a0: {  	v20 =	vld [tilespmem:s19+$0x11940]  }
0x1a1: {  	v21 =	vld [tilespmem:s19+$0x11950]  }
0x1a2: {  	v22 =	vld [tilespmem:s19+$0x11960]  }
0x1a3: {  	v23 =	vld [tilespmem:s19+$0x11970]  }
0x1a4: {  	v24 =	vld [tilespmem:s19+$0x11980]  }
0x1a5: {  	v25 =	vld [tilespmem:s19+$0x11990]  }
0x1a6: {  	v26 =	vld [tilespmem:s19+$0x119A0]  }
0x1a7: {  	v27 =	vld [tilespmem:s19+$0x119B0]  }
0x1a8: {  	v28 =	vld [tilespmem:s19+$0x119C0]  }
0x1a9: {  	v31 =	vld [tilespmem:s19+$0xB400]  }
0x1aa: {  	v32 =	vld [tilespmem:s19+$0xB410]  }
0x1ab: {  	v33 =	vld [tilespmem:s19+$0xB420]  }
0x1ac: {  	v34 =	vld [tilespmem:s19+$0xB430]  }
0x1ad: {  	v10 =	vmul.f32 $1.131370830e+01, v10;
	v35 =	vld [tilespmem:s19+$0xB440]  }
0x1ae: {  	v61 =	vld [tilespmem:s19+$0xB450];
	v4 =	vmul.f32 $1.131370830e+01, v4  }
0x1af: {  	v36 =	vld [tilespmem:s19+$0xB460];
	v3 =	vmul.f32 $1.131370830e+01, v3;
	v10 =	vadd.f32 v31, v10  }
0x1b0: {  	[tilespmem:s19+$0x17DF0] =	vst v5;
	v5 =	vld [tilespmem:s19+$0x11880];
	v2 =	vmul.f32 $1.131370830e+01, v2;
	v4 =	vadd.f32 v32, v4  }
0x1b1: {  	v1 =	vmul.f32 $1.131370830e+01, v1;
	v3 =	vadd.f32 v33, v3;
	[tilespmem:s19+$0x17C00] =	vst v10;
	v10 =	vld [tilespmem:s19+$0xB470]  }
0x1b2: {  	v29 =	vld [tilespmem:s19+$0x119D0];
	v2 =	vadd.f32 v34, v2;
	v0 =	vmul.f32 $1.131370830e+01, v0;
	[tilespmem:s19+$0x17C10] =	vst v4  }
0x1b3: {  	v6 =	vmul.f32 $1.131370830e+01, v6;
	v1 =	vadd.f32 v35, v1;
	v4 =	vld [tilespmem:s19+$0xB480];
	[tilespmem:s19+$0x17C20] =	vst v3  }
0x1b4: {  	v7 =	vmul.f32 $1.131370830e+01, v7;
	v3 =	vld [tilespmem:s19+$0xB490];
	[tilespmem:s19+$0x17C30] =	vst v2;
	v0 =	vadd.f32 v61, v0  }
0x1b5: {  	v2 =	vld [tilespmem:s19+$0xB4A0];
	v6 =	vadd.f32 v36, v6;
	[tilespmem:s19+$0x17C40] =	vst v1  }
0x1b6: {  	v5 =	vmul.f32 $1.131370830e+01, v5;
	v1 =	vld [tilespmem:s19+$0xB4B0];
	[tilespmem:s19+$0x17C50] =	vst v0;
	v7 =	vadd.f32 v10, v7  }
0x1b7: {  	v8 =	vmul.f32 $1.131370830e+01, v8;
	v0 =	vld [tilespmem:s19+$0xB4C0];
	[tilespmem:s19+$0x17C60] =	vst v6  }
0x1b8: {  	v6 =	vld [tilespmem:s19+$0xB4D0];
	v4 =	vadd.f32 v4, v5;
	[tilespmem:s19+$0x17C70] =	vst v7;
	v7 =	vmul.f32 $1.131370830e+01, v9  }
0x1b9: {  	v5 =	vld [tilespmem:s19+$0xB4E0];
	v3 =	vadd.f32 v3, v8;
	v8 =	vmul.f32 $1.131370830e+01, v11  }
0x1ba: {  	[tilespmem:s19+$0x17C80] =	vst v4;
	v4 =	vld [tilespmem:s19+$0xB4F0];
	v2 =	vadd.f32 v2, v7;
	v7 =	vmul.f32 $1.131370830e+01, v60  }
0x1bb: {  	[tilespmem:s19+$0x17C90] =	vst v3;
	v3 =	vld [tilespmem:s19+$0xB500];
	v1 =	vadd.f32 v1, v8;
	v8 =	vmul.f32 $1.131370830e+01, v13  }
0x1bc: {  	[tilespmem:s19+$0x17CA0] =	vst v2;
	v2 =	vld [tilespmem:s19+$0xB510];
	v0 =	vadd.f32 v0, v7;
	v7 =	vmul.f32 $1.131370830e+01, v14  }
0x1bd: {  	[tilespmem:s19+$0x17CB0] =	vst v1;
	v1 =	vld [tilespmem:s19+$0xB520];
	v6 =	vadd.f32 v6, v8;
	v8 =	vmul.f32 $1.131370830e+01, v15  }
0x1be: {  	[tilespmem:s19+$0x17CC0] =	vst v0;
	v0 =	vld [tilespmem:s19+$0xB530];
	v5 =	vadd.f32 v5, v7;
	v7 =	vmul.f32 $1.131370830e+01, v16  }
0x1bf: {  	[tilespmem:s19+$0x17CD0] =	vst v6;
	v6 =	vld [tilespmem:s19+$0xB540];
	v4 =	vadd.f32 v4, v8;
	v8 =	vmul.f32 $1.131370830e+01, v17  }
0x1c0: {  	[tilespmem:s19+$0x17CE0] =	vst v5;
	v5 =	vld [tilespmem:s19+$0xB550];
	v3 =	vadd.f32 v3, v7;
	v7 =	vmul.f32 $1.131370830e+01, v18  }
0x1c1: {  	[tilespmem:s19+$0x17CF0] =	vst v4;
	v4 =	vld [tilespmem:s19+$0xB560];
	v2 =	vadd.f32 v2, v8;
	v8 =	vmul.f32 $1.131370830e+01, v19  }
0x1c2: {  	v30 =	vld [tilespmem:s19+$0x119E0];
	[tilespmem:s19+$0x17D00] =	vst v3;
	v1 =	vadd.f32 v1, v7;
	v7 =	vmul.f32 $1.131370830e+01, v20  }
0x1c3: {  	v3 =	vld [tilespmem:s19+$0xB570];
	[tilespmem:s19+$0x17D10] =	vst v2;
	v0 =	vadd.f32 v0, v8;
	v8 =	vmul.f32 $1.131370830e+01, v21  }
0x1c4: {  	v2 =	vld [tilespmem:s19+$0xB580];
	[tilespmem:s19+$0x17D20] =	vst v1;
	v6 =	vadd.f32 v6, v7;
	v7 =	vmul.f32 $1.131370830e+01, v22  }
0x1c5: {  	v1 =	vld [tilespmem:s19+$0xB590];
	[tilespmem:s19+$0x17D30] =	vst v0;
	v5 =	vadd.f32 v5, v8  }
0x1c6: {  	v0 =	vld [tilespmem:s19+$0xB5A0];
	v8 =	vmul.f32 $1.131370830e+01, v23;
	[tilespmem:s19+$0x17D40] =	vst v6;
	v4 =	vadd.f32 v4, v7  }
0x1c7: {  	v6 =	vld [tilespmem:s19+$0xB5B0];
	v7 =	vmul.f32 $1.131370830e+01, v24;
	[tilespmem:s19+$0x17D50] =	vst v5  }
0x1c8: {  	v5 =	vld [tilespmem:s19+$0xB5C0];
	v3 =	vadd.f32 v3, v8;
	[tilespmem:s19+$0x17D60] =	vst v4;
	v4 =	vmul.f32 $1.131370830e+01, v25  }
0x1c9: {  	v9 =	vmul.f32 $1.131370830e+01, v26;
	v8 =	vld [tilespmem:s19+$0xB5D0];
	v2 =	vadd.f32 v2, v7  }
0x1ca: {  	[tilespmem:s19+$0x17D70] =	vst v3;
	v3 =	vmul.f32 $1.131370830e+01, v27;
	v1 =	vadd.f32 v1, v4;
	v4 =	vld [tilespmem:s19+$0xB5E0]  }
0x1cb: {  	v7 =	vmul.f32 $1.131370830e+01, v28;
	[tilespmem:s19+$0x17D80] =	vst v2;
	v0 =	vadd.f32 v0, v9  }
0x1cc: {  	s17 =	simm.s32 @!p0 $0x7FFEC0;
	v2 =	vmul.f32 $1.131370830e+01, v29;
	[tilespmem:s19+$0x17D90] =	vst v1;
	v1 =	vadd.f32 v6, v3  }
0x1cd: {  	s17 =	simm.s32 @p1 $0x0;
	v3 =	vmul.f32 $1.131370830e+01, v30;
	[tilespmem:s19+$0x17DA0] =	vst v0;
	v0 =	vadd.f32 v5, v7  }
0x1ce: {  	s17 =	sadd.s32 @!p0 s17, s15;
	[tilespmem:s19+$0x17DB0] =	vst v1;
	v1 =	vadd.f32 v8, v2  }
0x1cf: {  	s17 =	sshll.u32 @!p0 s17, $0x9;
	[tilespmem:s19+$0x17DC0] =	vst v0;
	v0 =	vadd.f32 v4, v3  }
0x1d0: {  	s17 =	sadd.s32 @!p0 $0xC00, s17;
	[tilespmem:s19+$0x17DD0] =	vst v1  }
0x1d1: {  	s18 =	simm.s32 @!p0 $0x28;
	s17 =	sshra.s32 @!p0 s17, $0x2;
	[tilespmem:s19+$0x17DE0] =	vst v0;
	s19 =	simm.s32 @!p0 $0x11800  }
0x1d2: {  	[tilespmem:s19], [sflag:$0x2] =	stream.indirect.gather @!p0 [hbm4b:s2+s18], $0x80, s17, s18, $0xb8;
	[tilespmem:$0x1CC00] =	vst v63  }
0x1d3: {  	s19 =	sadd.s32 $0x280, s16;
	s17 =	simm.s32 @!p3 $0x3  }
0x1d4: {  	[hbm4b:s19+s4] =	stream.linear.scatter [tilespmem:s25], [sflag:$0x7], $0x1400, $0x38;
	[tilespmem:$0x1CC00] =	vst v63  }
0x1d5: {  	_ =	swait.ge @!p3 [sflag:s17], $0x1400  }
0x1d6: {  	[sflag:s17] =	ssyncset.done @!p3 $0x0  }
0x1d7: {  	[sflag:s17] =	ssyncadd.s32 @!p3 $0xFFFFEC00;
	s17 =	simm.s32 @!p2 $0x8  }
0x1d8: {  	_ =	swait.ge @!p2 [sflag:s17], $0x1400  }
0x1d9: {  	[sflag:s17] =	ssyncset.done @!p2 $0x0  }
0x1da: {  	[sflag:s17] =	ssyncadd.s32 @!p2 $0xFFFFEC00;
	s17 =	simm.s32 $0x0  }
0x1db: {  	v0 =	vld [tilespmem:s17+$0x12DF0]  }
0x1dc: {  	v1 =	vld [tilespmem:s17+$0x12C00]  }
0x1dd: {  	v2 =	vld [tilespmem:s17+$0xC9F0]  }
0x1de: {  	v3 =	vld [tilespmem:s17+$0x12C10]  }
0x1df: {  	v4 =	vld [tilespmem:s17+$0x12C20]  }
0x1e0: {  	v5 =	vld [tilespmem:s17+$0x12C30]  }
0x1e1: {  	v6 =	vld [tilespmem:s17+$0x12C40]  }
0x1e2: {  	v7 =	vld [tilespmem:s17+$0x12C50]  }
0x1e3: {  	v8 =	vld [tilespmem:s17+$0x12C70]  }
0x1e4: {  	v9 =	vld [tilespmem:s17+$0x12C90]  }
0x1e5: {  	v10 =	vld [tilespmem:s17+$0x12CA0]  }
0x1e6: {  	v11 =	vld [tilespmem:s17+$0x12CB0]  }
0x1e7: {  	v12 =	vld [tilespmem:s17+$0x12CC0]  }
0x1e8: {  	v13 =	vld [tilespmem:s17+$0x12CD0]  }
0x1e9: {  	v62 =	vld [tilespmem:s17+$0x12CE0]  }
0x1ea: {  	v63 =	vld [tilespmem:s17+$0x12CF0]  }
0x1eb: {  	v40 =	vld [tilespmem:s17+$0x12D00]  }
0x1ec: {  	v41 =	vld [tilespmem:s17+$0x12D10]  }
0x1ed: {  	v42 =	vld [tilespmem:s17+$0x12D20]  }
0x1ee: {  	v43 =	vld [tilespmem:s17+$0x12D30]  }
0x1ef: {  	v44 =	vld [tilespmem:s17+$0x12D40]  }
0x1f0: {  	v45 =	vld [tilespmem:s17+$0x12D50]  }
0x1f1: {  	v46 =	vld [tilespmem:s17+$0x12D60]  }
0x1f2: {  	v47 =	vld [tilespmem:s17+$0x12D70]  }
0x1f3: {  	v48 =	vld [tilespmem:s17+$0x12D80]  }
0x1f4: {  	v49 =	vld [tilespmem:s17+$0x12D90]  }
0x1f5: {  	v50 =	vld [tilespmem:s17+$0x12DA0]  }
0x1f6: {  	v51 =	vld [tilespmem:s17+$0x12DB0]  }
0x1f7: {  	v52 =	vld [tilespmem:s17+$0x12DC0]  }
0x1f8: {  	v55 =	vld [tilespmem:s17+$0xC800]  }
0x1f9: {  	v56 =	vld [tilespmem:s17+$0xC810]  }
0x1fa: {  	v57 =	vld [tilespmem:s17+$0xC820]  }
0x1fb: {  	v58 =	vld [tilespmem:s17+$0xC830]  }
0x1fc: {  	v59 =	vld [tilespmem:s17+$0xC840];
	v0 =	vmul.f32 $1.131370830e+01, v0  }
0x1fd: {  	v60 =	vld [tilespmem:s17+$0xC850];
	v1 =	vmul.f32 $1.131370830e+01, v1  }
0x1fe: {  	v3 =	vmul.f32 $1.131370830e+01, v3;
	v0 =	vadd.f32 v2, v0;
	v2 =	vld [tilespmem:s17+$0x12C60]  }
0x1ff: {  	v61 =	vld [tilespmem:s17+$0xC860];
	v4 =	vmul.f32 $1.131370830e+01, v4;
	v1 =	vadd.f32 v55, v1  }
0x200: {  	v5 =	vmul.f32 $1.131370830e+01, v5;
	v3 =	vadd.f32 v56, v3;
	[tilespmem:s17+$0x191F0] =	vst v0;
	v0 =	vld [tilespmem:s17+$0x12C80]  }
0x201: {  	v6 =	vmul.f32 $1.131370830e+01, v6;
	v4 =	vadd.f32 v57, v4;
	[tilespmem:s17+$0x19000] =	vst v1;
	v1 =	vld [tilespmem:s17+$0xC870]  }
0x202: {  	v7 =	vmul.f32 $1.131370830e+01, v7;
	v5 =	vadd.f32 v58, v5;
	[tilespmem:s17+$0x19010] =	vst v3;
	v3 =	vld [tilespmem:s17+$0xC880]  }
0x203: {  	v6 =	vadd.f32 v59, v6;
	[tilespmem:s17+$0x19020] =	vst v4;
	v4 =	vld [tilespmem:s17+$0xC890];
	v2 =	vmul.f32 $1.131370830e+01, v2  }
0x204: {  	v8 =	vmul.f32 $1.131370830e+01, v8;
	v7 =	vadd.f32 v60, v7;
	[tilespmem:s17+$0x19030] =	vst v5;
	v5 =	vld [tilespmem:s17+$0xC8A0]  }
0x205: {  	[tilespmem:s17+$0x19040] =	vst v6;
	v6 =	vld [tilespmem:s17+$0xC8B0];
	v2 =	vadd.f32 v61, v2;
	v0 =	vmul.f32 $1.131370830e+01, v0  }
0x206: {  	[tilespmem:s17+$0x19050] =	vst v7;
	v7 =	vld [tilespmem:s17+$0xC8C0];
	v1 =	vadd.f32 v1, v8;
	v8 =	vmul.f32 $1.131370830e+01, v9  }
0x207: {  	[tilespmem:s17+$0x19060] =	vst v2;
	v2 =	vld [tilespmem:s17+$0xC8D0];
	v0 =	vadd.f32 v3, v0;
	v3 =	vmul.f32 $1.131370830e+01, v10  }
0x208: {  	[tilespmem:s17+$0x19070] =	vst v1;
	v1 =	vld [tilespmem:s17+$0xC8E0];
	v4 =	vadd.f32 v4, v8;
	v8 =	vmul.f32 $1.131370830e+01, v11  }
0x209: {  	[tilespmem:s17+$0x19080] =	vst v0;
	v0 =	vld [tilespmem:s17+$0xC8F0];
	v3 =	vadd.f32 v5, v3;
	v5 =	vmul.f32 $1.131370830e+01, v12  }
0x20a: {  	[tilespmem:s17+$0x19090] =	vst v4;
	v4 =	vld [tilespmem:s17+$0xC900];
	v6 =	vadd.f32 v6, v8;
	v8 =	vmul.f32 $1.131370830e+01, v13  }
0x20b: {  	[tilespmem:s17+$0x190A0] =	vst v3;
	v3 =	vld [tilespmem:s17+$0xC910];
	v5 =	vadd.f32 v7, v5;
	v7 =	vmul.f32 $1.131370830e+01, v62  }
0x20c: {  	v53 =	vld [tilespmem:s17+$0x12DD0];
	v2 =	vadd.f32 v2, v8;
	v8 =	vmul.f32 $1.131370830e+01, v63  }
0x20d: {  	[tilespmem:s17+$0x190B0] =	vst v6;
	v6 =	vld [tilespmem:s17+$0xC920];
	v1 =	vadd.f32 v1, v7  }
0x20e: {  	[tilespmem:s17+$0x190C0] =	vst v5;
	v5 =	vld [tilespmem:s17+$0xC930];
	v7 =	vmul.f32 $1.131370830e+01, v40;
	v0 =	vadd.f32 v0, v8;
	v8 =	vmul.f32 $1.131370830e+01, v41  }
0x20f: {  	[tilespmem:s17+$0x190D0] =	vst v2;
	v2 =	vld [tilespmem:s17+$0xC940]  }
0x210: {  	v54 =	vld [tilespmem:s17+$0x12DE0];
	[tilespmem:s17+$0x190E0] =	vst v1;
	v4 =	vadd.f32 v4, v7;
	v7 =	vmul.f32 $1.131370830e+01, v42;
	v3 =	vadd.f32 v3, v8  }
0x211: {  	v1 =	vld [tilespmem:s17+$0xC950];
	[tilespmem:s17+$0x190F0] =	vst v0;
	v8 =	vmul.f32 $1.131370830e+01, v43  }
0x212: {  	v0 =	vld [tilespmem:s17+$0xC960];
	v6 =	vadd.f32 v6, v7;
	[tilespmem:s17+$0x19110] =	vst v3;
	v3 =	vmul.f32 $1.131370830e+01, v44  }
0x213: {  	[tilespmem:s17+$0x19100] =	vst v4;
	v4 =	vld [tilespmem:s17+$0xC970];
	v5 =	vadd.f32 v5, v8  }
0x214: {  	v9 =	vld [tilespmem:s17+$0xC980];
	[tilespmem:s17+$0x19120] =	vst v6;
	v6 =	vmul.f32 $1.131370830e+01, v45;
	v2 =	vadd.f32 v2, v3  }
0x215: {  	v11 =	vld [tilespmem:s17+$0xC990];
	[tilespmem:s17+$0x19130] =	vst v5;
	v3 =	vmul.f32 $1.131370830e+01, v46  }
0x216: {  	v5 =	vld [tilespmem:s17+$0xC9A0];
	v1 =	vadd.f32 v1, v6;
	[tilespmem:s17+$0x19140] =	vst v2;
	v2 =	vmul.f32 $1.131370830e+01, v47  }
0x217: {  	v10 =	vmul.f32 $1.131370830e+01, v48;
	v6 =	vld [tilespmem:s17+$0xC9B0];
	v0 =	vadd.f32 v0, v3  }
0x218: {  	v62 =	vmul.f32 $1.131370830e+01, v49;
	v7 =	vld [tilespmem:s17+$0xC9C0];
	v3 =	vmul.f32 $1.131370830e+01, v51;
	[tilespmem:s17+$0x19150] =	vst v1;
	v63 =	vadd.f32 v4, v2  }
0x219: {  	v10 =	vadd.f32 v9, v10;
	v8 =	vld [tilespmem:s17+$0xC9D0];
	v1 =	vmul.f32 $1.131370830e+01, v53;
	[tilespmem:s17+$0x19160] =	vst v0;
	v4 =	vmul.f32 $1.131370830e+01, v50  }
0x21a: {  	s18 =	simm.s32 $0x1000;
	s19 =	simm.s32 $0x200;
	v9 =	vld [tilespmem:s17+$0xC9E0];
	v11 =	vadd.f32 v11, v62;
	v2 =	vmul.f32 $1.131370830e+01, v52;
	v0 =	vmul.f32 $1.131370830e+01, v54;
	[tilespmem:s17+$0x19170] =	vst v63  }
.LBB2_7:
0x21b: {  	p4 =	sne.s32 s18, $0x4800;
	v12 =	vld [tilespmem:s19+$0x12DF0];
	[tilespmem:s17+$0x19180] =	vst v10;
	v4 =	vadd.f32 v5, v4  }
0x21c: {  	v5 =	vld [tilespmem:s19+$0x12C00];
	[tilespmem:s17+$0x19190] =	vst v11;
	v3 =	vadd.f32 v6, v3  }
0x21d: {  	v6 =	vld [tilespmem:s19+$0xC9F0];
	[tilespmem:s17+$0x191A0] =	vst v4;
	v2 =	vadd.f32 v7, v2  }
0x21e: {  	v4 =	vld [tilespmem:s19+$0x12C10];
	[tilespmem:s17+$0x191B0] =	vst v3;
	v1 =	vadd.f32 v8, v1  }
0x21f: {  	v3 =	vld [tilespmem:s19+$0x12C20];
	[tilespmem:s17+$0x191C0] =	vst v2;
	v0 =	vadd.f32 v9, v0  }
0x220: {  	v2 =	vld [tilespmem:s19+$0x12C30];
	v7 =	vmul.f32 $1.131370830e+01, v12;
	[tilespmem:s17+$0x191D0] =	vst v1  }
0x221: {  	v5 =	vmul.f32 $1.131370830e+01, v5;
	v1 =	vld [tilespmem:s19+$0x12C40];
	[tilespmem:s17+$0x191E0] =	vst v0;
	s17 =	smov.u32 s19  }
0x222: {  	v0 =	vld [tilespmem:s17+$0x12C50];
	v6 =	vadd.f32 v6, v7  }
0x223: {  	v7 =	vmul.f32 $1.131370830e+01, v4;
	v4 =	vld [tilespmem:s17+$0x12C60]  }
0x224: {  	v8 =	vmul.f32 $1.131370830e+01, v3;
	v3 =	vld [tilespmem:s17+$0x12C70];
	[tilespmem:s17+$0x191F0] =	vst v6  }
0x225: {  	v6 =	vmul.f32 $1.131370830e+01, v2;
	v2 =	vld [tilespmem:s17+$0x12C80]  }
0x226: {  	v9 =	vmul.f32 $1.131370830e+01, v1;
	v1 =	vld [tilespmem:s17+$0x12C90]  }
0x227: {  	v10 =	vmul.f32 $1.131370830e+01, v0;
	v0 =	vld [tilespmem:s17+$0x12CA0]  }
0x228: {  	v11 =	vmul.f32 $1.131370830e+01, v4;
	v4 =	vld [tilespmem:s17+$0x12CB0]  }
0x229: {  	v12 =	vmul.f32 $1.131370830e+01, v3;
	v3 =	vld [tilespmem:s17+$0x12CC0]  }
0x22a: {  	v13 =	vmul.f32 $1.131370830e+01, v2;
	v2 =	vld [tilespmem:s17+$0x12CD0]  }
0x22b: {  	v14 =	vmul.f32 $1.131370830e+01, v1;
	v1 =	vld [tilespmem:s17+$0x12CE0]  }
0x22c: {  	v15 =	vmul.f32 $1.131370830e+01, v0;
	v0 =	vld [tilespmem:s17+$0x12CF0]  }
0x22d: {  	v16 =	vmul.f32 $1.131370830e+01, v4;
	v4 =	vld [tilespmem:s17+$0x12D00]  }
0x22e: {  	v17 =	vmul.f32 $1.131370830e+01, v3;
	v3 =	vld [tilespmem:s17+$0x12D10]  }
0x22f: {  	v18 =	vmul.f32 $1.131370830e+01, v2;
	v2 =	vld [tilespmem:s17+$0x12D20]  }
0x230: {  	v19 =	vmul.f32 $1.131370830e+01, v1;
	v1 =	vld [tilespmem:s17+$0x12D30]  }
0x231: {  	v20 =	vmul.f32 $1.131370830e+01, v0;
	v0 =	vld [tilespmem:s17+$0x12D40]  }
0x232: {  	v21 =	vmul.f32 $1.131370830e+01, v4;
	v4 =	vld [tilespmem:s17+$0x12D50]  }
0x233: {  	v22 =	vmul.f32 $1.131370830e+01, v3;
	v3 =	vld [tilespmem:s17+$0x12D60]  }
0x234: {  	v23 =	vmul.f32 $1.131370830e+01, v2;
	v2 =	vld [tilespmem:s17+$0x12D70]  }
0x235: {  	v24 =	vmul.f32 $1.131370830e+01, v1;
	v1 =	vld [tilespmem:s17+$0x12D80]  }
0x236: {  	v25 =	vmul.f32 $1.131370830e+01, v0;
	v0 =	vld [tilespmem:s17+$0x12D90]  }
0x237: {  	v26 =	vmul.f32 $1.131370830e+01, v4;
	v4 =	vld [tilespmem:s17+$0x12DA0]  }
0x238: {  	v27 =	vmul.f32 $1.131370830e+01, v3;
	v3 =	vld [tilespmem:s17+$0x12DB0]  }
0x239: {  	v28 =	vmul.f32 $1.131370830e+01, v2;
	v2 =	vld [tilespmem:s17+$0x12DC0]  }
0x23a: {  	v29 =	vmul.f32 $1.131370830e+01, v1;
	v1 =	vld [tilespmem:s17+$0x12DD0]  }
0x23b: {  	v30 =	vmul.f32 $1.131370830e+01, v0;
	v0 =	vld [tilespmem:s17+$0x12DE0]  }
0x23c: {  	v31 =	vld [tilespmem:s17+$0xC800];
	v4 =	vmul.f32 $1.131370830e+01, v4  }
0x23d: {  	v32 =	vld [tilespmem:s17+$0xC810];
	v3 =	vmul.f32 $1.131370830e+01, v3  }
0x23e: {  	v33 =	vld [tilespmem:s17+$0xC820];
	v2 =	vmul.f32 $1.131370830e+01, v2  }
0x23f: {  	v34 =	vld [tilespmem:s17+$0xC830];
	v1 =	vmul.f32 $1.131370830e+01, v1  }
0x240: {  	v35 =	vld [tilespmem:s17+$0xC840];
	v0 =	vmul.f32 $1.131370830e+01, v0  }
0x241: {  	v5 =	vadd.f32 v31, v5;
	v31 =	vld [tilespmem:s17+$0xC850]  }
0x242: {  	v7 =	vadd.f32 v32, v7;
	v32 =	vld [tilespmem:s17+$0xC860]  }
0x243: {  	[tilespmem:s17+$0x19000] =	vst v5;
	v5 =	vadd.f32 v33, v8;
	v8 =	vld [tilespmem:s17+$0xC870]  }
0x244: {  	[tilespmem:s17+$0x19010] =	vst v7;
	v6 =	vadd.f32 v34, v6;
	v7 =	vld [tilespmem:s17+$0xC880]  }
0x245: {  	[tilespmem:s17+$0x19020] =	vst v5;
	v5 =	vadd.f32 v35, v9;
	v9 =	vld [tilespmem:s17+$0xC890]  }
0x246: {  	[tilespmem:s17+$0x19030] =	vst v6;
	v6 =	vadd.f32 v31, v10;
	v10 =	vld [tilespmem:s17+$0xC8A0]  }
0x247: {  	[tilespmem:s17+$0x19040] =	vst v5;
	v5 =	vadd.f32 v32, v11;
	v11 =	vld [tilespmem:s17+$0xC8B0]  }
0x248: {  	[tilespmem:s17+$0x19050] =	vst v6;
	v6 =	vadd.f32 v8, v12;
	v8 =	vld [tilespmem:s17+$0xC8C0]  }
0x249: {  	[tilespmem:s17+$0x19060] =	vst v5;
	v5 =	vadd.f32 v7, v13;
	v7 =	vld [tilespmem:s17+$0xC8D0]  }
0x24a: {  	[tilespmem:s17+$0x19070] =	vst v6;
	v6 =	vadd.f32 v9, v14;
	v9 =	vld [tilespmem:s17+$0xC8E0]  }
0x24b: {  	[tilespmem:s17+$0x19080] =	vst v5;
	v5 =	vadd.f32 v10, v15;
	v10 =	vld [tilespmem:s17+$0xC8F0]  }
0x24c: {  	[tilespmem:s17+$0x19090] =	vst v6;
	v6 =	vadd.f32 v11, v16;
	v11 =	vld [tilespmem:s17+$0xC900]  }
0x24d: {  	[tilespmem:s17+$0x190A0] =	vst v5;
	v5 =	vadd.f32 v8, v17;
	v8 =	vld [tilespmem:s17+$0xC910]  }
0x24e: {  	[tilespmem:s17+$0x190B0] =	vst v6;
	v6 =	vadd.f32 v7, v18;
	v7 =	vld [tilespmem:s17+$0xC920]  }
0x24f: {  	[tilespmem:s17+$0x190C0] =	vst v5;
	v5 =	vadd.f32 v9, v19;
	v9 =	vld [tilespmem:s17+$0xC930]  }
0x250: {  	[tilespmem:s17+$0x190D0] =	vst v6;
	v6 =	vadd.f32 v10, v20;
	v10 =	vld [tilespmem:s17+$0xC940]  }
0x251: {  	[tilespmem:s17+$0x190E0] =	vst v5;
	v5 =	vadd.f32 v11, v21;
	v11 =	vld [tilespmem:s17+$0xC950]  }
0x252: {  	[tilespmem:s17+$0x190F0] =	vst v6;
	v6 =	vadd.f32 v8, v22;
	v8 =	vld [tilespmem:s17+$0xC960]  }
0x253: {  	[tilespmem:s17+$0x19100] =	vst v5;
	v5 =	vadd.f32 v7, v23;
	v7 =	vld [tilespmem:s17+$0xC970]  }
0x254: {  	[tilespmem:s17+$0x19110] =	vst v6;
	v6 =	vadd.f32 v9, v24;
	v9 =	vld [tilespmem:s17+$0xC980]  }
0x255: {  	[tilespmem:s17+$0x19120] =	vst v5;
	v10 =	vadd.f32 v10, v25;
	v12 =	vld [tilespmem:s17+$0xC990]  }
.Ltmp2:
0x256: {  	[tilespmem:s17+$0x19130] =	vst v6;
	v11 =	vadd.f32 v11, v26;
	v5 =	vld [tilespmem:s17+$0xC9A0];
	(pc) =	sbr.rel @p4 .LBB2_7-.Ltmp2, $4  }
0x257: {  	[tilespmem:s17+$0x19140] =	vst v10;
	v8 =	vadd.f32 v8, v27;
	v6 =	vld [tilespmem:s17+$0xC9B0]  }
0x258: {  	[tilespmem:s17+$0x19150] =	vst v11;
	v11 =	vadd.f32 v7, v28;
	v7 =	vld [tilespmem:s17+$0xC9C0]  }
0x259: {  	[tilespmem:s17+$0x19160] =	vst v8;
	v10 =	vadd.f32 v9, v29;
	v8 =	vld [tilespmem:s17+$0xC9D0]  }
0x25a: {  	s19 =	sshra.s32 s18, $0x2;
	s18 =	sadd.s32 $0x800, s18;
	[tilespmem:s17+$0x19170] =	vst v11;
	v11 =	vadd.f32 v12, v30;
	v9 =	vld [tilespmem:s17+$0xC9E0]  }
0x25b: {  	v12 =	vld [tilespmem:s19+$0x12DF0];
	[tilespmem:s17+$0x19180] =	vst v10;
	v4 =	vadd.f32 v5, v4  }
0x25c: {  	v10 =	vld [tilespmem:s19+$0x12C00];
	[tilespmem:s17+$0x19190] =	vst v11;
	v3 =	vadd.f32 v6, v3  }
0x25d: {  	v5 =	vld [tilespmem:s19+$0xC9F0];
	[tilespmem:s17+$0x191A0] =	vst v4;
	v2 =	vadd.f32 v7, v2  }
0x25e: {  	v4 =	vld [tilespmem:s19+$0x12C10];
	[tilespmem:s17+$0x191B0] =	vst v3;
	v1 =	vadd.f32 v8, v1  }
0x25f: {  	v3 =	vld [tilespmem:s19+$0x12C20];
	[tilespmem:s17+$0x191C0] =	vst v2;
	v0 =	vadd.f32 v9, v0  }
0x260: {  	v2 =	vld [tilespmem:s19+$0x12C30];
	[tilespmem:s17+$0x191D0] =	vst v1  }
0x261: {  	v6 =	vmul.f32 $1.131370830e+01, v12;
	v1 =	vld [tilespmem:s19+$0x12C40];
	[tilespmem:s17+$0x191E0] =	vst v0  }
0x262: {  	v0 =	vld [tilespmem:s19+$0x12C50]  }
0x263: {  	v5 =	vadd.f32 v5, v6;
	v6 =	vld [tilespmem:s19+$0x12C60]  }
0x264: {  	v7 =	vld [tilespmem:s19+$0x12C70]  }
0x265: {  	v8 =	vld [tilespmem:s19+$0x12C90]  }
0x266: {  	v9 =	vld [tilespmem:s19+$0x12CA0]  }
0x267: {  	v11 =	vld [tilespmem:s19+$0x12CB0]  }
0x268: {  	v60 =	vld [tilespmem:s19+$0x12CC0]  }
0x269: {  	v13 =	vld [tilespmem:s19+$0x12CD0]  }
0x26a: {  	v14 =	vld [tilespmem:s19+$0x12CE0]  }
0x26b: {  	v15 =	vld [tilespmem:s19+$0x12CF0]  }
0x26c: {  	v16 =	vld [tilespmem:s19+$0x12D00]  }
0x26d: {  	v17 =	vld [tilespmem:s19+$0x12D10]  }
0x26e: {  	v18 =	vld [tilespmem:s19+$0x12D20]  }
0x26f: {  	v19 =	vld [tilespmem:s19+$0x12D30]  }
0x270: {  	v20 =	vld [tilespmem:s19+$0x12D40]  }
0x271: {  	v21 =	vld [tilespmem:s19+$0x12D50]  }
0x272: {  	v22 =	vld [tilespmem:s19+$0x12D60]  }
0x273: {  	v23 =	vld [tilespmem:s19+$0x12D70]  }
0x274: {  	v24 =	vld [tilespmem:s19+$0x12D80]  }
0x275: {  	v25 =	vld [tilespmem:s19+$0x12D90]  }
0x276: {  	v26 =	vld [tilespmem:s19+$0x12DA0]  }
0x277: {  	v27 =	vld [tilespmem:s19+$0x12DB0]  }
0x278: {  	v28 =	vld [tilespmem:s19+$0x12DC0]  }
0x279: {  	v31 =	vld [tilespmem:s19+$0xC800]  }
0x27a: {  	v32 =	vld [tilespmem:s19+$0xC810]  }
0x27b: {  	v33 =	vld [tilespmem:s19+$0xC820]  }
0x27c: {  	v34 =	vld [tilespmem:s19+$0xC830]  }
0x27d: {  	v10 =	vmul.f32 $1.131370830e+01, v10;
	v35 =	vld [tilespmem:s19+$0xC840]  }
0x27e: {  	v61 =	vld [tilespmem:s19+$0xC850];
	v4 =	vmul.f32 $1.131370830e+01, v4  }
0x27f: {  	v36 =	vld [tilespmem:s19+$0xC860];
	v3 =	vmul.f32 $1.131370830e+01, v3;
	v10 =	vadd.f32 v31, v10  }
0x280: {  	[tilespmem:s19+$0x191F0] =	vst v5;
	v5 =	vld [tilespmem:s19+$0x12C80];
	v2 =	vmul.f32 $1.131370830e+01, v2;
	v4 =	vadd.f32 v32, v4  }
0x281: {  	v1 =	vmul.f32 $1.131370830e+01, v1;
	v3 =	vadd.f32 v33, v3;
	[tilespmem:s19+$0x19000] =	vst v10;
	v10 =	vld [tilespmem:s19+$0xC870]  }
0x282: {  	v29 =	vld [tilespmem:s19+$0x12DD0];
	v2 =	vadd.f32 v34, v2;
	v0 =	vmul.f32 $1.131370830e+01, v0;
	[tilespmem:s19+$0x19010] =	vst v4  }
0x283: {  	v6 =	vmul.f32 $1.131370830e+01, v6;
	v1 =	vadd.f32 v35, v1;
	v4 =	vld [tilespmem:s19+$0xC880];
	[tilespmem:s19+$0x19020] =	vst v3  }
0x284: {  	v7 =	vmul.f32 $1.131370830e+01, v7;
	v3 =	vld [tilespmem:s19+$0xC890];
	[tilespmem:s19+$0x19030] =	vst v2;
	v0 =	vadd.f32 v61, v0  }
0x285: {  	v2 =	vld [tilespmem:s19+$0xC8A0];
	v6 =	vadd.f32 v36, v6;
	[tilespmem:s19+$0x19040] =	vst v1  }
0x286: {  	v5 =	vmul.f32 $1.131370830e+01, v5;
	v1 =	vld [tilespmem:s19+$0xC8B0];
	[tilespmem:s19+$0x19050] =	vst v0;
	v7 =	vadd.f32 v10, v7  }
0x287: {  	v8 =	vmul.f32 $1.131370830e+01, v8;
	v0 =	vld [tilespmem:s19+$0xC8C0];
	[tilespmem:s19+$0x19060] =	vst v6  }
0x288: {  	v6 =	vld [tilespmem:s19+$0xC8D0];
	v4 =	vadd.f32 v4, v5;
	[tilespmem:s19+$0x19070] =	vst v7;
	v7 =	vmul.f32 $1.131370830e+01, v9  }
0x289: {  	v5 =	vld [tilespmem:s19+$0xC8E0];
	v3 =	vadd.f32 v3, v8;
	v8 =	vmul.f32 $1.131370830e+01, v11  }
0x28a: {  	[tilespmem:s19+$0x19080] =	vst v4;
	v4 =	vld [tilespmem:s19+$0xC8F0];
	v2 =	vadd.f32 v2, v7;
	v7 =	vmul.f32 $1.131370830e+01, v60  }
0x28b: {  	[tilespmem:s19+$0x19090] =	vst v3;
	v3 =	vld [tilespmem:s19+$0xC900];
	v1 =	vadd.f32 v1, v8;
	v8 =	vmul.f32 $1.131370830e+01, v13  }
0x28c: {  	[tilespmem:s19+$0x190A0] =	vst v2;
	v2 =	vld [tilespmem:s19+$0xC910];
	v0 =	vadd.f32 v0, v7;
	v7 =	vmul.f32 $1.131370830e+01, v14  }
0x28d: {  	[tilespmem:s19+$0x190B0] =	vst v1;
	v1 =	vld [tilespmem:s19+$0xC920];
	v6 =	vadd.f32 v6, v8;
	v8 =	vmul.f32 $1.131370830e+01, v15  }
0x28e: {  	[tilespmem:s19+$0x190C0] =	vst v0;
	v0 =	vld [tilespmem:s19+$0xC930];
	v5 =	vadd.f32 v5, v7;
	v7 =	vmul.f32 $1.131370830e+01, v16  }
0x28f: {  	[tilespmem:s19+$0x190D0] =	vst v6;
	v6 =	vld [tilespmem:s19+$0xC940];
	v4 =	vadd.f32 v4, v8;
	v8 =	vmul.f32 $1.131370830e+01, v17  }
0x290: {  	[tilespmem:s19+$0x190E0] =	vst v5;
	v5 =	vld [tilespmem:s19+$0xC950];
	v3 =	vadd.f32 v3, v7;
	v7 =	vmul.f32 $1.131370830e+01, v18  }
0x291: {  	[tilespmem:s19+$0x190F0] =	vst v4;
	v4 =	vld [tilespmem:s19+$0xC960];
	v2 =	vadd.f32 v2, v8;
	v8 =	vmul.f32 $1.131370830e+01, v19  }
0x292: {  	v30 =	vld [tilespmem:s19+$0x12DE0];
	[tilespmem:s19+$0x19100] =	vst v3;
	v1 =	vadd.f32 v1, v7;
	v7 =	vmul.f32 $1.131370830e+01, v20  }
0x293: {  	v3 =	vld [tilespmem:s19+$0xC970];
	[tilespmem:s19+$0x19110] =	vst v2;
	v0 =	vadd.f32 v0, v8;
	v8 =	vmul.f32 $1.131370830e+01, v21  }
0x294: {  	v2 =	vld [tilespmem:s19+$0xC980];
	[tilespmem:s19+$0x19120] =	vst v1;
	v6 =	vadd.f32 v6, v7;
	v7 =	vmul.f32 $1.131370830e+01, v22  }
0x295: {  	v1 =	vld [tilespmem:s19+$0xC990];
	[tilespmem:s19+$0x19130] =	vst v0;
	v5 =	vadd.f32 v5, v8  }
0x296: {  	v0 =	vld [tilespmem:s19+$0xC9A0];
	v8 =	vmul.f32 $1.131370830e+01, v23;
	[tilespmem:s19+$0x19140] =	vst v6;
	v4 =	vadd.f32 v4, v7  }
0x297: {  	v6 =	vld [tilespmem:s19+$0xC9B0];
	v7 =	vmul.f32 $1.131370830e+01, v24;
	[tilespmem:s19+$0x19150] =	vst v5  }
0x298: {  	v5 =	vld [tilespmem:s19+$0xC9C0];
	v3 =	vadd.f32 v3, v8;
	[tilespmem:s19+$0x19160] =	vst v4;
	v4 =	vmul.f32 $1.131370830e+01, v25  }
0x299: {  	v9 =	vmul.f32 $1.131370830e+01, v26;
	v8 =	vld [tilespmem:s19+$0xC9D0];
	v2 =	vadd.f32 v2, v7  }
0x29a: {  	[tilespmem:s19+$0x19170] =	vst v3;
	v3 =	vmul.f32 $1.131370830e+01, v27;
	v1 =	vadd.f32 v1, v4;
	v4 =	vld [tilespmem:s19+$0xC9E0]  }
0x29b: {  	v7 =	vmul.f32 $1.131370830e+01, v28;
	[tilespmem:s19+$0x19180] =	vst v2;
	v0 =	vadd.f32 v0, v9  }
0x29c: {  	s17 =	simm.s32 @!p0 $0x7FFEC0;
	v2 =	vmul.f32 $1.131370830e+01, v29;
	[tilespmem:s19+$0x19190] =	vst v1;
	v1 =	vadd.f32 v6, v3  }
0x29d: {  	s17 =	simm.s32 @p1 $0x0;
	v3 =	vmul.f32 $1.131370830e+01, v30;
	[tilespmem:s19+$0x191A0] =	vst v0;
	v0 =	vadd.f32 v5, v7  }
0x29e: {  	s17 =	sadd.s32 @!p0 s17, s15;
	[tilespmem:s19+$0x191B0] =	vst v1;
	v1 =	vadd.f32 v8, v2  }
0x29f: {  	s17 =	sshll.u32 @!p0 s17, $0x9;
	[tilespmem:s19+$0x191C0] =	vst v0;
	v0 =	vadd.f32 v4, v3  }
0x2a0: {  	s17 =	sadd.s32 @!p0 $0xE00, s17;
	[tilespmem:s19+$0x191D0] =	vst v1  }
0x2a1: {  	s18 =	simm.s32 @!p0 $0x28;
	s17 =	sshra.s32 @!p0 s17, $0x2;
	[tilespmem:s19+$0x191E0] =	vst v0;
	s19 =	simm.s32 @!p0 $0x12C00  }
0x2a2: {  	[tilespmem:s19], [sflag:$0x3] =	stream.indirect.gather @!p0 [hbm4b:s2+s18], $0x80, s17, s18, $0xb8;
	[tilespmem:$0x1CC00] =	vst v63  }
0x2a3: {  	s19 =	sadd.s32 $0x500, s16;
	s17 =	simm.s32 @!p3 $0x4  }
0x2a4: {  	[hbm4b:s19+s4] =	stream.linear.scatter [tilespmem:s26], [sflag:$0x8], $0x1400, $0x38;
	[tilespmem:$0x1CC00] =	vst v63  }
0x2a5: {  	_ =	swait.ge @!p3 [sflag:s17], $0x1400  }
0x2a6: {  	[sflag:s17] =	ssyncset.done @!p3 $0x0  }
0x2a7: {  	[sflag:s17] =	ssyncadd.s32 @!p3 $0xFFFFEC00;
	s17 =	simm.s32 @!p2 $0x9  }
0x2a8: {  	_ =	swait.ge @!p2 [sflag:s17], $0x1400  }
0x2a9: {  	[sflag:s17] =	ssyncset.done @!p2 $0x0  }
0x2aa: {  	[sflag:s17] =	ssyncadd.s32 @!p2 $0xFFFFEC00;
	s17 =	simm.s32 $0x0  }
0x2ab: {  	v0 =	vld [tilespmem:s17+$0x141F0]  }
0x2ac: {  	v1 =	vld [tilespmem:s17+$0x14000]  }
0x2ad: {  	v2 =	vld [tilespmem:s17+$0xDDF0]  }
0x2ae: {  	v3 =	vld [tilespmem:s17+$0x14010]  }
0x2af: {  	v4 =	vld [tilespmem:s17+$0x14020]  }
0x2b0: {  	v5 =	vld [tilespmem:s17+$0x14030]  }
0x2b1: {  	v6 =	vld [tilespmem:s17+$0x14040]  }
0x2b2: {  	v7 =	vld [tilespmem:s17+$0x14050]  }
0x2b3: {  	v8 =	vld [tilespmem:s17+$0x14070]  }
0x2b4: {  	v9 =	vld [tilespmem:s17+$0x14090]  }
0x2b5: {  	v10 =	vld [tilespmem:s17+$0x140A0]  }
0x2b6: {  	v11 =	vld [tilespmem:s17+$0x140B0]  }
0x2b7: {  	v12 =	vld [tilespmem:s17+$0x140C0]  }
0x2b8: {  	v13 =	vld [tilespmem:s17+$0x140D0]  }
0x2b9: {  	v62 =	vld [tilespmem:s17+$0x140E0]  }
0x2ba: {  	v63 =	vld [tilespmem:s17+$0x140F0]  }
0x2bb: {  	v40 =	vld [tilespmem:s17+$0x14100]  }
0x2bc: {  	v41 =	vld [tilespmem:s17+$0x14110]  }
0x2bd: {  	v42 =	vld [tilespmem:s17+$0x14120]  }
0x2be: {  	v43 =	vld [tilespmem:s17+$0x14130]  }
0x2bf: {  	v44 =	vld [tilespmem:s17+$0x14140]  }
0x2c0: {  	v45 =	vld [tilespmem:s17+$0x14150]  }
0x2c1: {  	v46 =	vld [tilespmem:s17+$0x14160]  }
0x2c2: {  	v47 =	vld [tilespmem:s17+$0x14170]  }
0x2c3: {  	v48 =	vld [tilespmem:s17+$0x14180]  }
0x2c4: {  	v49 =	vld [tilespmem:s17+$0x14190]  }
0x2c5: {  	v50 =	vld [tilespmem:s17+$0x141A0]  }
0x2c6: {  	v51 =	vld [tilespmem:s17+$0x141B0]  }
0x2c7: {  	v52 =	vld [tilespmem:s17+$0x141C0]  }
0x2c8: {  	v55 =	vld [tilespmem:s17+$0xDC00]  }
0x2c9: {  	v56 =	vld [tilespmem:s17+$0xDC10]  }
0x2ca: {  	v57 =	vld [tilespmem:s17+$0xDC20]  }
0x2cb: {  	v58 =	vld [tilespmem:s17+$0xDC30]  }
0x2cc: {  	v59 =	vld [tilespmem:s17+$0xDC40];
	v0 =	vmul.f32 $1.131370830e+01, v0  }
0x2cd: {  	v60 =	vld [tilespmem:s17+$0xDC50];
	v1 =	vmul.f32 $1.131370830e+01, v1  }
0x2ce: {  	v3 =	vmul.f32 $1.131370830e+01, v3;
	v0 =	vadd.f32 v2, v0;
	v2 =	vld [tilespmem:s17+$0x14060]  }
0x2cf: {  	v61 =	vld [tilespmem:s17+$0xDC60];
	v4 =	vmul.f32 $1.131370830e+01, v4;
	v1 =	vadd.f32 v55, v1  }
0x2d0: {  	v5 =	vmul.f32 $1.131370830e+01, v5;
	v3 =	vadd.f32 v56, v3;
	[tilespmem:s17+$0x1A5F0] =	vst v0;
	v0 =	vld [tilespmem:s17+$0x14080]  }
0x2d1: {  	v6 =	vmul.f32 $1.131370830e+01, v6;
	v4 =	vadd.f32 v57, v4;
	[tilespmem:s17+$0x1A400] =	vst v1;
	v1 =	vld [tilespmem:s17+$0xDC70]  }
0x2d2: {  	v7 =	vmul.f32 $1.131370830e+01, v7;
	v5 =	vadd.f32 v58, v5;
	[tilespmem:s17+$0x1A410] =	vst v3;
	v3 =	vld [tilespmem:s17+$0xDC80]  }
0x2d3: {  	v6 =	vadd.f32 v59, v6;
	[tilespmem:s17+$0x1A420] =	vst v4;
	v4 =	vld [tilespmem:s17+$0xDC90];
	v2 =	vmul.f32 $1.131370830e+01, v2  }
0x2d4: {  	v8 =	vmul.f32 $1.131370830e+01, v8;
	v7 =	vadd.f32 v60, v7;
	[tilespmem:s17+$0x1A430] =	vst v5;
	v5 =	vld [tilespmem:s17+$0xDCA0]  }
0x2d5: {  	[tilespmem:s17+$0x1A440] =	vst v6;
	v6 =	vld [tilespmem:s17+$0xDCB0];
	v2 =	vadd.f32 v61, v2;
	v0 =	vmul.f32 $1.131370830e+01, v0  }
0x2d6: {  	[tilespmem:s17+$0x1A450] =	vst v7;
	v7 =	vld [tilespmem:s17+$0xDCC0];
	v1 =	vadd.f32 v1, v8;
	v8 =	vmul.f32 $1.131370830e+01, v9  }
0x2d7: {  	[tilespmem:s17+$0x1A460] =	vst v2;
	v2 =	vld [tilespmem:s17+$0xDCD0];
	v0 =	vadd.f32 v3, v0;
	v3 =	vmul.f32 $1.131370830e+01, v10  }
0x2d8: {  	[tilespmem:s17+$0x1A470] =	vst v1;
	v1 =	vld [tilespmem:s17+$0xDCE0];
	v4 =	vadd.f32 v4, v8;
	v8 =	vmul.f32 $1.131370830e+01, v11  }
0x2d9: {  	[tilespmem:s17+$0x1A480] =	vst v0;
	v0 =	vld [tilespmem:s17+$0xDCF0];
	v3 =	vadd.f32 v5, v3;
	v5 =	vmul.f32 $1.131370830e+01, v12  }
0x2da: {  	[tilespmem:s17+$0x1A490] =	vst v4;
	v4 =	vld [tilespmem:s17+$0xDD00];
	v6 =	vadd.f32 v6, v8;
	v8 =	vmul.f32 $1.131370830e+01, v13  }
0x2db: {  	[tilespmem:s17+$0x1A4A0] =	vst v3;
	v3 =	vld [tilespmem:s17+$0xDD10];
	v5 =	vadd.f32 v7, v5;
	v7 =	vmul.f32 $1.131370830e+01, v62  }
0x2dc: {  	v53 =	vld [tilespmem:s17+$0x141D0];
	v2 =	vadd.f32 v2, v8;
	v8 =	vmul.f32 $1.131370830e+01, v63  }
0x2dd: {  	[tilespmem:s17+$0x1A4B0] =	vst v6;
	v6 =	vld [tilespmem:s17+$0xDD20];
	v1 =	vadd.f32 v1, v7  }
0x2de: {  	[tilespmem:s17+$0x1A4C0] =	vst v5;
	v5 =	vld [tilespmem:s17+$0xDD30];
	v7 =	vmul.f32 $1.131370830e+01, v40;
	v0 =	vadd.f32 v0, v8;
	v8 =	vmul.f32 $1.131370830e+01, v41  }
0x2df: {  	[tilespmem:s17+$0x1A4D0] =	vst v2;
	v2 =	vld [tilespmem:s17+$0xDD40]  }
0x2e0: {  	v54 =	vld [tilespmem:s17+$0x141E0];
	[tilespmem:s17+$0x1A4E0] =	vst v1;
	v4 =	vadd.f32 v4, v7;
	v7 =	vmul.f32 $1.131370830e+01, v42;
	v3 =	vadd.f32 v3, v8  }
0x2e1: {  	v1 =	vld [tilespmem:s17+$0xDD50];
	[tilespmem:s17+$0x1A4F0] =	vst v0;
	v8 =	vmul.f32 $1.131370830e+01, v43  }
0x2e2: {  	v0 =	vld [tilespmem:s17+$0xDD60];
	v6 =	vadd.f32 v6, v7;
	[tilespmem:s17+$0x1A510] =	vst v3;
	v3 =	vmul.f32 $1.131370830e+01, v44  }
0x2e3: {  	[tilespmem:s17+$0x1A500] =	vst v4;
	v4 =	vld [tilespmem:s17+$0xDD70];
	v5 =	vadd.f32 v5, v8  }
0x2e4: {  	v9 =	vld [tilespmem:s17+$0xDD80];
	[tilespmem:s17+$0x1A520] =	vst v6;
	v6 =	vmul.f32 $1.131370830e+01, v45;
	v2 =	vadd.f32 v2, v3  }
0x2e5: {  	v11 =	vld [tilespmem:s17+$0xDD90];
	[tilespmem:s17+$0x1A530] =	vst v5;
	v3 =	vmul.f32 $1.131370830e+01, v46  }
0x2e6: {  	v5 =	vld [tilespmem:s17+$0xDDA0];
	v1 =	vadd.f32 v1, v6;
	[tilespmem:s17+$0x1A540] =	vst v2;
	v2 =	vmul.f32 $1.131370830e+01, v47  }
0x2e7: {  	v10 =	vmul.f32 $1.131370830e+01, v48;
	v6 =	vld [tilespmem:s17+$0xDDB0];
	v0 =	vadd.f32 v0, v3  }
0x2e8: {  	v62 =	vmul.f32 $1.131370830e+01, v49;
	v7 =	vld [tilespmem:s17+$0xDDC0];
	v3 =	vmul.f32 $1.131370830e+01, v51;
	[tilespmem:s17+$0x1A550] =	vst v1;
	v63 =	vadd.f32 v4, v2  }
0x2e9: {  	v10 =	vadd.f32 v9, v10;
	v8 =	vld [tilespmem:s17+$0xDDD0];
	v1 =	vmul.f32 $1.131370830e+01, v53;
	[tilespmem:s17+$0x1A560] =	vst v0;
	v4 =	vmul.f32 $1.131370830e+01, v50  }
0x2ea: {  	s18 =	simm.s32 $0x1000;
	s19 =	simm.s32 $0x200;
	v9 =	vld [tilespmem:s17+$0xDDE0];
	v11 =	vadd.f32 v11, v62;
	v2 =	vmul.f32 $1.131370830e+01, v52;
	v0 =	vmul.f32 $1.131370830e+01, v54;
	[tilespmem:s17+$0x1A570] =	vst v63  }
.LBB2_9:
0x2eb: {  	p4 =	sne.s32 s18, $0x4800;
	v12 =	vld [tilespmem:s19+$0x141F0];
	[tilespmem:s17+$0x1A580] =	vst v10;
	v4 =	vadd.f32 v5, v4  }
0x2ec: {  	v5 =	vld [tilespmem:s19+$0x14000];
	[tilespmem:s17+$0x1A590] =	vst v11;
	v3 =	vadd.f32 v6, v3  }
0x2ed: {  	v6 =	vld [tilespmem:s19+$0xDDF0];
	[tilespmem:s17+$0x1A5A0] =	vst v4;
	v2 =	vadd.f32 v7, v2  }
0x2ee: {  	v4 =	vld [tilespmem:s19+$0x14010];
	[tilespmem:s17+$0x1A5B0] =	vst v3;
	v1 =	vadd.f32 v8, v1  }
0x2ef: {  	v3 =	vld [tilespmem:s19+$0x14020];
	[tilespmem:s17+$0x1A5C0] =	vst v2;
	v0 =	vadd.f32 v9, v0  }
0x2f0: {  	v2 =	vld [tilespmem:s19+$0x14030];
	v7 =	vmul.f32 $1.131370830e+01, v12;
	[tilespmem:s17+$0x1A5D0] =	vst v1  }
0x2f1: {  	v5 =	vmul.f32 $1.131370830e+01, v5;
	v1 =	vld [tilespmem:s19+$0x14040];
	[tilespmem:s17+$0x1A5E0] =	vst v0;
	s17 =	smov.u32 s19  }
0x2f2: {  	v0 =	vld [tilespmem:s17+$0x14050];
	v6 =	vadd.f32 v6, v7  }
0x2f3: {  	v7 =	vmul.f32 $1.131370830e+01, v4;
	v4 =	vld [tilespmem:s17+$0x14060]  }
0x2f4: {  	v8 =	vmul.f32 $1.131370830e+01, v3;
	v3 =	vld [tilespmem:s17+$0x14070];
	[tilespmem:s17+$0x1A5F0] =	vst v6  }
0x2f5: {  	v6 =	vmul.f32 $1.131370830e+01, v2;
	v2 =	vld [tilespmem:s17+$0x14080]  }
0x2f6: {  	v9 =	vmul.f32 $1.131370830e+01, v1;
	v1 =	vld [tilespmem:s17+$0x14090]  }
0x2f7: {  	v10 =	vmul.f32 $1.131370830e+01, v0;
	v0 =	vld [tilespmem:s17+$0x140A0]  }
0x2f8: {  	v11 =	vmul.f32 $1.131370830e+01, v4;
	v4 =	vld [tilespmem:s17+$0x140B0]  }
0x2f9: {  	v12 =	vmul.f32 $1.131370830e+01, v3;
	v3 =	vld [tilespmem:s17+$0x140C0]  }
0x2fa: {  	v13 =	vmul.f32 $1.131370830e+01, v2;
	v2 =	vld [tilespmem:s17+$0x140D0]  }
0x2fb: {  	v14 =	vmul.f32 $1.131370830e+01, v1;
	v1 =	vld [tilespmem:s17+$0x140E0]  }
0x2fc: {  	v15 =	vmul.f32 $1.131370830e+01, v0;
	v0 =	vld [tilespmem:s17+$0x140F0]  }
0x2fd: {  	v16 =	vmul.f32 $1.131370830e+01, v4;
	v4 =	vld [tilespmem:s17+$0x14100]  }
0x2fe: {  	v17 =	vmul.f32 $1.131370830e+01, v3;
	v3 =	vld [tilespmem:s17+$0x14110]  }
0x2ff: {  	v18 =	vmul.f32 $1.131370830e+01, v2;
	v2 =	vld [tilespmem:s17+$0x14120]  }
0x300: {  	v19 =	vmul.f32 $1.131370830e+01, v1;
	v1 =	vld [tilespmem:s17+$0x14130]  }
0x301: {  	v20 =	vmul.f32 $1.131370830e+01, v0;
	v0 =	vld [tilespmem:s17+$0x14140]  }
0x302: {  	v21 =	vmul.f32 $1.131370830e+01, v4;
	v4 =	vld [tilespmem:s17+$0x14150]  }
0x303: {  	v22 =	vmul.f32 $1.131370830e+01, v3;
	v3 =	vld [tilespmem:s17+$0x14160]  }
0x304: {  	v23 =	vmul.f32 $1.131370830e+01, v2;
	v2 =	vld [tilespmem:s17+$0x14170]  }
0x305: {  	v24 =	vmul.f32 $1.131370830e+01, v1;
	v1 =	vld [tilespmem:s17+$0x14180]  }
0x306: {  	v25 =	vmul.f32 $1.131370830e+01, v0;
	v0 =	vld [tilespmem:s17+$0x14190]  }
0x307: {  	v26 =	vmul.f32 $1.131370830e+01, v4;
	v4 =	vld [tilespmem:s17+$0x141A0]  }
0x308: {  	v27 =	vmul.f32 $1.131370830e+01, v3;
	v3 =	vld [tilespmem:s17+$0x141B0]  }
0x309: {  	v28 =	vmul.f32 $1.131370830e+01, v2;
	v2 =	vld [tilespmem:s17+$0x141C0]  }
0x30a: {  	v29 =	vmul.f32 $1.131370830e+01, v1;
	v1 =	vld [tilespmem:s17+$0x141D0]  }
0x30b: {  	v30 =	vmul.f32 $1.131370830e+01, v0;
	v0 =	vld [tilespmem:s17+$0x141E0]  }
0x30c: {  	v31 =	vld [tilespmem:s17+$0xDC00];
	v4 =	vmul.f32 $1.131370830e+01, v4  }
0x30d: {  	v32 =	vld [tilespmem:s17+$0xDC10];
	v3 =	vmul.f32 $1.131370830e+01, v3  }
0x30e: {  	v33 =	vld [tilespmem:s17+$0xDC20];
	v2 =	vmul.f32 $1.131370830e+01, v2  }
0x30f: {  	v34 =	vld [tilespmem:s17+$0xDC30];
	v1 =	vmul.f32 $1.131370830e+01, v1  }
0x310: {  	v35 =	vld [tilespmem:s17+$0xDC40];
	v0 =	vmul.f32 $1.131370830e+01, v0  }
0x311: {  	v5 =	vadd.f32 v31, v5;
	v31 =	vld [tilespmem:s17+$0xDC50]  }
0x312: {  	v7 =	vadd.f32 v32, v7;
	v32 =	vld [tilespmem:s17+$0xDC60]  }
0x313: {  	[tilespmem:s17+$0x1A400] =	vst v5;
	v5 =	vadd.f32 v33, v8;
	v8 =	vld [tilespmem:s17+$0xDC70]  }
0x314: {  	[tilespmem:s17+$0x1A410] =	vst v7;
	v6 =	vadd.f32 v34, v6;
	v7 =	vld [tilespmem:s17+$0xDC80]  }
0x315: {  	[tilespmem:s17+$0x1A420] =	vst v5;
	v5 =	vadd.f32 v35, v9;
	v9 =	vld [tilespmem:s17+$0xDC90]  }
0x316: {  	[tilespmem:s17+$0x1A430] =	vst v6;
	v6 =	vadd.f32 v31, v10;
	v10 =	vld [tilespmem:s17+$0xDCA0]  }
0x317: {  	[tilespmem:s17+$0x1A440] =	vst v5;
	v5 =	vadd.f32 v32, v11;
	v11 =	vld [tilespmem:s17+$0xDCB0]  }
0x318: {  	[tilespmem:s17+$0x1A450] =	vst v6;
	v6 =	vadd.f32 v8, v12;
	v8 =	vld [tilespmem:s17+$0xDCC0]  }
0x319: {  	[tilespmem:s17+$0x1A460] =	vst v5;
	v5 =	vadd.f32 v7, v13;
	v7 =	vld [tilespmem:s17+$0xDCD0]  }
0x31a: {  	[tilespmem:s17+$0x1A470] =	vst v6;
	v6 =	vadd.f32 v9, v14;
	v9 =	vld [tilespmem:s17+$0xDCE0]  }
0x31b: {  	[tilespmem:s17+$0x1A480] =	vst v5;
	v5 =	vadd.f32 v10, v15;
	v10 =	vld [tilespmem:s17+$0xDCF0]  }
0x31c: {  	[tilespmem:s17+$0x1A490] =	vst v6;
	v6 =	vadd.f32 v11, v16;
	v11 =	vld [tilespmem:s17+$0xDD00]  }
0x31d: {  	[tilespmem:s17+$0x1A4A0] =	vst v5;
	v5 =	vadd.f32 v8, v17;
	v8 =	vld [tilespmem:s17+$0xDD10]  }
0x31e: {  	[tilespmem:s17+$0x1A4B0] =	vst v6;
	v6 =	vadd.f32 v7, v18;
	v7 =	vld [tilespmem:s17+$0xDD20]  }
0x31f: {  	[tilespmem:s17+$0x1A4C0] =	vst v5;
	v5 =	vadd.f32 v9, v19;
	v9 =	vld [tilespmem:s17+$0xDD30]  }
0x320: {  	[tilespmem:s17+$0x1A4D0] =	vst v6;
	v6 =	vadd.f32 v10, v20;
	v10 =	vld [tilespmem:s17+$0xDD40]  }
0x321: {  	[tilespmem:s17+$0x1A4E0] =	vst v5;
	v5 =	vadd.f32 v11, v21;
	v11 =	vld [tilespmem:s17+$0xDD50]  }
0x322: {  	[tilespmem:s17+$0x1A4F0] =	vst v6;
	v6 =	vadd.f32 v8, v22;
	v8 =	vld [tilespmem:s17+$0xDD60]  }
0x323: {  	[tilespmem:s17+$0x1A500] =	vst v5;
	v5 =	vadd.f32 v7, v23;
	v7 =	vld [tilespmem:s17+$0xDD70]  }
0x324: {  	[tilespmem:s17+$0x1A510] =	vst v6;
	v6 =	vadd.f32 v9, v24;
	v9 =	vld [tilespmem:s17+$0xDD80]  }
0x325: {  	[tilespmem:s17+$0x1A520] =	vst v5;
	v10 =	vadd.f32 v10, v25;
	v12 =	vld [tilespmem:s17+$0xDD90]  }
.Ltmp3:
0x326: {  	[tilespmem:s17+$0x1A530] =	vst v6;
	v11 =	vadd.f32 v11, v26;
	v5 =	vld [tilespmem:s17+$0xDDA0];
	(pc) =	sbr.rel @p4 .LBB2_9-.Ltmp3, $4  }
0x327: {  	[tilespmem:s17+$0x1A540] =	vst v10;
	v8 =	vadd.f32 v8, v27;
	v6 =	vld [tilespmem:s17+$0xDDB0]  }
0x328: {  	[tilespmem:s17+$0x1A550] =	vst v11;
	v11 =	vadd.f32 v7, v28;
	v7 =	vld [tilespmem:s17+$0xDDC0]  }
0x329: {  	[tilespmem:s17+$0x1A560] =	vst v8;
	v10 =	vadd.f32 v9, v29;
	v8 =	vld [tilespmem:s17+$0xDDD0]  }
0x32a: {  	s19 =	sshra.s32 s18, $0x2;
	s18 =	sadd.s32 $0x800, s18;
	[tilespmem:s17+$0x1A570] =	vst v11;
	v11 =	vadd.f32 v12, v30;
	v9 =	vld [tilespmem:s17+$0xDDE0]  }
0x32b: {  	v12 =	vld [tilespmem:s19+$0x141F0];
	[tilespmem:s17+$0x1A580] =	vst v10;
	v4 =	vadd.f32 v5, v4  }
0x32c: {  	v10 =	vld [tilespmem:s19+$0x14000];
	[tilespmem:s17+$0x1A590] =	vst v11;
	v3 =	vadd.f32 v6, v3  }
0x32d: {  	v5 =	vld [tilespmem:s19+$0xDDF0];
	[tilespmem:s17+$0x1A5A0] =	vst v4;
	v2 =	vadd.f32 v7, v2  }
0x32e: {  	v4 =	vld [tilespmem:s19+$0x14010];
	[tilespmem:s17+$0x1A5B0] =	vst v3;
	v1 =	vadd.f32 v8, v1  }
0x32f: {  	v3 =	vld [tilespmem:s19+$0x14020];
	[tilespmem:s17+$0x1A5C0] =	vst v2;
	v0 =	vadd.f32 v9, v0  }
0x330: {  	v2 =	vld [tilespmem:s19+$0x14030];
	[tilespmem:s17+$0x1A5D0] =	vst v1  }
0x331: {  	v6 =	vmul.f32 $1.131370830e+01, v12;
	v1 =	vld [tilespmem:s19+$0x14040];
	[tilespmem:s17+$0x1A5E0] =	vst v0  }
0x332: {  	v0 =	vld [tilespmem:s19+$0x14050]  }
0x333: {  	v5 =	vadd.f32 v5, v6;
	v6 =	vld [tilespmem:s19+$0x14060]  }
0x334: {  	v7 =	vld [tilespmem:s19+$0x14070]  }
0x335: {  	v8 =	vld [tilespmem:s19+$0x14090]  }
0x336: {  	v9 =	vld [tilespmem:s19+$0x140A0]  }
0x337: {  	v11 =	vld [tilespmem:s19+$0x140B0]  }
0x338: {  	v60 =	vld [tilespmem:s19+$0x140C0]  }
0x339: {  	v13 =	vld [tilespmem:s19+$0x140D0]  }
0x33a: {  	v14 =	vld [tilespmem:s19+$0x140E0]  }
0x33b: {  	v15 =	vld [tilespmem:s19+$0x140F0]  }
0x33c: {  	v16 =	vld [tilespmem:s19+$0x14100]  }
0x33d: {  	v17 =	vld [tilespmem:s19+$0x14110]  }
0x33e: {  	v18 =	vld [tilespmem:s19+$0x14120]  }
0x33f: {  	v19 =	vld [tilespmem:s19+$0x14130]  }
0x340: {  	v20 =	vld [tilespmem:s19+$0x14140]  }
0x341: {  	v21 =	vld [tilespmem:s19+$0x14150]  }
0x342: {  	v22 =	vld [tilespmem:s19+$0x14160]  }
0x343: {  	v23 =	vld [tilespmem:s19+$0x14170]  }
0x344: {  	v24 =	vld [tilespmem:s19+$0x14180]  }
0x345: {  	v25 =	vld [tilespmem:s19+$0x14190]  }
0x346: {  	v26 =	vld [tilespmem:s19+$0x141A0]  }
0x347: {  	v27 =	vld [tilespmem:s19+$0x141B0]  }
0x348: {  	v28 =	vld [tilespmem:s19+$0x141C0]  }
0x349: {  	v31 =	vld [tilespmem:s19+$0xDC00]  }
0x34a: {  	v32 =	vld [tilespmem:s19+$0xDC10]  }
0x34b: {  	v33 =	vld [tilespmem:s19+$0xDC20]  }
0x34c: {  	v34 =	vld [tilespmem:s19+$0xDC30]  }
0x34d: {  	v10 =	vmul.f32 $1.131370830e+01, v10;
	v35 =	vld [tilespmem:s19+$0xDC40]  }
0x34e: {  	v61 =	vld [tilespmem:s19+$0xDC50];
	v4 =	vmul.f32 $1.131370830e+01, v4  }
0x34f: {  	v36 =	vld [tilespmem:s19+$0xDC60];
	v3 =	vmul.f32 $1.131370830e+01, v3;
	v10 =	vadd.f32 v31, v10  }
0x350: {  	[tilespmem:s19+$0x1A5F0] =	vst v5;
	v5 =	vld [tilespmem:s19+$0x14080];
	v2 =	vmul.f32 $1.131370830e+01, v2;
	v4 =	vadd.f32 v32, v4  }
0x351: {  	v1 =	vmul.f32 $1.131370830e+01, v1;
	v3 =	vadd.f32 v33, v3;
	[tilespmem:s19+$0x1A400] =	vst v10;
	v10 =	vld [tilespmem:s19+$0xDC70]  }
0x352: {  	v29 =	vld [tilespmem:s19+$0x141D0];
	v2 =	vadd.f32 v34, v2;
	v0 =	vmul.f32 $1.131370830e+01, v0;
	[tilespmem:s19+$0x1A410] =	vst v4  }
0x353: {  	v6 =	vmul.f32 $1.131370830e+01, v6;
	v1 =	vadd.f32 v35, v1;
	v4 =	vld [tilespmem:s19+$0xDC80];
	[tilespmem:s19+$0x1A420] =	vst v3  }
0x354: {  	v7 =	vmul.f32 $1.131370830e+01, v7;
	v3 =	vld [tilespmem:s19+$0xDC90];
	[tilespmem:s19+$0x1A430] =	vst v2;
	v0 =	vadd.f32 v61, v0  }
0x355: {  	v2 =	vld [tilespmem:s19+$0xDCA0];
	v6 =	vadd.f32 v36, v6;
	[tilespmem:s19+$0x1A440] =	vst v1  }
0x356: {  	v5 =	vmul.f32 $1.131370830e+01, v5;
	v1 =	vld [tilespmem:s19+$0xDCB0];
	[tilespmem:s19+$0x1A450] =	vst v0;
	v7 =	vadd.f32 v10, v7  }
0x357: {  	v8 =	vmul.f32 $1.131370830e+01, v8;
	v0 =	vld [tilespmem:s19+$0xDCC0];
	[tilespmem:s19+$0x1A460] =	vst v6  }
0x358: {  	v6 =	vld [tilespmem:s19+$0xDCD0];
	v4 =	vadd.f32 v4, v5;
	[tilespmem:s19+$0x1A470] =	vst v7;
	v7 =	vmul.f32 $1.131370830e+01, v9  }
0x359: {  	v5 =	vld [tilespmem:s19+$0xDCE0];
	v3 =	vadd.f32 v3, v8;
	v8 =	vmul.f32 $1.131370830e+01, v11  }
0x35a: {  	[tilespmem:s19+$0x1A480] =	vst v4;
	v4 =	vld [tilespmem:s19+$0xDCF0];
	v2 =	vadd.f32 v2, v7;
	v7 =	vmul.f32 $1.131370830e+01, v60  }
0x35b: {  	[tilespmem:s19+$0x1A490] =	vst v3;
	v3 =	vld [tilespmem:s19+$0xDD00];
	v1 =	vadd.f32 v1, v8;
	v8 =	vmul.f32 $1.131370830e+01, v13  }
0x35c: {  	[tilespmem:s19+$0x1A4A0] =	vst v2;
	v2 =	vld [tilespmem:s19+$0xDD10];
	v0 =	vadd.f32 v0, v7;
	v7 =	vmul.f32 $1.131370830e+01, v14  }
0x35d: {  	[tilespmem:s19+$0x1A4B0] =	vst v1;
	v1 =	vld [tilespmem:s19+$0xDD20];
	v6 =	vadd.f32 v6, v8;
	v8 =	vmul.f32 $1.131370830e+01, v15  }
0x35e: {  	[tilespmem:s19+$0x1A4C0] =	vst v0;
	v0 =	vld [tilespmem:s19+$0xDD30];
	v5 =	vadd.f32 v5, v7;
	v7 =	vmul.f32 $1.131370830e+01, v16  }
0x35f: {  	[tilespmem:s19+$0x1A4D0] =	vst v6;
	v6 =	vld [tilespmem:s19+$0xDD40];
	v4 =	vadd.f32 v4, v8;
	v8 =	vmul.f32 $1.131370830e+01, v17  }
0x360: {  	[tilespmem:s19+$0x1A4E0] =	vst v5;
	v5 =	vld [tilespmem:s19+$0xDD50];
	v3 =	vadd.f32 v3, v7;
	v7 =	vmul.f32 $1.131370830e+01, v18  }
0x361: {  	[tilespmem:s19+$0x1A4F0] =	vst v4;
	v4 =	vld [tilespmem:s19+$0xDD60];
	v2 =	vadd.f32 v2, v8;
	v8 =	vmul.f32 $1.131370830e+01, v19  }
0x362: {  	v30 =	vld [tilespmem:s19+$0x141E0];
	[tilespmem:s19+$0x1A500] =	vst v3;
	v1 =	vadd.f32 v1, v7;
	v7 =	vmul.f32 $1.131370830e+01, v20  }
0x363: {  	v3 =	vld [tilespmem:s19+$0xDD70];
	[tilespmem:s19+$0x1A510] =	vst v2;
	v0 =	vadd.f32 v0, v8;
	v8 =	vmul.f32 $1.131370830e+01, v21  }
0x364: {  	v2 =	vld [tilespmem:s19+$0xDD80];
	[tilespmem:s19+$0x1A520] =	vst v1;
	v6 =	vadd.f32 v6, v7;
	v7 =	vmul.f32 $1.131370830e+01, v22  }
0x365: {  	v1 =	vld [tilespmem:s19+$0xDD90];
	[tilespmem:s19+$0x1A530] =	vst v0;
	v5 =	vadd.f32 v5, v8  }
0x366: {  	v0 =	vld [tilespmem:s19+$0xDDA0];
	v8 =	vmul.f32 $1.131370830e+01, v23;
	[tilespmem:s19+$0x1A540] =	vst v6;
	v4 =	vadd.f32 v4, v7  }
0x367: {  	v6 =	vld [tilespmem:s19+$0xDDB0];
	v7 =	vmul.f32 $1.131370830e+01, v24;
	[tilespmem:s19+$0x1A550] =	vst v5  }
0x368: {  	v5 =	vld [tilespmem:s19+$0xDDC0];
	v3 =	vadd.f32 v3, v8;
	[tilespmem:s19+$0x1A560] =	vst v4;
	v4 =	vmul.f32 $1.131370830e+01, v25  }
0x369: {  	v9 =	vmul.f32 $1.131370830e+01, v26;
	v8 =	vld [tilespmem:s19+$0xDDD0];
	v2 =	vadd.f32 v2, v7  }
0x36a: {  	[tilespmem:s19+$0x1A570] =	vst v3;
	v3 =	vmul.f32 $1.131370830e+01, v27;
	v1 =	vadd.f32 v1, v4;
	v4 =	vld [tilespmem:s19+$0xDDE0]  }
0x36b: {  	v7 =	vmul.f32 $1.131370830e+01, v28;
	[tilespmem:s19+$0x1A580] =	vst v2;
	v0 =	vadd.f32 v0, v9  }
0x36c: {  	s17 =	simm.s32 @!p0 $0x7FFEC0;
	v2 =	vmul.f32 $1.131370830e+01, v29;
	[tilespmem:s19+$0x1A590] =	vst v1;
	v1 =	vadd.f32 v6, v3  }
0x36d: {  	s17 =	simm.s32 @p1 $0x0;
	v3 =	vmul.f32 $1.131370830e+01, v30;
	[tilespmem:s19+$0x1A5A0] =	vst v0;
	v0 =	vadd.f32 v5, v7  }
0x36e: {  	s17 =	sadd.s32 @!p0 s17, s15;
	[tilespmem:s19+$0x1A5B0] =	vst v1;
	v1 =	vadd.f32 v8, v2  }
0x36f: {  	s17 =	sshll.u32 @!p0 s17, $0x9;
	[tilespmem:s19+$0x1A5C0] =	vst v0;
	v0 =	vadd.f32 v4, v3  }
0x370: {  	s17 =	sadd.s32 @!p0 $0x1000, s17;
	[tilespmem:s19+$0x1A5D0] =	vst v1  }
0x371: {  	s18 =	simm.s32 @!p0 $0x28;
	s17 =	sshra.s32 @!p0 s17, $0x2;
	[tilespmem:s19+$0x1A5E0] =	vst v0;
	s19 =	simm.s32 @!p0 $0x14000  }
0x372: {  	[tilespmem:s19], [sflag:$0x4] =	stream.indirect.gather @!p0 [hbm4b:s2+s18], $0x80, s17, s18, $0xb8;
	[tilespmem:$0x1CC00] =	vst v63  }
0x373: {  	s19 =	sadd.s32 $0x780, s16;
	s17 =	simm.s32 @!p3 $0x5  }
0x374: {  	[hbm4b:s19+s4] =	stream.linear.scatter [tilespmem:s28], [sflag:$0x9], $0x1400, $0x38;
	[tilespmem:$0x1CC00] =	vst v63  }
0x375: {  	_ =	swait.ge @!p3 [sflag:s17], $0x1400  }
0x376: {  	[sflag:s17] =	ssyncset.done @!p3 $0x0  }
0x377: {  	[sflag:s17] =	ssyncadd.s32 @!p3 $0xFFFFEC00;
	s17 =	simm.s32 @!p2 $0xA  }
0x378: {  	_ =	swait.ge @!p2 [sflag:s17], $0x1400  }
0x379: {  	[sflag:s17] =	ssyncset.done @!p2 $0x0  }
0x37a: {  	[sflag:s17] =	ssyncadd.s32 @!p2 $0xFFFFEC00;
	s17 =	simm.s32 $0x0  }
0x37b: {  	v0 =	vld [tilespmem:s17+$0x155F0]  }
0x37c: {  	v1 =	vld [tilespmem:s17+$0x15400]  }
0x37d: {  	v2 =	vld [tilespmem:s17+$0xF1F0]  }
0x37e: {  	v3 =	vld [tilespmem:s17+$0x15410]  }
0x37f: {  	v4 =	vld [tilespmem:s17+$0x15420]  }
0x380: {  	v5 =	vld [tilespmem:s17+$0x15430]  }
0x381: {  	v6 =	vld [tilespmem:s17+$0x15440]  }
0x382: {  	v7 =	vld [tilespmem:s17+$0x15450]  }
0x383: {  	v8 =	vld [tilespmem:s17+$0x15470]  }
0x384: {  	v9 =	vld [tilespmem:s17+$0x15490]  }
0x385: {  	v10 =	vld [tilespmem:s17+$0x154A0]  }
0x386: {  	v11 =	vld [tilespmem:s17+$0x154B0]  }
0x387: {  	v12 =	vld [tilespmem:s17+$0x154C0]  }
0x388: {  	v13 =	vld [tilespmem:s17+$0x154D0]  }
0x389: {  	v62 =	vld [tilespmem:s17+$0x154E0]  }
0x38a: {  	v63 =	vld [tilespmem:s17+$0x154F0]  }
0x38b: {  	v40 =	vld [tilespmem:s17+$0x15500]  }
0x38c: {  	v41 =	vld [tilespmem:s17+$0x15510]  }
0x38d: {  	v42 =	vld [tilespmem:s17+$0x15520]  }
0x38e: {  	v43 =	vld [tilespmem:s17+$0x15530]  }
0x38f: {  	v44 =	vld [tilespmem:s17+$0x15540]  }
0x390: {  	v45 =	vld [tilespmem:s17+$0x15550]  }
0x391: {  	v46 =	vld [tilespmem:s17+$0x15560]  }
0x392: {  	v47 =	vld [tilespmem:s17+$0x15570]  }
0x393: {  	v48 =	vld [tilespmem:s17+$0x15580]  }
0x394: {  	v49 =	vld [tilespmem:s17+$0x15590]  }
0x395: {  	v50 =	vld [tilespmem:s17+$0x155A0]  }
0x396: {  	v51 =	vld [tilespmem:s17+$0x155B0]  }
0x397: {  	v52 =	vld [tilespmem:s17+$0x155C0]  }
0x398: {  	v55 =	vld [tilespmem:s17+$0xF000]  }
0x399: {  	v56 =	vld [tilespmem:s17+$0xF010]  }
0x39a: {  	v57 =	vld [tilespmem:s17+$0xF020]  }
0x39b: {  	v58 =	vld [tilespmem:s17+$0xF030]  }
0x39c: {  	v59 =	vld [tilespmem:s17+$0xF040];
	v0 =	vmul.f32 $1.131370830e+01, v0  }
0x39d: {  	v60 =	vld [tilespmem:s17+$0xF050];
	v1 =	vmul.f32 $1.131370830e+01, v1  }
0x39e: {  	v3 =	vmul.f32 $1.131370830e+01, v3;
	v0 =	vadd.f32 v2, v0;
	v2 =	vld [tilespmem:s17+$0x15460]  }
0x39f: {  	v61 =	vld [tilespmem:s17+$0xF060];
	v4 =	vmul.f32 $1.131370830e+01, v4;
	v1 =	vadd.f32 v55, v1  }
0x3a0: {  	v5 =	vmul.f32 $1.131370830e+01, v5;
	v3 =	vadd.f32 v56, v3;
	[tilespmem:s17+$0x1B9F0] =	vst v0;
	v0 =	vld [tilespmem:s17+$0x15480]  }
0x3a1: {  	v6 =	vmul.f32 $1.131370830e+01, v6;
	v4 =	vadd.f32 v57, v4;
	[tilespmem:s17+$0x1B800] =	vst v1;
	v1 =	vld [tilespmem:s17+$0xF070]  }
0x3a2: {  	v7 =	vmul.f32 $1.131370830e+01, v7;
	v5 =	vadd.f32 v58, v5;
	[tilespmem:s17+$0x1B810] =	vst v3;
	v3 =	vld [tilespmem:s17+$0xF080]  }
0x3a3: {  	v6 =	vadd.f32 v59, v6;
	[tilespmem:s17+$0x1B820] =	vst v4;
	v4 =	vld [tilespmem:s17+$0xF090];
	v2 =	vmul.f32 $1.131370830e+01, v2  }
0x3a4: {  	v8 =	vmul.f32 $1.131370830e+01, v8;
	v7 =	vadd.f32 v60, v7;
	[tilespmem:s17+$0x1B830] =	vst v5;
	v5 =	vld [tilespmem:s17+$0xF0A0]  }
0x3a5: {  	[tilespmem:s17+$0x1B840] =	vst v6;
	v6 =	vld [tilespmem:s17+$0xF0B0];
	v2 =	vadd.f32 v61, v2;
	v0 =	vmul.f32 $1.131370830e+01, v0  }
0x3a6: {  	[tilespmem:s17+$0x1B850] =	vst v7;
	v7 =	vld [tilespmem:s17+$0xF0C0];
	v1 =	vadd.f32 v1, v8;
	v8 =	vmul.f32 $1.131370830e+01, v9  }
0x3a7: {  	[tilespmem:s17+$0x1B860] =	vst v2;
	v2 =	vld [tilespmem:s17+$0xF0D0];
	v0 =	vadd.f32 v3, v0;
	v3 =	vmul.f32 $1.131370830e+01, v10  }
0x3a8: {  	[tilespmem:s17+$0x1B870] =	vst v1;
	v1 =	vld [tilespmem:s17+$0xF0E0];
	v4 =	vadd.f32 v4, v8;
	v8 =	vmul.f32 $1.131370830e+01, v11  }
0x3a9: {  	[tilespmem:s17+$0x1B880] =	vst v0;
	v0 =	vld [tilespmem:s17+$0xF0F0];
	v3 =	vadd.f32 v5, v3;
	v5 =	vmul.f32 $1.131370830e+01, v12  }
0x3aa: {  	[tilespmem:s17+$0x1B890] =	vst v4;
	v4 =	vld [tilespmem:s17+$0xF100];
	v6 =	vadd.f32 v6, v8;
	v8 =	vmul.f32 $1.131370830e+01, v13  }
0x3ab: {  	[tilespmem:s17+$0x1B8A0] =	vst v3;
	v3 =	vld [tilespmem:s17+$0xF110];
	v5 =	vadd.f32 v7, v5;
	v7 =	vmul.f32 $1.131370830e+01, v62  }
0x3ac: {  	v53 =	vld [tilespmem:s17+$0x155D0];
	v2 =	vadd.f32 v2, v8;
	v8 =	vmul.f32 $1.131370830e+01, v63  }
0x3ad: {  	[tilespmem:s17+$0x1B8B0] =	vst v6;
	v6 =	vld [tilespmem:s17+$0xF120];
	v1 =	vadd.f32 v1, v7  }
0x3ae: {  	[tilespmem:s17+$0x1B8C0] =	vst v5;
	v5 =	vld [tilespmem:s17+$0xF130];
	v7 =	vmul.f32 $1.131370830e+01, v40;
	v0 =	vadd.f32 v0, v8;
	v8 =	vmul.f32 $1.131370830e+01, v41  }
0x3af: {  	[tilespmem:s17+$0x1B8D0] =	vst v2;
	v2 =	vld [tilespmem:s17+$0xF140]  }
0x3b0: {  	v54 =	vld [tilespmem:s17+$0x155E0];
	[tilespmem:s17+$0x1B8E0] =	vst v1;
	v4 =	vadd.f32 v4, v7;
	v7 =	vmul.f32 $1.131370830e+01, v42;
	v3 =	vadd.f32 v3, v8  }
0x3b1: {  	v1 =	vld [tilespmem:s17+$0xF150];
	[tilespmem:s17+$0x1B8F0] =	vst v0;
	v8 =	vmul.f32 $1.131370830e+01, v43  }
0x3b2: {  	v0 =	vld [tilespmem:s17+$0xF160];
	v6 =	vadd.f32 v6, v7;
	[tilespmem:s17+$0x1B910] =	vst v3;
	v3 =	vmul.f32 $1.131370830e+01, v44  }
0x3b3: {  	[tilespmem:s17+$0x1B900] =	vst v4;
	v4 =	vld [tilespmem:s17+$0xF170];
	v5 =	vadd.f32 v5, v8  }
0x3b4: {  	v9 =	vld [tilespmem:s17+$0xF180];
	[tilespmem:s17+$0x1B920] =	vst v6;
	v6 =	vmul.f32 $1.131370830e+01, v45;
	v2 =	vadd.f32 v2, v3  }
0x3b5: {  	v11 =	vld [tilespmem:s17+$0xF190];
	[tilespmem:s17+$0x1B930] =	vst v5;
	v3 =	vmul.f32 $1.131370830e+01, v46  }
0x3b6: {  	v5 =	vld [tilespmem:s17+$0xF1A0];
	v1 =	vadd.f32 v1, v6;
	[tilespmem:s17+$0x1B940] =	vst v2;
	v2 =	vmul.f32 $1.131370830e+01, v47  }
0x3b7: {  	v10 =	vmul.f32 $1.131370830e+01, v48;
	v6 =	vld [tilespmem:s17+$0xF1B0];
	v0 =	vadd.f32 v0, v3  }
0x3b8: {  	v62 =	vmul.f32 $1.131370830e+01, v49;
	v7 =	vld [tilespmem:s17+$0xF1C0];
	v3 =	vmul.f32 $1.131370830e+01, v51;
	[tilespmem:s17+$0x1B950] =	vst v1;
	v63 =	vadd.f32 v4, v2  }
0x3b9: {  	v10 =	vadd.f32 v9, v10;
	v8 =	vld [tilespmem:s17+$0xF1D0];
	v1 =	vmul.f32 $1.131370830e+01, v53;
	[tilespmem:s17+$0x1B960] =	vst v0;
	v4 =	vmul.f32 $1.131370830e+01, v50  }
0x3ba: {  	s18 =	simm.s32 $0x1000;
	s19 =	simm.s32 $0x200;
	v9 =	vld [tilespmem:s17+$0xF1E0];
	v11 =	vadd.f32 v11, v62;
	v2 =	vmul.f32 $1.131370830e+01, v52;
	v0 =	vmul.f32 $1.131370830e+01, v54;
	[tilespmem:s17+$0x1B970] =	vst v63  }
.LBB2_11:
0x3bb: {  	p2 =	sne.s32 s18, $0x4800;
	v12 =	vld [tilespmem:s19+$0x155F0];
	[tilespmem:s17+$0x1B980] =	vst v10;
	v4 =	vadd.f32 v5, v4  }
0x3bc: {  	v5 =	vld [tilespmem:s19+$0x15400];
	[tilespmem:s17+$0x1B990] =	vst v11;
	v3 =	vadd.f32 v6, v3  }
0x3bd: {  	v6 =	vld [tilespmem:s19+$0xF1F0];
	[tilespmem:s17+$0x1B9A0] =	vst v4;
	v2 =	vadd.f32 v7, v2  }
0x3be: {  	v4 =	vld [tilespmem:s19+$0x15410];
	[tilespmem:s17+$0x1B9B0] =	vst v3;
	v1 =	vadd.f32 v8, v1  }
0x3bf: {  	v3 =	vld [tilespmem:s19+$0x15420];
	[tilespmem:s17+$0x1B9C0] =	vst v2;
	v0 =	vadd.f32 v9, v0  }
0x3c0: {  	v2 =	vld [tilespmem:s19+$0x15430];
	v7 =	vmul.f32 $1.131370830e+01, v12;
	[tilespmem:s17+$0x1B9D0] =	vst v1  }
0x3c1: {  	v5 =	vmul.f32 $1.131370830e+01, v5;
	v1 =	vld [tilespmem:s19+$0x15440];
	[tilespmem:s17+$0x1B9E0] =	vst v0;
	s17 =	smov.u32 s19  }
0x3c2: {  	v0 =	vld [tilespmem:s17+$0x15450];
	v6 =	vadd.f32 v6, v7  }
0x3c3: {  	v7 =	vmul.f32 $1.131370830e+01, v4;
	v4 =	vld [tilespmem:s17+$0x15460]  }
0x3c4: {  	v8 =	vmul.f32 $1.131370830e+01, v3;
	v3 =	vld [tilespmem:s17+$0x15470];
	[tilespmem:s17+$0x1B9F0] =	vst v6  }
0x3c5: {  	v6 =	vmul.f32 $1.131370830e+01, v2;
	v2 =	vld [tilespmem:s17+$0x15480]  }
0x3c6: {  	v9 =	vmul.f32 $1.131370830e+01, v1;
	v1 =	vld [tilespmem:s17+$0x15490]  }
0x3c7: {  	v10 =	vmul.f32 $1.131370830e+01, v0;
	v0 =	vld [tilespmem:s17+$0x154A0]  }
0x3c8: {  	v11 =	vmul.f32 $1.131370830e+01, v4;
	v4 =	vld [tilespmem:s17+$0x154B0]  }
0x3c9: {  	v12 =	vmul.f32 $1.131370830e+01, v3;
	v3 =	vld [tilespmem:s17+$0x154C0]  }
0x3ca: {  	v13 =	vmul.f32 $1.131370830e+01, v2;
	v2 =	vld [tilespmem:s17+$0x154D0]  }
0x3cb: {  	v14 =	vmul.f32 $1.131370830e+01, v1;
	v1 =	vld [tilespmem:s17+$0x154E0]  }
0x3cc: {  	v15 =	vmul.f32 $1.131370830e+01, v0;
	v0 =	vld [tilespmem:s17+$0x154F0]  }
0x3cd: {  	v16 =	vmul.f32 $1.131370830e+01, v4;
	v4 =	vld [tilespmem:s17+$0x15500]  }
0x3ce: {  	v17 =	vmul.f32 $1.131370830e+01, v3;
	v3 =	vld [tilespmem:s17+$0x15510]  }
0x3cf: {  	v18 =	vmul.f32 $1.131370830e+01, v2;
	v2 =	vld [tilespmem:s17+$0x15520]  }
0x3d0: {  	v19 =	vmul.f32 $1.131370830e+01, v1;
	v1 =	vld [tilespmem:s17+$0x15530]  }
0x3d1: {  	v20 =	vmul.f32 $1.131370830e+01, v0;
	v0 =	vld [tilespmem:s17+$0x15540]  }
0x3d2: {  	v21 =	vmul.f32 $1.131370830e+01, v4;
	v4 =	vld [tilespmem:s17+$0x15550]  }
0x3d3: {  	v22 =	vmul.f32 $1.131370830e+01, v3;
	v3 =	vld [tilespmem:s17+$0x15560]  }
0x3d4: {  	v23 =	vmul.f32 $1.131370830e+01, v2;
	v2 =	vld [tilespmem:s17+$0x15570]  }
0x3d5: {  	v24 =	vmul.f32 $1.131370830e+01, v1;
	v1 =	vld [tilespmem:s17+$0x15580]  }
0x3d6: {  	v25 =	vmul.f32 $1.131370830e+01, v0;
	v0 =	vld [tilespmem:s17+$0x15590]  }
0x3d7: {  	v26 =	vmul.f32 $1.131370830e+01, v4;
	v4 =	vld [tilespmem:s17+$0x155A0]  }
0x3d8: {  	v27 =	vmul.f32 $1.131370830e+01, v3;
	v3 =	vld [tilespmem:s17+$0x155B0]  }
0x3d9: {  	v28 =	vmul.f32 $1.131370830e+01, v2;
	v2 =	vld [tilespmem:s17+$0x155C0]  }
0x3da: {  	v29 =	vmul.f32 $1.131370830e+01, v1;
	v1 =	vld [tilespmem:s17+$0x155D0]  }
0x3db: {  	v30 =	vmul.f32 $1.131370830e+01, v0;
	v0 =	vld [tilespmem:s17+$0x155E0]  }
0x3dc: {  	v31 =	vld [tilespmem:s17+$0xF000];
	v4 =	vmul.f32 $1.131370830e+01, v4  }
0x3dd: {  	v32 =	vld [tilespmem:s17+$0xF010];
	v3 =	vmul.f32 $1.131370830e+01, v3  }
0x3de: {  	v33 =	vld [tilespmem:s17+$0xF020];
	v2 =	vmul.f32 $1.131370830e+01, v2  }
0x3df: {  	v34 =	vld [tilespmem:s17+$0xF030];
	v1 =	vmul.f32 $1.131370830e+01, v1  }
0x3e0: {  	v35 =	vld [tilespmem:s17+$0xF040];
	v0 =	vmul.f32 $1.131370830e+01, v0  }
0x3e1: {  	v5 =	vadd.f32 v31, v5;
	v31 =	vld [tilespmem:s17+$0xF050]  }
0x3e2: {  	v7 =	vadd.f32 v32, v7;
	v32 =	vld [tilespmem:s17+$0xF060]  }
0x3e3: {  	[tilespmem:s17+$0x1B800] =	vst v5;
	v5 =	vadd.f32 v33, v8;
	v8 =	vld [tilespmem:s17+$0xF070]  }
0x3e4: {  	[tilespmem:s17+$0x1B810] =	vst v7;
	v6 =	vadd.f32 v34, v6;
	v7 =	vld [tilespmem:s17+$0xF080]  }
0x3e5: {  	[tilespmem:s17+$0x1B820] =	vst v5;
	v5 =	vadd.f32 v35, v9;
	v9 =	vld [tilespmem:s17+$0xF090]  }
0x3e6: {  	[tilespmem:s17+$0x1B830] =	vst v6;
	v6 =	vadd.f32 v31, v10;
	v10 =	vld [tilespmem:s17+$0xF0A0]  }
0x3e7: {  	[tilespmem:s17+$0x1B840] =	vst v5;
	v5 =	vadd.f32 v32, v11;
	v11 =	vld [tilespmem:s17+$0xF0B0]  }
0x3e8: {  	[tilespmem:s17+$0x1B850] =	vst v6;
	v6 =	vadd.f32 v8, v12;
	v8 =	vld [tilespmem:s17+$0xF0C0]  }
0x3e9: {  	[tilespmem:s17+$0x1B860] =	vst v5;
	v5 =	vadd.f32 v7, v13;
	v7 =	vld [tilespmem:s17+$0xF0D0]  }
0x3ea: {  	[tilespmem:s17+$0x1B870] =	vst v6;
	v6 =	vadd.f32 v9, v14;
	v9 =	vld [tilespmem:s17+$0xF0E0]  }
0x3eb: {  	[tilespmem:s17+$0x1B880] =	vst v5;
	v5 =	vadd.f32 v10, v15;
	v10 =	vld [tilespmem:s17+$0xF0F0]  }
0x3ec: {  	[tilespmem:s17+$0x1B890] =	vst v6;
	v6 =	vadd.f32 v11, v16;
	v11 =	vld [tilespmem:s17+$0xF100]  }
0x3ed: {  	[tilespmem:s17+$0x1B8A0] =	vst v5;
	v5 =	vadd.f32 v8, v17;
	v8 =	vld [tilespmem:s17+$0xF110]  }
0x3ee: {  	[tilespmem:s17+$0x1B8B0] =	vst v6;
	v6 =	vadd.f32 v7, v18;
	v7 =	vld [tilespmem:s17+$0xF120]  }
0x3ef: {  	[tilespmem:s17+$0x1B8C0] =	vst v5;
	v5 =	vadd.f32 v9, v19;
	v9 =	vld [tilespmem:s17+$0xF130]  }
0x3f0: {  	[tilespmem:s17+$0x1B8D0] =	vst v6;
	v6 =	vadd.f32 v10, v20;
	v10 =	vld [tilespmem:s17+$0xF140]  }
0x3f1: {  	[tilespmem:s17+$0x1B8E0] =	vst v5;
	v5 =	vadd.f32 v11, v21;
	v11 =	vld [tilespmem:s17+$0xF150]  }
0x3f2: {  	[tilespmem:s17+$0x1B8F0] =	vst v6;
	v6 =	vadd.f32 v8, v22;
	v8 =	vld [tilespmem:s17+$0xF160]  }
0x3f3: {  	[tilespmem:s17+$0x1B900] =	vst v5;
	v5 =	vadd.f32 v7, v23;
	v7 =	vld [tilespmem:s17+$0xF170]  }
0x3f4: {  	[tilespmem:s17+$0x1B910] =	vst v6;
	v6 =	vadd.f32 v9, v24;
	v9 =	vld [tilespmem:s17+$0xF180]  }
0x3f5: {  	[tilespmem:s17+$0x1B920] =	vst v5;
	v10 =	vadd.f32 v10, v25;
	v12 =	vld [tilespmem:s17+$0xF190]  }
.Ltmp4:
0x3f6: {  	[tilespmem:s17+$0x1B930] =	vst v6;
	v11 =	vadd.f32 v11, v26;
	v5 =	vld [tilespmem:s17+$0xF1A0];
	(pc) =	sbr.rel @p2 .LBB2_11-.Ltmp4, $4  }
0x3f7: {  	[tilespmem:s17+$0x1B940] =	vst v10;
	v8 =	vadd.f32 v8, v27;
	v6 =	vld [tilespmem:s17+$0xF1B0]  }
0x3f8: {  	[tilespmem:s17+$0x1B950] =	vst v11;
	v11 =	vadd.f32 v7, v28;
	v7 =	vld [tilespmem:s17+$0xF1C0]  }
0x3f9: {  	[tilespmem:s17+$0x1B960] =	vst v8;
	v10 =	vadd.f32 v9, v29;
	v8 =	vld [tilespmem:s17+$0xF1D0]  }
0x3fa: {  	s19 =	sshra.s32 s18, $0x2;
	s18 =	sadd.s32 $0x800, s18;
	[tilespmem:s17+$0x1B970] =	vst v11;
	v11 =	vadd.f32 v12, v30;
	v9 =	vld [tilespmem:s17+$0xF1E0]  }
0x3fb: {  	v12 =	vld [tilespmem:s19+$0x155F0];
	[tilespmem:s17+$0x1B980] =	vst v10;
	v4 =	vadd.f32 v5, v4  }
0x3fc: {  	v10 =	vld [tilespmem:s19+$0x15400];
	[tilespmem:s17+$0x1B990] =	vst v11;
	v3 =	vadd.f32 v6, v3  }
0x3fd: {  	v41 =	vld [tilespmem:s19+$0xF1F0];
	[tilespmem:s17+$0x1B9A0] =	vst v4;
	v2 =	vadd.f32 v7, v2  }
0x3fe: {  	v4 =	vld [tilespmem:s19+$0x15410];
	[tilespmem:s17+$0x1B9B0] =	vst v3;
	v1 =	vadd.f32 v8, v1  }
0x3ff: {  	v3 =	vld [tilespmem:s19+$0x15420];
	[tilespmem:s17+$0x1B9C0] =	vst v2;
	v0 =	vadd.f32 v9, v0  }
0x400: {  	v2 =	vld [tilespmem:s19+$0x15430];
	[tilespmem:s17+$0x1B9D0] =	vst v1  }
0x401: {  	v1 =	vld [tilespmem:s19+$0x15440];
	[tilespmem:s17+$0x1B9E0] =	vst v0  }
0x402: {  	v0 =	vld [tilespmem:s19+$0x15450]  }
0x403: {  	v43 =	vld [tilespmem:s19+$0x15460]  }
0x404: {  	v44 =	vld [tilespmem:s19+$0x15470]  }
0x405: {  	v45 =	vld [tilespmem:s19+$0x15480]  }
0x406: {  	v46 =	vld [tilespmem:s19+$0x15490]  }
0x407: {  	v47 =	vld [tilespmem:s19+$0x154A0]  }
0x408: {  	v11 =	vld [tilespmem:s19+$0x154B0]  }
0x409: {  	v48 =	vld [tilespmem:s19+$0x154C0]  }
0x40a: {  	v13 =	vld [tilespmem:s19+$0x154D0]  }
0x40b: {  	v14 =	vld [tilespmem:s19+$0x154E0]  }
0x40c: {  	v15 =	vld [tilespmem:s19+$0x154F0]  }
0x40d: {  	v16 =	vld [tilespmem:s19+$0x15500]  }
0x40e: {  	v17 =	vld [tilespmem:s19+$0x15510]  }
0x40f: {  	v18 =	vld [tilespmem:s19+$0x15520]  }
0x410: {  	v19 =	vld [tilespmem:s19+$0x15530]  }
0x411: {  	v20 =	vld [tilespmem:s19+$0x15540]  }
0x412: {  	v21 =	vld [tilespmem:s19+$0x15550]  }
0x413: {  	v22 =	vld [tilespmem:s19+$0x15560]  }
0x414: {  	v23 =	vld [tilespmem:s19+$0x15570]  }
0x415: {  	v24 =	vld [tilespmem:s19+$0x15580]  }
0x416: {  	v25 =	vld [tilespmem:s19+$0x15590]  }
0x417: {  	v26 =	vld [tilespmem:s19+$0x155A0]  }
0x418: {  	v27 =	vld [tilespmem:s19+$0x155B0]  }
0x419: {  	v28 =	vld [tilespmem:s19+$0x155C0]  }
0x41a: {  	v29 =	vld [tilespmem:s19+$0x155D0]  }
0x41b: {  	v30 =	vld [tilespmem:s19+$0x155E0]  }
0x41c: {  	v31 =	vld [tilespmem:s19+$0xF000]  }
0x41d: {  	v32 =	vld [tilespmem:s19+$0xF010]  }
0x41e: {  	v42 =	vmul.f32 $1.131370830e+01, v12;
	v33 =	vld [tilespmem:s19+$0xF020]  }
0x41f: {  	v10 =	vmul.f32 $1.131370830e+01, v10;
	v34 =	vld [tilespmem:s19+$0xF030]  }
0x420: {  	v5 =	vadd.f32 v41, v42;
	v35 =	vld [tilespmem:s19+$0xF040];
	v4 =	vmul.f32 $1.131370830e+01, v4  }
0x421: {  	v49 =	vld [tilespmem:s19+$0xF050];
	v3 =	vmul.f32 $1.131370830e+01, v3;
	v10 =	vadd.f32 v31, v10  }
0x422: {  	v36 =	vld [tilespmem:s19+$0xF060];
	[tilespmem:s19+$0x1B9F0] =	vst v5;
	v2 =	vmul.f32 $1.131370830e+01, v2;
	v4 =	vadd.f32 v32, v4  }
0x423: {  	v50 =	vld [tilespmem:s19+$0xF070];
	v1 =	vmul.f32 $1.131370830e+01, v1;
	v3 =	vadd.f32 v33, v3;
	[tilespmem:s19+$0x1B800] =	vst v10  }
0x424: {  	v51 =	vld [tilespmem:s19+$0xF080];
	v2 =	vadd.f32 v34, v2;
	v0 =	vmul.f32 $1.131370830e+01, v0;
	[tilespmem:s19+$0x1B810] =	vst v4  }
0x425: {  	v52 =	vld [tilespmem:s19+$0xF090];
	v6 =	vmul.f32 $1.131370830e+01, v43;
	v1 =	vadd.f32 v35, v1;
	[tilespmem:s19+$0x1B820] =	vst v3  }
0x426: {  	v53 =	vld [tilespmem:s19+$0xF0A0];
	v7 =	vmul.f32 $1.131370830e+01, v44;
	[tilespmem:s19+$0x1B830] =	vst v2;
	v0 =	vadd.f32 v49, v0  }
0x427: {  	v57 =	vld [tilespmem:s19+$0xF0E0];
	v5 =	vmul.f32 $1.131370830e+01, v45;
	v6 =	vadd.f32 v36, v6;
	[tilespmem:s19+$0x1B840] =	vst v1  }
0x428: {  	v54 =	vld [tilespmem:s19+$0xF0B0];
	v8 =	vmul.f32 $1.131370830e+01, v46;
	v7 =	vadd.f32 v50, v7;
	[tilespmem:s19+$0x1B850] =	vst v0  }
0x429: {  	v55 =	vld [tilespmem:s19+$0xF0C0];
	v58 =	vmul.f32 $1.131370830e+01, v47;
	v4 =	vadd.f32 v51, v5;
	[tilespmem:s19+$0x1B860] =	vst v6  }
0x42a: {  	v56 =	vld [tilespmem:s19+$0xF0D0];
	v31 =	vmul.f32 $1.131370830e+01, v14;
	v3 =	vadd.f32 v52, v8;
	[tilespmem:s19+$0x1B870] =	vst v7  }
0x42b: {  	v59 =	vld [tilespmem:s19+$0xF0F0];
	v60 =	vmul.f32 $1.131370830e+01, v11;
	v2 =	vadd.f32 v53, v58;
	[tilespmem:s19+$0x1B880] =	vst v4  }
0x42c: {  	v61 =	vld [tilespmem:s19+$0xF100];
	v62 =	vmul.f32 $1.131370830e+01, v48;
	v5 =	vadd.f32 v57, v31;
	[tilespmem:s19+$0x1B890] =	vst v3  }
0x42d: {  	v63 =	vld [tilespmem:s19+$0xF110];
	v12 =	vmul.f32 $1.131370830e+01, v13;
	v1 =	vadd.f32 v54, v60;
	[tilespmem:s19+$0x1B8A0] =	vst v2  }
0x42e: {  	v13 =	vld [tilespmem:s19+$0xF120];
	v33 =	vmul.f32 $1.131370830e+01, v15;
	v0 =	vadd.f32 v55, v62;
	[tilespmem:s19+$0x1B8E0] =	vst v5  }
0x42f: {  	v32 =	vld [tilespmem:s19+$0xF130];
	v35 =	vmul.f32 $1.131370830e+01, v16;
	v6 =	vadd.f32 v56, v12;
	[tilespmem:s19+$0x1B8B0] =	vst v1  }
0x430: {  	v34 =	vld [tilespmem:s19+$0xF140];
	v37 =	vmul.f32 $1.131370830e+01, v17;
	v4 =	vadd.f32 v59, v33;
	[tilespmem:s19+$0x1B8C0] =	vst v0  }
0x431: {  	v38 =	vld [tilespmem:s19+$0xF160];
	v39 =	vmul.f32 $1.131370830e+01, v18;
	v3 =	vadd.f32 v61, v35;
	[tilespmem:s19+$0x1B8D0] =	vst v6  }
0x432: {  	v40 =	vld [tilespmem:s19+$0xF170];
	v41 =	vmul.f32 $1.131370830e+01, v19;
	v2 =	vadd.f32 v63, v37;
	[tilespmem:s19+$0x1B8F0] =	vst v4  }
0x433: {  	v42 =	vld [tilespmem:s19+$0xF180];
	v43 =	vmul.f32 $1.131370830e+01, v20;
	v1 =	vadd.f32 v13, v39;
	[tilespmem:s19+$0x1B900] =	vst v3  }
0x434: {  	v47 =	vmul.f32 $1.131370830e+01, v22;
	v48 =	vld [tilespmem:s19+$0xF1B0];
	[tilespmem:s19+$0x1B910] =	vst v2;
	v0 =	vadd.f32 v32, v41  }
0x435: {  	v36 =	vld [tilespmem:s19+$0xF150];
	v49 =	vmul.f32 $1.131370830e+01, v23;
	v6 =	vadd.f32 v34, v43;
	[tilespmem:s19+$0x1B920] =	vst v1  }
0x436: {  	v44 =	vld [tilespmem:s19+$0xF190];
	v51 =	vmul.f32 $1.131370830e+01, v24;
	v4 =	vadd.f32 v38, v47;
	[tilespmem:s19+$0x1B930] =	vst v0  }
0x437: {  	v50 =	vld [tilespmem:s19+$0xF1C0];
	v55 =	vmul.f32 $1.131370830e+01, v27;
	v3 =	vadd.f32 v40, v49;
	[tilespmem:s19+$0x1B940] =	vst v6  }
0x438: {  	v45 =	vmul.f32 $1.131370830e+01, v21;
	v53 =	vld [tilespmem:s19+$0xF1D0];
	v2 =	vadd.f32 v42, v51;
	[tilespmem:s19+$0x1B960] =	vst v4  }
0x439: {  	v46 =	vld [tilespmem:s19+$0xF1A0];
	v52 =	vmul.f32 $1.131370830e+01, v25;
	v59 =	vadd.f32 v48, v55;
	[tilespmem:s19+$0x1B970] =	vst v3  }
0x43a: {  	v57 =	vmul.f32 $1.131370830e+01, v28;
	v56 =	vld [tilespmem:s19+$0xF1E0];
	v5 =	vadd.f32 v36, v45;
	[tilespmem:s19+$0x1B980] =	vst v2  }
0x43b: {  	v58 =	vmul.f32 $1.131370830e+01, v29;
	v1 =	vadd.f32 v44, v52;
	[tilespmem:s19+$0x1B9B0] =	vst v59  }
0x43c: {  	s17 =	simm.s32 @!p0 $0x7FFEC0;
	v54 =	vmul.f32 $1.131370830e+01, v26;
	v61 =	vadd.f32 v50, v57;
	[tilespmem:s19+$0x1B950] =	vst v5  }
0x43d: {  	s17 =	simm.s32 @p1 $0x0;
	v60 =	vmul.f32 $1.131370830e+01, v30;
	v62 =	vadd.f32 v53, v58;
	[tilespmem:s19+$0x1B990] =	vst v1  }
0x43e: {  	s15 =	sadd.s32 @!p0 s17, s15;
	v0 =	vadd.f32 v46, v54;
	[tilespmem:s19+$0x1B9C0] =	vst v61  }
0x43f: {  	s15 =	sshll.u32 @!p0 s15, $0x9;
	v63 =	vadd.f32 v56, v60;
	[tilespmem:s19+$0x1B9D0] =	vst v62  }
0x440: {  	s18 =	simm.s32 @!p0 $0x15400;
	s15 =	sadd.s32 @!p0 $0x1200, s15;
	[tilespmem:s19+$0x1B9A0] =	vst v0  }
0x441: {  	s14 =	sadd.s32 $0x1, s14;
	s17 =	simm.s32 @!p0 $0x28;
	s15 =	sshra.s32 @!p0 s15, $0x2;
	[tilespmem:s19+$0x1B9E0] =	vst v63  }
0x442: {  	[tilespmem:s18], [sflag:$0x5] =	stream.indirect.gather @!p0 [hbm4b:s2+s17], $0x80, s15, s17, $0xb8;
	[tilespmem:$0x1CC00] =	vst v63  }
0x443: {  	p0 =	sne.s32 s14, $0x80  }
.Ltmp5:
0x444: {  	_ = 	snop;
	(pc) =	sbr.rel @p0 .LBB2_2-.Ltmp5, $3  }
0x445: {  	_ =	sdelay $0x1  }
0x446: {  	s19 =	sadd.s32 $0xA00, s16  }
0x447: {  	[hbm4b:s19+s4] =	stream.linear.scatter [tilespmem:s29], [sflag:$0xA], $0x1400, $0x38;
	[tilespmem:$0x1CC00] =	vst v63  }
0x448: {  	_ =	swait.ge [sflag:s30], $0x1400  }
0x449: {  	[sflag:s30] =	ssyncset.done $0x0  }
0x44a: {  	[sflag:s30] =	ssyncadd.s32 $0xFFFFEC00  }
0x44b: {  	_ =	swait.ge [sflag:s31], $0x1400  }
0x44c: {  	[sflag:s31] =	ssyncset.done $0x0  }
0x44d: {  	[sflag:s31] =	ssyncadd.s32 $0xFFFFEC00  }
0x44e: {  	_ =	swait.ge [sflag:s0], $0x1400  }
0x44f: {  	[sflag:s0] =	ssyncset.done $0x0  }
0x450: {  	s13 =	sadd.s32 $0x1, s13;
	[sflag:s0] =	ssyncadd.s32 $0xFFFFEC00  }
0x451: {  	p0 =	sne.s32 s13, s9;
	_ =	swait.ge [sflag:s1], $0x1400  }
.Ltmp6:
0x452: {  	[sflag:s1] =	ssyncset.done $0x0;
	(pc) =	sbr.rel @p0 .LBB2_1-.Ltmp6, $4  }
0x453: {  	[sflag:s1] =	ssyncadd.s32 $0xFFFFEC00  }
0x454: {  	_ =	swait.ge [sflag:s11], $0x1400  }
0x455: {  	[sflag:s11] =	ssyncset.done $0x0  }
0x456: {  	[sflag:s11] =	ssyncadd.s32 $0xFFFFEC00  }
0x457: {  	_ =	sfence.sel $0x180000  }
0x458: {  	[bflag:$0x0] =	sbarrier.arrive $0xFFFF  }
0x459: {  	_ =	strace $0x90000047  }
0x45a: {  	s0 =	stileid.u32;
	[bflag:$0x2] =	sbarrier.arrive $0xFFFF  }
0x45b: {  	p0 =	sne.s32 s0, $0x0;
	s0 =	rddreg [dreg:$0x3]  }
0x45c: {  	s0 =	sadd.s32 @!p0 $0x100000, s0  }
0x45d: {  	[sflag:s0] =	ssyncadd.tile.s32 @!p0 $0x1;
	_ =	shalt  }
.Lfunc_end2:
_tile_overlayer_lowered:
.L_overlay_start_2:
0x45e: {  	(tag) =	ssettag $0x2  }
0x45f: {  	s0 =	rddreg [dreg:$0x0];
	s2 =	stileid.u32  }
0x460: {  	s1 =	rddreg [dreg:$0x1];
	p0 =	sne.s32 s2, $0x0  }
0x461: {  	s3 =	rddreg [dreg:$0x2];
	[bflag:$0x3] =	sbarrier.arrive $0xFFFF;
	s2 =	simm.s32 @!p0 $0x1C0C  }
0x462: {  	[timem:s3], [sflag:s2] =	dma.local @!p0 [hbm:s0], s1  }
0x463: {  	s0 =	simm.s32 @!p0 $0xC  }
0x464: {  	_ =	swait.ge @!p0 [sflag:s0], s1  }
0x465: {  	s1 =	ssub.s32 @!p0 $0x0, s1;
	[sflag:s0] =	ssyncset.done @!p0 $0x0  }
0x466: {  	[sflag:s0] =	ssyncadd.s32 @!p0 s1  }
0x467: {  	[bflag:$0x3] =	sbarrier.arrive $0xFFFF  }
0x468: {  	_ =	shalt  }

</sc_bundles>
